<compile_context>
chip_gen: v7x
topology: tpu7x:2x2x1
jax: 0.10.2.dev20260603
libtpu: 0.0.44.dev20260713+nightly
codegen_flags: <defaults>
</compile_context>

<pallas_src>
import jax
import jax.numpy as jnp
from jax import lax
from jax.experimental import pallas as pl
from jax.experimental.pallas import tpu as pltpu
from jax.experimental.pallas import tpu_sc as plsc

N = 10000
E = 320000
R = 8
H = 128

NC = 2
NS = 16
PPC = 8
NPART = NC * PPC
NCHUNK = 640
ACC_ROWS = R * NCHUNK
TRASH = ACC_ROWS
ZROWS = 328
ACC_TOTAL = NS * ZROWS
WHALF = NCHUNK // 2
EW = E // NS
EB = 2000
K = 128
KSH = 7
NBMAX = (EW + 2 * K - 1) // K
NBMAX = ((NBMAX + 15) // 16) * 16
CB_ROWS = 48
CLIVE = ACC_ROWS // H

_i32 = jnp.int32
_f32 = jnp.float32



def _make_prep():
    out_type = (
        jax.ShapeDtypeStruct((NC, NS, PPC, NBMAX, K), _i32),
        jax.ShapeDtypeStruct((NC, NS, PPC, NBMAX, K), _i32),
        jax.ShapeDtypeStruct((NC, NS, PPC, 16), _i32),
        jax.ShapeDtypeStruct((NPART, CLIVE, H), _f32),
    )

    scratch = [
        pltpu.VMEM((NBMAX, K), _i32),
        pltpu.VMEM((NBMAX, K), _i32),
        pltpu.VMEM((EB,), _i32),
        pltpu.VMEM((EB,), _i32),
        pltpu.VMEM((EB,), _i32),
        pltpu.VMEM((16,), _i32),
        pltpu.VMEM((CB_ROWS, H), _f32),
        pltpu.VMEM((CB_ROWS, H), _f32),
        pltpu.VMEM((CB_ROWS,), _i32),
        pltpu.SemaphoreType.DMA,
        pltpu.VMEM_SHARED((CB_ROWS, H), _f32),
    ]

    def body(src_hbm, dst_hbm, rel_hbm, glist, flist, nbv, c_hbm,
             gbuf, fbuf, ebuf_s, ebuf_d, ebuf_r, nstage, cb, zbuf48,
             idrows, sem, cnt_sh):
        cid = lax.axis_index("c")
        sid = lax.axis_index("s")

        zero16f = jnp.zeros((16,), _f32)
        ones16f = jnp.ones((16,), _f32)
        lane = lax.iota(_i32, 16)

        def zb(i, _):
            rr = i >> 3
            cc = (i & 7) * 16
            zbuf48[rr, pl.ds(cc, 16)] = zero16f
            return 0
        lax.fori_loop(0, CB_ROWS * 8, zb, 0)
        for j in range(CB_ROWS // 16):
            idrows[pl.ds(j * 16, 16)] = lane + j * 16

        def partition(pp, _):
            lo = (cid * PPC + pp) * NCHUNK

            def zcb(i, _):
                rr = i >> 3
                cc = (i & 7) * 16
                cb[rr, pl.ds(cc, 16)] = zero16f
                return 0
            lax.fori_loop(0, CB_ROWS * 8, zcb, 0)

            @pl.when(sid == 0)
            def _():
                pltpu.sync_copy(zbuf48, cnt_sh)
            plsc.subcore_barrier()

            def scan_block(blk, off_v):
                ebase = sid * EW + blk * EB
                c1 = pltpu.async_copy(src_hbm.at[pl.ds(ebase, EB)],
                                      ebuf_s, sem)
                c2 = pltpu.async_copy(dst_hbm.at[pl.ds(ebase, EB)],
                                      ebuf_d, sem)
                c3 = pltpu.async_copy(rel_hbm.at[pl.ds(ebase, EB)],
                                      ebuf_r, sem)
                c1.wait(); c2.wait(); c3.wait()

                def inner(i, off_v):
                    d = ebuf_d[pl.ds(i * 16, 16)]
                    s = ebuf_s[pl.ds(i * 16, 16)]
                    r = ebuf_r[pl.ds(i * 16, 16)]
                    m = (d >= lo) & (d < lo + NCHUNK)
                    si = r * NCHUNK + (d - lo)
                    srow = lax.shift_right_logical(si, 7)
                    scol = lax.bitwise_and(si, H - 1)
                    plsc.addupdate_scatter(cb, [srow, scol], ones16f,
                                           mask=m)
                    ones = jnp.where(m, 1, 0)
                    pos = off_v + plsc.cumsum(ones) - 1
                    prow = lax.shift_right_logical(pos, KSH)
                    pcol = lax.bitwise_and(pos, K - 1)
                    plsc.store_scatter(gbuf, [prow, pcol], s, mask=m)
                    plsc.store_scatter(fbuf, [prow, pcol], si, mask=m)
                    return off_v + plsc.all_reduce_population_count(m)

                return lax.fori_loop(0, EB // 16, inner, off_v)

            off_v = lax.fori_loop(0, EW // EB, scan_block,
                                  jnp.zeros((16,), _i32))
            matched = jnp.sum(jnp.where(lane == 0, off_v, 0))

            trash16 = jnp.full((16,), TRASH, _i32)
            zero16i = jnp.zeros((16,), _i32)
            def padw(j, _):
                p = matched + j * 16 + lane
                prow = lax.shift_right_logical(p, KSH)
                pcol = lax.bitwise_and(p, K - 1)
                plsc.store_scatter(fbuf, [prow, pcol], trash16)
                plsc.store_scatter(gbuf, [prow, pcol], zero16i)
                return 0
            lax.fori_loop(0, K // 16, padw, 0)

            nb = (matched + (K - 1)) // K
            nstage[pl.ds(0, 16)] = jnp.zeros((16,), _i32) + nb
            pltpu.sync_copy(nstage, nbv.at[cid, sid, pp])

            nch = (matched + K + 16 * K - 1) // (16 * K)
            def wch(j, _):
                w1 = pltpu.async_copy(
                    gbuf.at[pl.ds(j * 16, 16)],
                    glist.at[cid, sid, pp, pl.ds(j * 16, 16)], sem)
                w2 = pltpu.async_copy(
                    fbuf.at[pl.ds(j * 16, 16)],
                    flist.at[cid, sid, pp, pl.ds(j * 16, 16)], sem)
                w1.wait(); w2.wait()
                return 0
            lax.fori_loop(0, nch, wch, 0)

            pltpu.sync_copy(cb, cnt_sh.at[idrows], add=True)
            plsc.subcore_barrier()

            @pl.when(sid == 0)
            def _():
                pltpu.sync_copy(cnt_sh.at[pl.ds(0, CLIVE)],
                                c_hbm.at[cid * PPC + pp])
            plsc.subcore_barrier()
            return 0

        lax.fori_loop(0, PPC, partition, 0)

    mesh = plsc.VectorSubcoreMesh(core_axis_name="c", subcore_axis_name="s")
    return pl.kernel(body, out_type=out_type,
                     mesh=mesh, scratch_types=scratch,
                     compiler_params=pltpu.CompilerParams(
                         needs_layout_passes=False))



def _make_agg():
    out_type = jax.ShapeDtypeStruct((R, N, H), _f32)

    scratch = [
        pltpu.VMEM((NBMAX, K), _i32),
        pltpu.VMEM((NBMAX, K), _i32),
        pltpu.VMEM((16,), _i32),
        pltpu.VMEM((K, H), _f32),
        pltpu.VMEM((K, H), _f32),
        pltpu.VMEM((64, H), _f32),
        pltpu.SemaphoreType.DMA,
        pltpu.SemaphoreType.DMA,
        pltpu.SemaphoreType.DMA,
        pltpu.VMEM_SHARED((ACC_TOTAL, H), _f32),
    ]

    def body(x_hbm, glist, flist, nbv, a_hbm,
             gbuf, fbuf, nstage, rows0, rows1, zbuf,
             gsem, ssem, lsem, acc_sh):
        cid = lax.axis_index("c")
        sid = lax.axis_index("s")

        zero16f = jnp.zeros((16,), _f32)
        lane = lax.iota(_i32, 16)

        def zb(i, _):
            rr = i >> 3
            cc = (i & 7) * 16
            zbuf[rr, pl.ds(cc, 16)] = zero16f
            return 0
        lax.fori_loop(0, 64 * 8, zb, 0)

        def load_lists(pp, wait):
            pltpu.sync_copy(nbv.at[cid, sid, pp], nstage)
            nv = nstage[pl.ds(0, 16)]
            nb = jnp.sum(jnp.where(lane == 0, nv, 0))
            nch = (nb + 15) // 16
            def rch(j, _):
                r1 = pltpu.async_copy(
                    glist.at[cid, sid, pp, pl.ds(j * 16, 16)],
                    gbuf.at[pl.ds(j * 16, 16)], lsem)
                r2 = pltpu.async_copy(
                    flist.at[cid, sid, pp, pl.ds(j * 16, 16)],
                    fbuf.at[pl.ds(j * 16, 16)], lsem)
                if wait:
                    r1.wait(); r2.wait()
                return 0
            lax.fori_loop(0, nch, rch, 0)
            return nb

        def drain_lists(pp, nb):
            nch = (nb + 15) // 16
            def dch(j, _):
                pltpu.make_async_copy(
                    glist.at[cid, sid, pp, pl.ds(j * 16, 16)],
                    gbuf.at[pl.ds(j * 16, 16)], lsem).wait()
                pltpu.make_async_copy(
                    flist.at[cid, sid, pp, pl.ds(j * 16, 16)],
                    fbuf.at[pl.ds(j * 16, 16)], lsem).wait()
                return 0
            lax.fori_loop(0, nch, dch, 0)

        nb0 = load_lists(0, True)

        def partition(pp, nb):
            lo = (cid * PPC + pp) * NCHUNK

            base = pl.multiple_of(sid * ZROWS, 8)
            for j in range(ZROWS // 64):
                pltpu.sync_copy(zbuf, acc_sh.at[pl.ds(base + j * 64, 64)])
            pltpu.sync_copy(zbuf.at[pl.ds(0, ZROWS % 64)],
                            acc_sh.at[pl.ds(base + (ZROWS // 64) * 64,
                                            ZROWS % 64)])

            plsc.subcore_barrier()

            @pl.when(nb > 0)
            def _():
                pltpu.async_copy(x_hbm.at[gbuf.at[0]], rows0, gsem)

            npairs = (nb + 1) // 2
            def pair(g, _):
                b0 = 2 * g
                b1 = b0 + 1
                pltpu.make_async_copy(x_hbm.at[gbuf.at[b0]], rows0,
                                      gsem).wait()

                @pl.when(b1 < nb)
                def _():
                    pltpu.async_copy(x_hbm.at[gbuf.at[b1]], rows1, ssem)
                pltpu.sync_copy(rows0, acc_sh.at[fbuf.at[b0]], add=True)

                @pl.when(b1 < nb)
                def _():
                    pltpu.make_async_copy(x_hbm.at[gbuf.at[b1]], rows1,
                                          ssem).wait()

                    @pl.when(b1 + 1 < nb)
                    def _():
                        pltpu.async_copy(x_hbm.at[gbuf.at[b1 + 1]], rows0,
                                         gsem)
                    pltpu.sync_copy(rows1, acc_sh.at[fbuf.at[b1]],
                                    add=True)
                return 0
            lax.fori_loop(0, npairs, pair, 0)

            plsc.subcore_barrier()

            nb2 = lax.cond(pp + 1 < PPC,
                           lambda: load_lists(pp + 1, False),
                           lambda: _i32(0))

            r = sid % R
            half = sid // R
            row0 = pl.multiple_of(r * NCHUNK + half * WHALF, 8)
            node0 = pl.multiple_of(lo + half * WHALF, 8)

            @pl.when(node0 + WHALF <= N)
            def _():
                pltpu.sync_copy(acc_sh.at[pl.ds(row0, WHALF)],
                                a_hbm.at[r, pl.ds(node0, WHALF)])

            tail = N % WHALF

            @pl.when((node0 + WHALF > N) & (node0 < N))
            def _():
                pltpu.sync_copy(acc_sh.at[pl.ds(row0, tail)],
                                a_hbm.at[r, pl.ds(node0, tail)])
            plsc.subcore_barrier()

            @pl.when(pp + 1 < PPC)
            def _():
                drain_lists(pp + 1, nb2)
            return nb2

        lax.fori_loop(0, PPC, partition, nb0)

    mesh = plsc.VectorSubcoreMesh(core_axis_name="c", subcore_axis_name="s")
    return pl.kernel(body, out_type=out_type,
                     mesh=mesh, scratch_types=scratch,
                     compiler_params=pltpu.CompilerParams(
                         needs_layout_passes=False))


_prep = _make_prep()
_agg = _make_agg()



_BM = 512
_BOUNDS = (0, 4000, 7000, 9000, 9500, 10000)


def _proj_body(x_ref, w_ref, b_ref, o_ref):
    m = pl.program_id(0)
    row = m * _BM + lax.broadcasted_iota(_i32, (_BM, 1), 0)
    x = x_ref[...]
    acc = jnp.zeros((_BM, H), _f32)
    for t in range(5):
        y = jnp.dot(x, w_ref[t], preferred_element_type=_f32) + b_ref[t]
        sel = (row >= _BOUNDS[t]) & (row < _BOUNDS[t + 1])
        acc = jnp.where(sel, y, acc)
    o_ref[...] = acc


def _proj(x_cat, w_stack, b_stack):
    grid = (pl.cdiv(N, _BM),)
    return pl.pallas_call(
        _proj_body,
        grid=grid,
        in_specs=[
            pl.BlockSpec((_BM, H), lambda m: (m, 0)),
            pl.BlockSpec((5, H, H), lambda m: (0, 0, 0)),
            pl.BlockSpec((5, H), lambda m: (0, 0)),
        ],
        out_specs=pl.BlockSpec((_BM, H), lambda m: (m, 0)),
        out_shape=jax.ShapeDtypeStruct((N, H), _f32),
    )(x_cat, w_stack, b_stack)


def _make_conv_tc(relu):
    def body(x_ref, a_ref, c_ref, wroot_ref, wrel_ref, b_ref, o_ref):
        acc = jnp.dot(x_ref[...], wroot_ref[...], preferred_element_type=_f32)
        for r in range(R):
            cnt = c_ref[r][:, None]
            rec = 1.0 / jnp.maximum(cnt, 1.0)
            acc = acc + jnp.dot(a_ref[r] * rec, wrel_ref[r],
                                preferred_element_type=_f32)
        acc = acc + b_ref[...]
        if relu:
            acc = jnp.maximum(acc, 0.0)
        o_ref[...] = acc

    def run(x, a, cnt, w_root, w_rel, b):
        grid = (pl.cdiv(N, _BM),)
        return pl.pallas_call(
            body,
            grid=grid,
            in_specs=[
                pl.BlockSpec((_BM, H), lambda m: (m, 0)),
                pl.BlockSpec((R, _BM, H), lambda m: (0, m, 0)),
                pl.BlockSpec((R, _BM), lambda m: (0, m)),
                pl.BlockSpec((H, H), lambda m: (0, 0)),
                pl.BlockSpec((R, H, H), lambda m: (0, 0, 0)),
                pl.BlockSpec((H,), lambda m: (0,)),
            ],
            out_specs=pl.BlockSpec((_BM, H), lambda m: (m, 0)),
            out_shape=jax.ShapeDtypeStruct((N, H), _f32),
        )(x, a, cnt, w_root, w_rel, b)

    return run


_conv_relu = _make_conv_tc(True)
_conv_plain = _make_conv_tc(False)


def kernel(x_user, x_food, x_ingredient, x_category, x_habit, edge_index,
           edge_type, W_user, b_user, W_food, b_food, W_ing, b_ing, W_cat,
           b_cat, W_hab, b_hab, W_rel1, W_root1, b1, W_rel2, W_root2, b2):
    x_cat = jnp.concatenate([x_user, x_food, x_ingredient, x_category,
                             x_habit], axis=0).astype(_f32)
    w_stack = jnp.stack([W_user, W_food, W_ing, W_cat, W_hab])
    b_stack = jnp.stack([b_user, b_food, b_ing, b_cat, b_hab])
    x_all = _proj(x_cat, w_stack, b_stack)

    src = edge_index[0].astype(_i32)
    dst = edge_index[1].astype(_i32)
    et = edge_type.astype(_i32)

    glist, flist, nbv, craw = _prep(src, dst, et)
    cnt = (craw.reshape(NPART, R, NCHUNK)
               .transpose(1, 0, 2).reshape(R, NPART * NCHUNK)[:, :N])

    a1 = _agg(x_all, glist, flist, nbv)
    h = _conv_relu(x_all, a1, cnt, W_root1, W_rel1, b1)
    a2 = _agg(h, glist, flist, nbv)
    out = _conv_plain(h, a2, cnt, W_root2, W_rel2, b2)
    return out

# --- scband reference (transcript-rebuilt; emitter-appended) ---
"""Pipeline reference for scband-mod-rgcn-24661702214220 (READ-ONLY COPY).

The authoritative reference and input builder live on the scoring server;
editing this copy changes nothing except your own understanding.
"""

import jax, jax.numpy as jnp
import numpy as np

N_USER, N_FOOD, N_ING, N_CAT, N_HAB = 4000, 3000, 2000, 500, 500
N_NODES = 10000
N_EDGES = 320000
NUM_REL = 8
D = 128
H = 128


def _lin(key, din, dout):
    return jax.random.normal(key, (din, dout), dtype=jnp.float32) * 0.02


def setup_inputs(seed: int = 0):
    key = jax.random.key(seed)
    ks = jax.random.split(key, 24)
    inp = {}
    inp["x_user"] = jax.random.normal(ks[0], (N_USER, D), dtype=jnp.float32)
    inp["x_food"] = jax.random.normal(ks[1], (N_FOOD, D), dtype=jnp.float32)
    inp["x_ingredient"] = jax.random.normal(ks[2], (N_ING, D), dtype=jnp.float32)
    inp["x_category"] = jax.random.normal(ks[3], (N_CAT, D), dtype=jnp.float32)
    inp["x_habit"] = jax.random.normal(ks[4], (N_HAB, D), dtype=jnp.float32)
    inp["edge_index"] = jax.random.randint(ks[5], (2, N_EDGES), 0, N_NODES)
    inp["edge_type"] = jax.random.randint(ks[6], (N_EDGES,), 0, NUM_REL)
    # input projection layers (one per node type)
    inp["W_user"] = _lin(ks[7], D, H);  inp["b_user"] = jnp.zeros((H,), jnp.float32)
    inp["W_food"] = _lin(ks[8], D, H);  inp["b_food"] = jnp.zeros((H,), jnp.float32)
    inp["W_ing"]  = _lin(ks[9], D, H);  inp["b_ing"]  = jnp.zeros((H,), jnp.float32)
    inp["W_cat"]  = _lin(ks[10], D, H); inp["b_cat"]  = jnp.zeros((H,), jnp.float32)
    inp["W_hab"]  = _lin(ks[11], D, H); inp["b_hab"]  = jnp.zeros((H,), jnp.float32)
    # RGCN conv1 / conv2 parameters
    inp["W_rel1"]  = jax.random.normal(ks[12], (NUM_REL, H, H), dtype=jnp.float32) * 0.02
    inp["W_root1"] = _lin(ks[13], H, H)
    inp["b1"] = jnp.zeros((H,), jnp.float32)
    inp["W_rel2"]  = jax.random.normal(ks[14], (NUM_REL, H, H), dtype=jnp.float32) * 0.02
    inp["W_root2"] = _lin(ks[15], H, H)
    inp["b2"] = jnp.zeros((H,), jnp.float32)
    return inp


def _rgcn_conv(x, src, dst, edge_type, W_rel, W_root, b):
    # PyG RGCNConv with aggr='mean': out = x @ W_root + b + sum_r mean_{edges of rel r}(x_src) @ W_r
    out = x @ W_root + b
    xs = x[src]  # gather over edges
    for r in range(NUM_REL):
        m = (edge_type == r).astype(x.dtype)
        agg = jax.ops.segment_sum(xs * m[:, None], dst, num_segments=N_NODES)
        cnt = jax.ops.segment_sum(m, dst, num_segments=N_NODES)
        out = out + (agg / jnp.clip(cnt, 1.0)[:, None]) @ W_rel[r]
    return out


def reference(x_user, x_food, x_ingredient, x_category, x_habit, edge_index, edge_type,
              W_user, b_user, W_food, b_food, W_ing, b_ing, W_cat, b_cat, W_hab, b_hab,
              W_rel1, W_root1, b1, W_rel2, W_root2, b2):
    xu = x_user.astype(jnp.float32) @ W_user + b_user
    xf = x_food.astype(jnp.float32) @ W_food + b_food
    xi = x_ingredient.astype(jnp.float32) @ W_ing + b_ing
    xc = x_category.astype(jnp.float32) @ W_cat + b_cat
    xh = x_habit.astype(jnp.float32) @ W_hab + b_hab
    x_all = jnp.concatenate([xu, xf, xi, xc, xh], axis=0)
    src, dst = edge_index[0], edge_index[1]
    h = _rgcn_conv(x_all, src, dst, edge_type, W_rel1, W_root1, b1)
    h = jax.nn.relu(h)
    # dropout is identity in eval mode
    out = _rgcn_conv(h, src, dst, edge_type, W_rel2, W_root2, b2)
    return out

if __name__ == "__main__":
    import jax
    _d = setup_inputs()
    print(jax.jit(kernel)(*tuple(_d.values())))

</pallas_src>

<mosaic_0001>
#map = affine_map<(d0, d1) -> (0)>
#map1 = affine_map<(d0, d1) -> (0, 0, 0, 0, 0)>
#map2 = affine_map<(d0, d1) -> (0, 0, 0, 0)>
#map3 = affine_map<(d0, d1) -> (0, 0, 0)>
module attributes {stable_mosaic.version = 14 : i64} {
  func.func @body(%arg0: i32, %arg1: i32, %arg2: memref<320000xi32, #tpu.memory_space<hbm>>, %arg3: memref<320000xi32, #tpu.memory_space<hbm>>, %arg4: memref<320000xi32, #tpu.memory_space<hbm>>, %arg5: memref<2x16x8x160x128xi32, #tpu.memory_space<hbm>>, %arg6: memref<2x16x8x160x128xi32, #tpu.memory_space<hbm>>, %arg7: memref<2x16x8x16xi32, #tpu.memory_space<hbm>>, %arg8: memref<16x40x128xf32, #tpu.memory_space<hbm>>, %arg9: memref<160x128xi32, #tpu.memory_space<vmem>>, %arg10: memref<160x128xi32, #tpu.memory_space<vmem>>, %arg11: memref<2000xi32, #tpu.memory_space<vmem>>, %arg12: memref<2000xi32, #tpu.memory_space<vmem>>, %arg13: memref<2000xi32, #tpu.memory_space<vmem>>, %arg14: memref<16xi32, #tpu.memory_space<vmem>>, %arg15: memref<48x128xf32, #tpu.memory_space<vmem>>, %arg16: memref<48x128xf32, #tpu.memory_space<vmem>>, %arg17: memref<48xi32, #tpu.memory_space<vmem>>, %arg18: memref<!tpu.dma_semaphore, #tpu.memory_space<semaphore_mem>>, %arg19: memref<48x128xf32, #tpu.memory_space<vmem_shared>>) attributes {dimension_semantics = [#tpu.dimension_semantics<core_parallel>, #tpu.dimension_semantics<subcore_parallel>], iteration_bounds = array<i64: 2, 16>, scalar_prefetch = 0 : i64, scratch_operands = 11 : i64, tpu.core_type = #tpu.core_type<sc_vector_subcore>, window_params = [{transform_indices = #map}, {transform_indices = #map}, {transform_indices = #map}, {transform_indices = #map1}, {transform_indices = #map1}, {transform_indices = #map2}, {transform_indices = #map3}]} {
    %broadcast_in_dim3A = arith.constant 0.000000e+00 : f32
    %broadcast_in_dim3A_0 = vector.broadcast %broadcast_in_dim3A : f32 to vector<16xf32>
    %broadcast_in_dim3A_1 = arith.constant 1.000000e+00 : f32
    %broadcast_in_dim3A_2 = vector.broadcast %broadcast_in_dim3A_1 : f32 to vector<16xf32>
    %iota3A = tpu.iota {dimensions = array<i32: 0>} : vector<16xi32>
    %scan3A = arith.constant 0 : i32
    %scan3A_3 = arith.constant 0 : i32
    %scan3A_4 = arith.constant 384 : i32
    %scan3A_5 = arith.addi %scan3A_3, %scan3A_4 : i32
    %scan3A_6 = arith.constant 1 : i32
    %scan3A_7 = scf.for %scan3A_29 = %scan3A_3 to %scan3A_5 step %scan3A_6 iter_args(%scan3A_30 = %scan3A) -> (i32)  : i32 {
      %shift_right_arithmetic3A = arith.constant 3 : i32
      %shift_right_arithmetic3A_31 = arith.shrsi %scan3A_29, %shift_right_arithmetic3A : i32
      %and3A = arith.constant 7 : i32
      %and3A_32 = arith.andi %scan3A_29, %and3A : i32
      %mul3A = arith.constant 16 : i32
      %mul3A_33 = arith.muli %and3A_32, %mul3A : i32
      %swap3A_34 = arith.index_cast %shift_right_arithmetic3A_31 : i32 to index
      %swap3A_35 = arith.index_cast %mul3A_33 : i32 to index
      %swap3A_36 = tpu.vector_load %arg16[%swap3A_34, %swap3A_35] {strides = array<i32>} : memref<48x128xf32, #tpu.memory_space<vmem>>, vector<16xf32>,
      tpu.vector_store %arg16[%swap3A_34, %swap3A_35], %broadcast_in_dim3A_0 {strides = array<i32>} : memref<48x128xf32, #tpu.memory_space<vmem>>, vector<16xf32>,
      %scan3A_37 = arith.constant 0 : i32
      scf.yield %scan3A_37 : i32
    }
    %scan3A_8 = arith.constant 384 : i32
    %add3A = arith.constant 0 : i32
    %add3A_9 = vector.broadcast %add3A : i32 to vector<16xi32>
    %add3A_10 = arith.addi %iota3A, %add3A_9 : vector<16xi32>
    %swap3A = arith.constant 0 : index
    %swap3A_11 = tpu.vector_load %arg17[%swap3A] {strides = array<i32>} : memref<48xi32, #tpu.memory_space<vmem>>, vector<16xi32>,
    tpu.vector_store %arg17[%swap3A], %add3A_10 {strides = array<i32>} : memref<48xi32, #tpu.memory_space<vmem>>, vector<16xi32>,
    %add3A_12 = arith.constant 16 : i32
    %add3A_13 = vector.broadcast %add3A_12 : i32 to vector<16xi32>
    %add3A_14 = arith.addi %iota3A, %add3A_13 : vector<16xi32>
    %swap3A_15 = arith.constant 16 : index
    %swap3A_16 = tpu.vector_load %arg17[%swap3A_15] {strides = array<i32>} : memref<48xi32, #tpu.memory_space<vmem>>, vector<16xi32>,
    tpu.vector_store %arg17[%swap3A_15], %add3A_14 {strides = array<i32>} : memref<48xi32, #tpu.memory_space<vmem>>, vector<16xi32>,
    %add3A_17 = arith.constant 32 : i32
    %add3A_18 = vector.broadcast %add3A_17 : i32 to vector<16xi32>
    %add3A_19 = arith.addi %iota3A, %add3A_18 : vector<16xi32>
    %swap3A_20 = arith.constant 32 : index
    %swap3A_21 = tpu.vector_load %arg17[%swap3A_20] {strides = array<i32>} : memref<48xi32, #tpu.memory_space<vmem>>, vector<16xi32>,
    tpu.vector_store %arg17[%swap3A_20], %add3A_19 {strides = array<i32>} : memref<48xi32, #tpu.memory_space<vmem>>, vector<16xi32>,
    %scan3A_22 = arith.constant 0 : i32
    %scan3A_23 = arith.constant 0 : i32
    %scan3A_24 = arith.constant 8 : i32
    %scan3A_25 = arith.addi %scan3A_23, %scan3A_24 : i32
    %scan3A_26 = arith.constant 1 : i32
    %scan3A_27 = scf.for %scan3A_29 = %scan3A_23 to %scan3A_25 step %scan3A_26 iter_args(%scan3A_30 = %scan3A_22) -> (i32)  : i32 {
      %mul3A = arith.constant 8 : i32
      %mul3A_31 = arith.muli %arg0, %mul3A : i32
      %add3A_32 = arith.addi %mul3A_31, %scan3A_29 : i32
      %mul3A_33 = arith.constant 640 : i32
      %mul3A_34 = arith.muli %add3A_32, %mul3A_33 : i32
      %scan3A_35 = arith.constant 0 : i32
      %scan3A_36 = arith.constant 0 : i32
      %scan3A_37 = arith.constant 384 : i32
      %scan3A_38 = arith.addi %scan3A_36, %scan3A_37 : i32
      %scan3A_39 = arith.constant 1 : i32
      %scan3A_40 = scf.for %scan3A_145 = %scan3A_36 to %scan3A_38 step %scan3A_39 iter_args(%scan3A_146 = %scan3A_35) -> (i32)  : i32 {
        %shift_right_arithmetic3A = arith.constant 3 : i32
        %shift_right_arithmetic3A_147 = arith.shrsi %scan3A_145, %shift_right_arithmetic3A : i32
        %and3A_148 = arith.constant 7 : i32
        %and3A_149 = arith.andi %scan3A_145, %and3A_148 : i32
        %mul3A_150 = arith.constant 16 : i32
        %mul3A_151 = arith.muli %and3A_149, %mul3A_150 : i32
        %swap3A_152 = arith.index_cast %shift_right_arithmetic3A_147 : i32 to index
        %swap3A_153 = arith.index_cast %mul3A_151 : i32 to index
        %swap3A_154 = tpu.vector_load %arg15[%swap3A_152, %swap3A_153] {strides = array<i32>} : memref<48x128xf32, #tpu.memory_space<vmem>>, vector<16xf32>,
        tpu.vector_store %arg15[%swap3A_152, %swap3A_153], %broadcast_in_dim3A_0 {strides = array<i32>} : memref<48x128xf32, #tpu.memory_space<vmem>>, vector<16xf32>,
        %scan3A_155 = arith.constant 0 : i32
        scf.yield %scan3A_155 : i32
      }
      %scan3A_41 = arith.constant 384 : i32
      %eq3A = arith.constant 0 : i32
      %eq3A_42 = arith.cmpi eq, %arg1, %eq3A : i32
      %convert_element_type3A = arith.extui %eq3A_42 : i1 to i32
      %cond3A = arith.constant 0 : i32
      %cond3A_43 = arith.cmpi ne, %convert_element_type3A, %cond3A : i32
      scf.if %cond3A_43 {
        "tpu.region"() ({
          %run_scoped3A = tpu.sem_alloc : memref<!tpu.dma_semaphore, #tpu.memory_space<semaphore_mem>>
          tpu.enqueue_dma source(%arg16 : memref<48x128xf32, #tpu.memory_space<vmem>>) target(%arg19 : memref<48x128xf32, #tpu.memory_space<vmem_shared>>) target_semaphore(%run_scoped3A : memref<!tpu.dma_semaphore, #tpu.memory_space<semaphore_mem>>)
          tpu.wait_dma2 semaphore(%run_scoped3A : memref<!tpu.dma_semaphore, #tpu.memory_space<semaphore_mem>>) src(%arg16 : memref<48x128xf32, #tpu.memory_space<vmem>>) dst(%arg19 : memref<48x128xf32, #tpu.memory_space<vmem_shared>>)
          tpu.yield
        }) : () -> ()
      } else {
      }
      %barrier3A = arith.constant 0 : index
      tpu.barrier barrier_id(%barrier3A)
      %broadcast_in_dim3A_44 = arith.constant 0 : i32
      %broadcast_in_dim3A_45 = vector.broadcast %broadcast_in_dim3A_44 : i32 to vector<16xi32>
      %scan3A_46 = arith.constant 0 : i32
      %scan3A_47 = arith.constant 10 : i32
      %scan3A_48 = arith.addi %scan3A_46, %scan3A_47 : i32
      %scan3A_49 = arith.constant 1 : i32
      %scan3A_50 = scf.for %scan3A_145 = %scan3A_46 to %scan3A_48 step %scan3A_49 iter_args(%scan3A_146 = %broadcast_in_dim3A_45) -> (vector<16xi32>)  : i32 {
        %mul3A_147 = arith.constant 20000 : i32
        %mul3A_148 = arith.muli %arg1, %mul3A_147 : i32
        %mul3A_149 = arith.constant 2000 : i32
        %mul3A_150 = arith.muli %scan3A_145, %mul3A_149 : i32
        %add3A_151 = arith.addi %mul3A_148, %mul3A_150 : i32
        %dma_start3A = tpu.memref_slice %arg2[%add3A_151] : memref<320000xi32, #tpu.memory_space<hbm>> -> memref<2000xi32, #tpu.memory_space<hbm>>
        %dma_start3A_152 = tpu.memref_slice %arg2[%add3A_151] : memref<320000xi32, #tpu.memory_space<hbm>> -> memref<2000xi32, #tpu.memory_space<hbm>>
        tpu.enqueue_dma source(%dma_start3A_152 : memref<2000xi32, #tpu.memory_space<hbm>>) target(%arg11 : memref<2000xi32, #tpu.memory_space<vmem>>) target_semaphore(%arg18 : memref<!tpu.dma_semaphore, #tpu.memory_space<semaphore_mem>>)
        %dma_start3A_153 = tpu.memref_slice %arg3[%add3A_151] : memref<320000xi32, #tpu.memory_space<hbm>> -> memref<2000xi32, #tpu.memory_space<hbm>>
        %dma_start3A_154 = tpu.memref_slice %arg3[%add3A_151] : memref<320000xi32, #tpu.memory_space<hbm>> -> memref<2000xi32, #tpu.memory_space<hbm>>
        tpu.enqueue_dma source(%dma_start3A_154 : memref<2000xi32, #tpu.memory_space<hbm>>) target(%arg12 : memref<2000xi32, #tpu.memory_space<vmem>>) target_semaphore(%arg18 : memref<!tpu.dma_semaphore, #tpu.memory_space<semaphore_mem>>)
        %dma_start3A_155 = tpu.memref_slice %arg4[%add3A_151] : memref<320000xi32, #tpu.memory_space<hbm>> -> memref<2000xi32, #tpu.memory_space<hbm>>
        %dma_start3A_156 = tpu.memref_slice %arg4[%add3A_151] : memref<320000xi32, #tpu.memory_space<hbm>> -> memref<2000xi32, #tpu.memory_space<hbm>>
        tpu.enqueue_dma source(%dma_start3A_156 : memref<2000xi32, #tpu.memory_space<hbm>>) target(%arg13 : memref<2000xi32, #tpu.memory_space<vmem>>) target_semaphore(%arg18 : memref<!tpu.dma_semaphore, #tpu.memory_space<semaphore_mem>>)
        %dma_wait3A = tpu.memref_slice %arg2[%add3A_151] : memref<320000xi32, #tpu.memory_space<hbm>> -> memref<2000xi32, #tpu.memory_space<hbm>>
        %dma_wait3A_157 = tpu.memref_slice %arg2[%add3A_151] : memref<320000xi32, #tpu.memory_space<hbm>> -> memref<2000xi32, #tpu.memory_space<hbm>>
        tpu.wait_dma2 semaphore(%arg18 : memref<!tpu.dma_semaphore, #tpu.memory_space<semaphore_mem>>) src(%dma_wait3A_157 : memref<2000xi32, #tpu.memory_space<hbm>>) dst(%arg11 : memref<2000xi32, #tpu.memory_space<vmem>>)
        %dma_wait3A_158 = tpu.memref_slice %arg3[%add3A_151] : memref<320000xi32, #tpu.memory_space<hbm>> -> memref<2000xi32, #tpu.memory_space<hbm>>
        %dma_wait3A_159 = tpu.memref_slice %arg3[%add3A_151] : memref<320000xi32, #tpu.memory_space<hbm>> -> memref<2000xi32, #tpu.memory_space<hbm>>
        tpu.wait_dma2 semaphore(%arg18 : memref<!tpu.dma_semaphore, #tpu.memory_space<semaphore_mem>>) src(%dma_wait3A_159 : memref<2000xi32, #tpu.memory_space<hbm>>) dst(%arg12 : memref<2000xi32, #tpu.memory_space<vmem>>)
        %dma_wait3A_160 = tpu.memref_slice %arg4[%add3A_151] : memref<320000xi32, #tpu.memory_space<hbm>> -> memref<2000xi32, #tpu.memory_space<hbm>>
        %dma_wait3A_161 = tpu.memref_slice %arg4[%add3A_151] : memref<320000xi32, #tpu.memory_space<hbm>> -> memref<2000xi32, #tpu.memory_space<hbm>>
        tpu.wait_dma2 semaphore(%arg18 : memref<!tpu.dma_semaphore, #tpu.memory_space<semaphore_mem>>) src(%dma_wait3A_161 : memref<2000xi32, #tpu.memory_space<hbm>>) dst(%arg13 : memref<2000xi32, #tpu.memory_space<vmem>>)
        %scan3A_162 = arith.constant 0 : i32
        %scan3A_163 = arith.constant 125 : i32
        %scan3A_164 = arith.addi %scan3A_162, %scan3A_163 : i32
        %scan3A_165 = arith.constant 1 : i32
        %scan3A_166 = scf.for %scan3A_168 = %scan3A_162 to %scan3A_164 step %scan3A_165 iter_args(%scan3A_169 = %scan3A_146) -> (vector<16xi32>)  : i32 {
          %mul3A_170 = arith.constant 16 : i32
          %mul3A_171 = arith.muli %scan3A_168, %mul3A_170 : i32
          %get3A = arith.index_cast %mul3A_171 : i32 to index
          %get3A_172 = tpu.vector_load %arg12[%get3A] {strides = array<i32>} : memref<2000xi32, #tpu.memory_space<vmem>>, vector<16xi32>,
          %mul3A_173 = arith.constant 16 : i32
          %mul3A_174 = arith.muli %scan3A_168, %mul3A_173 : i32
          %get3A_175 = arith.index_cast %mul3A_174 : i32 to index
          %get3A_176 = tpu.vector_load %arg11[%get3A_175] {strides = array<i32>} : memref<2000xi32, #tpu.memory_space<vmem>>, vector<16xi32>,
          %mul3A_177 = arith.constant 16 : i32
          %mul3A_178 = arith.muli %scan3A_168, %mul3A_177 : i32
          %get3A_179 = arith.index_cast %mul3A_178 : i32 to index
          %get3A_180 = tpu.vector_load %arg13[%get3A_179] {strides = array<i32>} : memref<2000xi32, #tpu.memory_space<vmem>>, vector<16xi32>,
          %ge3A = vector.broadcast %mul3A_34 : i32 to vector<16xi32>
          %ge3A_181 = arith.cmpi sge, %get3A_172, %ge3A : vector<16xi32>
          %add3A_182 = arith.constant 640 : i32
          %add3A_183 = arith.addi %mul3A_34, %add3A_182 : i32
          %lt3A = vector.broadcast %add3A_183 : i32 to vector<16xi32>
          %lt3A_184 = arith.cmpi slt, %get3A_172, %lt3A : vector<16xi32>
          %and3A_185 = arith.andi %ge3A_181, %lt3A_184 : vector<16xi1>
          %mul3A_186 = arith.constant 640 : i32
          %mul3A_187 = vector.broadcast %mul3A_186 : i32 to vector<16xi32>
          %mul3A_188 = arith.muli %get3A_180, %mul3A_187 : vector<16xi32>
          %sub3A_189 = vector.broadcast %mul3A_34 : i32 to vector<16xi32>
          %sub3A_190 = arith.subi %get3A_172, %sub3A_189 : vector<16xi32>
          %add3A_191 = arith.addi %mul3A_188, %sub3A_190 : vector<16xi32>
          %shift_right_logical3A = arith.constant 7 : i32
          %shift_right_logical3A_192 = vector.broadcast %shift_right_logical3A : i32 to vector<16xi32>
          %shift_right_logical3A_193 = arith.shrui %add3A_191, %shift_right_logical3A_192 : vector<16xi32>
          %and3A_194 = arith.constant 127 : i32
          %and3A_195 = vector.broadcast %and3A_194 : i32 to vector<16xi32>
          %and3A_196 = arith.andi %add3A_191, %and3A_195 : vector<16xi32>
          tpu.vector_store_idx %arg15[%shift_right_logical3A_193, %and3A_196], %broadcast_in_dim3A_2 masked %and3A_185 {add = true} : memref<48x128xf32, #tpu.memory_space<vmem>>[vector<16xi32>, vector<16xi32>], vector<16xf32>, vector<16xi1>
          %jit3A_197 = arith.constant 1 : i32
          %jit3A_198 = arith.constant 0 : i32
          %broadcast_in_dim3A_199 = vector.broadcast %jit3A_197 : i32 to vector<16xi32>
          %broadcast_in_dim3A_200 = vector.broadcast %jit3A_198 : i32 to vector<16xi32>
          %select_n3A_201 = arith.select %and3A_185, %broadcast_in_dim3A_199, %broadcast_in_dim3A_200 : vector<16xi1>, vector<16xi32>
          %broadcast_in_dim3A_202 = arith.constant true
          %broadcast_in_dim3A_203 = vector.broadcast %broadcast_in_dim3A_202 : i1 to vector<16xi1>
          %masked_cumsum3A = tpu.scan <sum>, %select_n3A_201 masked %broadcast_in_dim3A_203 : vector<16xi32>, vector<16xi1> -> vector<16xi32>
          %add3A_204 = arith.addi %scan3A_169, %masked_cumsum3A : vector<16xi32>
          %sub3A_205 = arith.constant 1 : i32
          %sub3A_206 = vector.broadcast %sub3A_205 : i32 to vector<16xi32>
          %sub3A_207 = arith.subi %add3A_204, %sub3A_206 : vector<16xi32>
          %shift_right_logical3A_208 = arith.constant 7 : i32
          %shift_right_logical3A_209 = vector.broadcast %shift_right_logical3A_208 : i32 to vector<16xi32>
          %shift_right_logical3A_210 = arith.shrui %sub3A_207, %shift_right_logical3A_209 : vector<16xi32>
          %and3A_211 = arith.constant 127 : i32
          %and3A_212 = vector.broadcast %and3A_211 : i32 to vector<16xi32>
          %and3A_213 = arith.andi %sub3A_207, %and3A_212 : vector<16xi32>
          tpu.vector_store_idx %arg9[%shift_right_logical3A_210, %and3A_213], %get3A_176 masked %and3A_185 : memref<160x128xi32, #tpu.memory_space<vmem>>[vector<16xi32>, vector<16xi32>], vector<16xi32>, vector<16xi1>
          tpu.vector_store_idx %arg10[%shift_right_logical3A_210, %and3A_213], %add3A_191 masked %and3A_185 : memref<160x128xi32, #tpu.memory_space<vmem>>[vector<16xi32>, vector<16xi32>], vector<16xi32>, vector<16xi1>
          %all_reduce_population_count3A = tpu.all_reduce %and3A_185 {dim = 0 : i64, kind = #tpu.reduction_kind<sum>} : vector<16xi1> -> vector<16xi32>
          %add3A_214 = arith.addi %scan3A_169, %all_reduce_population_count3A : vector<16xi32>
          scf.yield %add3A_214 : vector<16xi32>
        }
        %scan3A_167 = arith.constant 125 : i32
        scf.yield %scan3A_166 : vector<16xi32>
      }
      %scan3A_51 = arith.constant 10 : i32
      %eq3A_52 = arith.constant 0 : i32
      %eq3A_53 = vector.broadcast %eq3A_52 : i32 to vector<16xi32>
      %eq3A_54 = arith.cmpi eq, %iota3A, %eq3A_53 : vector<16xi32>
      %jit3A = arith.constant 0 : i32
      %broadcast_in_dim3A_55 = vector.broadcast %jit3A : i32 to vector<16xi32>
      %select_n3A = arith.select %eq3A_54, %scan3A_50, %broadcast_in_dim3A_55 : vector<16xi1>, vector<16xi32>
      %reduce_sum3A = arith.constant true
      %reduce_sum3A_56 = vector.broadcast %reduce_sum3A : i1 to vector<16xi1>
      %reduce_sum3A_57 = tpu.scan <sum>, %select_n3A masked %reduce_sum3A_56 : vector<16xi32>, vector<16xi1> -> vector<16xi32>
      %reduce_sum3A_58 = vector.extract %reduce_sum3A_57[15] : i32 from vector<16xi32>
      %broadcast_in_dim3A_59 = arith.constant 5120 : i32
      %broadcast_in_dim3A_60 = vector.broadcast %broadcast_in_dim3A_59 : i32 to vector<16xi32>
      %broadcast_in_dim3A_61 = arith.constant 0 : i32
      %broadcast_in_dim3A_62 = vector.broadcast %broadcast_in_dim3A_61 : i32 to vector<16xi32>
      %scan3A_63 = arith.constant 0 : i32
      %scan3A_64 = arith.constant 0 : i32
      %scan3A_65 = arith.constant 8 : i32
      %scan3A_66 = arith.addi %scan3A_64, %scan3A_65 : i32
      %scan3A_67 = arith.constant 1 : i32
      %scan3A_68 = scf.for %scan3A_145 = %scan3A_64 to %scan3A_66 step %scan3A_67 iter_args(%scan3A_146 = %scan3A_63) -> (i32)  : i32 {
        %mul3A_147 = arith.constant 16 : i32
        %mul3A_148 = arith.muli %scan3A_145, %mul3A_147 : i32
        %add3A_149 = arith.addi %reduce_sum3A_58, %mul3A_148 : i32
        %add3A_150 = vector.broadcast %add3A_149 : i32 to vector<16xi32>
        %add3A_151 = arith.addi %add3A_150, %iota3A : vector<16xi32>
        %shift_right_logical3A = arith.constant 7 : i32
        %shift_right_logical3A_152 = vector.broadcast %shift_right_logical3A : i32 to vector<16xi32>
        %shift_right_logical3A_153 = arith.shrui %add3A_151, %shift_right_logical3A_152 : vector<16xi32>
        %and3A_154 = arith.constant 127 : i32
        %and3A_155 = vector.broadcast %and3A_154 : i32 to vector<16xi32>
        %and3A_156 = arith.andi %add3A_151, %and3A_155 : vector<16xi32>
        tpu.vector_store_idx %arg10[%shift_right_logical3A_153, %and3A_156], %broadcast_in_dim3A_60 : memref<160x128xi32, #tpu.memory_space<vmem>>[vector<16xi32>, vector<16xi32>], vector<16xi32>,
        tpu.vector_store_idx %arg9[%shift_right_logical3A_153, %and3A_156], %broadcast_in_dim3A_62 : memref<160x128xi32, #tpu.memory_space<vmem>>[vector<16xi32>, vector<16xi32>], vector<16xi32>,
        %scan3A_157 = arith.constant 0 : i32
        scf.yield %scan3A_157 : i32
      }
      %scan3A_69 = arith.constant 8 : i32
      %add3A_70 = arith.constant 127 : i32
      %add3A_71 = arith.addi %reduce_sum3A_58, %add3A_70 : i32
      %jit3A_72 = arith.constant 128 : i32
      %div3A = arith.divsi %add3A_71, %jit3A_72 : i32
      %sign3A = arith.constant 0 : i32
      %sign3A_73 = arith.cmpi sgt, %add3A_71, %sign3A : i32
      %sign3A_74 = arith.extui %sign3A_73 : i1 to i32
      %sign3A_75 = arith.constant 0 : i32
      %sign3A_76 = arith.cmpi slt, %add3A_71, %sign3A_75 : i32
      %sign3A_77 = arith.extui %sign3A_76 : i1 to i32
      %sign3A_78 = arith.subi %sign3A_74, %sign3A_77 : i32
      %sign3A_79 = arith.constant 0 : i32
      %sign3A_80 = arith.cmpi sgt, %jit3A_72, %sign3A_79 : i32
      %sign3A_81 = arith.extui %sign3A_80 : i1 to i32
      %sign3A_82 = arith.constant 0 : i32
      %sign3A_83 = arith.cmpi slt, %jit3A_72, %sign3A_82 : i32
      %sign3A_84 = arith.extui %sign3A_83 : i1 to i32
      %sign3A_85 = arith.subi %sign3A_81, %sign3A_84 : i32
      %ne3A = arith.cmpi ne, %sign3A_78, %sign3A_85 : i32
      %rem3A = arith.remsi %add3A_71, %jit3A_72 : i32
      %ne3A_86 = arith.constant 0 : i32
      %ne3A_87 = arith.cmpi ne, %rem3A, %ne3A_86 : i32
      %and3A = arith.andi %ne3A, %ne3A_87 : i1
      %sub3A = arith.constant 1 : i32
      %sub3A_88 = arith.subi %div3A, %sub3A : i32
      %select_n3A_89 = arith.select %and3A, %sub3A_88, %div3A : i32
      %broadcast_in_dim3A_90 = arith.constant 0 : i32
      %broadcast_in_dim3A_91 = vector.broadcast %broadcast_in_dim3A_90 : i32 to vector<16xi32>
      %add3A_92 = vector.broadcast %select_n3A_89 : i32 to vector<16xi32>
      %add3A_93 = arith.addi %broadcast_in_dim3A_91, %add3A_92 : vector<16xi32>
      %swap3A_94 = arith.constant 0 : index
      %swap3A_95 = tpu.vector_load %arg14[%swap3A_94] {strides = array<i32>} : memref<16xi32, #tpu.memory_space<vmem>>, vector<16xi32>,
      tpu.vector_store %arg14[%swap3A_94], %add3A_93 {strides = array<i32>} : memref<16xi32, #tpu.memory_space<vmem>>, vector<16xi32>,
      "tpu.region"() ({
        %run_scoped3A = tpu.sem_alloc : memref<!tpu.dma_semaphore, #tpu.memory_space<semaphore_mem>>
        %dma_start3A = arith.constant 0 : i32
        %dma_start3A_145 = tpu.memref_slice %arg7[%arg0, %arg1, %scan3A_29, %dma_start3A] : memref<2x16x8x16xi32, #tpu.memory_space<hbm>> -> memref<1x1x1x16xi32, #tpu.memory_space<hbm>>
        %dma_start3A_146 = tpu.memref_squeeze %dma_start3A_145 : memref<1x1x1x16xi32, #tpu.memory_space<hbm>> -> memref<16xi32, #tpu.memory_space<hbm>>
        %dma_start3A_147 = arith.constant 0 : i32
        %dma_start3A_148 = tpu.memref_slice %arg7[%arg0, %arg1, %scan3A_29, %dma_start3A_147] : memref<2x16x8x16xi32, #tpu.memory_space<hbm>> -> memref<1x1x1x16xi32, #tpu.memory_space<hbm>>
        %dma_start3A_149 = tpu.memref_squeeze %dma_start3A_148 : memref<1x1x1x16xi32, #tpu.memory_space<hbm>> -> memref<16xi32, #tpu.memory_space<hbm>>
        tpu.enqueue_dma source(%arg14 : memref<16xi32, #tpu.memory_space<vmem>>) target(%dma_start3A_149 : memref<16xi32, #tpu.memory_space<hbm>>) target_semaphore(%run_scoped3A : memref<!tpu.dma_semaphore, #tpu.memory_space<semaphore_mem>>)
        %dma_wait3A = arith.constant 0 : i32
        %dma_wait3A_150 = tpu.memref_slice %arg7[%arg0, %arg1, %scan3A_29, %dma_wait3A] : memref<2x16x8x16xi32, #tpu.memory_space<hbm>> -> memref<1x1x1x16xi32, #tpu.memory_space<hbm>>
        %dma_wait3A_151 = tpu.memref_squeeze %dma_wait3A_150 : memref<1x1x1x16xi32, #tpu.memory_space<hbm>> -> memref<16xi32, #tpu.memory_space<hbm>>
        %dma_wait3A_152 = arith.constant 0 : i32
        %dma_wait3A_153 = tpu.memref_slice %arg7[%arg0, %arg1, %scan3A_29, %dma_wait3A_152] : memref<2x16x8x16xi32, #tpu.memory_space<hbm>> -> memref<1x1x1x16xi32, #tpu.memory_space<hbm>>
        %dma_wait3A_154 = tpu.memref_squeeze %dma_wait3A_153 : memref<1x1x1x16xi32, #tpu.memory_space<hbm>> -> memref<16xi32, #tpu.memory_space<hbm>>
        tpu.wait_dma2 semaphore(%run_scoped3A : memref<!tpu.dma_semaphore, #tpu.memory_space<semaphore_mem>>) src(%arg14 : memref<16xi32, #tpu.memory_space<vmem>>) dst(%dma_wait3A_154 : memref<16xi32, #tpu.memory_space<hbm>>)
        tpu.yield
      }) : () -> ()
      %add3A_96 = arith.constant 128 : i32
      %add3A_97 = arith.addi %reduce_sum3A_58, %add3A_96 : i32
      %add3A_98 = arith.constant 2048 : i32
      %add3A_99 = arith.addi %add3A_97, %add3A_98 : i32
      %sub3A_100 = arith.constant 1 : i32
      %sub3A_101 = arith.subi %add3A_99, %sub3A_100 : i32
      %jit3A_102 = arith.constant 2048 : i32
      %div3A_103 = arith.divsi %sub3A_101, %jit3A_102 : i32
      %sign3A_104 = arith.constant 0 : i32
      %sign3A_105 = arith.cmpi sgt, %sub3A_101, %sign3A_104 : i32
      %sign3A_106 = arith.extui %sign3A_105 : i1 to i32
      %sign3A_107 = arith.constant 0 : i32
      %sign3A_108 = arith.cmpi slt, %sub3A_101, %sign3A_107 : i32
      %sign3A_109 = arith.extui %sign3A_108 : i1 to i32
      %sign3A_110 = arith.subi %sign3A_106, %sign3A_109 : i32
      %sign3A_111 = arith.constant 0 : i32
      %sign3A_112 = arith.cmpi sgt, %jit3A_102, %sign3A_111 : i32
      %sign3A_113 = arith.extui %sign3A_112 : i1 to i32
      %sign3A_114 = arith.constant 0 : i32
      %sign3A_115 = arith.cmpi slt, %jit3A_102, %sign3A_114 : i32
      %sign3A_116 = arith.extui %sign3A_115 : i1 to i32
      %sign3A_117 = arith.subi %sign3A_113, %sign3A_116 : i32
      %ne3A_118 = arith.cmpi ne, %sign3A_110, %sign3A_117 : i32
      %rem3A_119 = arith.remsi %sub3A_101, %jit3A_102 : i32
      %ne3A_120 = arith.constant 0 : i32
      %ne3A_121 = arith.cmpi ne, %rem3A_119, %ne3A_120 : i32
      %and3A_122 = arith.andi %ne3A_118, %ne3A_121 : i1
      %sub3A_123 = arith.constant 1 : i32
      %sub3A_124 = arith.subi %div3A_103, %sub3A_123 : i32
      %select_n3A_125 = arith.select %and3A_122, %sub3A_124, %div3A_103 : i32
      %while3A = arith.constant 0 : i32
      %while3A_126 = arith.constant 0 : i32
      %while3A_127 = arith.subi %select_n3A_125, %while3A : i32
      %while3A_128 = arith.addi %while3A, %while3A_127 : i32
      %while3A_129 = arith.constant 1 : i32
      %while3A_130 = arith.divsi %while3A_127, %while3A_129 : i32
      %while3A_131 = arith.muli %while3A_130, %while3A_129 : i32
      %while3A_132 = arith.addi %while3A, %while3A_131 : i32
      %while3A_133 = arith.constant 1 : i32
      %while3A_134 = scf.for %while3A_145 = %while3A to %while3A_132 step %while3A_133 iter_args(%while3A_146 = %while3A_126) -> (i32)  : i32 {
        %mul3A_147 = arith.constant 16 : i32
        %mul3A_148 = arith.muli %while3A_145, %mul3A_147 : i32
        %mul3A_149 = arith.constant 16 : i32
        %mul3A_150 = arith.muli %while3A_145, %mul3A_149 : i32
        %dma_start3A = arith.constant 0 : i32
        %dma_start3A_151 = tpu.memref_slice %arg9[%mul3A_148, %dma_start3A] : memref<160x128xi32, #tpu.memory_space<vmem>> -> memref<16x128xi32, #tpu.memory_space<vmem>>
        %dma_start3A_152 = arith.constant 0 : i32
        %dma_start3A_153 = tpu.memref_slice %arg5[%arg0, %arg1, %scan3A_29, %mul3A_150, %dma_start3A_152] : memref<2x16x8x160x128xi32, #tpu.memory_space<hbm>> -> memref<1x1x1x16x128xi32, #tpu.memory_space<hbm>>
        %dma_start3A_154 = tpu.memref_squeeze %dma_start3A_153 : memref<1x1x1x16x128xi32, #tpu.memory_space<hbm>> -> memref<16x128xi32, #tpu.memory_space<hbm>>
        %dma_start3A_155 = arith.constant 0 : i32
        %dma_start3A_156 = tpu.memref_slice %arg5[%arg0, %arg1, %scan3A_29, %mul3A_150, %dma_start3A_155] : memref<2x16x8x160x128xi32, #tpu.memory_space<hbm>> -> memref<1x1x1x16x128xi32, #tpu.memory_space<hbm>>
        %dma_start3A_157 = tpu.memref_squeeze %dma_start3A_156 : memref<1x1x1x16x128xi32, #tpu.memory_space<hbm>> -> memref<16x128xi32, #tpu.memory_space<hbm>>
        %dma_start3A_158 = arith.constant 0 : i32
        %dma_start3A_159 = tpu.memref_slice %arg9[%mul3A_148, %dma_start3A_158] : memref<160x128xi32, #tpu.memory_space<vmem>> -> memref<16x128xi32, #tpu.memory_space<vmem>>
        tpu.enqueue_dma source(%dma_start3A_159 : memref<16x128xi32, #tpu.memory_space<vmem>>) target(%dma_start3A_157 : memref<16x128xi32, #tpu.memory_space<hbm>>) target_semaphore(%arg18 : memref<!tpu.dma_semaphore, #tpu.memory_space<semaphore_mem>>)
        %mul3A_160 = arith.constant 16 : i32
        %mul3A_161 = arith.muli %while3A_145, %mul3A_160 : i32
        %mul3A_162 = arith.constant 16 : i32
        %mul3A_163 = arith.muli %while3A_145, %mul3A_162 : i32
        %dma_start3A_164 = arith.constant 0 : i32
        %dma_start3A_165 = tpu.memref_slice %arg10[%mul3A_161, %dma_start3A_164] : memref<160x128xi32, #tpu.memory_space<vmem>> -> memref<16x128xi32, #tpu.memory_space<vmem>>
        %dma_start3A_166 = arith.constant 0 : i32
        %dma_start3A_167 = tpu.memref_slice %arg6[%arg0, %arg1, %scan3A_29, %mul3A_163, %dma_start3A_166] : memref<2x16x8x160x128xi32, #tpu.memory_space<hbm>> -> memref<1x1x1x16x128xi32, #tpu.memory_space<hbm>>
        %dma_start3A_168 = tpu.memref_squeeze %dma_start3A_167 : memref<1x1x1x16x128xi32, #tpu.memory_space<hbm>> -> memref<16x128xi32, #tpu.memory_space<hbm>>
        %dma_start3A_169 = arith.constant 0 : i32
        %dma_start3A_170 = tpu.memref_slice %arg6[%arg0, %arg1, %scan3A_29, %mul3A_163, %dma_start3A_169] : memref<2x16x8x160x128xi32, #tpu.memory_space<hbm>> -> memref<1x1x1x16x128xi32, #tpu.memory_space<hbm>>
        %dma_start3A_171 = tpu.memref_squeeze %dma_start3A_170 : memref<1x1x1x16x128xi32, #tpu.memory_space<hbm>> -> memref<16x128xi32, #tpu.memory_space<hbm>>
        %dma_start3A_172 = arith.constant 0 : i32
        %dma_start3A_173 = tpu.memref_slice %arg10[%mul3A_161, %dma_start3A_172] : memref<160x128xi32, #tpu.memory_space<vmem>> -> memref<16x128xi32, #tpu.memory_space<vmem>>
        tpu.enqueue_dma source(%dma_start3A_173 : memref<16x128xi32, #tpu.memory_space<vmem>>) target(%dma_start3A_171 : memref<16x128xi32, #tpu.memory_space<hbm>>) target_semaphore(%arg18 : memref<!tpu.dma_semaphore, #tpu.memory_space<semaphore_mem>>)
        %dma_wait3A = arith.constant 0 : i32
        %dma_wait3A_174 = tpu.memref_slice %arg9[%mul3A_148, %dma_wait3A] : memref<160x128xi32, #tpu.memory_space<vmem>> -> memref<16x128xi32, #tpu.memory_space<vmem>>
        %dma_wait3A_175 = arith.constant 0 : i32
        %dma_wait3A_176 = tpu.memref_slice %arg5[%arg0, %arg1, %scan3A_29, %mul3A_150, %dma_wait3A_175] : memref<2x16x8x160x128xi32, #tpu.memory_space<hbm>> -> memref<1x1x1x16x128xi32, #tpu.memory_space<hbm>>
        %dma_wait3A_177 = tpu.memref_squeeze %dma_wait3A_176 : memref<1x1x1x16x128xi32, #tpu.memory_space<hbm>> -> memref<16x128xi32, #tpu.memory_space<hbm>>
        %dma_wait3A_178 = arith.constant 0 : i32
        %dma_wait3A_179 = tpu.memref_slice %arg5[%arg0, %arg1, %scan3A_29, %mul3A_150, %dma_wait3A_178] : memref<2x16x8x160x128xi32, #tpu.memory_space<hbm>> -> memref<1x1x1x16x128xi32, #tpu.memory_space<hbm>>
        %dma_wait3A_180 = tpu.memref_squeeze %dma_wait3A_179 : memref<1x1x1x16x128xi32, #tpu.memory_space<hbm>> -> memref<16x128xi32, #tpu.memory_space<hbm>>
        %dma_wait3A_181 = arith.constant 0 : i32
        %dma_wait3A_182 = tpu.memref_slice %arg9[%mul3A_148, %dma_wait3A_181] : memref<160x128xi32, #tpu.memory_space<vmem>> -> memref<16x128xi32, #tpu.memory_space<vmem>>
        tpu.wait_dma2 semaphore(%arg18 : memref<!tpu.dma_semaphore, #tpu.memory_space<semaphore_mem>>) src(%dma_wait3A_182 : memref<16x128xi32, #tpu.memory_space<vmem>>) dst(%dma_wait3A_180 : memref<16x128xi32, #tpu.memory_space<hbm>>)
        %dma_wait3A_183 = arith.constant 0 : i32
        %dma_wait3A_184 = tpu.memref_slice %arg10[%mul3A_161, %dma_wait3A_183] : memref<160x128xi32, #tpu.memory_space<vmem>> -> memref<16x128xi32, #tpu.memory_space<vmem>>
        %dma_wait3A_185 = arith.constant 0 : i32
        %dma_wait3A_186 = tpu.memref_slice %arg6[%arg0, %arg1, %scan3A_29, %mul3A_163, %dma_wait3A_185] : memref<2x16x8x160x128xi32, #tpu.memory_space<hbm>> -> memref<1x1x1x16x128xi32, #tpu.memory_space<hbm>>
        %dma_wait3A_187 = tpu.memref_squeeze %dma_wait3A_186 : memref<1x1x1x16x128xi32, #tpu.memory_space<hbm>> -> memref<16x128xi32, #tpu.memory_space<hbm>>
        %dma_wait3A_188 = arith.constant 0 : i32
        %dma_wait3A_189 = tpu.memref_slice %arg6[%arg0, %arg1, %scan3A_29, %mul3A_163, %dma_wait3A_188] : memref<2x16x8x160x128xi32, #tpu.memory_space<hbm>> -> memref<1x1x1x16x128xi32, #tpu.memory_space<hbm>>
        %dma_wait3A_190 = tpu.memref_squeeze %dma_wait3A_189 : memref<1x1x1x16x128xi32, #tpu.memory_space<hbm>> -> memref<16x128xi32, #tpu.memory_space<hbm>>
        %dma_wait3A_191 = arith.constant 0 : i32
        %dma_wait3A_192 = tpu.memref_slice %arg10[%mul3A_161, %dma_wait3A_191] : memref<160x128xi32, #tpu.memory_space<vmem>> -> memref<16x128xi32, #tpu.memory_space<vmem>>
        tpu.wait_dma2 semaphore(%arg18 : memref<!tpu.dma_semaphore, #tpu.memory_space<semaphore_mem>>) src(%dma_wait3A_192 : memref<16x128xi32, #tpu.memory_space<vmem>>) dst(%dma_wait3A_190 : memref<16x128xi32, #tpu.memory_space<hbm>>)
        %while3A_193 = arith.constant 0 : i32
        scf.yield %while3A_193 : i32
      }
      %while3A_135 = arith.constant 1 : i32
      %while3A_136 = scf.for %while3A_145 = %while3A_132 to %while3A_128 step %while3A_135 iter_args(%while3A_146 = %while3A_134) -> (i32)  : i32 {
        %mul3A_147 = arith.constant 16 : i32
        %mul3A_148 = arith.muli %while3A_145, %mul3A_147 : i32
        %mul3A_149 = arith.constant 16 : i32
        %mul3A_150 = arith.muli %while3A_145, %mul3A_149 : i32
        %dma_start3A = arith.constant 0 : i32
        %dma_start3A_151 = tpu.memref_slice %arg9[%mul3A_148, %dma_start3A] : memref<160x128xi32, #tpu.memory_space<vmem>> -> memref<16x128xi32, #tpu.memory_space<vmem>>
        %dma_start3A_152 = arith.constant 0 : i32
        %dma_start3A_153 = tpu.memref_slice %arg5[%arg0, %arg1, %scan3A_29, %mul3A_150, %dma_start3A_152] : memref<2x16x8x160x128xi32, #tpu.memory_space<hbm>> -> memref<1x1x1x16x128xi32, #tpu.memory_space<hbm>>
        %dma_start3A_154 = tpu.memref_squeeze %dma_start3A_153 : memref<1x1x1x16x128xi32, #tpu.memory_space<hbm>> -> memref<16x128xi32, #tpu.memory_space<hbm>>
        %dma_start3A_155 = arith.constant 0 : i32
        %dma_start3A_156 = tpu.memref_slice %arg5[%arg0, %arg1, %scan3A_29, %mul3A_150, %dma_start3A_155] : memref<2x16x8x160x128xi32, #tpu.memory_space<hbm>> -> memref<1x1x1x16x128xi32, #tpu.memory_space<hbm>>
        %dma_start3A_157 = tpu.memref_squeeze %dma_start3A_156 : memref<1x1x1x16x128xi32, #tpu.memory_space<hbm>> -> memref<16x128xi32, #tpu.memory_space<hbm>>
        %dma_start3A_158 = arith.constant 0 : i32
        %dma_start3A_159 = tpu.memref_slice %arg9[%mul3A_148, %dma_start3A_158] : memref<160x128xi32, #tpu.memory_space<vmem>> -> memref<16x128xi32, #tpu.memory_space<vmem>>
        tpu.enqueue_dma source(%dma_start3A_159 : memref<16x128xi32, #tpu.memory_space<vmem>>) target(%dma_start3A_157 : memref<16x128xi32, #tpu.memory_space<hbm>>) target_semaphore(%arg18 : memref<!tpu.dma_semaphore, #tpu.memory_space<semaphore_mem>>)
        %mul3A_160 = arith.constant 16 : i32
        %mul3A_161 = arith.muli %while3A_145, %mul3A_160 : i32
        %mul3A_162 = arith.constant 16 : i32
        %mul3A_163 = arith.muli %while3A_145, %mul3A_162 : i32
        %dma_start3A_164 = arith.constant 0 : i32
        %dma_start3A_165 = tpu.memref_slice %arg10[%mul3A_161, %dma_start3A_164] : memref<160x128xi32, #tpu.memory_space<vmem>> -> memref<16x128xi32, #tpu.memory_space<vmem>>
        %dma_start3A_166 = arith.constant 0 : i32
        %dma_start3A_167 = tpu.memref_slice %arg6[%arg0, %arg1, %scan3A_29, %mul3A_163, %dma_start3A_166] : memref<2x16x8x160x128xi32, #tpu.memory_space<hbm>> -> memref<1x1x1x16x128xi32, #tpu.memory_space<hbm>>
        %dma_start3A_168 = tpu.memref_squeeze %dma_start3A_167 : memref<1x1x1x16x128xi32, #tpu.memory_space<hbm>> -> memref<16x128xi32, #tpu.memory_space<hbm>>
        %dma_start3A_169 = arith.constant 0 : i32
        %dma_start3A_170 = tpu.memref_slice %arg6[%arg0, %arg1, %scan3A_29, %mul3A_163, %dma_start3A_169] : memref<2x16x8x160x128xi32, #tpu.memory_space<hbm>> -> memref<1x1x1x16x128xi32, #tpu.memory_space<hbm>>
        %dma_start3A_171 = tpu.memref_squeeze %dma_start3A_170 : memref<1x1x1x16x128xi32, #tpu.memory_space<hbm>> -> memref<16x128xi32, #tpu.memory_space<hbm>>
        %dma_start3A_172 = arith.constant 0 : i32
        %dma_start3A_173 = tpu.memref_slice %arg10[%mul3A_161, %dma_start3A_172] : memref<160x128xi32, #tpu.memory_space<vmem>> -> memref<16x128xi32, #tpu.memory_space<vmem>>
        tpu.enqueue_dma source(%dma_start3A_173 : memref<16x128xi32, #tpu.memory_space<vmem>>) target(%dma_start3A_171 : memref<16x128xi32, #tpu.memory_space<hbm>>) target_semaphore(%arg18 : memref<!tpu.dma_semaphore, #tpu.memory_space<semaphore_mem>>)
        %dma_wait3A = arith.constant 0 : i32
        %dma_wait3A_174 = tpu.memref_slice %arg9[%mul3A_148, %dma_wait3A] : memref<160x128xi32, #tpu.memory_space<vmem>> -> memref<16x128xi32, #tpu.memory_space<vmem>>
        %dma_wait3A_175 = arith.constant 0 : i32
        %dma_wait3A_176 = tpu.memref_slice %arg5[%arg0, %arg1, %scan3A_29, %mul3A_150, %dma_wait3A_175] : memref<2x16x8x160x128xi32, #tpu.memory_space<hbm>> -> memref<1x1x1x16x128xi32, #tpu.memory_space<hbm>>
        %dma_wait3A_177 = tpu.memref_squeeze %dma_wait3A_176 : memref<1x1x1x16x128xi32, #tpu.memory_space<hbm>> -> memref<16x128xi32, #tpu.memory_space<hbm>>
        %dma_wait3A_178 = arith.constant 0 : i32
        %dma_wait3A_179 = tpu.memref_slice %arg5[%arg0, %arg1, %scan3A_29, %mul3A_150, %dma_wait3A_178] : memref<2x16x8x160x128xi32, #tpu.memory_space<hbm>> -> memref<1x1x1x16x128xi32, #tpu.memory_space<hbm>>
        %dma_wait3A_180 = tpu.memref_squeeze %dma_wait3A_179 : memref<1x1x1x16x128xi32, #tpu.memory_space<hbm>> -> memref<16x128xi32, #tpu.memory_space<hbm>>
        %dma_wait3A_181 = arith.constant 0 : i32
        %dma_wait3A_182 = tpu.memref_slice %arg9[%mul3A_148, %dma_wait3A_181] : memref<160x128xi32, #tpu.memory_space<vmem>> -> memref<16x128xi32, #tpu.memory_space<vmem>>
        tpu.wait_dma2 semaphore(%arg18 : memref<!tpu.dma_semaphore, #tpu.memory_space<semaphore_mem>>) src(%dma_wait3A_182 : memref<16x128xi32, #tpu.memory_space<vmem>>) dst(%dma_wait3A_180 : memref<16x128xi32, #tpu.memory_space<hbm>>)
        %dma_wait3A_183 = arith.constant 0 : i32
        %dma_wait3A_184 = tpu.memref_slice %arg10[%mul3A_161, %dma_wait3A_183] : memref<160x128xi32, #tpu.memory_space<vmem>> -> memref<16x128xi32, #tpu.memory_space<vmem>>
        %dma_wait3A_185 = arith.constant 0 : i32
        %dma_wait3A_186 = tpu.memref_slice %arg6[%arg0, %arg1, %scan3A_29, %mul3A_163, %dma_wait3A_185] : memref<2x16x8x160x128xi32, #tpu.memory_space<hbm>> -> memref<1x1x1x16x128xi32, #tpu.memory_space<hbm>>
        %dma_wait3A_187 = tpu.memref_squeeze %dma_wait3A_186 : memref<1x1x1x16x128xi32, #tpu.memory_space<hbm>> -> memref<16x128xi32, #tpu.memory_space<hbm>>
        %dma_wait3A_188 = arith.constant 0 : i32
        %dma_wait3A_189 = tpu.memref_slice %arg6[%arg0, %arg1, %scan3A_29, %mul3A_163, %dma_wait3A_188] : memref<2x16x8x160x128xi32, #tpu.memory_space<hbm>> -> memref<1x1x1x16x128xi32, #tpu.memory_space<hbm>>
        %dma_wait3A_190 = tpu.memref_squeeze %dma_wait3A_189 : memref<1x1x1x16x128xi32, #tpu.memory_space<hbm>> -> memref<16x128xi32, #tpu.memory_space<hbm>>
        %dma_wait3A_191 = arith.constant 0 : i32
        %dma_wait3A_192 = tpu.memref_slice %arg10[%mul3A_161, %dma_wait3A_191] : memref<160x128xi32, #tpu.memory_space<vmem>> -> memref<16x128xi32, #tpu.memory_space<vmem>>
        tpu.wait_dma2 semaphore(%arg18 : memref<!tpu.dma_semaphore, #tpu.memory_space<semaphore_mem>>) src(%dma_wait3A_192 : memref<16x128xi32, #tpu.memory_space<vmem>>) dst(%dma_wait3A_190 : memref<16x128xi32, #tpu.memory_space<hbm>>)
        %while3A_193 = arith.constant 0 : i32
        scf.yield %while3A_193 : i32
      }
      "tpu.region"() ({
        %run_scoped3A = tpu.sem_alloc : memref<!tpu.dma_semaphore, #tpu.memory_space<semaphore_mem>>
        %dma_start3A = arith.constant 0 : i32
        %dma_start3A_145 = arith.constant 0 : i32
        %dma_start3A_146 = tpu.memref_slice %arg19[%dma_start3A, %dma_start3A_145] : memref<48x128xf32, #tpu.memory_space<vmem_shared>> -> memref<48x128xf32, #tpu.memory_space<vmem_shared>>
        tpu.enqueue_indirect_dma source(%arg15 : memref<48x128xf32, #tpu.memory_space<vmem>>) target(%dma_start3A_146 : memref<48x128xf32, #tpu.memory_space<vmem_shared>>) offsets(%arg17 : memref<48xi32, #tpu.memory_space<vmem>>) semaphore(%run_scoped3A : memref<!tpu.dma_semaphore, #tpu.memory_space<semaphore_mem>>) {add = true}
        %dma_wait3A = arith.constant 0 : i32
        %dma_wait3A_147 = arith.constant 0 : i32
        %dma_wait3A_148 = tpu.memref_slice %arg19[%dma_wait3A, %dma_wait3A_147] : memref<48x128xf32, #tpu.memory_space<vmem_shared>> -> memref<48x128xf32, #tpu.memory_space<vmem_shared>>
        tpu.wait_indirect_dma semaphore(%run_scoped3A : memref<!tpu.dma_semaphore, #tpu.memory_space<semaphore_mem>>) src(%arg15 : memref<48x128xf32, #tpu.memory_space<vmem>>) dst(%dma_wait3A_148 : memref<48x128xf32, #tpu.memory_space<vmem_shared>>)
        tpu.yield
      }) : () -> ()
      %barrier3A_137 = arith.constant 0 : index
      tpu.barrier barrier_id(%barrier3A_137)
      %eq3A_138 = arith.constant 0 : i32
      %eq3A_139 = arith.cmpi eq, %arg1, %eq3A_138 : i32
      %convert_element_type3A_140 = arith.extui %eq3A_139 : i1 to i32
      %cond3A_141 = arith.constant 0 : i32
      %cond3A_142 = arith.cmpi ne, %convert_element_type3A_140, %cond3A_141 : i32
      scf.if %cond3A_142 {
        %mul3A_145 = arith.constant 8 : i32
        %mul3A_146 = arith.muli %arg0, %mul3A_145 : i32
        %add3A_147 = arith.addi %mul3A_146, %scan3A_29 : i32
        "tpu.region"() ({
          %run_scoped3A = tpu.sem_alloc : memref<!tpu.dma_semaphore, #tpu.memory_space<semaphore_mem>>
          %dma_start3A = arith.constant 0 : i32
          %dma_start3A_148 = arith.constant 0 : i32
          %dma_start3A_149 = tpu.memref_slice %arg8[%add3A_147, %dma_start3A, %dma_start3A_148] : memref<16x40x128xf32, #tpu.memory_space<hbm>> -> memref<1x40x128xf32, #tpu.memory_space<hbm>>
          %dma_start3A_150 = tpu.memref_squeeze %dma_start3A_149 : memref<1x40x128xf32, #tpu.memory_space<hbm>> -> memref<40x128xf32, #tpu.memory_space<hbm>>
          %dma_start3A_151 = arith.constant 0 : i32
          %dma_start3A_152 = arith.constant 0 : i32
          %dma_start3A_153 = tpu.memref_slice %arg19[%dma_start3A_151, %dma_start3A_152] : memref<48x128xf32, #tpu.memory_space<vmem_shared>> -> memref<40x128xf32, #tpu.memory_space<vmem_shared>>
          tpu.enqueue_dma source(%dma_start3A_153 : memref<40x128xf32, #tpu.memory_space<vmem_shared>>) target(%dma_start3A_150 : memref<40x128xf32, #tpu.memory_space<hbm>>) target_semaphore(%run_scoped3A : memref<!tpu.dma_semaphore, #tpu.memory_space<semaphore_mem>>)
          %dma_wait3A = arith.constant 0 : i32
          %dma_wait3A_154 = arith.constant 0 : i32
          %dma_wait3A_155 = tpu.memref_slice %arg8[%add3A_147, %dma_wait3A, %dma_wait3A_154] : memref<16x40x128xf32, #tpu.memory_space<hbm>> -> memref<1x40x128xf32, #tpu.memory_space<hbm>>
          %dma_wait3A_156 = tpu.memref_squeeze %dma_wait3A_155 : memref<1x40x128xf32, #tpu.memory_space<hbm>> -> memref<40x128xf32, #tpu.memory_space<hbm>>
          %dma_wait3A_157 = arith.constant 0 : i32
          %dma_wait3A_158 = arith.constant 0 : i32
          %dma_wait3A_159 = tpu.memref_slice %arg19[%dma_wait3A_157, %dma_wait3A_158] : memref<48x128xf32, #tpu.memory_space<vmem_shared>> -> memref<40x128xf32, #tpu.memory_space<vmem_shared>>
          tpu.wait_dma2 semaphore(%run_scoped3A : memref<!tpu.dma_semaphore, #tpu.memory_space<semaphore_mem>>) src(%dma_wait3A_159 : memref<40x128xf32, #tpu.memory_space<vmem_shared>>) dst(%dma_wait3A_156 : memref<40x128xf32, #tpu.memory_space<hbm>>)
          tpu.yield
        }) : () -> ()
      } else {
      }
      %barrier3A_143 = arith.constant 0 : index
      tpu.barrier barrier_id(%barrier3A_143)
      %scan3A_144 = arith.constant 0 : i32
      scf.yield %scan3A_144 : i32
    }
    %scan3A_28 = arith.constant 8 : i32
    return
  }
}

#map = affine_map<(d0, d1) -> (0, 0)>
#map1 = affine_map<(d0, d1) -> (0, 0, 0, 0, 0)>
#map2 = affine_map<(d0, d1) -> (0, 0, 0, 0)>
#map3 = affine_map<(d0, d1) -> (0, 0, 0)>
module attributes {stable_mosaic.version = 14 : i64} {
  func.func @body(%arg0: i32, %arg1: i32, %arg2: memref<10000x128xf32, #tpu.memory_space<hbm>>, %arg3: memref<2x16x8x160x128xi32, #tpu.memory_space<hbm>>, %arg4: memref<2x16x8x160x128xi32, #tpu.memory_space<hbm>>, %arg5: memref<2x16x8x16xi32, #tpu.memory_space<hbm>>, %arg6: memref<8x10000x128xf32, #tpu.memory_space<hbm>>, %arg7: memref<160x128xi32, #tpu.memory_space<vmem>>, %arg8: memref<160x128xi32, #tpu.memory_space<vmem>>, %arg9: memref<16xi32, #tpu.memory_space<vmem>>, %arg10: memref<128x128xf32, #tpu.memory_space<vmem>>, %arg11: memref<128x128xf32, #tpu.memory_space<vmem>>, %arg12: memref<64x128xf32, #tpu.memory_space<vmem>>, %arg13: memref<!tpu.dma_semaphore, #tpu.memory_space<semaphore_mem>>, %arg14: memref<!tpu.dma_semaphore, #tpu.memory_space<semaphore_mem>>, %arg15: memref<!tpu.dma_semaphore, #tpu.memory_space<semaphore_mem>>, %arg16: memref<5248x128xf32, #tpu.memory_space<vmem_shared>>) attributes {dimension_semantics = [#tpu.dimension_semantics<core_parallel>, #tpu.dimension_semantics<subcore_parallel>], iteration_bounds = array<i64: 2, 16>, scalar_prefetch = 0 : i64, scratch_operands = 10 : i64, tpu.core_type = #tpu.core_type<sc_vector_subcore>, window_params = [{transform_indices = #map}, {transform_indices = #map1}, {transform_indices = #map1}, {transform_indices = #map2}, {transform_indices = #map3}]} {
    %broadcast_in_dim3A = arith.constant 0.000000e+00 : f32
    %broadcast_in_dim3A_0 = vector.broadcast %broadcast_in_dim3A : f32 to vector<16xf32>
    %iota3A = tpu.iota {dimensions = array<i32: 0>} : vector<16xi32>
    %scan3A = arith.constant 0 : i32
    %scan3A_1 = arith.constant 0 : i32
    %scan3A_2 = arith.constant 512 : i32
    %scan3A_3 = arith.addi %scan3A_1, %scan3A_2 : i32
    %scan3A_4 = arith.constant 1 : i32
    %scan3A_5 = scf.for %scan3A_50 = %scan3A_1 to %scan3A_3 step %scan3A_4 iter_args(%scan3A_51 = %scan3A) -> (i32)  : i32 {
      %shift_right_arithmetic3A = arith.constant 3 : i32
      %shift_right_arithmetic3A_52 = arith.shrsi %scan3A_50, %shift_right_arithmetic3A : i32
      %and3A_53 = arith.constant 7 : i32
      %and3A_54 = arith.andi %scan3A_50, %and3A_53 : i32
      %mul3A = arith.constant 16 : i32
      %mul3A_55 = arith.muli %and3A_54, %mul3A : i32
      %swap3A = arith.index_cast %shift_right_arithmetic3A_52 : i32 to index
      %swap3A_56 = arith.index_cast %mul3A_55 : i32 to index
      %swap3A_57 = tpu.vector_load %arg12[%swap3A, %swap3A_56] {strides = array<i32>} : memref<64x128xf32, #tpu.memory_space<vmem>>, vector<16xf32>,
      tpu.vector_store %arg12[%swap3A, %swap3A_56], %broadcast_in_dim3A_0 {strides = array<i32>} : memref<64x128xf32, #tpu.memory_space<vmem>>, vector<16xf32>,
      %scan3A_58 = arith.constant 0 : i32
      scf.yield %scan3A_58 : i32
    }
    %scan3A_6 = arith.constant 512 : i32
    %run_scoped3A = arith.constant 0 : i32
    "tpu.region"() ({
      %run_scoped3A_50 = tpu.sem_alloc : memref<!tpu.dma_semaphore, #tpu.memory_space<semaphore_mem>>
      %dma_start3A = arith.constant 0 : i32
      %dma_start3A_51 = tpu.memref_slice %arg5[%arg0, %arg1, %run_scoped3A, %dma_start3A] : memref<2x16x8x16xi32, #tpu.memory_space<hbm>> -> memref<1x1x1x16xi32, #tpu.memory_space<hbm>>
      %dma_start3A_52 = tpu.memref_squeeze %dma_start3A_51 : memref<1x1x1x16xi32, #tpu.memory_space<hbm>> -> memref<16xi32, #tpu.memory_space<hbm>>
      %dma_start3A_53 = arith.constant 0 : i32
      %dma_start3A_54 = tpu.memref_slice %arg5[%arg0, %arg1, %run_scoped3A, %dma_start3A_53] : memref<2x16x8x16xi32, #tpu.memory_space<hbm>> -> memref<1x1x1x16xi32, #tpu.memory_space<hbm>>
      %dma_start3A_55 = tpu.memref_squeeze %dma_start3A_54 : memref<1x1x1x16xi32, #tpu.memory_space<hbm>> -> memref<16xi32, #tpu.memory_space<hbm>>
      tpu.enqueue_dma source(%dma_start3A_55 : memref<16xi32, #tpu.memory_space<hbm>>) target(%arg9 : memref<16xi32, #tpu.memory_space<vmem>>) target_semaphore(%run_scoped3A_50 : memref<!tpu.dma_semaphore, #tpu.memory_space<semaphore_mem>>)
      %dma_wait3A = arith.constant 0 : i32
      %dma_wait3A_56 = tpu.memref_slice %arg5[%arg0, %arg1, %run_scoped3A, %dma_wait3A] : memref<2x16x8x16xi32, #tpu.memory_space<hbm>> -> memref<1x1x1x16xi32, #tpu.memory_space<hbm>>
      %dma_wait3A_57 = tpu.memref_squeeze %dma_wait3A_56 : memref<1x1x1x16xi32, #tpu.memory_space<hbm>> -> memref<16xi32, #tpu.memory_space<hbm>>
      %dma_wait3A_58 = arith.constant 0 : i32
      %dma_wait3A_59 = tpu.memref_slice %arg5[%arg0, %arg1, %run_scoped3A, %dma_wait3A_58] : memref<2x16x8x16xi32, #tpu.memory_space<hbm>> -> memref<1x1x1x16xi32, #tpu.memory_space<hbm>>
      %dma_wait3A_60 = tpu.memref_squeeze %dma_wait3A_59 : memref<1x1x1x16xi32, #tpu.memory_space<hbm>> -> memref<16xi32, #tpu.memory_space<hbm>>
      tpu.wait_dma2 semaphore(%run_scoped3A_50 : memref<!tpu.dma_semaphore, #tpu.memory_space<semaphore_mem>>) src(%dma_wait3A_60 : memref<16xi32, #tpu.memory_space<hbm>>) dst(%arg9 : memref<16xi32, #tpu.memory_space<vmem>>)
      tpu.yield
    }) : () -> ()
    %get3A = arith.constant 0 : index
    %get3A_7 = tpu.vector_load %arg9[%get3A] {strides = array<i32>} : memref<16xi32, #tpu.memory_space<vmem>>, vector<16xi32>,
    %eq3A = arith.constant 0 : i32
    %eq3A_8 = vector.broadcast %eq3A : i32 to vector<16xi32>
    %eq3A_9 = arith.cmpi eq, %iota3A, %eq3A_8 : vector<16xi32>
    %jit3A = arith.constant 0 : i32
    %broadcast_in_dim3A_10 = vector.broadcast %jit3A : i32 to vector<16xi32>
    %select_n3A = arith.select %eq3A_9, %get3A_7, %broadcast_in_dim3A_10 : vector<16xi1>, vector<16xi32>
    %reduce_sum3A = arith.constant true
    %reduce_sum3A_11 = vector.broadcast %reduce_sum3A : i1 to vector<16xi1>
    %reduce_sum3A_12 = tpu.scan <sum>, %select_n3A masked %reduce_sum3A_11 : vector<16xi32>, vector<16xi1> -> vector<16xi32>
    %reduce_sum3A_13 = vector.extract %reduce_sum3A_12[15] : i32 from vector<16xi32>
    %add3A = arith.constant 15 : i32
    %add3A_14 = arith.addi %reduce_sum3A_13, %add3A : i32
    %jit3A_15 = arith.constant 16 : i32
    %div3A = arith.divsi %add3A_14, %jit3A_15 : i32
    %sign3A = arith.constant 0 : i32
    %sign3A_16 = arith.cmpi sgt, %add3A_14, %sign3A : i32
    %sign3A_17 = arith.extui %sign3A_16 : i1 to i32
    %sign3A_18 = arith.constant 0 : i32
    %sign3A_19 = arith.cmpi slt, %add3A_14, %sign3A_18 : i32
    %sign3A_20 = arith.extui %sign3A_19 : i1 to i32
    %sign3A_21 = arith.subi %sign3A_17, %sign3A_20 : i32
    %sign3A_22 = arith.constant 0 : i32
    %sign3A_23 = arith.cmpi sgt, %jit3A_15, %sign3A_22 : i32
    %sign3A_24 = arith.extui %sign3A_23 : i1 to i32
    %sign3A_25 = arith.constant 0 : i32
    %sign3A_26 = arith.cmpi slt, %jit3A_15, %sign3A_25 : i32
    %sign3A_27 = arith.extui %sign3A_26 : i1 to i32
    %sign3A_28 = arith.subi %sign3A_24, %sign3A_27 : i32
    %ne3A = arith.cmpi ne, %sign3A_21, %sign3A_28 : i32
    %rem3A = arith.remsi %add3A_14, %jit3A_15 : i32
    %ne3A_29 = arith.constant 0 : i32
    %ne3A_30 = arith.cmpi ne, %rem3A, %ne3A_29 : i32
    %and3A = arith.andi %ne3A, %ne3A_30 : i1
    %sub3A = arith.constant 1 : i32
    %sub3A_31 = arith.subi %div3A, %sub3A : i32
    %select_n3A_32 = arith.select %and3A, %sub3A_31, %div3A : i32
    %while3A = arith.constant 0 : i32
    %while3A_33 = arith.constant 0 : i32
    %while3A_34 = arith.subi %select_n3A_32, %while3A : i32
    %while3A_35 = arith.addi %while3A, %while3A_34 : i32
    %while3A_36 = arith.constant 1 : i32
    %while3A_37 = arith.divsi %while3A_34, %while3A_36 : i32
    %while3A_38 = arith.muli %while3A_37, %while3A_36 : i32
    %while3A_39 = arith.addi %while3A, %while3A_38 : i32
    %while3A_40 = arith.constant 1 : i32
    %while3A_41 = scf.for %while3A_50 = %while3A to %while3A_39 step %while3A_40 iter_args(%while3A_51 = %while3A_33) -> (i32)  : i32 {
      %mul3A = arith.constant 16 : i32
      %mul3A_52 = arith.muli %while3A_50, %mul3A : i32
      %mul3A_53 = arith.constant 16 : i32
      %mul3A_54 = arith.muli %while3A_50, %mul3A_53 : i32
      %dma_start3A = arith.constant 0 : i32
      %dma_start3A_55 = arith.constant 0 : i32
      %dma_start3A_56 = tpu.memref_slice %arg7[%mul3A_54, %dma_start3A_55] : memref<160x128xi32, #tpu.memory_space<vmem>> -> memref<16x128xi32, #tpu.memory_space<vmem>>
      %dma_start3A_57 = arith.constant 0 : i32
      %dma_start3A_58 = tpu.memref_slice %arg3[%arg0, %arg1, %dma_start3A, %mul3A_52, %dma_start3A_57] : memref<2x16x8x160x128xi32, #tpu.memory_space<hbm>> -> memref<1x1x1x16x128xi32, #tpu.memory_space<hbm>>
      %dma_start3A_59 = tpu.memref_squeeze %dma_start3A_58 : memref<1x1x1x16x128xi32, #tpu.memory_space<hbm>> -> memref<16x128xi32, #tpu.memory_space<hbm>>
      %dma_start3A_60 = arith.constant 0 : i32
      %dma_start3A_61 = tpu.memref_slice %arg7[%mul3A_54, %dma_start3A_60] : memref<160x128xi32, #tpu.memory_space<vmem>> -> memref<16x128xi32, #tpu.memory_space<vmem>>
      %dma_start3A_62 = arith.constant 0 : i32
      %dma_start3A_63 = tpu.memref_slice %arg3[%arg0, %arg1, %dma_start3A, %mul3A_52, %dma_start3A_62] : memref<2x16x8x160x128xi32, #tpu.memory_space<hbm>> -> memref<1x1x1x16x128xi32, #tpu.memory_space<hbm>>
      %dma_start3A_64 = tpu.memref_squeeze %dma_start3A_63 : memref<1x1x1x16x128xi32, #tpu.memory_space<hbm>> -> memref<16x128xi32, #tpu.memory_space<hbm>>
      tpu.enqueue_dma source(%dma_start3A_64 : memref<16x128xi32, #tpu.memory_space<hbm>>) target(%dma_start3A_61 : memref<16x128xi32, #tpu.memory_space<vmem>>) target_semaphore(%arg15 : memref<!tpu.dma_semaphore, #tpu.memory_space<semaphore_mem>>)
      %mul3A_65 = arith.constant 16 : i32
      %mul3A_66 = arith.muli %while3A_50, %mul3A_65 : i32
      %mul3A_67 = arith.constant 16 : i32
      %mul3A_68 = arith.muli %while3A_50, %mul3A_67 : i32
      %dma_start3A_69 = arith.constant 0 : i32
      %dma_start3A_70 = arith.constant 0 : i32
      %dma_start3A_71 = tpu.memref_slice %arg8[%mul3A_68, %dma_start3A_70] : memref<160x128xi32, #tpu.memory_space<vmem>> -> memref<16x128xi32, #tpu.memory_space<vmem>>
      %dma_start3A_72 = arith.constant 0 : i32
      %dma_start3A_73 = tpu.memref_slice %arg4[%arg0, %arg1, %dma_start3A_69, %mul3A_66, %dma_start3A_72] : memref<2x16x8x160x128xi32, #tpu.memory_space<hbm>> -> memref<1x1x1x16x128xi32, #tpu.memory_space<hbm>>
      %dma_start3A_74 = tpu.memref_squeeze %dma_start3A_73 : memref<1x1x1x16x128xi32, #tpu.memory_space<hbm>> -> memref<16x128xi32, #tpu.memory_space<hbm>>
      %dma_start3A_75 = arith.constant 0 : i32
      %dma_start3A_76 = tpu.memref_slice %arg8[%mul3A_68, %dma_start3A_75] : memref<160x128xi32, #tpu.memory_space<vmem>> -> memref<16x128xi32, #tpu.memory_space<vmem>>
      %dma_start3A_77 = arith.constant 0 : i32
      %dma_start3A_78 = tpu.memref_slice %arg4[%arg0, %arg1, %dma_start3A_69, %mul3A_66, %dma_start3A_77] : memref<2x16x8x160x128xi32, #tpu.memory_space<hbm>> -> memref<1x1x1x16x128xi32, #tpu.memory_space<hbm>>
      %dma_start3A_79 = tpu.memref_squeeze %dma_start3A_78 : memref<1x1x1x16x128xi32, #tpu.memory_space<hbm>> -> memref<16x128xi32, #tpu.memory_space<hbm>>
      tpu.enqueue_dma source(%dma_start3A_79 : memref<16x128xi32, #tpu.memory_space<hbm>>) target(%dma_start3A_76 : memref<16x128xi32, #tpu.memory_space<vmem>>) target_semaphore(%arg15 : memref<!tpu.dma_semaphore, #tpu.memory_space<semaphore_mem>>)
      %dma_wait3A = arith.constant 0 : i32
      %dma_wait3A_80 = arith.constant 0 : i32
      %dma_wait3A_81 = tpu.memref_slice %arg7[%mul3A_54, %dma_wait3A_80] : memref<160x128xi32, #tpu.memory_space<vmem>> -> memref<16x128xi32, #tpu.memory_space<vmem>>
      %dma_wait3A_82 = arith.constant 0 : i32
      %dma_wait3A_83 = tpu.memref_slice %arg3[%arg0, %arg1, %dma_wait3A, %mul3A_52, %dma_wait3A_82] : memref<2x16x8x160x128xi32, #tpu.memory_space<hbm>> -> memref<1x1x1x16x128xi32, #tpu.memory_space<hbm>>
      %dma_wait3A_84 = tpu.memref_squeeze %dma_wait3A_83 : memref<1x1x1x16x128xi32, #tpu.memory_space<hbm>> -> memref<16x128xi32, #tpu.memory_space<hbm>>
      %dma_wait3A_85 = arith.constant 0 : i32
      %dma_wait3A_86 = tpu.memref_slice %arg7[%mul3A_54, %dma_wait3A_85] : memref<160x128xi32, #tpu.memory_space<vmem>> -> memref<16x128xi32, #tpu.memory_space<vmem>>
      %dma_wait3A_87 = arith.constant 0 : i32
      %dma_wait3A_88 = tpu.memref_slice %arg3[%arg0, %arg1, %dma_wait3A, %mul3A_52, %dma_wait3A_87] : memref<2x16x8x160x128xi32, #tpu.memory_space<hbm>> -> memref<1x1x1x16x128xi32, #tpu.memory_space<hbm>>
      %dma_wait3A_89 = tpu.memref_squeeze %dma_wait3A_88 : memref<1x1x1x16x128xi32, #tpu.memory_space<hbm>> -> memref<16x128xi32, #tpu.memory_space<hbm>>
      tpu.wait_dma2 semaphore(%arg15 : memref<!tpu.dma_semaphore, #tpu.memory_space<semaphore_mem>>) src(%dma_wait3A_89 : memref<16x128xi32, #tpu.memory_space<hbm>>) dst(%dma_wait3A_86 : memref<16x128xi32, #tpu.memory_space<vmem>>)
      %dma_wait3A_90 = arith.constant 0 : i32
      %dma_wait3A_91 = arith.constant 0 : i32
      %dma_wait3A_92 = tpu.memref_slice %arg8[%mul3A_68, %dma_wait3A_91] : memref<160x128xi32, #tpu.memory_space<vmem>> -> memref<16x128xi32, #tpu.memory_space<vmem>>
      %dma_wait3A_93 = arith.constant 0 : i32
      %dma_wait3A_94 = tpu.memref_slice %arg4[%arg0, %arg1, %dma_wait3A_90, %mul3A_66, %dma_wait3A_93] : memref<2x16x8x160x128xi32, #tpu.memory_space<hbm>> -> memref<1x1x1x16x128xi32, #tpu.memory_space<hbm>>
      %dma_wait3A_95 = tpu.memref_squeeze %dma_wait3A_94 : memref<1x1x1x16x128xi32, #tpu.memory_space<hbm>> -> memref<16x128xi32, #tpu.memory_space<hbm>>
      %dma_wait3A_96 = arith.constant 0 : i32
      %dma_wait3A_97 = tpu.memref_slice %arg8[%mul3A_68, %dma_wait3A_96] : memref<160x128xi32, #tpu.memory_space<vmem>> -> memref<16x128xi32, #tpu.memory_space<vmem>>
      %dma_wait3A_98 = arith.constant 0 : i32
      %dma_wait3A_99 = tpu.memref_slice %arg4[%arg0, %arg1, %dma_wait3A_90, %mul3A_66, %dma_wait3A_98] : memref<2x16x8x160x128xi32, #tpu.memory_space<hbm>> -> memref<1x1x1x16x128xi32, #tpu.memory_space<hbm>>
      %dma_wait3A_100 = tpu.memref_squeeze %dma_wait3A_99 : memref<1x1x1x16x128xi32, #tpu.memory_space<hbm>> -> memref<16x128xi32, #tpu.memory_space<hbm>>
      tpu.wait_dma2 semaphore(%arg15 : memref<!tpu.dma_semaphore, #tpu.memory_space<semaphore_mem>>) src(%dma_wait3A_100 : memref<16x128xi32, #tpu.memory_space<hbm>>) dst(%dma_wait3A_97 : memref<16x128xi32, #tpu.memory_space<vmem>>)
      %while3A_101 = arith.constant 0 : i32
      scf.yield %while3A_101 : i32
    }
    %while3A_42 = arith.constant 1 : i32
    %while3A_43 = scf.for %while3A_50 = %while3A_39 to %while3A_35 step %while3A_42 iter_args(%while3A_51 = %while3A_41) -> (i32)  : i32 {
      %mul3A = arith.constant 16 : i32
      %mul3A_52 = arith.muli %while3A_50, %mul3A : i32
      %mul3A_53 = arith.constant 16 : i32
      %mul3A_54 = arith.muli %while3A_50, %mul3A_53 : i32
      %dma_start3A = arith.constant 0 : i32
      %dma_start3A_55 = arith.constant 0 : i32
      %dma_start3A_56 = tpu.memref_slice %arg7[%mul3A_54, %dma_start3A_55] : memref<160x128xi32, #tpu.memory_space<vmem>> -> memref<16x128xi32, #tpu.memory_space<vmem>>
      %dma_start3A_57 = arith.constant 0 : i32
      %dma_start3A_58 = tpu.memref_slice %arg3[%arg0, %arg1, %dma_start3A, %mul3A_52, %dma_start3A_57] : memref<2x16x8x160x128xi32, #tpu.memory_space<hbm>> -> memref<1x1x1x16x128xi32, #tpu.memory_space<hbm>>
      %dma_start3A_59 = tpu.memref_squeeze %dma_start3A_58 : memref<1x1x1x16x128xi32, #tpu.memory_space<hbm>> -> memref<16x128xi32, #tpu.memory_space<hbm>>
      %dma_start3A_60 = arith.constant 0 : i32
      %dma_start3A_61 = tpu.memref_slice %arg7[%mul3A_54, %dma_start3A_60] : memref<160x128xi32, #tpu.memory_space<vmem>> -> memref<16x128xi32, #tpu.memory_space<vmem>>
      %dma_start3A_62 = arith.constant 0 : i32
      %dma_start3A_63 = tpu.memref_slice %arg3[%arg0, %arg1, %dma_start3A, %mul3A_52, %dma_start3A_62] : memref<2x16x8x160x128xi32, #tpu.memory_space<hbm>> -> memref<1x1x1x16x128xi32, #tpu.memory_space<hbm>>
      %dma_start3A_64 = tpu.memref_squeeze %dma_start3A_63 : memref<1x1x1x16x128xi32, #tpu.memory_space<hbm>> -> memref<16x128xi32, #tpu.memory_space<hbm>>
      tpu.enqueue_dma source(%dma_start3A_64 : memref<16x128xi32, #tpu.memory_space<hbm>>) target(%dma_start3A_61 : memref<16x128xi32, #tpu.memory_space<vmem>>) target_semaphore(%arg15 : memref<!tpu.dma_semaphore, #tpu.memory_space<semaphore_mem>>)
      %mul3A_65 = arith.constant 16 : i32
      %mul3A_66 = arith.muli %while3A_50, %mul3A_65 : i32
      %mul3A_67 = arith.constant 16 : i32
      %mul3A_68 = arith.muli %while3A_50, %mul3A_67 : i32
      %dma_start3A_69 = arith.constant 0 : i32
      %dma_start3A_70 = arith.constant 0 : i32
      %dma_start3A_71 = tpu.memref_slice %arg8[%mul3A_68, %dma_start3A_70] : memref<160x128xi32, #tpu.memory_space<vmem>> -> memref<16x128xi32, #tpu.memory_space<vmem>>
      %dma_start3A_72 = arith.constant 0 : i32
      %dma_start3A_73 = tpu.memref_slice %arg4[%arg0, %arg1, %dma_start3A_69, %mul3A_66, %dma_start3A_72] : memref<2x16x8x160x128xi32, #tpu.memory_space<hbm>> -> memref<1x1x1x16x128xi32, #tpu.memory_space<hbm>>
      %dma_start3A_74 = tpu.memref_squeeze %dma_start3A_73 : memref<1x1x1x16x128xi32, #tpu.memory_space<hbm>> -> memref<16x128xi32, #tpu.memory_space<hbm>>
      %dma_start3A_75 = arith.constant 0 : i32
      %dma_start3A_76 = tpu.memref_slice %arg8[%mul3A_68, %dma_start3A_75] : memref<160x128xi32, #tpu.memory_space<vmem>> -> memref<16x128xi32, #tpu.memory_space<vmem>>
      %dma_start3A_77 = arith.constant 0 : i32
      %dma_start3A_78 = tpu.memref_slice %arg4[%arg0, %arg1, %dma_start3A_69, %mul3A_66, %dma_start3A_77] : memref<2x16x8x160x128xi32, #tpu.memory_space<hbm>> -> memref<1x1x1x16x128xi32, #tpu.memory_space<hbm>>
      %dma_start3A_79 = tpu.memref_squeeze %dma_start3A_78 : memref<1x1x1x16x128xi32, #tpu.memory_space<hbm>> -> memref<16x128xi32, #tpu.memory_space<hbm>>
      tpu.enqueue_dma source(%dma_start3A_79 : memref<16x128xi32, #tpu.memory_space<hbm>>) target(%dma_start3A_76 : memref<16x128xi32, #tpu.memory_space<vmem>>) target_semaphore(%arg15 : memref<!tpu.dma_semaphore, #tpu.memory_space<semaphore_mem>>)
      %dma_wait3A = arith.constant 0 : i32
      %dma_wait3A_80 = arith.constant 0 : i32
      %dma_wait3A_81 = tpu.memref_slice %arg7[%mul3A_54, %dma_wait3A_80] : memref<160x128xi32, #tpu.memory_space<vmem>> -> memref<16x128xi32, #tpu.memory_space<vmem>>
      %dma_wait3A_82 = arith.constant 0 : i32
      %dma_wait3A_83 = tpu.memref_slice %arg3[%arg0, %arg1, %dma_wait3A, %mul3A_52, %dma_wait3A_82] : memref<2x16x8x160x128xi32, #tpu.memory_space<hbm>> -> memref<1x1x1x16x128xi32, #tpu.memory_space<hbm>>
      %dma_wait3A_84 = tpu.memref_squeeze %dma_wait3A_83 : memref<1x1x1x16x128xi32, #tpu.memory_space<hbm>> -> memref<16x128xi32, #tpu.memory_space<hbm>>
      %dma_wait3A_85 = arith.constant 0 : i32
      %dma_wait3A_86 = tpu.memref_slice %arg7[%mul3A_54, %dma_wait3A_85] : memref<160x128xi32, #tpu.memory_space<vmem>> -> memref<16x128xi32, #tpu.memory_space<vmem>>
      %dma_wait3A_87 = arith.constant 0 : i32
      %dma_wait3A_88 = tpu.memref_slice %arg3[%arg0, %arg1, %dma_wait3A, %mul3A_52, %dma_wait3A_87] : memref<2x16x8x160x128xi32, #tpu.memory_space<hbm>> -> memref<1x1x1x16x128xi32, #tpu.memory_space<hbm>>
      %dma_wait3A_89 = tpu.memref_squeeze %dma_wait3A_88 : memref<1x1x1x16x128xi32, #tpu.memory_space<hbm>> -> memref<16x128xi32, #tpu.memory_space<hbm>>
      tpu.wait_dma2 semaphore(%arg15 : memref<!tpu.dma_semaphore, #tpu.memory_space<semaphore_mem>>) src(%dma_wait3A_89 : memref<16x128xi32, #tpu.memory_space<hbm>>) dst(%dma_wait3A_86 : memref<16x128xi32, #tpu.memory_space<vmem>>)
      %dma_wait3A_90 = arith.constant 0 : i32
      %dma_wait3A_91 = arith.constant 0 : i32
      %dma_wait3A_92 = tpu.memref_slice %arg8[%mul3A_68, %dma_wait3A_91] : memref<160x128xi32, #tpu.memory_space<vmem>> -> memref<16x128xi32, #tpu.memory_space<vmem>>
      %dma_wait3A_93 = arith.constant 0 : i32
      %dma_wait3A_94 = tpu.memref_slice %arg4[%arg0, %arg1, %dma_wait3A_90, %mul3A_66, %dma_wait3A_93] : memref<2x16x8x160x128xi32, #tpu.memory_space<hbm>> -> memref<1x1x1x16x128xi32, #tpu.memory_space<hbm>>
      %dma_wait3A_95 = tpu.memref_squeeze %dma_wait3A_94 : memref<1x1x1x16x128xi32, #tpu.memory_space<hbm>> -> memref<16x128xi32, #tpu.memory_space<hbm>>
      %dma_wait3A_96 = arith.constant 0 : i32
      %dma_wait3A_97 = tpu.memref_slice %arg8[%mul3A_68, %dma_wait3A_96] : memref<160x128xi32, #tpu.memory_space<vmem>> -> memref<16x128xi32, #tpu.memory_space<vmem>>
      %dma_wait3A_98 = arith.constant 0 : i32
      %dma_wait3A_99 = tpu.memref_slice %arg4[%arg0, %arg1, %dma_wait3A_90, %mul3A_66, %dma_wait3A_98] : memref<2x16x8x160x128xi32, #tpu.memory_space<hbm>> -> memref<1x1x1x16x128xi32, #tpu.memory_space<hbm>>
      %dma_wait3A_100 = tpu.memref_squeeze %dma_wait3A_99 : memref<1x1x1x16x128xi32, #tpu.memory_space<hbm>> -> memref<16x128xi32, #tpu.memory_space<hbm>>
      tpu.wait_dma2 semaphore(%arg15 : memref<!tpu.dma_semaphore, #tpu.memory_space<semaphore_mem>>) src(%dma_wait3A_100 : memref<16x128xi32, #tpu.memory_space<hbm>>) dst(%dma_wait3A_97 : memref<16x128xi32, #tpu.memory_space<vmem>>)
      %while3A_101 = arith.constant 0 : i32
      scf.yield %while3A_101 : i32
    }
    %scan3A_44 = arith.constant 0 : i32
    %scan3A_45 = arith.constant 8 : i32
    %scan3A_46 = arith.addi %scan3A_44, %scan3A_45 : i32
    %scan3A_47 = arith.constant 1 : i32
    %scan3A_48 = scf.for %scan3A_50 = %scan3A_44 to %scan3A_46 step %scan3A_47 iter_args(%scan3A_51 = %reduce_sum3A_13) -> (i32)  : i32 {
      %mul3A = arith.constant 8 : i32
      %mul3A_52 = arith.muli %arg0, %mul3A : i32
      %add3A_53 = arith.addi %mul3A_52, %scan3A_50 : i32
      %mul3A_54 = arith.constant 640 : i32
      %mul3A_55 = arith.muli %add3A_53, %mul3A_54 : i32
      %mul3A_56 = arith.constant 328 : i32
      %mul3A_57 = arith.muli %arg1, %mul3A_56 : i32
      %multiple_of3A = tpu.assume_multiple %mul3A_57, 8 : i32
      %add3A_58 = arith.constant 0 : i32
      %add3A_59 = arith.addi %multiple_of3A, %add3A_58 : i32
      "tpu.region"() ({
        %run_scoped3A_192 = tpu.sem_alloc : memref<!tpu.dma_semaphore, #tpu.memory_space<semaphore_mem>>
        %dma_start3A = arith.constant 0 : i32
        %dma_start3A_193 = tpu.memref_slice %arg16[%add3A_59, %dma_start3A] : memref<5248x128xf32, #tpu.memory_space<vmem_shared>> -> memref<64x128xf32, #tpu.memory_space<vmem_shared>>
        %dma_start3A_194 = arith.constant 0 : i32
        %dma_start3A_195 = tpu.memref_slice %arg16[%add3A_59, %dma_start3A_194] : memref<5248x128xf32, #tpu.memory_space<vmem_shared>> -> memref<64x128xf32, #tpu.memory_space<vmem_shared>>
        tpu.enqueue_dma source(%arg12 : memref<64x128xf32, #tpu.memory_space<vmem>>) target(%dma_start3A_195 : memref<64x128xf32, #tpu.memory_space<vmem_shared>>) target_semaphore(%run_scoped3A_192 : memref<!tpu.dma_semaphore, #tpu.memory_space<semaphore_mem>>)
        %dma_wait3A = arith.constant 0 : i32
        %dma_wait3A_196 = tpu.memref_slice %arg16[%add3A_59, %dma_wait3A] : memref<5248x128xf32, #tpu.memory_space<vmem_shared>> -> memref<64x128xf32, #tpu.memory_space<vmem_shared>>
        %dma_wait3A_197 = arith.constant 0 : i32
        %dma_wait3A_198 = tpu.memref_slice %arg16[%add3A_59, %dma_wait3A_197] : memref<5248x128xf32, #tpu.memory_space<vmem_shared>> -> memref<64x128xf32, #tpu.memory_space<vmem_shared>>
        tpu.wait_dma2 semaphore(%run_scoped3A_192 : memref<!tpu.dma_semaphore, #tpu.memory_space<semaphore_mem>>) src(%arg12 : memref<64x128xf32, #tpu.memory_space<vmem>>) dst(%dma_wait3A_198 : memref<64x128xf32, #tpu.memory_space<vmem_shared>>)
        tpu.yield
      }) : () -> ()
      %add3A_60 = arith.constant 64 : i32
      %add3A_61 = arith.addi %multiple_of3A, %add3A_60 : i32
      "tpu.region"() ({
        %run_scoped3A_192 = tpu.sem_alloc : memref<!tpu.dma_semaphore, #tpu.memory_space<semaphore_mem>>
        %dma_start3A = arith.constant 0 : i32
        %dma_start3A_193 = tpu.memref_slice %arg16[%add3A_61, %dma_start3A] : memref<5248x128xf32, #tpu.memory_space<vmem_shared>> -> memref<64x128xf32, #tpu.memory_space<vmem_shared>>
        %dma_start3A_194 = arith.constant 0 : i32
        %dma_start3A_195 = tpu.memref_slice %arg16[%add3A_61, %dma_start3A_194] : memref<5248x128xf32, #tpu.memory_space<vmem_shared>> -> memref<64x128xf32, #tpu.memory_space<vmem_shared>>
        tpu.enqueue_dma source(%arg12 : memref<64x128xf32, #tpu.memory_space<vmem>>) target(%dma_start3A_195 : memref<64x128xf32, #tpu.memory_space<vmem_shared>>) target_semaphore(%run_scoped3A_192 : memref<!tpu.dma_semaphore, #tpu.memory_space<semaphore_mem>>)
        %dma_wait3A = arith.constant 0 : i32
        %dma_wait3A_196 = tpu.memref_slice %arg16[%add3A_61, %dma_wait3A] : memref<5248x128xf32, #tpu.memory_space<vmem_shared>> -> memref<64x128xf32, #tpu.memory_space<vmem_shared>>
        %dma_wait3A_197 = arith.constant 0 : i32
        %dma_wait3A_198 = tpu.memref_slice %arg16[%add3A_61, %dma_wait3A_197] : memref<5248x128xf32, #tpu.memory_space<vmem_shared>> -> memref<64x128xf32, #tpu.memory_space<vmem_shared>>
        tpu.wait_dma2 semaphore(%run_scoped3A_192 : memref<!tpu.dma_semaphore, #tpu.memory_space<semaphore_mem>>) src(%arg12 : memref<64x128xf32, #tpu.memory_space<vmem>>) dst(%dma_wait3A_198 : memref<64x128xf32, #tpu.memory_space<vmem_shared>>)
        tpu.yield
      }) : () -> ()
      %add3A_62 = arith.constant 128 : i32
      %add3A_63 = arith.addi %multiple_of3A, %add3A_62 : i32
      "tpu.region"() ({
        %run_scoped3A_192 = tpu.sem_alloc : memref<!tpu.dma_semaphore, #tpu.memory_space<semaphore_mem>>
        %dma_start3A = arith.constant 0 : i32
        %dma_start3A_193 = tpu.memref_slice %arg16[%add3A_63, %dma_start3A] : memref<5248x128xf32, #tpu.memory_space<vmem_shared>> -> memref<64x128xf32, #tpu.memory_space<vmem_shared>>
        %dma_start3A_194 = arith.constant 0 : i32
        %dma_start3A_195 = tpu.memref_slice %arg16[%add3A_63, %dma_start3A_194] : memref<5248x128xf32, #tpu.memory_space<vmem_shared>> -> memref<64x128xf32, #tpu.memory_space<vmem_shared>>
        tpu.enqueue_dma source(%arg12 : memref<64x128xf32, #tpu.memory_space<vmem>>) target(%dma_start3A_195 : memref<64x128xf32, #tpu.memory_space<vmem_shared>>) target_semaphore(%run_scoped3A_192 : memref<!tpu.dma_semaphore, #tpu.memory_space<semaphore_mem>>)
        %dma_wait3A = arith.constant 0 : i32
        %dma_wait3A_196 = tpu.memref_slice %arg16[%add3A_63, %dma_wait3A] : memref<5248x128xf32, #tpu.memory_space<vmem_shared>> -> memref<64x128xf32, #tpu.memory_space<vmem_shared>>
        %dma_wait3A_197 = arith.constant 0 : i32
        %dma_wait3A_198 = tpu.memref_slice %arg16[%add3A_63, %dma_wait3A_197] : memref<5248x128xf32, #tpu.memory_space<vmem_shared>> -> memref<64x128xf32, #tpu.memory_space<vmem_shared>>
        tpu.wait_dma2 semaphore(%run_scoped3A_192 : memref<!tpu.dma_semaphore, #tpu.memory_space<semaphore_mem>>) src(%arg12 : memref<64x128xf32, #tpu.memory_space<vmem>>) dst(%dma_wait3A_198 : memref<64x128xf32, #tpu.memory_space<vmem_shared>>)
        tpu.yield
      }) : () -> ()
      %add3A_64 = arith.constant 192 : i32
      %add3A_65 = arith.addi %multiple_of3A, %add3A_64 : i32
      "tpu.region"() ({
        %run_scoped3A_192 = tpu.sem_alloc : memref<!tpu.dma_semaphore, #tpu.memory_space<semaphore_mem>>
        %dma_start3A = arith.constant 0 : i32
        %dma_start3A_193 = tpu.memref_slice %arg16[%add3A_65, %dma_start3A] : memref<5248x128xf32, #tpu.memory_space<vmem_shared>> -> memref<64x128xf32, #tpu.memory_space<vmem_shared>>
        %dma_start3A_194 = arith.constant 0 : i32
        %dma_start3A_195 = tpu.memref_slice %arg16[%add3A_65, %dma_start3A_194] : memref<5248x128xf32, #tpu.memory_space<vmem_shared>> -> memref<64x128xf32, #tpu.memory_space<vmem_shared>>
        tpu.enqueue_dma source(%arg12 : memref<64x128xf32, #tpu.memory_space<vmem>>) target(%dma_start3A_195 : memref<64x128xf32, #tpu.memory_space<vmem_shared>>) target_semaphore(%run_scoped3A_192 : memref<!tpu.dma_semaphore, #tpu.memory_space<semaphore_mem>>)
        %dma_wait3A = arith.constant 0 : i32
        %dma_wait3A_196 = tpu.memref_slice %arg16[%add3A_65, %dma_wait3A] : memref<5248x128xf32, #tpu.memory_space<vmem_shared>> -> memref<64x128xf32, #tpu.memory_space<vmem_shared>>
        %dma_wait3A_197 = arith.constant 0 : i32
        %dma_wait3A_198 = tpu.memref_slice %arg16[%add3A_65, %dma_wait3A_197] : memref<5248x128xf32, #tpu.memory_space<vmem_shared>> -> memref<64x128xf32, #tpu.memory_space<vmem_shared>>
        tpu.wait_dma2 semaphore(%run_scoped3A_192 : memref<!tpu.dma_semaphore, #tpu.memory_space<semaphore_mem>>) src(%arg12 : memref<64x128xf32, #tpu.memory_space<vmem>>) dst(%dma_wait3A_198 : memref<64x128xf32, #tpu.memory_space<vmem_shared>>)
        tpu.yield
      }) : () -> ()
      %add3A_66 = arith.constant 256 : i32
      %add3A_67 = arith.addi %multiple_of3A, %add3A_66 : i32
      "tpu.region"() ({
        %run_scoped3A_192 = tpu.sem_alloc : memref<!tpu.dma_semaphore, #tpu.memory_space<semaphore_mem>>
        %dma_start3A = arith.constant 0 : i32
        %dma_start3A_193 = tpu.memref_slice %arg16[%add3A_67, %dma_start3A] : memref<5248x128xf32, #tpu.memory_space<vmem_shared>> -> memref<64x128xf32, #tpu.memory_space<vmem_shared>>
        %dma_start3A_194 = arith.constant 0 : i32
        %dma_start3A_195 = tpu.memref_slice %arg16[%add3A_67, %dma_start3A_194] : memref<5248x128xf32, #tpu.memory_space<vmem_shared>> -> memref<64x128xf32, #tpu.memory_space<vmem_shared>>
        tpu.enqueue_dma source(%arg12 : memref<64x128xf32, #tpu.memory_space<vmem>>) target(%dma_start3A_195 : memref<64x128xf32, #tpu.memory_space<vmem_shared>>) target_semaphore(%run_scoped3A_192 : memref<!tpu.dma_semaphore, #tpu.memory_space<semaphore_mem>>)
        %dma_wait3A = arith.constant 0 : i32
        %dma_wait3A_196 = tpu.memref_slice %arg16[%add3A_67, %dma_wait3A] : memref<5248x128xf32, #tpu.memory_space<vmem_shared>> -> memref<64x128xf32, #tpu.memory_space<vmem_shared>>
        %dma_wait3A_197 = arith.constant 0 : i32
        %dma_wait3A_198 = tpu.memref_slice %arg16[%add3A_67, %dma_wait3A_197] : memref<5248x128xf32, #tpu.memory_space<vmem_shared>> -> memref<64x128xf32, #tpu.memory_space<vmem_shared>>
        tpu.wait_dma2 semaphore(%run_scoped3A_192 : memref<!tpu.dma_semaphore, #tpu.memory_space<semaphore_mem>>) src(%arg12 : memref<64x128xf32, #tpu.memory_space<vmem>>) dst(%dma_wait3A_198 : memref<64x128xf32, #tpu.memory_space<vmem_shared>>)
        tpu.yield
      }) : () -> ()
      %add3A_68 = arith.constant 320 : i32
      %add3A_69 = arith.addi %multiple_of3A, %add3A_68 : i32
      "tpu.region"() ({
        %run_scoped3A_192 = tpu.sem_alloc : memref<!tpu.dma_semaphore, #tpu.memory_space<semaphore_mem>>
        %dma_start3A = arith.constant 0 : i32
        %dma_start3A_193 = arith.constant 0 : i32
        %dma_start3A_194 = tpu.memref_slice %arg12[%dma_start3A, %dma_start3A_193] : memref<64x128xf32, #tpu.memory_space<vmem>> -> memref<8x128xf32, #tpu.memory_space<vmem>>
        %dma_start3A_195 = arith.constant 0 : i32
        %dma_start3A_196 = tpu.memref_slice %arg16[%add3A_69, %dma_start3A_195] : memref<5248x128xf32, #tpu.memory_space<vmem_shared>> -> memref<8x128xf32, #tpu.memory_space<vmem_shared>>
        %dma_start3A_197 = arith.constant 0 : i32
        %dma_start3A_198 = tpu.memref_slice %arg16[%add3A_69, %dma_start3A_197] : memref<5248x128xf32, #tpu.memory_space<vmem_shared>> -> memref<8x128xf32, #tpu.memory_space<vmem_shared>>
        %dma_start3A_199 = arith.constant 0 : i32
        %dma_start3A_200 = arith.constant 0 : i32
        %dma_start3A_201 = tpu.memref_slice %arg12[%dma_start3A_199, %dma_start3A_200] : memref<64x128xf32, #tpu.memory_space<vmem>> -> memref<8x128xf32, #tpu.memory_space<vmem>>
        tpu.enqueue_dma source(%dma_start3A_201 : memref<8x128xf32, #tpu.memory_space<vmem>>) target(%dma_start3A_198 : memref<8x128xf32, #tpu.memory_space<vmem_shared>>) target_semaphore(%run_scoped3A_192 : memref<!tpu.dma_semaphore, #tpu.memory_space<semaphore_mem>>)
        %dma_wait3A = arith.constant 0 : i32
        %dma_wait3A_202 = arith.constant 0 : i32
        %dma_wait3A_203 = tpu.memref_slice %arg12[%dma_wait3A, %dma_wait3A_202] : memref<64x128xf32, #tpu.memory_space<vmem>> -> memref<8x128xf32, #tpu.memory_space<vmem>>
        %dma_wait3A_204 = arith.constant 0 : i32
        %dma_wait3A_205 = tpu.memref_slice %arg16[%add3A_69, %dma_wait3A_204] : memref<5248x128xf32, #tpu.memory_space<vmem_shared>> -> memref<8x128xf32, #tpu.memory_space<vmem_shared>>
        %dma_wait3A_206 = arith.constant 0 : i32
        %dma_wait3A_207 = tpu.memref_slice %arg16[%add3A_69, %dma_wait3A_206] : memref<5248x128xf32, #tpu.memory_space<vmem_shared>> -> memref<8x128xf32, #tpu.memory_space<vmem_shared>>
        %dma_wait3A_208 = arith.constant 0 : i32
        %dma_wait3A_209 = arith.constant 0 : i32
        %dma_wait3A_210 = tpu.memref_slice %arg12[%dma_wait3A_208, %dma_wait3A_209] : memref<64x128xf32, #tpu.memory_space<vmem>> -> memref<8x128xf32, #tpu.memory_space<vmem>>
        tpu.wait_dma2 semaphore(%run_scoped3A_192 : memref<!tpu.dma_semaphore, #tpu.memory_space<semaphore_mem>>) src(%dma_wait3A_210 : memref<8x128xf32, #tpu.memory_space<vmem>>) dst(%dma_wait3A_207 : memref<8x128xf32, #tpu.memory_space<vmem_shared>>)
        tpu.yield
      }) : () -> ()
      %barrier3A = arith.constant 0 : index
      tpu.barrier barrier_id(%barrier3A)
      %gt3A = arith.constant 0 : i32
      %gt3A_70 = arith.cmpi sgt, %scan3A_51, %gt3A : i32
      %convert_element_type3A = arith.extui %gt3A_70 : i1 to i32
      %cond3A = arith.constant 0 : i32
      %cond3A_71 = arith.cmpi ne, %convert_element_type3A, %cond3A : i32
      scf.if %cond3A_71 {
        %dma_start3A = arith.constant 0 : i32
        %dma_start3A_192 = arith.constant 0 : i32
        %dma_start3A_193 = tpu.memref_slice %arg7[%dma_start3A, %dma_start3A_192] : memref<160x128xi32, #tpu.memory_space<vmem>> -> memref<1x128xi32, #tpu.memory_space<vmem>>
        %dma_start3A_194 = tpu.memref_squeeze %dma_start3A_193 : memref<1x128xi32, #tpu.memory_space<vmem>> -> memref<128xi32, #tpu.memory_space<vmem>>
        %dma_start3A_195 = arith.constant 0 : i32
        %dma_start3A_196 = arith.constant 0 : i32
        %dma_start3A_197 = tpu.memref_slice %arg2[%dma_start3A_195, %dma_start3A_196] : memref<10000x128xf32, #tpu.memory_space<hbm>> -> memref<10000x128xf32, #tpu.memory_space<hbm>>
        tpu.enqueue_indirect_dma source(%dma_start3A_197 : memref<10000x128xf32, #tpu.memory_space<hbm>>) target(%arg10 : memref<128x128xf32, #tpu.memory_space<vmem>>) offsets(%dma_start3A_194 : memref<128xi32, #tpu.memory_space<vmem>>) semaphore(%arg13 : memref<!tpu.dma_semaphore, #tpu.memory_space<semaphore_mem>>)
      } else {
      }
      %add3A_72 = arith.constant 1 : i32
      %add3A_73 = arith.addi %scan3A_51, %add3A_72 : i32
      %jit3A_74 = arith.constant 2 : i32
      %div3A_75 = arith.divsi %add3A_73, %jit3A_74 : i32
      %sign3A_76 = arith.constant 0 : i32
      %sign3A_77 = arith.cmpi sgt, %add3A_73, %sign3A_76 : i32
      %sign3A_78 = arith.extui %sign3A_77 : i1 to i32
      %sign3A_79 = arith.constant 0 : i32
      %sign3A_80 = arith.cmpi slt, %add3A_73, %sign3A_79 : i32
      %sign3A_81 = arith.extui %sign3A_80 : i1 to i32
      %sign3A_82 = arith.subi %sign3A_78, %sign3A_81 : i32
      %sign3A_83 = arith.constant 0 : i32
      %sign3A_84 = arith.cmpi sgt, %jit3A_74, %sign3A_83 : i32
      %sign3A_85 = arith.extui %sign3A_84 : i1 to i32
      %sign3A_86 = arith.constant 0 : i32
      %sign3A_87 = arith.cmpi slt, %jit3A_74, %sign3A_86 : i32
      %sign3A_88 = arith.extui %sign3A_87 : i1 to i32
      %sign3A_89 = arith.subi %sign3A_85, %sign3A_88 : i32
      %ne3A_90 = arith.cmpi ne, %sign3A_82, %sign3A_89 : i32
      %rem3A_91 = arith.remsi %add3A_73, %jit3A_74 : i32
      %ne3A_92 = arith.constant 0 : i32
      %ne3A_93 = arith.cmpi ne, %rem3A_91, %ne3A_92 : i32
      %and3A_94 = arith.andi %ne3A_90, %ne3A_93 : i1
      %sub3A_95 = arith.constant 1 : i32
      %sub3A_96 = arith.subi %div3A_75, %sub3A_95 : i32
      %select_n3A_97 = arith.select %and3A_94, %sub3A_96, %div3A_75 : i32
      %while3A_98 = arith.constant 0 : i32
      %while3A_99 = arith.constant 0 : i32
      %while3A_100 = arith.subi %select_n3A_97, %while3A_98 : i32
      %while3A_101 = arith.addi %while3A_98, %while3A_100 : i32
      %while3A_102 = arith.constant 1 : i32
      %while3A_103 = arith.divsi %while3A_100, %while3A_102 : i32
      %while3A_104 = arith.muli %while3A_103, %while3A_102 : i32
      %while3A_105 = arith.addi %while3A_98, %while3A_104 : i32
      %while3A_106 = arith.constant 1 : i32
      %while3A_107 = scf.for %while3A_192 = %while3A_98 to %while3A_105 step %while3A_106 iter_args(%while3A_193 = %while3A_99) -> (i32)  : i32 {
        %mul3A_194 = arith.constant 2 : i32
        %mul3A_195 = arith.muli %mul3A_194, %while3A_192 : i32
        %add3A_196 = arith.constant 1 : i32
        %add3A_197 = arith.addi %mul3A_195, %add3A_196 : i32
        %dma_wait3A = arith.constant 0 : i32
        %dma_wait3A_198 = tpu.memref_slice %arg7[%mul3A_195, %dma_wait3A] : memref<160x128xi32, #tpu.memory_space<vmem>> -> memref<1x128xi32, #tpu.memory_space<vmem>>
        %dma_wait3A_199 = tpu.memref_squeeze %dma_wait3A_198 : memref<1x128xi32, #tpu.memory_space<vmem>> -> memref<128xi32, #tpu.memory_space<vmem>>
        %dma_wait3A_200 = arith.constant 0 : i32
        %dma_wait3A_201 = arith.constant 0 : i32
        %dma_wait3A_202 = tpu.memref_slice %arg2[%dma_wait3A_200, %dma_wait3A_201] : memref<10000x128xf32, #tpu.memory_space<hbm>> -> memref<10000x128xf32, #tpu.memory_space<hbm>>
        tpu.wait_indirect_dma semaphore(%arg13 : memref<!tpu.dma_semaphore, #tpu.memory_space<semaphore_mem>>) src(%dma_wait3A_202 : memref<10000x128xf32, #tpu.memory_space<hbm>>) dst(%arg10 : memref<128x128xf32, #tpu.memory_space<vmem>>)
        %lt3A_203 = arith.cmpi slt, %add3A_197, %scan3A_51 : i32
        %convert_element_type3A_204 = arith.extui %lt3A_203 : i1 to i32
        %cond3A_205 = arith.constant 0 : i32
        %cond3A_206 = arith.cmpi ne, %convert_element_type3A_204, %cond3A_205 : i32
        scf.if %cond3A_206 {
          %dma_start3A = arith.constant 0 : i32
          %dma_start3A_212 = tpu.memref_slice %arg7[%add3A_197, %dma_start3A] : memref<160x128xi32, #tpu.memory_space<vmem>> -> memref<1x128xi32, #tpu.memory_space<vmem>>
          %dma_start3A_213 = tpu.memref_squeeze %dma_start3A_212 : memref<1x128xi32, #tpu.memory_space<vmem>> -> memref<128xi32, #tpu.memory_space<vmem>>
          %dma_start3A_214 = arith.constant 0 : i32
          %dma_start3A_215 = arith.constant 0 : i32
          %dma_start3A_216 = tpu.memref_slice %arg2[%dma_start3A_214, %dma_start3A_215] : memref<10000x128xf32, #tpu.memory_space<hbm>> -> memref<10000x128xf32, #tpu.memory_space<hbm>>
          tpu.enqueue_indirect_dma source(%dma_start3A_216 : memref<10000x128xf32, #tpu.memory_space<hbm>>) target(%arg11 : memref<128x128xf32, #tpu.memory_space<vmem>>) offsets(%dma_start3A_213 : memref<128xi32, #tpu.memory_space<vmem>>) semaphore(%arg14 : memref<!tpu.dma_semaphore, #tpu.memory_space<semaphore_mem>>)
        } else {
        }
        "tpu.region"() ({
          %run_scoped3A_212 = tpu.sem_alloc : memref<!tpu.dma_semaphore, #tpu.memory_space<semaphore_mem>>
          %dma_start3A = arith.constant 0 : i32
          %dma_start3A_213 = tpu.memref_slice %arg8[%mul3A_195, %dma_start3A] : memref<160x128xi32, #tpu.memory_space<vmem>> -> memref<1x128xi32, #tpu.memory_space<vmem>>
          %dma_start3A_214 = tpu.memref_squeeze %dma_start3A_213 : memref<1x128xi32, #tpu.memory_space<vmem>> -> memref<128xi32, #tpu.memory_space<vmem>>
          %dma_start3A_215 = arith.constant 0 : i32
          %dma_start3A_216 = arith.constant 0 : i32
          %dma_start3A_217 = tpu.memref_slice %arg16[%dma_start3A_215, %dma_start3A_216] : memref<5248x128xf32, #tpu.memory_space<vmem_shared>> -> memref<5248x128xf32, #tpu.memory_space<vmem_shared>>
          tpu.enqueue_indirect_dma source(%arg10 : memref<128x128xf32, #tpu.memory_space<vmem>>) target(%dma_start3A_217 : memref<5248x128xf32, #tpu.memory_space<vmem_shared>>) offsets(%dma_start3A_214 : memref<128xi32, #tpu.memory_space<vmem>>) semaphore(%run_scoped3A_212 : memref<!tpu.dma_semaphore, #tpu.memory_space<semaphore_mem>>) {add = true}
          %dma_wait3A_218 = arith.constant 0 : i32
          %dma_wait3A_219 = tpu.memref_slice %arg8[%mul3A_195, %dma_wait3A_218] : memref<160x128xi32, #tpu.memory_space<vmem>> -> memref<1x128xi32, #tpu.memory_space<vmem>>
          %dma_wait3A_220 = tpu.memref_squeeze %dma_wait3A_219 : memref<1x128xi32, #tpu.memory_space<vmem>> -> memref<128xi32, #tpu.memory_space<vmem>>
          %dma_wait3A_221 = arith.constant 0 : i32
          %dma_wait3A_222 = arith.constant 0 : i32
          %dma_wait3A_223 = tpu.memref_slice %arg16[%dma_wait3A_221, %dma_wait3A_222] : memref<5248x128xf32, #tpu.memory_space<vmem_shared>> -> memref<5248x128xf32, #tpu.memory_space<vmem_shared>>
          tpu.wait_indirect_dma semaphore(%run_scoped3A_212 : memref<!tpu.dma_semaphore, #tpu.memory_space<semaphore_mem>>) src(%arg10 : memref<128x128xf32, #tpu.memory_space<vmem>>) dst(%dma_wait3A_223 : memref<5248x128xf32, #tpu.memory_space<vmem_shared>>)
          tpu.yield
        }) : () -> ()
        %lt3A_207 = arith.cmpi slt, %add3A_197, %scan3A_51 : i32
        %convert_element_type3A_208 = arith.extui %lt3A_207 : i1 to i32
        %cond3A_209 = arith.constant 0 : i32
        %cond3A_210 = arith.cmpi ne, %convert_element_type3A_208, %cond3A_209 : i32
        scf.if %cond3A_210 {
          %dma_wait3A_212 = arith.constant 0 : i32
          %dma_wait3A_213 = tpu.memref_slice %arg7[%add3A_197, %dma_wait3A_212] : memref<160x128xi32, #tpu.memory_space<vmem>> -> memref<1x128xi32, #tpu.memory_space<vmem>>
          %dma_wait3A_214 = tpu.memref_squeeze %dma_wait3A_213 : memref<1x128xi32, #tpu.memory_space<vmem>> -> memref<128xi32, #tpu.memory_space<vmem>>
          %dma_wait3A_215 = arith.constant 0 : i32
          %dma_wait3A_216 = arith.constant 0 : i32
          %dma_wait3A_217 = tpu.memref_slice %arg2[%dma_wait3A_215, %dma_wait3A_216] : memref<10000x128xf32, #tpu.memory_space<hbm>> -> memref<10000x128xf32, #tpu.memory_space<hbm>>
          tpu.wait_indirect_dma semaphore(%arg14 : memref<!tpu.dma_semaphore, #tpu.memory_space<semaphore_mem>>) src(%dma_wait3A_217 : memref<10000x128xf32, #tpu.memory_space<hbm>>) dst(%arg11 : memref<128x128xf32, #tpu.memory_space<vmem>>)
          %add3A_218 = arith.constant 1 : i32
          %add3A_219 = arith.addi %add3A_197, %add3A_218 : i32
          %lt3A_220 = arith.cmpi slt, %add3A_219, %scan3A_51 : i32
          %convert_element_type3A_221 = arith.extui %lt3A_220 : i1 to i32
          %cond3A_222 = arith.constant 0 : i32
          %cond3A_223 = arith.cmpi ne, %convert_element_type3A_221, %cond3A_222 : i32
          scf.if %cond3A_223 {
            %add3A_224 = arith.constant 1 : i32
            %add3A_225 = arith.addi %add3A_197, %add3A_224 : i32
            %dma_start3A = arith.constant 0 : i32
            %dma_start3A_226 = tpu.memref_slice %arg7[%add3A_225, %dma_start3A] : memref<160x128xi32, #tpu.memory_space<vmem>> -> memref<1x128xi32, #tpu.memory_space<vmem>>
            %dma_start3A_227 = tpu.memref_squeeze %dma_start3A_226 : memref<1x128xi32, #tpu.memory_space<vmem>> -> memref<128xi32, #tpu.memory_space<vmem>>
            %dma_start3A_228 = arith.constant 0 : i32
            %dma_start3A_229 = arith.constant 0 : i32
            %dma_start3A_230 = tpu.memref_slice %arg2[%dma_start3A_228, %dma_start3A_229] : memref<10000x128xf32, #tpu.memory_space<hbm>> -> memref<10000x128xf32, #tpu.memory_space<hbm>>
            tpu.enqueue_indirect_dma source(%dma_start3A_230 : memref<10000x128xf32, #tpu.memory_space<hbm>>) target(%arg10 : memref<128x128xf32, #tpu.memory_space<vmem>>) offsets(%dma_start3A_227 : memref<128xi32, #tpu.memory_space<vmem>>) semaphore(%arg13 : memref<!tpu.dma_semaphore, #tpu.memory_space<semaphore_mem>>)
          } else {
          }
          "tpu.region"() ({
            %run_scoped3A_224 = tpu.sem_alloc : memref<!tpu.dma_semaphore, #tpu.memory_space<semaphore_mem>>
            %dma_start3A = arith.constant 0 : i32
            %dma_start3A_225 = tpu.memref_slice %arg8[%add3A_197, %dma_start3A] : memref<160x128xi32, #tpu.memory_space<vmem>> -> memref<1x128xi32, #tpu.memory_space<vmem>>
            %dma_start3A_226 = tpu.memref_squeeze %dma_start3A_225 : memref<1x128xi32, #tpu.memory_space<vmem>> -> memref<128xi32, #tpu.memory_space<vmem>>
            %dma_start3A_227 = arith.constant 0 : i32
            %dma_start3A_228 = arith.constant 0 : i32
            %dma_start3A_229 = tpu.memref_slice %arg16[%dma_start3A_227, %dma_start3A_228] : memref<5248x128xf32, #tpu.memory_space<vmem_shared>> -> memref<5248x128xf32, #tpu.memory_space<vmem_shared>>
            tpu.enqueue_indirect_dma source(%arg11 : memref<128x128xf32, #tpu.memory_space<vmem>>) target(%dma_start3A_229 : memref<5248x128xf32, #tpu.memory_space<vmem_shared>>) offsets(%dma_start3A_226 : memref<128xi32, #tpu.memory_space<vmem>>) semaphore(%run_scoped3A_224 : memref<!tpu.dma_semaphore, #tpu.memory_space<semaphore_mem>>) {add = true}
            %dma_wait3A_230 = arith.constant 0 : i32
            %dma_wait3A_231 = tpu.memref_slice %arg8[%add3A_197, %dma_wait3A_230] : memref<160x128xi32, #tpu.memory_space<vmem>> -> memref<1x128xi32, #tpu.memory_space<vmem>>
            %dma_wait3A_232 = tpu.memref_squeeze %dma_wait3A_231 : memref<1x128xi32, #tpu.memory_space<vmem>> -> memref<128xi32, #tpu.memory_space<vmem>>
            %dma_wait3A_233 = arith.constant 0 : i32
            %dma_wait3A_234 = arith.constant 0 : i32
            %dma_wait3A_235 = tpu.memref_slice %arg16[%dma_wait3A_233, %dma_wait3A_234] : memref<5248x128xf32, #tpu.memory_space<vmem_shared>> -> memref<5248x128xf32, #tpu.memory_space<vmem_shared>>
            tpu.wait_indirect_dma semaphore(%run_scoped3A_224 : memref<!tpu.dma_semaphore, #tpu.memory_space<semaphore_mem>>) src(%arg11 : memref<128x128xf32, #tpu.memory_space<vmem>>) dst(%dma_wait3A_235 : memref<5248x128xf32, #tpu.memory_space<vmem_shared>>)
            tpu.yield
          }) : () -> ()
        } else {
        }
        %while3A_211 = arith.constant 0 : i32
        scf.yield %while3A_211 : i32
      }
      %while3A_108 = arith.constant 1 : i32
      %while3A_109 = scf.for %while3A_192 = %while3A_105 to %while3A_101 step %while3A_108 iter_args(%while3A_193 = %while3A_107) -> (i32)  : i32 {
        %mul3A_194 = arith.constant 2 : i32
        %mul3A_195 = arith.muli %mul3A_194, %while3A_192 : i32
        %add3A_196 = arith.constant 1 : i32
        %add3A_197 = arith.addi %mul3A_195, %add3A_196 : i32
        %dma_wait3A = arith.constant 0 : i32
        %dma_wait3A_198 = tpu.memref_slice %arg7[%mul3A_195, %dma_wait3A] : memref<160x128xi32, #tpu.memory_space<vmem>> -> memref<1x128xi32, #tpu.memory_space<vmem>>
        %dma_wait3A_199 = tpu.memref_squeeze %dma_wait3A_198 : memref<1x128xi32, #tpu.memory_space<vmem>> -> memref<128xi32, #tpu.memory_space<vmem>>
        %dma_wait3A_200 = arith.constant 0 : i32
        %dma_wait3A_201 = arith.constant 0 : i32
        %dma_wait3A_202 = tpu.memref_slice %arg2[%dma_wait3A_200, %dma_wait3A_201] : memref<10000x128xf32, #tpu.memory_space<hbm>> -> memref<10000x128xf32, #tpu.memory_space<hbm>>
        tpu.wait_indirect_dma semaphore(%arg13 : memref<!tpu.dma_semaphore, #tpu.memory_space<semaphore_mem>>) src(%dma_wait3A_202 : memref<10000x128xf32, #tpu.memory_space<hbm>>) dst(%arg10 : memref<128x128xf32, #tpu.memory_space<vmem>>)
        %lt3A_203 = arith.cmpi slt, %add3A_197, %scan3A_51 : i32
        %convert_element_type3A_204 = arith.extui %lt3A_203 : i1 to i32
        %cond3A_205 = arith.constant 0 : i32
        %cond3A_206 = arith.cmpi ne, %convert_element_type3A_204, %cond3A_205 : i32
        scf.if %cond3A_206 {
          %dma_start3A = arith.constant 0 : i32
          %dma_start3A_212 = tpu.memref_slice %arg7[%add3A_197, %dma_start3A] : memref<160x128xi32, #tpu.memory_space<vmem>> -> memref<1x128xi32, #tpu.memory_space<vmem>>
          %dma_start3A_213 = tpu.memref_squeeze %dma_start3A_212 : memref<1x128xi32, #tpu.memory_space<vmem>> -> memref<128xi32, #tpu.memory_space<vmem>>
          %dma_start3A_214 = arith.constant 0 : i32
          %dma_start3A_215 = arith.constant 0 : i32
          %dma_start3A_216 = tpu.memref_slice %arg2[%dma_start3A_214, %dma_start3A_215] : memref<10000x128xf32, #tpu.memory_space<hbm>> -> memref<10000x128xf32, #tpu.memory_space<hbm>>
          tpu.enqueue_indirect_dma source(%dma_start3A_216 : memref<10000x128xf32, #tpu.memory_space<hbm>>) target(%arg11 : memref<128x128xf32, #tpu.memory_space<vmem>>) offsets(%dma_start3A_213 : memref<128xi32, #tpu.memory_space<vmem>>) semaphore(%arg14 : memref<!tpu.dma_semaphore, #tpu.memory_space<semaphore_mem>>)
        } else {
        }
        "tpu.region"() ({
          %run_scoped3A_212 = tpu.sem_alloc : memref<!tpu.dma_semaphore, #tpu.memory_space<semaphore_mem>>
          %dma_start3A = arith.constant 0 : i32
          %dma_start3A_213 = tpu.memref_slice %arg8[%mul3A_195, %dma_start3A] : memref<160x128xi32, #tpu.memory_space<vmem>> -> memref<1x128xi32, #tpu.memory_space<vmem>>
          %dma_start3A_214 = tpu.memref_squeeze %dma_start3A_213 : memref<1x128xi32, #tpu.memory_space<vmem>> -> memref<128xi32, #tpu.memory_space<vmem>>
          %dma_start3A_215 = arith.constant 0 : i32
          %dma_start3A_216 = arith.constant 0 : i32
          %dma_start3A_217 = tpu.memref_slice %arg16[%dma_start3A_215, %dma_start3A_216] : memref<5248x128xf32, #tpu.memory_space<vmem_shared>> -> memref<5248x128xf32, #tpu.memory_space<vmem_shared>>
          tpu.enqueue_indirect_dma source(%arg10 : memref<128x128xf32, #tpu.memory_space<vmem>>) target(%dma_start3A_217 : memref<5248x128xf32, #tpu.memory_space<vmem_shared>>) offsets(%dma_start3A_214 : memref<128xi32, #tpu.memory_space<vmem>>) semaphore(%run_scoped3A_212 : memref<!tpu.dma_semaphore, #tpu.memory_space<semaphore_mem>>) {add = true}
          %dma_wait3A_218 = arith.constant 0 : i32
          %dma_wait3A_219 = tpu.memref_slice %arg8[%mul3A_195, %dma_wait3A_218] : memref<160x128xi32, #tpu.memory_space<vmem>> -> memref<1x128xi32, #tpu.memory_space<vmem>>
          %dma_wait3A_220 = tpu.memref_squeeze %dma_wait3A_219 : memref<1x128xi32, #tpu.memory_space<vmem>> -> memref<128xi32, #tpu.memory_space<vmem>>
          %dma_wait3A_221 = arith.constant 0 : i32
          %dma_wait3A_222 = arith.constant 0 : i32
          %dma_wait3A_223 = tpu.memref_slice %arg16[%dma_wait3A_221, %dma_wait3A_222] : memref<5248x128xf32, #tpu.memory_space<vmem_shared>> -> memref<5248x128xf32, #tpu.memory_space<vmem_shared>>
          tpu.wait_indirect_dma semaphore(%run_scoped3A_212 : memref<!tpu.dma_semaphore, #tpu.memory_space<semaphore_mem>>) src(%arg10 : memref<128x128xf32, #tpu.memory_space<vmem>>) dst(%dma_wait3A_223 : memref<5248x128xf32, #tpu.memory_space<vmem_shared>>)
          tpu.yield
        }) : () -> ()
        %lt3A_207 = arith.cmpi slt, %add3A_197, %scan3A_51 : i32
        %convert_element_type3A_208 = arith.extui %lt3A_207 : i1 to i32
        %cond3A_209 = arith.constant 0 : i32
        %cond3A_210 = arith.cmpi ne, %convert_element_type3A_208, %cond3A_209 : i32
        scf.if %cond3A_210 {
          %dma_wait3A_212 = arith.constant 0 : i32
          %dma_wait3A_213 = tpu.memref_slice %arg7[%add3A_197, %dma_wait3A_212] : memref<160x128xi32, #tpu.memory_space<vmem>> -> memref<1x128xi32, #tpu.memory_space<vmem>>
          %dma_wait3A_214 = tpu.memref_squeeze %dma_wait3A_213 : memref<1x128xi32, #tpu.memory_space<vmem>> -> memref<128xi32, #tpu.memory_space<vmem>>
          %dma_wait3A_215 = arith.constant 0 : i32
          %dma_wait3A_216 = arith.constant 0 : i32
          %dma_wait3A_217 = tpu.memref_slice %arg2[%dma_wait3A_215, %dma_wait3A_216] : memref<10000x128xf32, #tpu.memory_space<hbm>> -> memref<10000x128xf32, #tpu.memory_space<hbm>>
          tpu.wait_indirect_dma semaphore(%arg14 : memref<!tpu.dma_semaphore, #tpu.memory_space<semaphore_mem>>) src(%dma_wait3A_217 : memref<10000x128xf32, #tpu.memory_space<hbm>>) dst(%arg11 : memref<128x128xf32, #tpu.memory_space<vmem>>)
          %add3A_218 = arith.constant 1 : i32
          %add3A_219 = arith.addi %add3A_197, %add3A_218 : i32
          %lt3A_220 = arith.cmpi slt, %add3A_219, %scan3A_51 : i32
          %convert_element_type3A_221 = arith.extui %lt3A_220 : i1 to i32
          %cond3A_222 = arith.constant 0 : i32
          %cond3A_223 = arith.cmpi ne, %convert_element_type3A_221, %cond3A_222 : i32
          scf.if %cond3A_223 {
            %add3A_224 = arith.constant 1 : i32
            %add3A_225 = arith.addi %add3A_197, %add3A_224 : i32
            %dma_start3A = arith.constant 0 : i32
            %dma_start3A_226 = tpu.memref_slice %arg7[%add3A_225, %dma_start3A] : memref<160x128xi32, #tpu.memory_space<vmem>> -> memref<1x128xi32, #tpu.memory_space<vmem>>
            %dma_start3A_227 = tpu.memref_squeeze %dma_start3A_226 : memref<1x128xi32, #tpu.memory_space<vmem>> -> memref<128xi32, #tpu.memory_space<vmem>>
            %dma_start3A_228 = arith.constant 0 : i32
            %dma_start3A_229 = arith.constant 0 : i32
            %dma_start3A_230 = tpu.memref_slice %arg2[%dma_start3A_228, %dma_start3A_229] : memref<10000x128xf32, #tpu.memory_space<hbm>> -> memref<10000x128xf32, #tpu.memory_space<hbm>>
            tpu.enqueue_indirect_dma source(%dma_start3A_230 : memref<10000x128xf32, #tpu.memory_space<hbm>>) target(%arg10 : memref<128x128xf32, #tpu.memory_space<vmem>>) offsets(%dma_start3A_227 : memref<128xi32, #tpu.memory_space<vmem>>) semaphore(%arg13 : memref<!tpu.dma_semaphore, #tpu.memory_space<semaphore_mem>>)
          } else {
          }
          "tpu.region"() ({
            %run_scoped3A_224 = tpu.sem_alloc : memref<!tpu.dma_semaphore, #tpu.memory_space<semaphore_mem>>
            %dma_start3A = arith.constant 0 : i32
            %dma_start3A_225 = tpu.memref_slice %arg8[%add3A_197, %dma_start3A] : memref<160x128xi32, #tpu.memory_space<vmem>> -> memref<1x128xi32, #tpu.memory_space<vmem>>
            %dma_start3A_226 = tpu.memref_squeeze %dma_start3A_225 : memref<1x128xi32, #tpu.memory_space<vmem>> -> memref<128xi32, #tpu.memory_space<vmem>>
            %dma_start3A_227 = arith.constant 0 : i32
            %dma_start3A_228 = arith.constant 0 : i32
            %dma_start3A_229 = tpu.memref_slice %arg16[%dma_start3A_227, %dma_start3A_228] : memref<5248x128xf32, #tpu.memory_space<vmem_shared>> -> memref<5248x128xf32, #tpu.memory_space<vmem_shared>>
            tpu.enqueue_indirect_dma source(%arg11 : memref<128x128xf32, #tpu.memory_space<vmem>>) target(%dma_start3A_229 : memref<5248x128xf32, #tpu.memory_space<vmem_shared>>) offsets(%dma_start3A_226 : memref<128xi32, #tpu.memory_space<vmem>>) semaphore(%run_scoped3A_224 : memref<!tpu.dma_semaphore, #tpu.memory_space<semaphore_mem>>) {add = true}
            %dma_wait3A_230 = arith.constant 0 : i32
            %dma_wait3A_231 = tpu.memref_slice %arg8[%add3A_197, %dma_wait3A_230] : memref<160x128xi32, #tpu.memory_space<vmem>> -> memref<1x128xi32, #tpu.memory_space<vmem>>
            %dma_wait3A_232 = tpu.memref_squeeze %dma_wait3A_231 : memref<1x128xi32, #tpu.memory_space<vmem>> -> memref<128xi32, #tpu.memory_space<vmem>>
            %dma_wait3A_233 = arith.constant 0 : i32
            %dma_wait3A_234 = arith.constant 0 : i32
            %dma_wait3A_235 = tpu.memref_slice %arg16[%dma_wait3A_233, %dma_wait3A_234] : memref<5248x128xf32, #tpu.memory_space<vmem_shared>> -> memref<5248x128xf32, #tpu.memory_space<vmem_shared>>
            tpu.wait_indirect_dma semaphore(%run_scoped3A_224 : memref<!tpu.dma_semaphore, #tpu.memory_space<semaphore_mem>>) src(%arg11 : memref<128x128xf32, #tpu.memory_space<vmem>>) dst(%dma_wait3A_235 : memref<5248x128xf32, #tpu.memory_space<vmem_shared>>)
            tpu.yield
          }) : () -> ()
        } else {
        }
        %while3A_211 = arith.constant 0 : i32
        scf.yield %while3A_211 : i32
      }
      %barrier3A_110 = arith.constant 0 : index
      tpu.barrier barrier_id(%barrier3A_110)
      %add3A_111 = arith.constant 1 : i32
      %add3A_112 = arith.addi %scan3A_50, %add3A_111 : i32
      %lt3A = arith.constant 8 : i32
      %lt3A_113 = arith.cmpi slt, %add3A_112, %lt3A : i32
      %convert_element_type3A_114 = arith.extui %lt3A_113 : i1 to i32
      %cond3A_115 = arith.constant 0 : i32
      %cond3A_116 = arith.cmpi ne, %convert_element_type3A_114, %cond3A_115 : i32
      %cond3A_117 = scf.if %cond3A_116 -> (i32) {
        %add3A_192 = arith.constant 1 : i32
        %add3A_193 = arith.addi %scan3A_50, %add3A_192 : i32
        "tpu.region"() ({
          %run_scoped3A_244 = tpu.sem_alloc : memref<!tpu.dma_semaphore, #tpu.memory_space<semaphore_mem>>
          %dma_start3A = arith.constant 0 : i32
          %dma_start3A_245 = tpu.memref_slice %arg5[%arg0, %arg1, %add3A_193, %dma_start3A] : memref<2x16x8x16xi32, #tpu.memory_space<hbm>> -> memref<1x1x1x16xi32, #tpu.memory_space<hbm>>
          %dma_start3A_246 = tpu.memref_squeeze %dma_start3A_245 : memref<1x1x1x16xi32, #tpu.memory_space<hbm>> -> memref<16xi32, #tpu.memory_space<hbm>>
          %dma_start3A_247 = arith.constant 0 : i32
          %dma_start3A_248 = tpu.memref_slice %arg5[%arg0, %arg1, %add3A_193, %dma_start3A_247] : memref<2x16x8x16xi32, #tpu.memory_space<hbm>> -> memref<1x1x1x16xi32, #tpu.memory_space<hbm>>
          %dma_start3A_249 = tpu.memref_squeeze %dma_start3A_248 : memref<1x1x1x16xi32, #tpu.memory_space<hbm>> -> memref<16xi32, #tpu.memory_space<hbm>>
          tpu.enqueue_dma source(%dma_start3A_249 : memref<16xi32, #tpu.memory_space<hbm>>) target(%arg9 : memref<16xi32, #tpu.memory_space<vmem>>) target_semaphore(%run_scoped3A_244 : memref<!tpu.dma_semaphore, #tpu.memory_space<semaphore_mem>>)
          %dma_wait3A = arith.constant 0 : i32
          %dma_wait3A_250 = tpu.memref_slice %arg5[%arg0, %arg1, %add3A_193, %dma_wait3A] : memref<2x16x8x16xi32, #tpu.memory_space<hbm>> -> memref<1x1x1x16xi32, #tpu.memory_space<hbm>>
          %dma_wait3A_251 = tpu.memref_squeeze %dma_wait3A_250 : memref<1x1x1x16xi32, #tpu.memory_space<hbm>> -> memref<16xi32, #tpu.memory_space<hbm>>
          %dma_wait3A_252 = arith.constant 0 : i32
          %dma_wait3A_253 = tpu.memref_slice %arg5[%arg0, %arg1, %add3A_193, %dma_wait3A_252] : memref<2x16x8x16xi32, #tpu.memory_space<hbm>> -> memref<1x1x1x16xi32, #tpu.memory_space<hbm>>
          %dma_wait3A_254 = tpu.memref_squeeze %dma_wait3A_253 : memref<1x1x1x16xi32, #tpu.memory_space<hbm>> -> memref<16xi32, #tpu.memory_space<hbm>>
          tpu.wait_dma2 semaphore(%run_scoped3A_244 : memref<!tpu.dma_semaphore, #tpu.memory_space<semaphore_mem>>) src(%dma_wait3A_254 : memref<16xi32, #tpu.memory_space<hbm>>) dst(%arg9 : memref<16xi32, #tpu.memory_space<vmem>>)
          tpu.yield
        }) : () -> ()
        %get3A_194 = arith.constant 0 : index
        %get3A_195 = tpu.vector_load %arg9[%get3A_194] {strides = array<i32>} : memref<16xi32, #tpu.memory_space<vmem>>, vector<16xi32>,
        %eq3A_196 = arith.constant 0 : i32
        %eq3A_197 = vector.broadcast %eq3A_196 : i32 to vector<16xi32>
        %eq3A_198 = arith.cmpi eq, %iota3A, %eq3A_197 : vector<16xi32>
        %jit3A_199 = arith.constant 0 : i32
        %broadcast_in_dim3A_200 = vector.broadcast %jit3A_199 : i32 to vector<16xi32>
        %select_n3A_201 = arith.select %eq3A_198, %get3A_195, %broadcast_in_dim3A_200 : vector<16xi1>, vector<16xi32>
        %reduce_sum3A_202 = arith.constant true
        %reduce_sum3A_203 = vector.broadcast %reduce_sum3A_202 : i1 to vector<16xi1>
        %reduce_sum3A_204 = tpu.scan <sum>, %select_n3A_201 masked %reduce_sum3A_203 : vector<16xi32>, vector<16xi1> -> vector<16xi32>
        %reduce_sum3A_205 = vector.extract %reduce_sum3A_204[15] : i32 from vector<16xi32>
        %add3A_206 = arith.constant 15 : i32
        %add3A_207 = arith.addi %reduce_sum3A_205, %add3A_206 : i32
        %jit3A_208 = arith.constant 16 : i32
        %div3A_209 = arith.divsi %add3A_207, %jit3A_208 : i32
        %sign3A_210 = arith.constant 0 : i32
        %sign3A_211 = arith.cmpi sgt, %add3A_207, %sign3A_210 : i32
        %sign3A_212 = arith.extui %sign3A_211 : i1 to i32
        %sign3A_213 = arith.constant 0 : i32
        %sign3A_214 = arith.cmpi slt, %add3A_207, %sign3A_213 : i32
        %sign3A_215 = arith.extui %sign3A_214 : i1 to i32
        %sign3A_216 = arith.subi %sign3A_212, %sign3A_215 : i32
        %sign3A_217 = arith.constant 0 : i32
        %sign3A_218 = arith.cmpi sgt, %jit3A_208, %sign3A_217 : i32
        %sign3A_219 = arith.extui %sign3A_218 : i1 to i32
        %sign3A_220 = arith.constant 0 : i32
        %sign3A_221 = arith.cmpi slt, %jit3A_208, %sign3A_220 : i32
        %sign3A_222 = arith.extui %sign3A_221 : i1 to i32
        %sign3A_223 = arith.subi %sign3A_219, %sign3A_222 : i32
        %ne3A_224 = arith.cmpi ne, %sign3A_216, %sign3A_223 : i32
        %rem3A_225 = arith.remsi %add3A_207, %jit3A_208 : i32
        %ne3A_226 = arith.constant 0 : i32
        %ne3A_227 = arith.cmpi ne, %rem3A_225, %ne3A_226 : i32
        %and3A_228 = arith.andi %ne3A_224, %ne3A_227 : i1
        %sub3A_229 = arith.constant 1 : i32
        %sub3A_230 = arith.subi %div3A_209, %sub3A_229 : i32
        %select_n3A_231 = arith.select %and3A_228, %sub3A_230, %div3A_209 : i32
        %while3A_232 = arith.constant 0 : i32
        %while3A_233 = arith.constant 0 : i32
        %while3A_234 = arith.subi %select_n3A_231, %while3A_232 : i32
        %while3A_235 = arith.addi %while3A_232, %while3A_234 : i32
        %while3A_236 = arith.constant 1 : i32
        %while3A_237 = arith.divsi %while3A_234, %while3A_236 : i32
        %while3A_238 = arith.muli %while3A_237, %while3A_236 : i32
        %while3A_239 = arith.addi %while3A_232, %while3A_238 : i32
        %while3A_240 = arith.constant 1 : i32
        %while3A_241 = scf.for %while3A_244 = %while3A_232 to %while3A_239 step %while3A_240 iter_args(%while3A_245 = %while3A_233) -> (i32)  : i32 {
          %mul3A_246 = arith.constant 16 : i32
          %mul3A_247 = arith.muli %while3A_244, %mul3A_246 : i32
          %mul3A_248 = arith.constant 16 : i32
          %mul3A_249 = arith.muli %while3A_244, %mul3A_248 : i32
          %dma_start3A = arith.constant 0 : i32
          %dma_start3A_250 = tpu.memref_slice %arg7[%mul3A_249, %dma_start3A] : memref<160x128xi32, #tpu.memory_space<vmem>> -> memref<16x128xi32, #tpu.memory_space<vmem>>
          %dma_start3A_251 = arith.constant 0 : i32
          %dma_start3A_252 = tpu.memref_slice %arg3[%arg0, %arg1, %add3A_193, %mul3A_247, %dma_start3A_251] : memref<2x16x8x160x128xi32, #tpu.memory_space<hbm>> -> memref<1x1x1x16x128xi32, #tpu.memory_space<hbm>>
          %dma_start3A_253 = tpu.memref_squeeze %dma_start3A_252 : memref<1x1x1x16x128xi32, #tpu.memory_space<hbm>> -> memref<16x128xi32, #tpu.memory_space<hbm>>
          %dma_start3A_254 = arith.constant 0 : i32
          %dma_start3A_255 = tpu.memref_slice %arg7[%mul3A_249, %dma_start3A_254] : memref<160x128xi32, #tpu.memory_space<vmem>> -> memref<16x128xi32, #tpu.memory_space<vmem>>
          %dma_start3A_256 = arith.constant 0 : i32
          %dma_start3A_257 = tpu.memref_slice %arg3[%arg0, %arg1, %add3A_193, %mul3A_247, %dma_start3A_256] : memref<2x16x8x160x128xi32, #tpu.memory_space<hbm>> -> memref<1x1x1x16x128xi32, #tpu.memory_space<hbm>>
          %dma_start3A_258 = tpu.memref_squeeze %dma_start3A_257 : memref<1x1x1x16x128xi32, #tpu.memory_space<hbm>> -> memref<16x128xi32, #tpu.memory_space<hbm>>
          tpu.enqueue_dma source(%dma_start3A_258 : memref<16x128xi32, #tpu.memory_space<hbm>>) target(%dma_start3A_255 : memref<16x128xi32, #tpu.memory_space<vmem>>) target_semaphore(%arg15 : memref<!tpu.dma_semaphore, #tpu.memory_space<semaphore_mem>>)
          %mul3A_259 = arith.constant 16 : i32
          %mul3A_260 = arith.muli %while3A_244, %mul3A_259 : i32
          %mul3A_261 = arith.constant 16 : i32
          %mul3A_262 = arith.muli %while3A_244, %mul3A_261 : i32
          %dma_start3A_263 = arith.constant 0 : i32
          %dma_start3A_264 = tpu.memref_slice %arg8[%mul3A_262, %dma_start3A_263] : memref<160x128xi32, #tpu.memory_space<vmem>> -> memref<16x128xi32, #tpu.memory_space<vmem>>
          %dma_start3A_265 = arith.constant 0 : i32
          %dma_start3A_266 = tpu.memref_slice %arg4[%arg0, %arg1, %add3A_193, %mul3A_260, %dma_start3A_265] : memref<2x16x8x160x128xi32, #tpu.memory_space<hbm>> -> memref<1x1x1x16x128xi32, #tpu.memory_space<hbm>>
          %dma_start3A_267 = tpu.memref_squeeze %dma_start3A_266 : memref<1x1x1x16x128xi32, #tpu.memory_space<hbm>> -> memref<16x128xi32, #tpu.memory_space<hbm>>
          %dma_start3A_268 = arith.constant 0 : i32
          %dma_start3A_269 = tpu.memref_slice %arg8[%mul3A_262, %dma_start3A_268] : memref<160x128xi32, #tpu.memory_space<vmem>> -> memref<16x128xi32, #tpu.memory_space<vmem>>
          %dma_start3A_270 = arith.constant 0 : i32
          %dma_start3A_271 = tpu.memref_slice %arg4[%arg0, %arg1, %add3A_193, %mul3A_260, %dma_start3A_270] : memref<2x16x8x160x128xi32, #tpu.memory_space<hbm>> -> memref<1x1x1x16x128xi32, #tpu.memory_space<hbm>>
          %dma_start3A_272 = tpu.memref_squeeze %dma_start3A_271 : memref<1x1x1x16x128xi32, #tpu.memory_space<hbm>> -> memref<16x128xi32, #tpu.memory_space<hbm>>
          tpu.enqueue_dma source(%dma_start3A_272 : memref<16x128xi32, #tpu.memory_space<hbm>>) target(%dma_start3A_269 : memref<16x128xi32, #tpu.memory_space<vmem>>) target_semaphore(%arg15 : memref<!tpu.dma_semaphore, #tpu.memory_space<semaphore_mem>>)
          %while3A_273 = arith.constant 0 : i32
          scf.yield %while3A_273 : i32
        }
        %while3A_242 = arith.constant 1 : i32
        %while3A_243 = scf.for %while3A_244 = %while3A_239 to %while3A_235 step %while3A_242 iter_args(%while3A_245 = %while3A_241) -> (i32)  : i32 {
          %mul3A_246 = arith.constant 16 : i32
          %mul3A_247 = arith.muli %while3A_244, %mul3A_246 : i32
          %mul3A_248 = arith.constant 16 : i32
          %mul3A_249 = arith.muli %while3A_244, %mul3A_248 : i32
          %dma_start3A = arith.constant 0 : i32
          %dma_start3A_250 = tpu.memref_slice %arg7[%mul3A_249, %dma_start3A] : memref<160x128xi32, #tpu.memory_space<vmem>> -> memref<16x128xi32, #tpu.memory_space<vmem>>
          %dma_start3A_251 = arith.constant 0 : i32
          %dma_start3A_252 = tpu.memref_slice %arg3[%arg0, %arg1, %add3A_193, %mul3A_247, %dma_start3A_251] : memref<2x16x8x160x128xi32, #tpu.memory_space<hbm>> -> memref<1x1x1x16x128xi32, #tpu.memory_space<hbm>>
          %dma_start3A_253 = tpu.memref_squeeze %dma_start3A_252 : memref<1x1x1x16x128xi32, #tpu.memory_space<hbm>> -> memref<16x128xi32, #tpu.memory_space<hbm>>
          %dma_start3A_254 = arith.constant 0 : i32
          %dma_start3A_255 = tpu.memref_slice %arg7[%mul3A_249, %dma_start3A_254] : memref<160x128xi32, #tpu.memory_space<vmem>> -> memref<16x128xi32, #tpu.memory_space<vmem>>
          %dma_start3A_256 = arith.constant 0 : i32
          %dma_start3A_257 = tpu.memref_slice %arg3[%arg0, %arg1, %add3A_193, %mul3A_247, %dma_start3A_256] : memref<2x16x8x160x128xi32, #tpu.memory_space<hbm>> -> memref<1x1x1x16x128xi32, #tpu.memory_space<hbm>>
          %dma_start3A_258 = tpu.memref_squeeze %dma_start3A_257 : memref<1x1x1x16x128xi32, #tpu.memory_space<hbm>> -> memref<16x128xi32, #tpu.memory_space<hbm>>
          tpu.enqueue_dma source(%dma_start3A_258 : memref<16x128xi32, #tpu.memory_space<hbm>>) target(%dma_start3A_255 : memref<16x128xi32, #tpu.memory_space<vmem>>) target_semaphore(%arg15 : memref<!tpu.dma_semaphore, #tpu.memory_space<semaphore_mem>>)
          %mul3A_259 = arith.constant 16 : i32
          %mul3A_260 = arith.muli %while3A_244, %mul3A_259 : i32
          %mul3A_261 = arith.constant 16 : i32
          %mul3A_262 = arith.muli %while3A_244, %mul3A_261 : i32
          %dma_start3A_263 = arith.constant 0 : i32
          %dma_start3A_264 = tpu.memref_slice %arg8[%mul3A_262, %dma_start3A_263] : memref<160x128xi32, #tpu.memory_space<vmem>> -> memref<16x128xi32, #tpu.memory_space<vmem>>
          %dma_start3A_265 = arith.constant 0 : i32
          %dma_start3A_266 = tpu.memref_slice %arg4[%arg0, %arg1, %add3A_193, %mul3A_260, %dma_start3A_265] : memref<2x16x8x160x128xi32, #tpu.memory_space<hbm>> -> memref<1x1x1x16x128xi32, #tpu.memory_space<hbm>>
          %dma_start3A_267 = tpu.memref_squeeze %dma_start3A_266 : memref<1x1x1x16x128xi32, #tpu.memory_space<hbm>> -> memref<16x128xi32, #tpu.memory_space<hbm>>
          %dma_start3A_268 = arith.constant 0 : i32
          %dma_start3A_269 = tpu.memref_slice %arg8[%mul3A_262, %dma_start3A_268] : memref<160x128xi32, #tpu.memory_space<vmem>> -> memref<16x128xi32, #tpu.memory_space<vmem>>
          %dma_start3A_270 = arith.constant 0 : i32
          %dma_start3A_271 = tpu.memref_slice %arg4[%arg0, %arg1, %add3A_193, %mul3A_260, %dma_start3A_270] : memref<2x16x8x160x128xi32, #tpu.memory_space<hbm>> -> memref<1x1x1x16x128xi32, #tpu.memory_space<hbm>>
          %dma_start3A_272 = tpu.memref_squeeze %dma_start3A_271 : memref<1x1x1x16x128xi32, #tpu.memory_space<hbm>> -> memref<16x128xi32, #tpu.memory_space<hbm>>
          tpu.enqueue_dma source(%dma_start3A_272 : memref<16x128xi32, #tpu.memory_space<hbm>>) target(%dma_start3A_269 : memref<16x128xi32, #tpu.memory_space<vmem>>) target_semaphore(%arg15 : memref<!tpu.dma_semaphore, #tpu.memory_space<semaphore_mem>>)
          %while3A_273 = arith.constant 0 : i32
          scf.yield %while3A_273 : i32
        }
        scf.yield %reduce_sum3A_205 : i32
      } else {
        %cond3A_192 = arith.constant 0 : i32
        scf.yield %cond3A_192 : i32
      }
      %jit3A_118 = arith.constant 8 : i32
      %eq3A_119 = arith.constant 0 : i32
      %eq3A_120 = arith.cmpi eq, %jit3A_118, %eq3A_119 : i32
      %jit3A_121 = arith.constant 1 : i32
      %select_n3A_122 = arith.select %eq3A_120, %jit3A_121, %jit3A_118 : i32
      %rem3A_123 = arith.remsi %arg1, %select_n3A_122 : i32
      %ne3A_124 = arith.constant 0 : i32
      %ne3A_125 = arith.cmpi ne, %rem3A_123, %ne3A_124 : i32
      %lt3A_126 = arith.constant 0 : i32
      %lt3A_127 = arith.cmpi slt, %rem3A_123, %lt3A_126 : i32
      %lt3A_128 = arith.constant 0 : i32
      %lt3A_129 = arith.cmpi slt, %select_n3A_122, %lt3A_128 : i32
      %ne3A_130 = arith.xori %lt3A_127, %lt3A_129 : i1
      %and3A_131 = arith.andi %ne3A_130, %ne3A_125 : i1
      %add3A_132 = arith.addi %rem3A_123, %select_n3A_122 : i32
      %select_n3A_133 = arith.select %and3A_131, %add3A_132, %rem3A_123 : i32
      %jit3A_134 = arith.constant 8 : i32
      %div3A_135 = arith.divsi %arg1, %jit3A_134 : i32
      %sign3A_136 = arith.constant 0 : i32
      %sign3A_137 = arith.cmpi sgt, %arg1, %sign3A_136 : i32
      %sign3A_138 = arith.extui %sign3A_137 : i1 to i32
      %sign3A_139 = arith.constant 0 : i32
      %sign3A_140 = arith.cmpi slt, %arg1, %sign3A_139 : i32
      %sign3A_141 = arith.extui %sign3A_140 : i1 to i32
      %sign3A_142 = arith.subi %sign3A_138, %sign3A_141 : i32
      %sign3A_143 = arith.constant 0 : i32
      %sign3A_144 = arith.cmpi sgt, %jit3A_134, %sign3A_143 : i32
      %sign3A_145 = arith.extui %sign3A_144 : i1 to i32
      %sign3A_146 = arith.constant 0 : i32
      %sign3A_147 = arith.cmpi slt, %jit3A_134, %sign3A_146 : i32
      %sign3A_148 = arith.extui %sign3A_147 : i1 to i32
      %sign3A_149 = arith.subi %sign3A_145, %sign3A_148 : i32
      %ne3A_150 = arith.cmpi ne, %sign3A_142, %sign3A_149 : i32
      %rem3A_151 = arith.remsi %arg1, %jit3A_134 : i32
      %ne3A_152 = arith.constant 0 : i32
      %ne3A_153 = arith.cmpi ne, %rem3A_151, %ne3A_152 : i32
      %and3A_154 = arith.andi %ne3A_150, %ne3A_153 : i1
      %sub3A_155 = arith.constant 1 : i32
      %sub3A_156 = arith.subi %div3A_135, %sub3A_155 : i32
      %select_n3A_157 = arith.select %and3A_154, %sub3A_156, %div3A_135 : i32
      %mul3A_158 = arith.constant 640 : i32
      %mul3A_159 = arith.muli %select_n3A_133, %mul3A_158 : i32
      %mul3A_160 = arith.constant 320 : i32
      %mul3A_161 = arith.muli %select_n3A_157, %mul3A_160 : i32
      %add3A_162 = arith.addi %mul3A_159, %mul3A_161 : i32
      %multiple_of3A_163 = tpu.assume_multiple %add3A_162, 8 : i32
      %mul3A_164 = arith.constant 320 : i32
      %mul3A_165 = arith.muli %select_n3A_157, %mul3A_164 : i32
      %add3A_166 = arith.addi %mul3A_55, %mul3A_165 : i32
      %multiple_of3A_167 = tpu.assume_multiple %add3A_166, 8 : i32
      %add3A_168 = arith.constant 320 : i32
      %add3A_169 = arith.addi %multiple_of3A_167, %add3A_168 : i32
      %le3A = arith.constant 10000 : i32
      %le3A_170 = arith.cmpi sle, %add3A_169, %le3A : i32
      %convert_element_type3A_171 = arith.extui %le3A_170 : i1 to i32
      %cond3A_172 = arith.constant 0 : i32
      %cond3A_173 = arith.cmpi ne, %convert_element_type3A_171, %cond3A_172 : i32
      scf.if %cond3A_173 {
        "tpu.region"() ({
          %run_scoped3A_192 = tpu.sem_alloc : memref<!tpu.dma_semaphore, #tpu.memory_space<semaphore_mem>>
          %dma_start3A = arith.constant 0 : i32
          %dma_start3A_193 = tpu.memref_slice %arg6[%select_n3A_133, %multiple_of3A_167, %dma_start3A] : memref<8x10000x128xf32, #tpu.memory_space<hbm>> -> memref<1x320x128xf32, #tpu.memory_space<hbm>>
          %dma_start3A_194 = tpu.memref_squeeze %dma_start3A_193 : memref<1x320x128xf32, #tpu.memory_space<hbm>> -> memref<320x128xf32, #tpu.memory_space<hbm>>
          %dma_start3A_195 = arith.constant 0 : i32
          %dma_start3A_196 = tpu.memref_slice %arg16[%multiple_of3A_163, %dma_start3A_195] : memref<5248x128xf32, #tpu.memory_space<vmem_shared>> -> memref<320x128xf32, #tpu.memory_space<vmem_shared>>
          tpu.enqueue_dma source(%dma_start3A_196 : memref<320x128xf32, #tpu.memory_space<vmem_shared>>) target(%dma_start3A_194 : memref<320x128xf32, #tpu.memory_space<hbm>>) target_semaphore(%run_scoped3A_192 : memref<!tpu.dma_semaphore, #tpu.memory_space<semaphore_mem>>)
          %dma_wait3A = arith.constant 0 : i32
          %dma_wait3A_197 = tpu.memref_slice %arg6[%select_n3A_133, %multiple_of3A_167, %dma_wait3A] : memref<8x10000x128xf32, #tpu.memory_space<hbm>> -> memref<1x320x128xf32, #tpu.memory_space<hbm>>
          %dma_wait3A_198 = tpu.memref_squeeze %dma_wait3A_197 : memref<1x320x128xf32, #tpu.memory_space<hbm>> -> memref<320x128xf32, #tpu.memory_space<hbm>>
          %dma_wait3A_199 = arith.constant 0 : i32
          %dma_wait3A_200 = tpu.memref_slice %arg16[%multiple_of3A_163, %dma_wait3A_199] : memref<5248x128xf32, #tpu.memory_space<vmem_shared>> -> memref<320x128xf32, #tpu.memory_space<vmem_shared>>
          tpu.wait_dma2 semaphore(%run_scoped3A_192 : memref<!tpu.dma_semaphore, #tpu.memory_space<semaphore_mem>>) src(%dma_wait3A_200 : memref<320x128xf32, #tpu.memory_space<vmem_shared>>) dst(%dma_wait3A_198 : memref<320x128xf32, #tpu.memory_space<hbm>>)
          tpu.yield
        }) : () -> ()
      } else {
      }
      %add3A_174 = arith.constant 320 : i32
      %add3A_175 = arith.addi %multiple_of3A_167, %add3A_174 : i32
      %gt3A_176 = arith.constant 10000 : i32
      %gt3A_177 = arith.cmpi sgt, %add3A_175, %gt3A_176 : i32
      %lt3A_178 = arith.constant 10000 : i32
      %lt3A_179 = arith.cmpi slt, %multiple_of3A_167, %lt3A_178 : i32
      %and3A_180 = arith.andi %gt3A_177, %lt3A_179 : i1
      %convert_element_type3A_181 = arith.extui %and3A_180 : i1 to i32
      %cond3A_182 = arith.constant 0 : i32
      %cond3A_183 = arith.cmpi ne, %convert_element_type3A_181, %cond3A_182 : i32
      scf.if %cond3A_183 {
        "tpu.region"() ({
          %run_scoped3A_192 = tpu.sem_alloc : memref<!tpu.dma_semaphore, #tpu.memory_space<semaphore_mem>>
          %dma_start3A = arith.constant 0 : i32
          %dma_start3A_193 = tpu.memref_slice %arg6[%select_n3A_133, %multiple_of3A_167, %dma_start3A] : memref<8x10000x128xf32, #tpu.memory_space<hbm>> -> memref<1x80x128xf32, #tpu.memory_space<hbm>>
          %dma_start3A_194 = tpu.memref_squeeze %dma_start3A_193 : memref<1x80x128xf32, #tpu.memory_space<hbm>> -> memref<80x128xf32, #tpu.memory_space<hbm>>
          %dma_start3A_195 = arith.constant 0 : i32
          %dma_start3A_196 = tpu.memref_slice %arg16[%multiple_of3A_163, %dma_start3A_195] : memref<5248x128xf32, #tpu.memory_space<vmem_shared>> -> memref<80x128xf32, #tpu.memory_space<vmem_shared>>
          tpu.enqueue_dma source(%dma_start3A_196 : memref<80x128xf32, #tpu.memory_space<vmem_shared>>) target(%dma_start3A_194 : memref<80x128xf32, #tpu.memory_space<hbm>>) target_semaphore(%run_scoped3A_192 : memref<!tpu.dma_semaphore, #tpu.memory_space<semaphore_mem>>)
          %dma_wait3A = arith.constant 0 : i32
          %dma_wait3A_197 = tpu.memref_slice %arg6[%select_n3A_133, %multiple_of3A_167, %dma_wait3A] : memref<8x10000x128xf32, #tpu.memory_space<hbm>> -> memref<1x80x128xf32, #tpu.memory_space<hbm>>
          %dma_wait3A_198 = tpu.memref_squeeze %dma_wait3A_197 : memref<1x80x128xf32, #tpu.memory_space<hbm>> -> memref<80x128xf32, #tpu.memory_space<hbm>>
          %dma_wait3A_199 = arith.constant 0 : i32
          %dma_wait3A_200 = tpu.memref_slice %arg16[%multiple_of3A_163, %dma_wait3A_199] : memref<5248x128xf32, #tpu.memory_space<vmem_shared>> -> memref<80x128xf32, #tpu.memory_space<vmem_shared>>
          tpu.wait_dma2 semaphore(%run_scoped3A_192 : memref<!tpu.dma_semaphore, #tpu.memory_space<semaphore_mem>>) src(%dma_wait3A_200 : memref<80x128xf32, #tpu.memory_space<vmem_shared>>) dst(%dma_wait3A_198 : memref<80x128xf32, #tpu.memory_space<hbm>>)
          tpu.yield
        }) : () -> ()
      } else {
      }
      %barrier3A_184 = arith.constant 0 : index
      tpu.barrier barrier_id(%barrier3A_184)
      %add3A_185 = arith.constant 1 : i32
      %add3A_186 = arith.addi %scan3A_50, %add3A_185 : i32
      %lt3A_187 = arith.constant 8 : i32
      %lt3A_188 = arith.cmpi slt, %add3A_186, %lt3A_187 : i32
      %convert_element_type3A_189 = arith.extui %lt3A_188 : i1 to i32
      %cond3A_190 = arith.constant 0 : i32
      %cond3A_191 = arith.cmpi ne, %convert_element_type3A_189, %cond3A_190 : i32
      scf.if %cond3A_191 {
        %add3A_192 = arith.constant 1 : i32
        %add3A_193 = arith.addi %scan3A_50, %add3A_192 : i32
        %add3A_194 = arith.constant 15 : i32
        %add3A_195 = arith.addi %cond3A_117, %add3A_194 : i32
        %jit3A_196 = arith.constant 16 : i32
        %div3A_197 = arith.divsi %add3A_195, %jit3A_196 : i32
        %sign3A_198 = arith.constant 0 : i32
        %sign3A_199 = arith.cmpi sgt, %add3A_195, %sign3A_198 : i32
        %sign3A_200 = arith.extui %sign3A_199 : i1 to i32
        %sign3A_201 = arith.constant 0 : i32
        %sign3A_202 = arith.cmpi slt, %add3A_195, %sign3A_201 : i32
        %sign3A_203 = arith.extui %sign3A_202 : i1 to i32
        %sign3A_204 = arith.subi %sign3A_200, %sign3A_203 : i32
        %sign3A_205 = arith.constant 0 : i32
        %sign3A_206 = arith.cmpi sgt, %jit3A_196, %sign3A_205 : i32
        %sign3A_207 = arith.extui %sign3A_206 : i1 to i32
        %sign3A_208 = arith.constant 0 : i32
        %sign3A_209 = arith.cmpi slt, %jit3A_196, %sign3A_208 : i32
        %sign3A_210 = arith.extui %sign3A_209 : i1 to i32
        %sign3A_211 = arith.subi %sign3A_207, %sign3A_210 : i32
        %ne3A_212 = arith.cmpi ne, %sign3A_204, %sign3A_211 : i32
        %rem3A_213 = arith.remsi %add3A_195, %jit3A_196 : i32
        %ne3A_214 = arith.constant 0 : i32
        %ne3A_215 = arith.cmpi ne, %rem3A_213, %ne3A_214 : i32
        %and3A_216 = arith.andi %ne3A_212, %ne3A_215 : i1
        %sub3A_217 = arith.constant 1 : i32
        %sub3A_218 = arith.subi %div3A_197, %sub3A_217 : i32
        %select_n3A_219 = arith.select %and3A_216, %sub3A_218, %div3A_197 : i32
        %while3A_220 = arith.constant 0 : i32
        %while3A_221 = arith.constant 0 : i32
        %while3A_222 = arith.subi %select_n3A_219, %while3A_220 : i32
        %while3A_223 = arith.addi %while3A_220, %while3A_222 : i32
        %while3A_224 = arith.constant 1 : i32
        %while3A_225 = arith.divsi %while3A_222, %while3A_224 : i32
        %while3A_226 = arith.muli %while3A_225, %while3A_224 : i32
        %while3A_227 = arith.addi %while3A_220, %while3A_226 : i32
        %while3A_228 = arith.constant 1 : i32
        %while3A_229 = scf.for %while3A_232 = %while3A_220 to %while3A_227 step %while3A_228 iter_args(%while3A_233 = %while3A_221) -> (i32)  : i32 {
          %mul3A_234 = arith.constant 16 : i32
          %mul3A_235 = arith.muli %while3A_232, %mul3A_234 : i32
          %mul3A_236 = arith.constant 16 : i32
          %mul3A_237 = arith.muli %while3A_232, %mul3A_236 : i32
          %dma_wait3A = arith.constant 0 : i32
          %dma_wait3A_238 = tpu.memref_slice %arg7[%mul3A_237, %dma_wait3A] : memref<160x128xi32, #tpu.memory_space<vmem>> -> memref<16x128xi32, #tpu.memory_space<vmem>>
          %dma_wait3A_239 = arith.constant 0 : i32
          %dma_wait3A_240 = tpu.memref_slice %arg3[%arg0, %arg1, %add3A_193, %mul3A_235, %dma_wait3A_239] : memref<2x16x8x160x128xi32, #tpu.memory_space<hbm>> -> memref<1x1x1x16x128xi32, #tpu.memory_space<hbm>>
          %dma_wait3A_241 = tpu.memref_squeeze %dma_wait3A_240 : memref<1x1x1x16x128xi32, #tpu.memory_space<hbm>> -> memref<16x128xi32, #tpu.memory_space<hbm>>
          %dma_wait3A_242 = arith.constant 0 : i32
          %dma_wait3A_243 = tpu.memref_slice %arg7[%mul3A_237, %dma_wait3A_242] : memref<160x128xi32, #tpu.memory_space<vmem>> -> memref<16x128xi32, #tpu.memory_space<vmem>>
          %dma_wait3A_244 = arith.constant 0 : i32
          %dma_wait3A_245 = tpu.memref_slice %arg3[%arg0, %arg1, %add3A_193, %mul3A_235, %dma_wait3A_244] : memref<2x16x8x160x128xi32, #tpu.memory_space<hbm>> -> memref<1x1x1x16x128xi32, #tpu.memory_space<hbm>>
          %dma_wait3A_246 = tpu.memref_squeeze %dma_wait3A_245 : memref<1x1x1x16x128xi32, #tpu.memory_space<hbm>> -> memref<16x128xi32, #tpu.memory_space<hbm>>
          tpu.wait_dma2 semaphore(%arg15 : memref<!tpu.dma_semaphore, #tpu.memory_space<semaphore_mem>>) src(%dma_wait3A_246 : memref<16x128xi32, #tpu.memory_space<hbm>>) dst(%dma_wait3A_243 : memref<16x128xi32, #tpu.memory_space<vmem>>)
          %mul3A_247 = arith.constant 16 : i32
          %mul3A_248 = arith.muli %while3A_232, %mul3A_247 : i32
          %mul3A_249 = arith.constant 16 : i32
          %mul3A_250 = arith.muli %while3A_232, %mul3A_249 : i32
          %dma_wait3A_251 = arith.constant 0 : i32
          %dma_wait3A_252 = tpu.memref_slice %arg8[%mul3A_250, %dma_wait3A_251] : memref<160x128xi32, #tpu.memory_space<vmem>> -> memref<16x128xi32, #tpu.memory_space<vmem>>
          %dma_wait3A_253 = arith.constant 0 : i32
          %dma_wait3A_254 = tpu.memref_slice %arg4[%arg0, %arg1, %add3A_193, %mul3A_248, %dma_wait3A_253] : memref<2x16x8x160x128xi32, #tpu.memory_space<hbm>> -> memref<1x1x1x16x128xi32, #tpu.memory_space<hbm>>
          %dma_wait3A_255 = tpu.memref_squeeze %dma_wait3A_254 : memref<1x1x1x16x128xi32, #tpu.memory_space<hbm>> -> memref<16x128xi32, #tpu.memory_space<hbm>>
          %dma_wait3A_256 = arith.constant 0 : i32
          %dma_wait3A_257 = tpu.memref_slice %arg8[%mul3A_250, %dma_wait3A_256] : memref<160x128xi32, #tpu.memory_space<vmem>> -> memref<16x128xi32, #tpu.memory_space<vmem>>
          %dma_wait3A_258 = arith.constant 0 : i32
          %dma_wait3A_259 = tpu.memref_slice %arg4[%arg0, %arg1, %add3A_193, %mul3A_248, %dma_wait3A_258] : memref<2x16x8x160x128xi32, #tpu.memory_space<hbm>> -> memref<1x1x1x16x128xi32, #tpu.memory_space<hbm>>
          %dma_wait3A_260 = tpu.memref_squeeze %dma_wait3A_259 : memref<1x1x1x16x128xi32, #tpu.memory_space<hbm>> -> memref<16x128xi32, #tpu.memory_space<hbm>>
          tpu.wait_dma2 semaphore(%arg15 : memref<!tpu.dma_semaphore, #tpu.memory_space<semaphore_mem>>) src(%dma_wait3A_260 : memref<16x128xi32, #tpu.memory_space<hbm>>) dst(%dma_wait3A_257 : memref<16x128xi32, #tpu.memory_space<vmem>>)
          %while3A_261 = arith.constant 0 : i32
          scf.yield %while3A_261 : i32
        }
        %while3A_230 = arith.constant 1 : i32
        %while3A_231 = scf.for %while3A_232 = %while3A_227 to %while3A_223 step %while3A_230 iter_args(%while3A_233 = %while3A_229) -> (i32)  : i32 {
          %mul3A_234 = arith.constant 16 : i32
          %mul3A_235 = arith.muli %while3A_232, %mul3A_234 : i32
          %mul3A_236 = arith.constant 16 : i32
          %mul3A_237 = arith.muli %while3A_232, %mul3A_236 : i32
          %dma_wait3A = arith.constant 0 : i32
          %dma_wait3A_238 = tpu.memref_slice %arg7[%mul3A_237, %dma_wait3A] : memref<160x128xi32, #tpu.memory_space<vmem>> -> memref<16x128xi32, #tpu.memory_space<vmem>>
          %dma_wait3A_239 = arith.constant 0 : i32
          %dma_wait3A_240 = tpu.memref_slice %arg3[%arg0, %arg1, %add3A_193, %mul3A_235, %dma_wait3A_239] : memref<2x16x8x160x128xi32, #tpu.memory_space<hbm>> -> memref<1x1x1x16x128xi32, #tpu.memory_space<hbm>>
          %dma_wait3A_241 = tpu.memref_squeeze %dma_wait3A_240 : memref<1x1x1x16x128xi32, #tpu.memory_space<hbm>> -> memref<16x128xi32, #tpu.memory_space<hbm>>
          %dma_wait3A_242 = arith.constant 0 : i32
          %dma_wait3A_243 = tpu.memref_slice %arg7[%mul3A_237, %dma_wait3A_242] : memref<160x128xi32, #tpu.memory_space<vmem>> -> memref<16x128xi32, #tpu.memory_space<vmem>>
          %dma_wait3A_244 = arith.constant 0 : i32
          %dma_wait3A_245 = tpu.memref_slice %arg3[%arg0, %arg1, %add3A_193, %mul3A_235, %dma_wait3A_244] : memref<2x16x8x160x128xi32, #tpu.memory_space<hbm>> -> memref<1x1x1x16x128xi32, #tpu.memory_space<hbm>>
          %dma_wait3A_246 = tpu.memref_squeeze %dma_wait3A_245 : memref<1x1x1x16x128xi32, #tpu.memory_space<hbm>> -> memref<16x128xi32, #tpu.memory_space<hbm>>
          tpu.wait_dma2 semaphore(%arg15 : memref<!tpu.dma_semaphore, #tpu.memory_space<semaphore_mem>>) src(%dma_wait3A_246 : memref<16x128xi32, #tpu.memory_space<hbm>>) dst(%dma_wait3A_243 : memref<16x128xi32, #tpu.memory_space<vmem>>)
          %mul3A_247 = arith.constant 16 : i32
          %mul3A_248 = arith.muli %while3A_232, %mul3A_247 : i32
          %mul3A_249 = arith.constant 16 : i32
          %mul3A_250 = arith.muli %while3A_232, %mul3A_249 : i32
          %dma_wait3A_251 = arith.constant 0 : i32
          %dma_wait3A_252 = tpu.memref_slice %arg8[%mul3A_250, %dma_wait3A_251] : memref<160x128xi32, #tpu.memory_space<vmem>> -> memref<16x128xi32, #tpu.memory_space<vmem>>
          %dma_wait3A_253 = arith.constant 0 : i32
          %dma_wait3A_254 = tpu.memref_slice %arg4[%arg0, %arg1, %add3A_193, %mul3A_248, %dma_wait3A_253] : memref<2x16x8x160x128xi32, #tpu.memory_space<hbm>> -> memref<1x1x1x16x128xi32, #tpu.memory_space<hbm>>
          %dma_wait3A_255 = tpu.memref_squeeze %dma_wait3A_254 : memref<1x1x1x16x128xi32, #tpu.memory_space<hbm>> -> memref<16x128xi32, #tpu.memory_space<hbm>>
          %dma_wait3A_256 = arith.constant 0 : i32
          %dma_wait3A_257 = tpu.memref_slice %arg8[%mul3A_250, %dma_wait3A_256] : memref<160x128xi32, #tpu.memory_space<vmem>> -> memref<16x128xi32, #tpu.memory_space<vmem>>
          %dma_wait3A_258 = arith.constant 0 : i32
          %dma_wait3A_259 = tpu.memref_slice %arg4[%arg0, %arg1, %add3A_193, %mul3A_248, %dma_wait3A_258] : memref<2x16x8x160x128xi32, #tpu.memory_space<hbm>> -> memref<1x1x1x16x128xi32, #tpu.memory_space<hbm>>
          %dma_wait3A_260 = tpu.memref_squeeze %dma_wait3A_259 : memref<1x1x1x16x128xi32, #tpu.memory_space<hbm>> -> memref<16x128xi32, #tpu.memory_space<hbm>>
          tpu.wait_dma2 semaphore(%arg15 : memref<!tpu.dma_semaphore, #tpu.memory_space<semaphore_mem>>) src(%dma_wait3A_260 : memref<16x128xi32, #tpu.memory_space<hbm>>) dst(%dma_wait3A_257 : memref<16x128xi32, #tpu.memory_space<vmem>>)
          %while3A_261 = arith.constant 0 : i32
          scf.yield %while3A_261 : i32
        }
      } else {
      }
      scf.yield %cond3A_117 : i32
    }
    %scan3A_49 = arith.constant 8 : i32
    return
  }
}

#map = affine_map<(d0, d1) -> (0, 0)>
#map1 = affine_map<(d0, d1) -> (0, 0, 0, 0, 0)>
#map2 = affine_map<(d0, d1) -> (0, 0, 0, 0)>
#map3 = affine_map<(d0, d1) -> (0, 0, 0)>
module attributes {stable_mosaic.version = 14 : i64} {
  func.func @body(%arg0: i32, %arg1: i32, %arg2: memref<10000x128xf32, #tpu.memory_space<hbm>>, %arg3: memref<2x16x8x160x128xi32, #tpu.memory_space<hbm>>, %arg4: memref<2x16x8x160x128xi32, #tpu.memory_space<hbm>>, %arg5: memref<2x16x8x16xi32, #tpu.memory_space<hbm>>, %arg6: memref<8x10000x128xf32, #tpu.memory_space<hbm>>, %arg7: memref<160x128xi32, #tpu.memory_space<vmem>>, %arg8: memref<160x128xi32, #tpu.memory_space<vmem>>, %arg9: memref<16xi32, #tpu.memory_space<vmem>>, %arg10: memref<128x128xf32, #tpu.memory_space<vmem>>, %arg11: memref<128x128xf32, #tpu.memory_space<vmem>>, %arg12: memref<64x128xf32, #tpu.memory_space<vmem>>, %arg13: memref<!tpu.dma_semaphore, #tpu.memory_space<semaphore_mem>>, %arg14: memref<!tpu.dma_semaphore, #tpu.memory_space<semaphore_mem>>, %arg15: memref<!tpu.dma_semaphore, #tpu.memory_space<semaphore_mem>>, %arg16: memref<5248x128xf32, #tpu.memory_space<vmem_shared>>) attributes {dimension_semantics = [#tpu.dimension_semantics<core_parallel>, #tpu.dimension_semantics<subcore_parallel>], iteration_bounds = array<i64: 2, 16>, scalar_prefetch = 0 : i64, scratch_operands = 10 : i64, tpu.core_type = #tpu.core_type<sc_vector_subcore>, window_params = [{transform_indices = #map}, {transform_indices = #map1}, {transform_indices = #map1}, {transform_indices = #map2}, {transform_indices = #map3}]} {
    %broadcast_in_dim3A = arith.constant 0.000000e+00 : f32
    %broadcast_in_dim3A_0 = vector.broadcast %broadcast_in_dim3A : f32 to vector<16xf32>
    %iota3A = tpu.iota {dimensions = array<i32: 0>} : vector<16xi32>
    %scan3A = arith.constant 0 : i32
    %scan3A_1 = arith.constant 0 : i32
    %scan3A_2 = arith.constant 512 : i32
    %scan3A_3 = arith.addi %scan3A_1, %scan3A_2 : i32
    %scan3A_4 = arith.constant 1 : i32
    %scan3A_5 = scf.for %scan3A_50 = %scan3A_1 to %scan3A_3 step %scan3A_4 iter_args(%scan3A_51 = %scan3A) -> (i32)  : i32 {
      %shift_right_arithmetic3A = arith.constant 3 : i32
      %shift_right_arithmetic3A_52 = arith.shrsi %scan3A_50, %shift_right_arithmetic3A : i32
      %and3A_53 = arith.constant 7 : i32
      %and3A_54 = arith.andi %scan3A_50, %and3A_53 : i32
      %mul3A = arith.constant 16 : i32
      %mul3A_55 = arith.muli %and3A_54, %mul3A : i32
      %swap3A = arith.index_cast %shift_right_arithmetic3A_52 : i32 to index
      %swap3A_56 = arith.index_cast %mul3A_55 : i32 to index
      %swap3A_57 = tpu.vector_load %arg12[%swap3A, %swap3A_56] {strides = array<i32>} : memref<64x128xf32, #tpu.memory_space<vmem>>, vector<16xf32>,
      tpu.vector_store %arg12[%swap3A, %swap3A_56], %broadcast_in_dim3A_0 {strides = array<i32>} : memref<64x128xf32, #tpu.memory_space<vmem>>, vector<16xf32>,
      %scan3A_58 = arith.constant 0 : i32
      scf.yield %scan3A_58 : i32
    }
    %scan3A_6 = arith.constant 512 : i32
    %run_scoped3A = arith.constant 0 : i32
    "tpu.region"() ({
      %run_scoped3A_50 = tpu.sem_alloc : memref<!tpu.dma_semaphore, #tpu.memory_space<semaphore_mem>>
      %dma_start3A = arith.constant 0 : i32
      %dma_start3A_51 = tpu.memref_slice %arg5[%arg0, %arg1, %run_scoped3A, %dma_start3A] : memref<2x16x8x16xi32, #tpu.memory_space<hbm>> -> memref<1x1x1x16xi32, #tpu.memory_space<hbm>>
      %dma_start3A_52 = tpu.memref_squeeze %dma_start3A_51 : memref<1x1x1x16xi32, #tpu.memory_space<hbm>> -> memref<16xi32, #tpu.memory_space<hbm>>
      %dma_start3A_53 = arith.constant 0 : i32
      %dma_start3A_54 = tpu.memref_slice %arg5[%arg0, %arg1, %run_scoped3A, %dma_start3A_53] : memref<2x16x8x16xi32, #tpu.memory_space<hbm>> -> memref<1x1x1x16xi32, #tpu.memory_space<hbm>>
      %dma_start3A_55 = tpu.memref_squeeze %dma_start3A_54 : memref<1x1x1x16xi32, #tpu.memory_space<hbm>> -> memref<16xi32, #tpu.memory_space<hbm>>
      tpu.enqueue_dma source(%dma_start3A_55 : memref<16xi32, #tpu.memory_space<hbm>>) target(%arg9 : memref<16xi32, #tpu.memory_space<vmem>>) target_semaphore(%run_scoped3A_50 : memref<!tpu.dma_semaphore, #tpu.memory_space<semaphore_mem>>)
      %dma_wait3A = arith.constant 0 : i32
      %dma_wait3A_56 = tpu.memref_slice %arg5[%arg0, %arg1, %run_scoped3A, %dma_wait3A] : memref<2x16x8x16xi32, #tpu.memory_space<hbm>> -> memref<1x1x1x16xi32, #tpu.memory_space<hbm>>
      %dma_wait3A_57 = tpu.memref_squeeze %dma_wait3A_56 : memref<1x1x1x16xi32, #tpu.memory_space<hbm>> -> memref<16xi32, #tpu.memory_space<hbm>>
      %dma_wait3A_58 = arith.constant 0 : i32
      %dma_wait3A_59 = tpu.memref_slice %arg5[%arg0, %arg1, %run_scoped3A, %dma_wait3A_58] : memref<2x16x8x16xi32, #tpu.memory_space<hbm>> -> memref<1x1x1x16xi32, #tpu.memory_space<hbm>>
      %dma_wait3A_60 = tpu.memref_squeeze %dma_wait3A_59 : memref<1x1x1x16xi32, #tpu.memory_space<hbm>> -> memref<16xi32, #tpu.memory_space<hbm>>
      tpu.wait_dma2 semaphore(%run_scoped3A_50 : memref<!tpu.dma_semaphore, #tpu.memory_space<semaphore_mem>>) src(%dma_wait3A_60 : memref<16xi32, #tpu.memory_space<hbm>>) dst(%arg9 : memref<16xi32, #tpu.memory_space<vmem>>)
      tpu.yield
    }) : () -> ()
    %get3A = arith.constant 0 : index
    %get3A_7 = tpu.vector_load %arg9[%get3A] {strides = array<i32>} : memref<16xi32, #tpu.memory_space<vmem>>, vector<16xi32>,
    %eq3A = arith.constant 0 : i32
    %eq3A_8 = vector.broadcast %eq3A : i32 to vector<16xi32>
    %eq3A_9 = arith.cmpi eq, %iota3A, %eq3A_8 : vector<16xi32>
    %jit3A = arith.constant 0 : i32
    %broadcast_in_dim3A_10 = vector.broadcast %jit3A : i32 to vector<16xi32>
    %select_n3A = arith.select %eq3A_9, %get3A_7, %broadcast_in_dim3A_10 : vector<16xi1>, vector<16xi32>
    %reduce_sum3A = arith.constant true
    %reduce_sum3A_11 = vector.broadcast %reduce_sum3A : i1 to vector<16xi1>
    %reduce_sum3A_12 = tpu.scan <sum>, %select_n3A masked %reduce_sum3A_11 : vector<16xi32>, vector<16xi1> -> vector<16xi32>
    %reduce_sum3A_13 = vector.extract %reduce_sum3A_12[15] : i32 from vector<16xi32>
    %add3A = arith.constant 15 : i32
    %add3A_14 = arith.addi %reduce_sum3A_13, %add3A : i32
    %jit3A_15 = arith.constant 16 : i32
    %div3A = arith.divsi %add3A_14, %jit3A_15 : i32
    %sign3A = arith.constant 0 : i32
    %sign3A_16 = arith.cmpi sgt, %add3A_14, %sign3A : i32
    %sign3A_17 = arith.extui %sign3A_16 : i1 to i32
    %sign3A_18 = arith.constant 0 : i32
    %sign3A_19 = arith.cmpi slt, %add3A_14, %sign3A_18 : i32
    %sign3A_20 = arith.extui %sign3A_19 : i1 to i32
    %sign3A_21 = arith.subi %sign3A_17, %sign3A_20 : i32
    %sign3A_22 = arith.constant 0 : i32
    %sign3A_23 = arith.cmpi sgt, %jit3A_15, %sign3A_22 : i32
    %sign3A_24 = arith.extui %sign3A_23 : i1 to i32
    %sign3A_25 = arith.constant 0 : i32
    %sign3A_26 = arith.cmpi slt, %jit3A_15, %sign3A_25 : i32
    %sign3A_27 = arith.extui %sign3A_26 : i1 to i32
    %sign3A_28 = arith.subi %sign3A_24, %sign3A_27 : i32
    %ne3A = arith.cmpi ne, %sign3A_21, %sign3A_28 : i32
    %rem3A = arith.remsi %add3A_14, %jit3A_15 : i32
    %ne3A_29 = arith.constant 0 : i32
    %ne3A_30 = arith.cmpi ne, %rem3A, %ne3A_29 : i32
    %and3A = arith.andi %ne3A, %ne3A_30 : i1
    %sub3A = arith.constant 1 : i32
    %sub3A_31 = arith.subi %div3A, %sub3A : i32
    %select_n3A_32 = arith.select %and3A, %sub3A_31, %div3A : i32
    %while3A = arith.constant 0 : i32
    %while3A_33 = arith.constant 0 : i32
    %while3A_34 = arith.subi %select_n3A_32, %while3A : i32
    %while3A_35 = arith.addi %while3A, %while3A_34 : i32
    %while3A_36 = arith.constant 1 : i32
    %while3A_37 = arith.divsi %while3A_34, %while3A_36 : i32
    %while3A_38 = arith.muli %while3A_37, %while3A_36 : i32
    %while3A_39 = arith.addi %while3A, %while3A_38 : i32
    %while3A_40 = arith.constant 1 : i32
    %while3A_41 = scf.for %while3A_50 = %while3A to %while3A_39 step %while3A_40 iter_args(%while3A_51 = %while3A_33) -> (i32)  : i32 {
      %mul3A = arith.constant 16 : i32
      %mul3A_52 = arith.muli %while3A_50, %mul3A : i32
      %mul3A_53 = arith.constant 16 : i32
      %mul3A_54 = arith.muli %while3A_50, %mul3A_53 : i32
      %dma_start3A = arith.constant 0 : i32
      %dma_start3A_55 = arith.constant 0 : i32
      %dma_start3A_56 = tpu.memref_slice %arg7[%mul3A_54, %dma_start3A_55] : memref<160x128xi32, #tpu.memory_space<vmem>> -> memref<16x128xi32, #tpu.memory_space<vmem>>
      %dma_start3A_57 = arith.constant 0 : i32
      %dma_start3A_58 = tpu.memref_slice %arg3[%arg0, %arg1, %dma_start3A, %mul3A_52, %dma_start3A_57] : memref<2x16x8x160x128xi32, #tpu.memory_space<hbm>> -> memref<1x1x1x16x128xi32, #tpu.memory_space<hbm>>
      %dma_start3A_59 = tpu.memref_squeeze %dma_start3A_58 : memref<1x1x1x16x128xi32, #tpu.memory_space<hbm>> -> memref<16x128xi32, #tpu.memory_space<hbm>>
      %dma_start3A_60 = arith.constant 0 : i32
      %dma_start3A_61 = tpu.memref_slice %arg7[%mul3A_54, %dma_start3A_60] : memref<160x128xi32, #tpu.memory_space<vmem>> -> memref<16x128xi32, #tpu.memory_space<vmem>>
      %dma_start3A_62 = arith.constant 0 : i32
      %dma_start3A_63 = tpu.memref_slice %arg3[%arg0, %arg1, %dma_start3A, %mul3A_52, %dma_start3A_62] : memref<2x16x8x160x128xi32, #tpu.memory_space<hbm>> -> memref<1x1x1x16x128xi32, #tpu.memory_space<hbm>>
      %dma_start3A_64 = tpu.memref_squeeze %dma_start3A_63 : memref<1x1x1x16x128xi32, #tpu.memory_space<hbm>> -> memref<16x128xi32, #tpu.memory_space<hbm>>
      tpu.enqueue_dma source(%dma_start3A_64 : memref<16x128xi32, #tpu.memory_space<hbm>>) target(%dma_start3A_61 : memref<16x128xi32, #tpu.memory_space<vmem>>) target_semaphore(%arg15 : memref<!tpu.dma_semaphore, #tpu.memory_space<semaphore_mem>>)
      %mul3A_65 = arith.constant 16 : i32
      %mul3A_66 = arith.muli %while3A_50, %mul3A_65 : i32
      %mul3A_67 = arith.constant 16 : i32
      %mul3A_68 = arith.muli %while3A_50, %mul3A_67 : i32
      %dma_start3A_69 = arith.constant 0 : i32
      %dma_start3A_70 = arith.constant 0 : i32
      %dma_start3A_71 = tpu.memref_slice %arg8[%mul3A_68, %dma_start3A_70] : memref<160x128xi32, #tpu.memory_space<vmem>> -> memref<16x128xi32, #tpu.memory_space<vmem>>
      %dma_start3A_72 = arith.constant 0 : i32
      %dma_start3A_73 = tpu.memref_slice %arg4[%arg0, %arg1, %dma_start3A_69, %mul3A_66, %dma_start3A_72] : memref<2x16x8x160x128xi32, #tpu.memory_space<hbm>> -> memref<1x1x1x16x128xi32, #tpu.memory_space<hbm>>
      %dma_start3A_74 = tpu.memref_squeeze %dma_start3A_73 : memref<1x1x1x16x128xi32, #tpu.memory_space<hbm>> -> memref<16x128xi32, #tpu.memory_space<hbm>>
      %dma_start3A_75 = arith.constant 0 : i32
      %dma_start3A_76 = tpu.memref_slice %arg8[%mul3A_68, %dma_start3A_75] : memref<160x128xi32, #tpu.memory_space<vmem>> -> memref<16x128xi32, #tpu.memory_space<vmem>>
      %dma_start3A_77 = arith.constant 0 : i32
      %dma_start3A_78 = tpu.memref_slice %arg4[%arg0, %arg1, %dma_start3A_69, %mul3A_66, %dma_start3A_77] : memref<2x16x8x160x128xi32, #tpu.memory_space<hbm>> -> memref<1x1x1x16x128xi32, #tpu.memory_space<hbm>>
      %dma_start3A_79 = tpu.memref_squeeze %dma_start3A_78 : memref<1x1x1x16x128xi32, #tpu.memory_space<hbm>> -> memref<16x128xi32, #tpu.memory_space<hbm>>
      tpu.enqueue_dma source(%dma_start3A_79 : memref<16x128xi32, #tpu.memory_space<hbm>>) target(%dma_start3A_76 : memref<16x128xi32, #tpu.memory_space<vmem>>) target_semaphore(%arg15 : memref<!tpu.dma_semaphore, #tpu.memory_space<semaphore_mem>>)
      %dma_wait3A = arith.constant 0 : i32
      %dma_wait3A_80 = arith.constant 0 : i32
      %dma_wait3A_81 = tpu.memref_slice %arg7[%mul3A_54, %dma_wait3A_80] : memref<160x128xi32, #tpu.memory_space<vmem>> -> memref<16x128xi32, #tpu.memory_space<vmem>>
      %dma_wait3A_82 = arith.constant 0 : i32
      %dma_wait3A_83 = tpu.memref_slice %arg3[%arg0, %arg1, %dma_wait3A, %mul3A_52, %dma_wait3A_82] : memref<2x16x8x160x128xi32, #tpu.memory_space<hbm>> -> memref<1x1x1x16x128xi32, #tpu.memory_space<hbm>>
      %dma_wait3A_84 = tpu.memref_squeeze %dma_wait3A_83 : memref<1x1x1x16x128xi32, #tpu.memory_space<hbm>> -> memref<16x128xi32, #tpu.memory_space<hbm>>
      %dma_wait3A_85 = arith.constant 0 : i32
      %dma_wait3A_86 = tpu.memref_slice %arg7[%mul3A_54, %dma_wait3A_85] : memref<160x128xi32, #tpu.memory_space<vmem>> -> memref<16x128xi32, #tpu.memory_space<vmem>>
      %dma_wait3A_87 = arith.constant 0 : i32
      %dma_wait3A_88 = tpu.memref_slice %arg3[%arg0, %arg1, %dma_wait3A, %mul3A_52, %dma_wait3A_87] : memref<2x16x8x160x128xi32, #tpu.memory_space<hbm>> -> memref<1x1x1x16x128xi32, #tpu.memory_space<hbm>>
      %dma_wait3A_89 = tpu.memref_squeeze %dma_wait3A_88 : memref<1x1x1x16x128xi32, #tpu.memory_space<hbm>> -> memref<16x128xi32, #tpu.memory_space<hbm>>
      tpu.wait_dma2 semaphore(%arg15 : memref<!tpu.dma_semaphore, #tpu.memory_space<semaphore_mem>>) src(%dma_wait3A_89 : memref<16x128xi32, #tpu.memory_space<hbm>>) dst(%dma_wait3A_86 : memref<16x128xi32, #tpu.memory_space<vmem>>)
      %dma_wait3A_90 = arith.constant 0 : i32
      %dma_wait3A_91 = arith.constant 0 : i32
      %dma_wait3A_92 = tpu.memref_slice %arg8[%mul3A_68, %dma_wait3A_91] : memref<160x128xi32, #tpu.memory_space<vmem>> -> memref<16x128xi32, #tpu.memory_space<vmem>>
      %dma_wait3A_93 = arith.constant 0 : i32
      %dma_wait3A_94 = tpu.memref_slice %arg4[%arg0, %arg1, %dma_wait3A_90, %mul3A_66, %dma_wait3A_93] : memref<2x16x8x160x128xi32, #tpu.memory_space<hbm>> -> memref<1x1x1x16x128xi32, #tpu.memory_space<hbm>>
      %dma_wait3A_95 = tpu.memref_squeeze %dma_wait3A_94 : memref<1x1x1x16x128xi32, #tpu.memory_space<hbm>> -> memref<16x128xi32, #tpu.memory_space<hbm>>
      %dma_wait3A_96 = arith.constant 0 : i32
      %dma_wait3A_97 = tpu.memref_slice %arg8[%mul3A_68, %dma_wait3A_96] : memref<160x128xi32, #tpu.memory_space<vmem>> -> memref<16x128xi32, #tpu.memory_space<vmem>>
      %dma_wait3A_98 = arith.constant 0 : i32
      %dma_wait3A_99 = tpu.memref_slice %arg4[%arg0, %arg1, %dma_wait3A_90, %mul3A_66, %dma_wait3A_98] : memref<2x16x8x160x128xi32, #tpu.memory_space<hbm>> -> memref<1x1x1x16x128xi32, #tpu.memory_space<hbm>>
      %dma_wait3A_100 = tpu.memref_squeeze %dma_wait3A_99 : memref<1x1x1x16x128xi32, #tpu.memory_space<hbm>> -> memref<16x128xi32, #tpu.memory_space<hbm>>
      tpu.wait_dma2 semaphore(%arg15 : memref<!tpu.dma_semaphore, #tpu.memory_space<semaphore_mem>>) src(%dma_wait3A_100 : memref<16x128xi32, #tpu.memory_space<hbm>>) dst(%dma_wait3A_97 : memref<16x128xi32, #tpu.memory_space<vmem>>)
      %while3A_101 = arith.constant 0 : i32
      scf.yield %while3A_101 : i32
    }
    %while3A_42 = arith.constant 1 : i32
    %while3A_43 = scf.for %while3A_50 = %while3A_39 to %while3A_35 step %while3A_42 iter_args(%while3A_51 = %while3A_41) -> (i32)  : i32 {
      %mul3A = arith.constant 16 : i32
      %mul3A_52 = arith.muli %while3A_50, %mul3A : i32
      %mul3A_53 = arith.constant 16 : i32
      %mul3A_54 = arith.muli %while3A_50, %mul3A_53 : i32
      %dma_start3A = arith.constant 0 : i32
      %dma_start3A_55 = arith.constant 0 : i32
      %dma_start3A_56 = tpu.memref_slice %arg7[%mul3A_54, %dma_start3A_55] : memref<160x128xi32, #tpu.memory_space<vmem>> -> memref<16x128xi32, #tpu.memory_space<vmem>>
      %dma_start3A_57 = arith.constant 0 : i32
      %dma_start3A_58 = tpu.memref_slice %arg3[%arg0, %arg1, %dma_start3A, %mul3A_52, %dma_start3A_57] : memref<2x16x8x160x128xi32, #tpu.memory_space<hbm>> -> memref<1x1x1x16x128xi32, #tpu.memory_space<hbm>>
      %dma_start3A_59 = tpu.memref_squeeze %dma_start3A_58 : memref<1x1x1x16x128xi32, #tpu.memory_space<hbm>> -> memref<16x128xi32, #tpu.memory_space<hbm>>
      %dma_start3A_60 = arith.constant 0 : i32
      %dma_start3A_61 = tpu.memref_slice %arg7[%mul3A_54, %dma_start3A_60] : memref<160x128xi32, #tpu.memory_space<vmem>> -> memref<16x128xi32, #tpu.memory_space<vmem>>
      %dma_start3A_62 = arith.constant 0 : i32
      %dma_start3A_63 = tpu.memref_slice %arg3[%arg0, %arg1, %dma_start3A, %mul3A_52, %dma_start3A_62] : memref<2x16x8x160x128xi32, #tpu.memory_space<hbm>> -> memref<1x1x1x16x128xi32, #tpu.memory_space<hbm>>
      %dma_start3A_64 = tpu.memref_squeeze %dma_start3A_63 : memref<1x1x1x16x128xi32, #tpu.memory_space<hbm>> -> memref<16x128xi32, #tpu.memory_space<hbm>>
      tpu.enqueue_dma source(%dma_start3A_64 : memref<16x128xi32, #tpu.memory_space<hbm>>) target(%dma_start3A_61 : memref<16x128xi32, #tpu.memory_space<vmem>>) target_semaphore(%arg15 : memref<!tpu.dma_semaphore, #tpu.memory_space<semaphore_mem>>)
      %mul3A_65 = arith.constant 16 : i32
      %mul3A_66 = arith.muli %while3A_50, %mul3A_65 : i32
      %mul3A_67 = arith.constant 16 : i32
      %mul3A_68 = arith.muli %while3A_50, %mul3A_67 : i32
      %dma_start3A_69 = arith.constant 0 : i32
      %dma_start3A_70 = arith.constant 0 : i32
      %dma_start3A_71 = tpu.memref_slice %arg8[%mul3A_68, %dma_start3A_70] : memref<160x128xi32, #tpu.memory_space<vmem>> -> memref<16x128xi32, #tpu.memory_space<vmem>>
      %dma_start3A_72 = arith.constant 0 : i32
      %dma_start3A_73 = tpu.memref_slice %arg4[%arg0, %arg1, %dma_start3A_69, %mul3A_66, %dma_start3A_72] : memref<2x16x8x160x128xi32, #tpu.memory_space<hbm>> -> memref<1x1x1x16x128xi32, #tpu.memory_space<hbm>>
      %dma_start3A_74 = tpu.memref_squeeze %dma_start3A_73 : memref<1x1x1x16x128xi32, #tpu.memory_space<hbm>> -> memref<16x128xi32, #tpu.memory_space<hbm>>
      %dma_start3A_75 = arith.constant 0 : i32
      %dma_start3A_76 = tpu.memref_slice %arg8[%mul3A_68, %dma_start3A_75] : memref<160x128xi32, #tpu.memory_space<vmem>> -> memref<16x128xi32, #tpu.memory_space<vmem>>
      %dma_start3A_77 = arith.constant 0 : i32
      %dma_start3A_78 = tpu.memref_slice %arg4[%arg0, %arg1, %dma_start3A_69, %mul3A_66, %dma_start3A_77] : memref<2x16x8x160x128xi32, #tpu.memory_space<hbm>> -> memref<1x1x1x16x128xi32, #tpu.memory_space<hbm>>
      %dma_start3A_79 = tpu.memref_squeeze %dma_start3A_78 : memref<1x1x1x16x128xi32, #tpu.memory_space<hbm>> -> memref<16x128xi32, #tpu.memory_space<hbm>>
      tpu.enqueue_dma source(%dma_start3A_79 : memref<16x128xi32, #tpu.memory_space<hbm>>) target(%dma_start3A_76 : memref<16x128xi32, #tpu.memory_space<vmem>>) target_semaphore(%arg15 : memref<!tpu.dma_semaphore, #tpu.memory_space<semaphore_mem>>)
      %dma_wait3A = arith.constant 0 : i32
      %dma_wait3A_80 = arith.constant 0 : i32
      %dma_wait3A_81 = tpu.memref_slice %arg7[%mul3A_54, %dma_wait3A_80] : memref<160x128xi32, #tpu.memory_space<vmem>> -> memref<16x128xi32, #tpu.memory_space<vmem>>
      %dma_wait3A_82 = arith.constant 0 : i32
      %dma_wait3A_83 = tpu.memref_slice %arg3[%arg0, %arg1, %dma_wait3A, %mul3A_52, %dma_wait3A_82] : memref<2x16x8x160x128xi32, #tpu.memory_space<hbm>> -> memref<1x1x1x16x128xi32, #tpu.memory_space<hbm>>
      %dma_wait3A_84 = tpu.memref_squeeze %dma_wait3A_83 : memref<1x1x1x16x128xi32, #tpu.memory_space<hbm>> -> memref<16x128xi32, #tpu.memory_space<hbm>>
      %dma_wait3A_85 = arith.constant 0 : i32
      %dma_wait3A_86 = tpu.memref_slice %arg7[%mul3A_54, %dma_wait3A_85] : memref<160x128xi32, #tpu.memory_space<vmem>> -> memref<16x128xi32, #tpu.memory_space<vmem>>
      %dma_wait3A_87 = arith.constant 0 : i32
      %dma_wait3A_88 = tpu.memref_slice %arg3[%arg0, %arg1, %dma_wait3A, %mul3A_52, %dma_wait3A_87] : memref<2x16x8x160x128xi32, #tpu.memory_space<hbm>> -> memref<1x1x1x16x128xi32, #tpu.memory_space<hbm>>
      %dma_wait3A_89 = tpu.memref_squeeze %dma_wait3A_88 : memref<1x1x1x16x128xi32, #tpu.memory_space<hbm>> -> memref<16x128xi32, #tpu.memory_space<hbm>>
      tpu.wait_dma2 semaphore(%arg15 : memref<!tpu.dma_semaphore, #tpu.memory_space<semaphore_mem>>) src(%dma_wait3A_89 : memref<16x128xi32, #tpu.memory_space<hbm>>) dst(%dma_wait3A_86 : memref<16x128xi32, #tpu.memory_space<vmem>>)
      %dma_wait3A_90 = arith.constant 0 : i32
      %dma_wait3A_91 = arith.constant 0 : i32
      %dma_wait3A_92 = tpu.memref_slice %arg8[%mul3A_68, %dma_wait3A_91] : memref<160x128xi32, #tpu.memory_space<vmem>> -> memref<16x128xi32, #tpu.memory_space<vmem>>
      %dma_wait3A_93 = arith.constant 0 : i32
      %dma_wait3A_94 = tpu.memref_slice %arg4[%arg0, %arg1, %dma_wait3A_90, %mul3A_66, %dma_wait3A_93] : memref<2x16x8x160x128xi32, #tpu.memory_space<hbm>> -> memref<1x1x1x16x128xi32, #tpu.memory_space<hbm>>
      %dma_wait3A_95 = tpu.memref_squeeze %dma_wait3A_94 : memref<1x1x1x16x128xi32, #tpu.memory_space<hbm>> -> memref<16x128xi32, #tpu.memory_space<hbm>>
      %dma_wait3A_96 = arith.constant 0 : i32
      %dma_wait3A_97 = tpu.memref_slice %arg8[%mul3A_68, %dma_wait3A_96] : memref<160x128xi32, #tpu.memory_space<vmem>> -> memref<16x128xi32, #tpu.memory_space<vmem>>
      %dma_wait3A_98 = arith.constant 0 : i32
      %dma_wait3A_99 = tpu.memref_slice %arg4[%arg0, %arg1, %dma_wait3A_90, %mul3A_66, %dma_wait3A_98] : memref<2x16x8x160x128xi32, #tpu.memory_space<hbm>> -> memref<1x1x1x16x128xi32, #tpu.memory_space<hbm>>
      %dma_wait3A_100 = tpu.memref_squeeze %dma_wait3A_99 : memref<1x1x1x16x128xi32, #tpu.memory_space<hbm>> -> memref<16x128xi32, #tpu.memory_space<hbm>>
      tpu.wait_dma2 semaphore(%arg15 : memref<!tpu.dma_semaphore, #tpu.memory_space<semaphore_mem>>) src(%dma_wait3A_100 : memref<16x128xi32, #tpu.memory_space<hbm>>) dst(%dma_wait3A_97 : memref<16x128xi32, #tpu.memory_space<vmem>>)
      %while3A_101 = arith.constant 0 : i32
      scf.yield %while3A_101 : i32
    }
    %scan3A_44 = arith.constant 0 : i32
    %scan3A_45 = arith.constant 8 : i32
    %scan3A_46 = arith.addi %scan3A_44, %scan3A_45 : i32
    %scan3A_47 = arith.constant 1 : i32
    %scan3A_48 = scf.for %scan3A_50 = %scan3A_44 to %scan3A_46 step %scan3A_47 iter_args(%scan3A_51 = %reduce_sum3A_13) -> (i32)  : i32 {
      %mul3A = arith.constant 8 : i32
      %mul3A_52 = arith.muli %arg0, %mul3A : i32
      %add3A_53 = arith.addi %mul3A_52, %scan3A_50 : i32
      %mul3A_54 = arith.constant 640 : i32
      %mul3A_55 = arith.muli %add3A_53, %mul3A_54 : i32
      %mul3A_56 = arith.constant 328 : i32
      %mul3A_57 = arith.muli %arg1, %mul3A_56 : i32
      %multiple_of3A = tpu.assume_multiple %mul3A_57, 8 : i32
      %add3A_58 = arith.constant 0 : i32
      %add3A_59 = arith.addi %multiple_of3A, %add3A_58 : i32
      "tpu.region"() ({
        %run_scoped3A_192 = tpu.sem_alloc : memref<!tpu.dma_semaphore, #tpu.memory_space<semaphore_mem>>
        %dma_start3A = arith.constant 0 : i32
        %dma_start3A_193 = tpu.memref_slice %arg16[%add3A_59, %dma_start3A] : memref<5248x128xf32, #tpu.memory_space<vmem_shared>> -> memref<64x128xf32, #tpu.memory_space<vmem_shared>>
        %dma_start3A_194 = arith.constant 0 : i32
        %dma_start3A_195 = tpu.memref_slice %arg16[%add3A_59, %dma_start3A_194] : memref<5248x128xf32, #tpu.memory_space<vmem_shared>> -> memref<64x128xf32, #tpu.memory_space<vmem_shared>>
        tpu.enqueue_dma source(%arg12 : memref<64x128xf32, #tpu.memory_space<vmem>>) target(%dma_start3A_195 : memref<64x128xf32, #tpu.memory_space<vmem_shared>>) target_semaphore(%run_scoped3A_192 : memref<!tpu.dma_semaphore, #tpu.memory_space<semaphore_mem>>)
        %dma_wait3A = arith.constant 0 : i32
        %dma_wait3A_196 = tpu.memref_slice %arg16[%add3A_59, %dma_wait3A] : memref<5248x128xf32, #tpu.memory_space<vmem_shared>> -> memref<64x128xf32, #tpu.memory_space<vmem_shared>>
        %dma_wait3A_197 = arith.constant 0 : i32
        %dma_wait3A_198 = tpu.memref_slice %arg16[%add3A_59, %dma_wait3A_197] : memref<5248x128xf32, #tpu.memory_space<vmem_shared>> -> memref<64x128xf32, #tpu.memory_space<vmem_shared>>
        tpu.wait_dma2 semaphore(%run_scoped3A_192 : memref<!tpu.dma_semaphore, #tpu.memory_space<semaphore_mem>>) src(%arg12 : memref<64x128xf32, #tpu.memory_space<vmem>>) dst(%dma_wait3A_198 : memref<64x128xf32, #tpu.memory_space<vmem_shared>>)
        tpu.yield
      }) : () -> ()
      %add3A_60 = arith.constant 64 : i32
      %add3A_61 = arith.addi %multiple_of3A, %add3A_60 : i32
      "tpu.region"() ({
        %run_scoped3A_192 = tpu.sem_alloc : memref<!tpu.dma_semaphore, #tpu.memory_space<semaphore_mem>>
        %dma_start3A = arith.constant 0 : i32
        %dma_start3A_193 = tpu.memref_slice %arg16[%add3A_61, %dma_start3A] : memref<5248x128xf32, #tpu.memory_space<vmem_shared>> -> memref<64x128xf32, #tpu.memory_space<vmem_shared>>
        %dma_start3A_194 = arith.constant 0 : i32
        %dma_start3A_195 = tpu.memref_slice %arg16[%add3A_61, %dma_start3A_194] : memref<5248x128xf32, #tpu.memory_space<vmem_shared>> -> memref<64x128xf32, #tpu.memory_space<vmem_shared>>
        tpu.enqueue_dma source(%arg12 : memref<64x128xf32, #tpu.memory_space<vmem>>) target(%dma_start3A_195 : memref<64x128xf32, #tpu.memory_space<vmem_shared>>) target_semaphore(%run_scoped3A_192 : memref<!tpu.dma_semaphore, #tpu.memory_space<semaphore_mem>>)
        %dma_wait3A = arith.constant 0 : i32
        %dma_wait3A_196 = tpu.memref_slice %arg16[%add3A_61, %dma_wait3A] : memref<5248x128xf32, #tpu.memory_space<vmem_shared>> -> memref<64x128xf32, #tpu.memory_space<vmem_shared>>
        %dma_wait3A_197 = arith.constant 0 : i32
        %dma_wait3A_198 = tpu.memref_slice %arg16[%add3A_61, %dma_wait3A_197] : memref<5248x128xf32, #tpu.memory_space<vmem_shared>> -> memref<64x128xf32, #tpu.memory_space<vmem_shared>>
        tpu.wait_dma2 semaphore(%run_scoped3A_192 : memref<!tpu.dma_semaphore, #tpu.memory_space<semaphore_mem>>) src(%arg12 : memref<64x128xf32, #tpu.memory_space<vmem>>) dst(%dma_wait3A_198 : memref<64x128xf32, #tpu.memory_space<vmem_shared>>)
        tpu.yield
      }) : () -> ()
      %add3A_62 = arith.constant 128 : i32
      %add3A_63 = arith.addi %multiple_of3A, %add3A_62 : i32
      "tpu.region"() ({
        %run_scoped3A_192 = tpu.sem_alloc : memref<!tpu.dma_semaphore, #tpu.memory_space<semaphore_mem>>
        %dma_start3A = arith.constant 0 : i32
        %dma_start3A_193 = tpu.memref_slice %arg16[%add3A_63, %dma_start3A] : memref<5248x128xf32, #tpu.memory_space<vmem_shared>> -> memref<64x128xf32, #tpu.memory_space<vmem_shared>>
        %dma_start3A_194 = arith.constant 0 : i32
        %dma_start3A_195 = tpu.memref_slice %arg16[%add3A_63, %dma_start3A_194] : memref<5248x128xf32, #tpu.memory_space<vmem_shared>> -> memref<64x128xf32, #tpu.memory_space<vmem_shared>>
        tpu.enqueue_dma source(%arg12 : memref<64x128xf32, #tpu.memory_space<vmem>>) target(%dma_start3A_195 : memref<64x128xf32, #tpu.memory_space<vmem_shared>>) target_semaphore(%run_scoped3A_192 : memref<!tpu.dma_semaphore, #tpu.memory_space<semaphore_mem>>)
        %dma_wait3A = arith.constant 0 : i32
        %dma_wait3A_196 = tpu.memref_slice %arg16[%add3A_63, %dma_wait3A] : memref<5248x128xf32, #tpu.memory_space<vmem_shared>> -> memref<64x128xf32, #tpu.memory_space<vmem_shared>>
        %dma_wait3A_197 = arith.constant 0 : i32
        %dma_wait3A_198 = tpu.memref_slice %arg16[%add3A_63, %dma_wait3A_197] : memref<5248x128xf32, #tpu.memory_space<vmem_shared>> -> memref<64x128xf32, #tpu.memory_space<vmem_shared>>
        tpu.wait_dma2 semaphore(%run_scoped3A_192 : memref<!tpu.dma_semaphore, #tpu.memory_space<semaphore_mem>>) src(%arg12 : memref<64x128xf32, #tpu.memory_space<vmem>>) dst(%dma_wait3A_198 : memref<64x128xf32, #tpu.memory_space<vmem_shared>>)
        tpu.yield
      }) : () -> ()
      %add3A_64 = arith.constant 192 : i32
      %add3A_65 = arith.addi %multiple_of3A, %add3A_64 : i32
      "tpu.region"() ({
        %run_scoped3A_192 = tpu.sem_alloc : memref<!tpu.dma_semaphore, #tpu.memory_space<semaphore_mem>>
        %dma_start3A = arith.constant 0 : i32
        %dma_start3A_193 = tpu.memref_slice %arg16[%add3A_65, %dma_start3A] : memref<5248x128xf32, #tpu.memory_space<vmem_shared>> -> memref<64x128xf32, #tpu.memory_space<vmem_shared>>
        %dma_start3A_194 = arith.constant 0 : i32
        %dma_start3A_195 = tpu.memref_slice %arg16[%add3A_65, %dma_start3A_194] : memref<5248x128xf32, #tpu.memory_space<vmem_shared>> -> memref<64x128xf32, #tpu.memory_space<vmem_shared>>
        tpu.enqueue_dma source(%arg12 : memref<64x128xf32, #tpu.memory_space<vmem>>) target(%dma_start3A_195 : memref<64x128xf32, #tpu.memory_space<vmem_shared>>) target_semaphore(%run_scoped3A_192 : memref<!tpu.dma_semaphore, #tpu.memory_space<semaphore_mem>>)
        %dma_wait3A = arith.constant 0 : i32
        %dma_wait3A_196 = tpu.memref_slice %arg16[%add3A_65, %dma_wait3A] : memref<5248x128xf32, #tpu.memory_space<vmem_shared>> -> memref<64x128xf32, #tpu.memory_space<vmem_shared>>
        %dma_wait3A_197 = arith.constant 0 : i32
        %dma_wait3A_198 = tpu.memref_slice %arg16[%add3A_65, %dma_wait3A_197] : memref<5248x128xf32, #tpu.memory_space<vmem_shared>> -> memref<64x128xf32, #tpu.memory_space<vmem_shared>>
        tpu.wait_dma2 semaphore(%run_scoped3A_192 : memref<!tpu.dma_semaphore, #tpu.memory_space<semaphore_mem>>) src(%arg12 : memref<64x128xf32, #tpu.memory_space<vmem>>) dst(%dma_wait3A_198 : memref<64x128xf32, #tpu.memory_space<vmem_shared>>)
        tpu.yield
      }) : () -> ()
      %add3A_66 = arith.constant 256 : i32
      %add3A_67 = arith.addi %multiple_of3A, %add3A_66 : i32
      "tpu.region"() ({
        %run_scoped3A_192 = tpu.sem_alloc : memref<!tpu.dma_semaphore, #tpu.memory_space<semaphore_mem>>
        %dma_start3A = arith.constant 0 : i32
        %dma_start3A_193 = tpu.memref_slice %arg16[%add3A_67, %dma_start3A] : memref<5248x128xf32, #tpu.memory_space<vmem_shared>> -> memref<64x128xf32, #tpu.memory_space<vmem_shared>>
        %dma_start3A_194 = arith.constant 0 : i32
        %dma_start3A_195 = tpu.memref_slice %arg16[%add3A_67, %dma_start3A_194] : memref<5248x128xf32, #tpu.memory_space<vmem_shared>> -> memref<64x128xf32, #tpu.memory_space<vmem_shared>>
        tpu.enqueue_dma source(%arg12 : memref<64x128xf32, #tpu.memory_space<vmem>>) target(%dma_start3A_195 : memref<64x128xf32, #tpu.memory_space<vmem_shared>>) target_semaphore(%run_scoped3A_192 : memref<!tpu.dma_semaphore, #tpu.memory_space<semaphore_mem>>)
        %dma_wait3A = arith.constant 0 : i32
        %dma_wait3A_196 = tpu.memref_slice %arg16[%add3A_67, %dma_wait3A] : memref<5248x128xf32, #tpu.memory_space<vmem_shared>> -> memref<64x128xf32, #tpu.memory_space<vmem_shared>>
        %dma_wait3A_197 = arith.constant 0 : i32
        %dma_wait3A_198 = tpu.memref_slice %arg16[%add3A_67, %dma_wait3A_197] : memref<5248x128xf32, #tpu.memory_space<vmem_shared>> -> memref<64x128xf32, #tpu.memory_space<vmem_shared>>
        tpu.wait_dma2 semaphore(%run_scoped3A_192 : memref<!tpu.dma_semaphore, #tpu.memory_space<semaphore_mem>>) src(%arg12 : memref<64x128xf32, #tpu.memory_space<vmem>>) dst(%dma_wait3A_198 : memref<64x128xf32, #tpu.memory_space<vmem_shared>>)
        tpu.yield
      }) : () -> ()
      %add3A_68 = arith.constant 320 : i32
      %add3A_69 = arith.addi %multiple_of3A, %add3A_68 : i32
      "tpu.region"() ({
        %run_scoped3A_192 = tpu.sem_alloc : memref<!tpu.dma_semaphore, #tpu.memory_space<semaphore_mem>>
        %dma_start3A = arith.constant 0 : i32
        %dma_start3A_193 = arith.constant 0 : i32
        %dma_start3A_194 = tpu.memref_slice %arg12[%dma_start3A, %dma_start3A_193] : memref<64x128xf32, #tpu.memory_space<vmem>> -> memref<8x128xf32, #tpu.memory_space<vmem>>
        %dma_start3A_195 = arith.constant 0 : i32
        %dma_start3A_196 = tpu.memref_slice %arg16[%add3A_69, %dma_start3A_195] : memref<5248x128xf32, #tpu.memory_space<vmem_shared>> -> memref<8x128xf32, #tpu.memory_space<vmem_shared>>
        %dma_start3A_197 = arith.constant 0 : i32
        %dma_start3A_198 = tpu.memref_slice %arg16[%add3A_69, %dma_start3A_197] : memref<5248x128xf32, #tpu.memory_space<vmem_shared>> -> memref<8x128xf32, #tpu.memory_space<vmem_shared>>
        %dma_start3A_199 = arith.constant 0 : i32
        %dma_start3A_200 = arith.constant 0 : i32
        %dma_start3A_201 = tpu.memref_slice %arg12[%dma_start3A_199, %dma_start3A_200] : memref<64x128xf32, #tpu.memory_space<vmem>> -> memref<8x128xf32, #tpu.memory_space<vmem>>
        tpu.enqueue_dma source(%dma_start3A_201 : memref<8x128xf32, #tpu.memory_space<vmem>>) target(%dma_start3A_198 : memref<8x128xf32, #tpu.memory_space<vmem_shared>>) target_semaphore(%run_scoped3A_192 : memref<!tpu.dma_semaphore, #tpu.memory_space<semaphore_mem>>)
        %dma_wait3A = arith.constant 0 : i32
        %dma_wait3A_202 = arith.constant 0 : i32
        %dma_wait3A_203 = tpu.memref_slice %arg12[%dma_wait3A, %dma_wait3A_202] : memref<64x128xf32, #tpu.memory_space<vmem>> -> memref<8x128xf32, #tpu.memory_space<vmem>>
        %dma_wait3A_204 = arith.constant 0 : i32
        %dma_wait3A_205 = tpu.memref_slice %arg16[%add3A_69, %dma_wait3A_204] : memref<5248x128xf32, #tpu.memory_space<vmem_shared>> -> memref<8x128xf32, #tpu.memory_space<vmem_shared>>
        %dma_wait3A_206 = arith.constant 0 : i32
        %dma_wait3A_207 = tpu.memref_slice %arg16[%add3A_69, %dma_wait3A_206] : memref<5248x128xf32, #tpu.memory_space<vmem_shared>> -> memref<8x128xf32, #tpu.memory_space<vmem_shared>>
        %dma_wait3A_208 = arith.constant 0 : i32
        %dma_wait3A_209 = arith.constant 0 : i32
        %dma_wait3A_210 = tpu.memref_slice %arg12[%dma_wait3A_208, %dma_wait3A_209] : memref<64x128xf32, #tpu.memory_space<vmem>> -> memref<8x128xf32, #tpu.memory_space<vmem>>
        tpu.wait_dma2 semaphore(%run_scoped3A_192 : memref<!tpu.dma_semaphore, #tpu.memory_space<semaphore_mem>>) src(%dma_wait3A_210 : memref<8x128xf32, #tpu.memory_space<vmem>>) dst(%dma_wait3A_207 : memref<8x128xf32, #tpu.memory_space<vmem_shared>>)
        tpu.yield
      }) : () -> ()
      %barrier3A = arith.constant 0 : index
      tpu.barrier barrier_id(%barrier3A)
      %gt3A = arith.constant 0 : i32
      %gt3A_70 = arith.cmpi sgt, %scan3A_51, %gt3A : i32
      %convert_element_type3A = arith.extui %gt3A_70 : i1 to i32
      %cond3A = arith.constant 0 : i32
      %cond3A_71 = arith.cmpi ne, %convert_element_type3A, %cond3A : i32
      scf.if %cond3A_71 {
        %dma_start3A = arith.constant 0 : i32
        %dma_start3A_192 = arith.constant 0 : i32
        %dma_start3A_193 = tpu.memref_slice %arg7[%dma_start3A, %dma_start3A_192] : memref<160x128xi32, #tpu.memory_space<vmem>> -> memref<1x128xi32, #tpu.memory_space<vmem>>
        %dma_start3A_194 = tpu.memref_squeeze %dma_start3A_193 : memref<1x128xi32, #tpu.memory_space<vmem>> -> memref<128xi32, #tpu.memory_space<vmem>>
        %dma_start3A_195 = arith.constant 0 : i32
        %dma_start3A_196 = arith.constant 0 : i32
        %dma_start3A_197 = tpu.memref_slice %arg2[%dma_start3A_195, %dma_start3A_196] : memref<10000x128xf32, #tpu.memory_space<hbm>> -> memref<10000x128xf32, #tpu.memory_space<hbm>>
        tpu.enqueue_indirect_dma source(%dma_start3A_197 : memref<10000x128xf32, #tpu.memory_space<hbm>>) target(%arg10 : memref<128x128xf32, #tpu.memory_space<vmem>>) offsets(%dma_start3A_194 : memref<128xi32, #tpu.memory_space<vmem>>) semaphore(%arg13 : memref<!tpu.dma_semaphore, #tpu.memory_space<semaphore_mem>>)
      } else {
      }
      %add3A_72 = arith.constant 1 : i32
      %add3A_73 = arith.addi %scan3A_51, %add3A_72 : i32
      %jit3A_74 = arith.constant 2 : i32
      %div3A_75 = arith.divsi %add3A_73, %jit3A_74 : i32
      %sign3A_76 = arith.constant 0 : i32
      %sign3A_77 = arith.cmpi sgt, %add3A_73, %sign3A_76 : i32
      %sign3A_78 = arith.extui %sign3A_77 : i1 to i32
      %sign3A_79 = arith.constant 0 : i32
      %sign3A_80 = arith.cmpi slt, %add3A_73, %sign3A_79 : i32
      %sign3A_81 = arith.extui %sign3A_80 : i1 to i32
      %sign3A_82 = arith.subi %sign3A_78, %sign3A_81 : i32
      %sign3A_83 = arith.constant 0 : i32
      %sign3A_84 = arith.cmpi sgt, %jit3A_74, %sign3A_83 : i32
      %sign3A_85 = arith.extui %sign3A_84 : i1 to i32
      %sign3A_86 = arith.constant 0 : i32
      %sign3A_87 = arith.cmpi slt, %jit3A_74, %sign3A_86 : i32
      %sign3A_88 = arith.extui %sign3A_87 : i1 to i32
      %sign3A_89 = arith.subi %sign3A_85, %sign3A_88 : i32
      %ne3A_90 = arith.cmpi ne, %sign3A_82, %sign3A_89 : i32
      %rem3A_91 = arith.remsi %add3A_73, %jit3A_74 : i32
      %ne3A_92 = arith.constant 0 : i32
      %ne3A_93 = arith.cmpi ne, %rem3A_91, %ne3A_92 : i32
      %and3A_94 = arith.andi %ne3A_90, %ne3A_93 : i1
      %sub3A_95 = arith.constant 1 : i32
      %sub3A_96 = arith.subi %div3A_75, %sub3A_95 : i32
      %select_n3A_97 = arith.select %and3A_94, %sub3A_96, %div3A_75 : i32
      %while3A_98 = arith.constant 0 : i32
      %while3A_99 = arith.constant 0 : i32
      %while3A_100 = arith.subi %select_n3A_97, %while3A_98 : i32
      %while3A_101 = arith.addi %while3A_98, %while3A_100 : i32
      %while3A_102 = arith.constant 1 : i32
      %while3A_103 = arith.divsi %while3A_100, %while3A_102 : i32
      %while3A_104 = arith.muli %while3A_103, %while3A_102 : i32
      %while3A_105 = arith.addi %while3A_98, %while3A_104 : i32
      %while3A_106 = arith.constant 1 : i32
      %while3A_107 = scf.for %while3A_192 = %while3A_98 to %while3A_105 step %while3A_106 iter_args(%while3A_193 = %while3A_99) -> (i32)  : i32 {
        %mul3A_194 = arith.constant 2 : i32
        %mul3A_195 = arith.muli %mul3A_194, %while3A_192 : i32
        %add3A_196 = arith.constant 1 : i32
        %add3A_197 = arith.addi %mul3A_195, %add3A_196 : i32
        %dma_wait3A = arith.constant 0 : i32
        %dma_wait3A_198 = tpu.memref_slice %arg7[%mul3A_195, %dma_wait3A] : memref<160x128xi32, #tpu.memory_space<vmem>> -> memref<1x128xi32, #tpu.memory_space<vmem>>
        %dma_wait3A_199 = tpu.memref_squeeze %dma_wait3A_198 : memref<1x128xi32, #tpu.memory_space<vmem>> -> memref<128xi32, #tpu.memory_space<vmem>>
        %dma_wait3A_200 = arith.constant 0 : i32
        %dma_wait3A_201 = arith.constant 0 : i32
        %dma_wait3A_202 = tpu.memref_slice %arg2[%dma_wait3A_200, %dma_wait3A_201] : memref<10000x128xf32, #tpu.memory_space<hbm>> -> memref<10000x128xf32, #tpu.memory_space<hbm>>
        tpu.wait_indirect_dma semaphore(%arg13 : memref<!tpu.dma_semaphore, #tpu.memory_space<semaphore_mem>>) src(%dma_wait3A_202 : memref<10000x128xf32, #tpu.memory_space<hbm>>) dst(%arg10 : memref<128x128xf32, #tpu.memory_space<vmem>>)
        %lt3A_203 = arith.cmpi slt, %add3A_197, %scan3A_51 : i32
        %convert_element_type3A_204 = arith.extui %lt3A_203 : i1 to i32
        %cond3A_205 = arith.constant 0 : i32
        %cond3A_206 = arith.cmpi ne, %convert_element_type3A_204, %cond3A_205 : i32
        scf.if %cond3A_206 {
          %dma_start3A = arith.constant 0 : i32
          %dma_start3A_212 = tpu.memref_slice %arg7[%add3A_197, %dma_start3A] : memref<160x128xi32, #tpu.memory_space<vmem>> -> memref<1x128xi32, #tpu.memory_space<vmem>>
          %dma_start3A_213 = tpu.memref_squeeze %dma_start3A_212 : memref<1x128xi32, #tpu.memory_space<vmem>> -> memref<128xi32, #tpu.memory_space<vmem>>
          %dma_start3A_214 = arith.constant 0 : i32
          %dma_start3A_215 = arith.constant 0 : i32
          %dma_start3A_216 = tpu.memref_slice %arg2[%dma_start3A_214, %dma_start3A_215] : memref<10000x128xf32, #tpu.memory_space<hbm>> -> memref<10000x128xf32, #tpu.memory_space<hbm>>
          tpu.enqueue_indirect_dma source(%dma_start3A_216 : memref<10000x128xf32, #tpu.memory_space<hbm>>) target(%arg11 : memref<128x128xf32, #tpu.memory_space<vmem>>) offsets(%dma_start3A_213 : memref<128xi32, #tpu.memory_space<vmem>>) semaphore(%arg14 : memref<!tpu.dma_semaphore, #tpu.memory_space<semaphore_mem>>)
        } else {
        }
        "tpu.region"() ({
          %run_scoped3A_212 = tpu.sem_alloc : memref<!tpu.dma_semaphore, #tpu.memory_space<semaphore_mem>>
          %dma_start3A = arith.constant 0 : i32
          %dma_start3A_213 = tpu.memref_slice %arg8[%mul3A_195, %dma_start3A] : memref<160x128xi32, #tpu.memory_space<vmem>> -> memref<1x128xi32, #tpu.memory_space<vmem>>
          %dma_start3A_214 = tpu.memref_squeeze %dma_start3A_213 : memref<1x128xi32, #tpu.memory_space<vmem>> -> memref<128xi32, #tpu.memory_space<vmem>>
          %dma_start3A_215 = arith.constant 0 : i32
          %dma_start3A_216 = arith.constant 0 : i32
          %dma_start3A_217 = tpu.memref_slice %arg16[%dma_start3A_215, %dma_start3A_216] : memref<5248x128xf32, #tpu.memory_space<vmem_shared>> -> memref<5248x128xf32, #tpu.memory_space<vmem_shared>>
          tpu.enqueue_indirect_dma source(%arg10 : memref<128x128xf32, #tpu.memory_space<vmem>>) target(%dma_start3A_217 : memref<5248x128xf32, #tpu.memory_space<vmem_shared>>) offsets(%dma_start3A_214 : memref<128xi32, #tpu.memory_space<vmem>>) semaphore(%run_scoped3A_212 : memref<!tpu.dma_semaphore, #tpu.memory_space<semaphore_mem>>) {add = true}
          %dma_wait3A_218 = arith.constant 0 : i32
          %dma_wait3A_219 = tpu.memref_slice %arg8[%mul3A_195, %dma_wait3A_218] : memref<160x128xi32, #tpu.memory_space<vmem>> -> memref<1x128xi32, #tpu.memory_space<vmem>>
          %dma_wait3A_220 = tpu.memref_squeeze %dma_wait3A_219 : memref<1x128xi32, #tpu.memory_space<vmem>> -> memref<128xi32, #tpu.memory_space<vmem>>
          %dma_wait3A_221 = arith.constant 0 : i32
          %dma_wait3A_222 = arith.constant 0 : i32
          %dma_wait3A_223 = tpu.memref_slice %arg16[%dma_wait3A_221, %dma_wait3A_222] : memref<5248x128xf32, #tpu.memory_space<vmem_shared>> -> memref<5248x128xf32, #tpu.memory_space<vmem_shared>>
          tpu.wait_indirect_dma semaphore(%run_scoped3A_212 : memref<!tpu.dma_semaphore, #tpu.memory_space<semaphore_mem>>) src(%arg10 : memref<128x128xf32, #tpu.memory_space<vmem>>) dst(%dma_wait3A_223 : memref<5248x128xf32, #tpu.memory_space<vmem_shared>>)
          tpu.yield
        }) : () -> ()
        %lt3A_207 = arith.cmpi slt, %add3A_197, %scan3A_51 : i32
        %convert_element_type3A_208 = arith.extui %lt3A_207 : i1 to i32
        %cond3A_209 = arith.constant 0 : i32
        %cond3A_210 = arith.cmpi ne, %convert_element_type3A_208, %cond3A_209 : i32
        scf.if %cond3A_210 {
          %dma_wait3A_212 = arith.constant 0 : i32
          %dma_wait3A_213 = tpu.memref_slice %arg7[%add3A_197, %dma_wait3A_212] : memref<160x128xi32, #tpu.memory_space<vmem>> -> memref<1x128xi32, #tpu.memory_space<vmem>>
          %dma_wait3A_214 = tpu.memref_squeeze %dma_wait3A_213 : memref<1x128xi32, #tpu.memory_space<vmem>> -> memref<128xi32, #tpu.memory_space<vmem>>
          %dma_wait3A_215 = arith.constant 0 : i32
          %dma_wait3A_216 = arith.constant 0 : i32
          %dma_wait3A_217 = tpu.memref_slice %arg2[%dma_wait3A_215, %dma_wait3A_216] : memref<10000x128xf32, #tpu.memory_space<hbm>> -> memref<10000x128xf32, #tpu.memory_space<hbm>>
          tpu.wait_indirect_dma semaphore(%arg14 : memref<!tpu.dma_semaphore, #tpu.memory_space<semaphore_mem>>) src(%dma_wait3A_217 : memref<10000x128xf32, #tpu.memory_space<hbm>>) dst(%arg11 : memref<128x128xf32, #tpu.memory_space<vmem>>)
          %add3A_218 = arith.constant 1 : i32
          %add3A_219 = arith.addi %add3A_197, %add3A_218 : i32
          %lt3A_220 = arith.cmpi slt, %add3A_219, %scan3A_51 : i32
          %convert_element_type3A_221 = arith.extui %lt3A_220 : i1 to i32
          %cond3A_222 = arith.constant 0 : i32
          %cond3A_223 = arith.cmpi ne, %convert_element_type3A_221, %cond3A_222 : i32
          scf.if %cond3A_223 {
            %add3A_224 = arith.constant 1 : i32
            %add3A_225 = arith.addi %add3A_197, %add3A_224 : i32
            %dma_start3A = arith.constant 0 : i32
            %dma_start3A_226 = tpu.memref_slice %arg7[%add3A_225, %dma_start3A] : memref<160x128xi32, #tpu.memory_space<vmem>> -> memref<1x128xi32, #tpu.memory_space<vmem>>
            %dma_start3A_227 = tpu.memref_squeeze %dma_start3A_226 : memref<1x128xi32, #tpu.memory_space<vmem>> -> memref<128xi32, #tpu.memory_space<vmem>>
            %dma_start3A_228 = arith.constant 0 : i32
            %dma_start3A_229 = arith.constant 0 : i32
            %dma_start3A_230 = tpu.memref_slice %arg2[%dma_start3A_228, %dma_start3A_229] : memref<10000x128xf32, #tpu.memory_space<hbm>> -> memref<10000x128xf32, #tpu.memory_space<hbm>>
            tpu.enqueue_indirect_dma source(%dma_start3A_230 : memref<10000x128xf32, #tpu.memory_space<hbm>>) target(%arg10 : memref<128x128xf32, #tpu.memory_space<vmem>>) offsets(%dma_start3A_227 : memref<128xi32, #tpu.memory_space<vmem>>) semaphore(%arg13 : memref<!tpu.dma_semaphore, #tpu.memory_space<semaphore_mem>>)
          } else {
          }
          "tpu.region"() ({
            %run_scoped3A_224 = tpu.sem_alloc : memref<!tpu.dma_semaphore, #tpu.memory_space<semaphore_mem>>
            %dma_start3A = arith.constant 0 : i32
            %dma_start3A_225 = tpu.memref_slice %arg8[%add3A_197, %dma_start3A] : memref<160x128xi32, #tpu.memory_space<vmem>> -> memref<1x128xi32, #tpu.memory_space<vmem>>
            %dma_start3A_226 = tpu.memref_squeeze %dma_start3A_225 : memref<1x128xi32, #tpu.memory_space<vmem>> -> memref<128xi32, #tpu.memory_space<vmem>>
            %dma_start3A_227 = arith.constant 0 : i32
            %dma_start3A_228 = arith.constant 0 : i32
            %dma_start3A_229 = tpu.memref_slice %arg16[%dma_start3A_227, %dma_start3A_228] : memref<5248x128xf32, #tpu.memory_space<vmem_shared>> -> memref<5248x128xf32, #tpu.memory_space<vmem_shared>>
            tpu.enqueue_indirect_dma source(%arg11 : memref<128x128xf32, #tpu.memory_space<vmem>>) target(%dma_start3A_229 : memref<5248x128xf32, #tpu.memory_space<vmem_shared>>) offsets(%dma_start3A_226 : memref<128xi32, #tpu.memory_space<vmem>>) semaphore(%run_scoped3A_224 : memref<!tpu.dma_semaphore, #tpu.memory_space<semaphore_mem>>) {add = true}
            %dma_wait3A_230 = arith.constant 0 : i32
            %dma_wait3A_231 = tpu.memref_slice %arg8[%add3A_197, %dma_wait3A_230] : memref<160x128xi32, #tpu.memory_space<vmem>> -> memref<1x128xi32, #tpu.memory_space<vmem>>
            %dma_wait3A_232 = tpu.memref_squeeze %dma_wait3A_231 : memref<1x128xi32, #tpu.memory_space<vmem>> -> memref<128xi32, #tpu.memory_space<vmem>>
            %dma_wait3A_233 = arith.constant 0 : i32
            %dma_wait3A_234 = arith.constant 0 : i32
            %dma_wait3A_235 = tpu.memref_slice %arg16[%dma_wait3A_233, %dma_wait3A_234] : memref<5248x128xf32, #tpu.memory_space<vmem_shared>> -> memref<5248x128xf32, #tpu.memory_space<vmem_shared>>
            tpu.wait_indirect_dma semaphore(%run_scoped3A_224 : memref<!tpu.dma_semaphore, #tpu.memory_space<semaphore_mem>>) src(%arg11 : memref<128x128xf32, #tpu.memory_space<vmem>>) dst(%dma_wait3A_235 : memref<5248x128xf32, #tpu.memory_space<vmem_shared>>)
            tpu.yield
          }) : () -> ()
        } else {
        }
        %while3A_211 = arith.constant 0 : i32
        scf.yield %while3A_211 : i32
      }
      %while3A_108 = arith.constant 1 : i32
      %while3A_109 = scf.for %while3A_192 = %while3A_105 to %while3A_101 step %while3A_108 iter_args(%while3A_193 = %while3A_107) -> (i32)  : i32 {
        %mul3A_194 = arith.constant 2 : i32
        %mul3A_195 = arith.muli %mul3A_194, %while3A_192 : i32
        %add3A_196 = arith.constant 1 : i32
        %add3A_197 = arith.addi %mul3A_195, %add3A_196 : i32
        %dma_wait3A = arith.constant 0 : i32
        %dma_wait3A_198 = tpu.memref_slice %arg7[%mul3A_195, %dma_wait3A] : memref<160x128xi32, #tpu.memory_space<vmem>> -> memref<1x128xi32, #tpu.memory_space<vmem>>
        %dma_wait3A_199 = tpu.memref_squeeze %dma_wait3A_198 : memref<1x128xi32, #tpu.memory_space<vmem>> -> memref<128xi32, #tpu.memory_space<vmem>>
        %dma_wait3A_200 = arith.constant 0 : i32
        %dma_wait3A_201 = arith.constant 0 : i32
        %dma_wait3A_202 = tpu.memref_slice %arg2[%dma_wait3A_200, %dma_wait3A_201] : memref<10000x128xf32, #tpu.memory_space<hbm>> -> memref<10000x128xf32, #tpu.memory_space<hbm>>
        tpu.wait_indirect_dma semaphore(%arg13 : memref<!tpu.dma_semaphore, #tpu.memory_space<semaphore_mem>>) src(%dma_wait3A_202 : memref<10000x128xf32, #tpu.memory_space<hbm>>) dst(%arg10 : memref<128x128xf32, #tpu.memory_space<vmem>>)
        %lt3A_203 = arith.cmpi slt, %add3A_197, %scan3A_51 : i32
        %convert_element_type3A_204 = arith.extui %lt3A_203 : i1 to i32
        %cond3A_205 = arith.constant 0 : i32
        %cond3A_206 = arith.cmpi ne, %convert_element_type3A_204, %cond3A_205 : i32
        scf.if %cond3A_206 {
          %dma_start3A = arith.constant 0 : i32
          %dma_start3A_212 = tpu.memref_slice %arg7[%add3A_197, %dma_start3A] : memref<160x128xi32, #tpu.memory_space<vmem>> -> memref<1x128xi32, #tpu.memory_space<vmem>>
          %dma_start3A_213 = tpu.memref_squeeze %dma_start3A_212 : memref<1x128xi32, #tpu.memory_space<vmem>> -> memref<128xi32, #tpu.memory_space<vmem>>
          %dma_start3A_214 = arith.constant 0 : i32
          %dma_start3A_215 = arith.constant 0 : i32
          %dma_start3A_216 = tpu.memref_slice %arg2[%dma_start3A_214, %dma_start3A_215] : memref<10000x128xf32, #tpu.memory_space<hbm>> -> memref<10000x128xf32, #tpu.memory_space<hbm>>
          tpu.enqueue_indirect_dma source(%dma_start3A_216 : memref<10000x128xf32, #tpu.memory_space<hbm>>) target(%arg11 : memref<128x128xf32, #tpu.memory_space<vmem>>) offsets(%dma_start3A_213 : memref<128xi32, #tpu.memory_space<vmem>>) semaphore(%arg14 : memref<!tpu.dma_semaphore, #tpu.memory_space<semaphore_mem>>)
        } else {
        }
        "tpu.region"() ({
          %run_scoped3A_212 = tpu.sem_alloc : memref<!tpu.dma_semaphore, #tpu.memory_space<semaphore_mem>>
          %dma_start3A = arith.constant 0 : i32
          %dma_start3A_213 = tpu.memref_slice %arg8[%mul3A_195, %dma_start3A] : memref<160x128xi32, #tpu.memory_space<vmem>> -> memref<1x128xi32, #tpu.memory_space<vmem>>
          %dma_start3A_214 = tpu.memref_squeeze %dma_start3A_213 : memref<1x128xi32, #tpu.memory_space<vmem>> -> memref<128xi32, #tpu.memory_space<vmem>>
          %dma_start3A_215 = arith.constant 0 : i32
          %dma_start3A_216 = arith.constant 0 : i32
          %dma_start3A_217 = tpu.memref_slice %arg16[%dma_start3A_215, %dma_start3A_216] : memref<5248x128xf32, #tpu.memory_space<vmem_shared>> -> memref<5248x128xf32, #tpu.memory_space<vmem_shared>>
          tpu.enqueue_indirect_dma source(%arg10 : memref<128x128xf32, #tpu.memory_space<vmem>>) target(%dma_start3A_217 : memref<5248x128xf32, #tpu.memory_space<vmem_shared>>) offsets(%dma_start3A_214 : memref<128xi32, #tpu.memory_space<vmem>>) semaphore(%run_scoped3A_212 : memref<!tpu.dma_semaphore, #tpu.memory_space<semaphore_mem>>) {add = true}
          %dma_wait3A_218 = arith.constant 0 : i32
          %dma_wait3A_219 = tpu.memref_slice %arg8[%mul3A_195, %dma_wait3A_218] : memref<160x128xi32, #tpu.memory_space<vmem>> -> memref<1x128xi32, #tpu.memory_space<vmem>>
          %dma_wait3A_220 = tpu.memref_squeeze %dma_wait3A_219 : memref<1x128xi32, #tpu.memory_space<vmem>> -> memref<128xi32, #tpu.memory_space<vmem>>
          %dma_wait3A_221 = arith.constant 0 : i32
          %dma_wait3A_222 = arith.constant 0 : i32
          %dma_wait3A_223 = tpu.memref_slice %arg16[%dma_wait3A_221, %dma_wait3A_222] : memref<5248x128xf32, #tpu.memory_space<vmem_shared>> -> memref<5248x128xf32, #tpu.memory_space<vmem_shared>>
          tpu.wait_indirect_dma semaphore(%run_scoped3A_212 : memref<!tpu.dma_semaphore, #tpu.memory_space<semaphore_mem>>) src(%arg10 : memref<128x128xf32, #tpu.memory_space<vmem>>) dst(%dma_wait3A_223 : memref<5248x128xf32, #tpu.memory_space<vmem_shared>>)
          tpu.yield
        }) : () -> ()
        %lt3A_207 = arith.cmpi slt, %add3A_197, %scan3A_51 : i32
        %convert_element_type3A_208 = arith.extui %lt3A_207 : i1 to i32
        %cond3A_209 = arith.constant 0 : i32
        %cond3A_210 = arith.cmpi ne, %convert_element_type3A_208, %cond3A_209 : i32
        scf.if %cond3A_210 {
          %dma_wait3A_212 = arith.constant 0 : i32
          %dma_wait3A_213 = tpu.memref_slice %arg7[%add3A_197, %dma_wait3A_212] : memref<160x128xi32, #tpu.memory_space<vmem>> -> memref<1x128xi32, #tpu.memory_space<vmem>>
          %dma_wait3A_214 = tpu.memref_squeeze %dma_wait3A_213 : memref<1x128xi32, #tpu.memory_space<vmem>> -> memref<128xi32, #tpu.memory_space<vmem>>
          %dma_wait3A_215 = arith.constant 0 : i32
          %dma_wait3A_216 = arith.constant 0 : i32
          %dma_wait3A_217 = tpu.memref_slice %arg2[%dma_wait3A_215, %dma_wait3A_216] : memref<10000x128xf32, #tpu.memory_space<hbm>> -> memref<10000x128xf32, #tpu.memory_space<hbm>>
          tpu.wait_indirect_dma semaphore(%arg14 : memref<!tpu.dma_semaphore, #tpu.memory_space<semaphore_mem>>) src(%dma_wait3A_217 : memref<10000x128xf32, #tpu.memory_space<hbm>>) dst(%arg11 : memref<128x128xf32, #tpu.memory_space<vmem>>)
          %add3A_218 = arith.constant 1 : i32
          %add3A_219 = arith.addi %add3A_197, %add3A_218 : i32
          %lt3A_220 = arith.cmpi slt, %add3A_219, %scan3A_51 : i32
          %convert_element_type3A_221 = arith.extui %lt3A_220 : i1 to i32
          %cond3A_222 = arith.constant 0 : i32
          %cond3A_223 = arith.cmpi ne, %convert_element_type3A_221, %cond3A_222 : i32
          scf.if %cond3A_223 {
            %add3A_224 = arith.constant 1 : i32
            %add3A_225 = arith.addi %add3A_197, %add3A_224 : i32
            %dma_start3A = arith.constant 0 : i32
            %dma_start3A_226 = tpu.memref_slice %arg7[%add3A_225, %dma_start3A] : memref<160x128xi32, #tpu.memory_space<vmem>> -> memref<1x128xi32, #tpu.memory_space<vmem>>
            %dma_start3A_227 = tpu.memref_squeeze %dma_start3A_226 : memref<1x128xi32, #tpu.memory_space<vmem>> -> memref<128xi32, #tpu.memory_space<vmem>>
            %dma_start3A_228 = arith.constant 0 : i32
            %dma_start3A_229 = arith.constant 0 : i32
            %dma_start3A_230 = tpu.memref_slice %arg2[%dma_start3A_228, %dma_start3A_229] : memref<10000x128xf32, #tpu.memory_space<hbm>> -> memref<10000x128xf32, #tpu.memory_space<hbm>>
            tpu.enqueue_indirect_dma source(%dma_start3A_230 : memref<10000x128xf32, #tpu.memory_space<hbm>>) target(%arg10 : memref<128x128xf32, #tpu.memory_space<vmem>>) offsets(%dma_start3A_227 : memref<128xi32, #tpu.memory_space<vmem>>) semaphore(%arg13 : memref<!tpu.dma_semaphore, #tpu.memory_space<semaphore_mem>>)
          } else {
          }
          "tpu.region"() ({
            %run_scoped3A_224 = tpu.sem_alloc : memref<!tpu.dma_semaphore, #tpu.memory_space<semaphore_mem>>
            %dma_start3A = arith.constant 0 : i32
            %dma_start3A_225 = tpu.memref_slice %arg8[%add3A_197, %dma_start3A] : memref<160x128xi32, #tpu.memory_space<vmem>> -> memref<1x128xi32, #tpu.memory_space<vmem>>
            %dma_start3A_226 = tpu.memref_squeeze %dma_start3A_225 : memref<1x128xi32, #tpu.memory_space<vmem>> -> memref<128xi32, #tpu.memory_space<vmem>>
            %dma_start3A_227 = arith.constant 0 : i32
            %dma_start3A_228 = arith.constant 0 : i32
            %dma_start3A_229 = tpu.memref_slice %arg16[%dma_start3A_227, %dma_start3A_228] : memref<5248x128xf32, #tpu.memory_space<vmem_shared>> -> memref<5248x128xf32, #tpu.memory_space<vmem_shared>>
            tpu.enqueue_indirect_dma source(%arg11 : memref<128x128xf32, #tpu.memory_space<vmem>>) target(%dma_start3A_229 : memref<5248x128xf32, #tpu.memory_space<vmem_shared>>) offsets(%dma_start3A_226 : memref<128xi32, #tpu.memory_space<vmem>>) semaphore(%run_scoped3A_224 : memref<!tpu.dma_semaphore, #tpu.memory_space<semaphore_mem>>) {add = true}
            %dma_wait3A_230 = arith.constant 0 : i32
            %dma_wait3A_231 = tpu.memref_slice %arg8[%add3A_197, %dma_wait3A_230] : memref<160x128xi32, #tpu.memory_space<vmem>> -> memref<1x128xi32, #tpu.memory_space<vmem>>
            %dma_wait3A_232 = tpu.memref_squeeze %dma_wait3A_231 : memref<1x128xi32, #tpu.memory_space<vmem>> -> memref<128xi32, #tpu.memory_space<vmem>>
            %dma_wait3A_233 = arith.constant 0 : i32
            %dma_wait3A_234 = arith.constant 0 : i32
            %dma_wait3A_235 = tpu.memref_slice %arg16[%dma_wait3A_233, %dma_wait3A_234] : memref<5248x128xf32, #tpu.memory_space<vmem_shared>> -> memref<5248x128xf32, #tpu.memory_space<vmem_shared>>
            tpu.wait_indirect_dma semaphore(%run_scoped3A_224 : memref<!tpu.dma_semaphore, #tpu.memory_space<semaphore_mem>>) src(%arg11 : memref<128x128xf32, #tpu.memory_space<vmem>>) dst(%dma_wait3A_235 : memref<5248x128xf32, #tpu.memory_space<vmem_shared>>)
            tpu.yield
          }) : () -> ()
        } else {
        }
        %while3A_211 = arith.constant 0 : i32
        scf.yield %while3A_211 : i32
      }
      %barrier3A_110 = arith.constant 0 : index
      tpu.barrier barrier_id(%barrier3A_110)
      %add3A_111 = arith.constant 1 : i32
      %add3A_112 = arith.addi %scan3A_50, %add3A_111 : i32
      %lt3A = arith.constant 8 : i32
      %lt3A_113 = arith.cmpi slt, %add3A_112, %lt3A : i32
      %convert_element_type3A_114 = arith.extui %lt3A_113 : i1 to i32
      %cond3A_115 = arith.constant 0 : i32
      %cond3A_116 = arith.cmpi ne, %convert_element_type3A_114, %cond3A_115 : i32
      %cond3A_117 = scf.if %cond3A_116 -> (i32) {
        %add3A_192 = arith.constant 1 : i32
        %add3A_193 = arith.addi %scan3A_50, %add3A_192 : i32
        "tpu.region"() ({
          %run_scoped3A_244 = tpu.sem_alloc : memref<!tpu.dma_semaphore, #tpu.memory_space<semaphore_mem>>
          %dma_start3A = arith.constant 0 : i32
          %dma_start3A_245 = tpu.memref_slice %arg5[%arg0, %arg1, %add3A_193, %dma_start3A] : memref<2x16x8x16xi32, #tpu.memory_space<hbm>> -> memref<1x1x1x16xi32, #tpu.memory_space<hbm>>
          %dma_start3A_246 = tpu.memref_squeeze %dma_start3A_245 : memref<1x1x1x16xi32, #tpu.memory_space<hbm>> -> memref<16xi32, #tpu.memory_space<hbm>>
          %dma_start3A_247 = arith.constant 0 : i32
          %dma_start3A_248 = tpu.memref_slice %arg5[%arg0, %arg1, %add3A_193, %dma_start3A_247] : memref<2x16x8x16xi32, #tpu.memory_space<hbm>> -> memref<1x1x1x16xi32, #tpu.memory_space<hbm>>
          %dma_start3A_249 = tpu.memref_squeeze %dma_start3A_248 : memref<1x1x1x16xi32, #tpu.memory_space<hbm>> -> memref<16xi32, #tpu.memory_space<hbm>>
          tpu.enqueue_dma source(%dma_start3A_249 : memref<16xi32, #tpu.memory_space<hbm>>) target(%arg9 : memref<16xi32, #tpu.memory_space<vmem>>) target_semaphore(%run_scoped3A_244 : memref<!tpu.dma_semaphore, #tpu.memory_space<semaphore_mem>>)
          %dma_wait3A = arith.constant 0 : i32
          %dma_wait3A_250 = tpu.memref_slice %arg5[%arg0, %arg1, %add3A_193, %dma_wait3A] : memref<2x16x8x16xi32, #tpu.memory_space<hbm>> -> memref<1x1x1x16xi32, #tpu.memory_space<hbm>>
          %dma_wait3A_251 = tpu.memref_squeeze %dma_wait3A_250 : memref<1x1x1x16xi32, #tpu.memory_space<hbm>> -> memref<16xi32, #tpu.memory_space<hbm>>
          %dma_wait3A_252 = arith.constant 0 : i32
          %dma_wait3A_253 = tpu.memref_slice %arg5[%arg0, %arg1, %add3A_193, %dma_wait3A_252] : memref<2x16x8x16xi32, #tpu.memory_space<hbm>> -> memref<1x1x1x16xi32, #tpu.memory_space<hbm>>
          %dma_wait3A_254 = tpu.memref_squeeze %dma_wait3A_253 : memref<1x1x1x16xi32, #tpu.memory_space<hbm>> -> memref<16xi32, #tpu.memory_space<hbm>>
          tpu.wait_dma2 semaphore(%run_scoped3A_244 : memref<!tpu.dma_semaphore, #tpu.memory_space<semaphore_mem>>) src(%dma_wait3A_254 : memref<16xi32, #tpu.memory_space<hbm>>) dst(%arg9 : memref<16xi32, #tpu.memory_space<vmem>>)
          tpu.yield
        }) : () -> ()
        %get3A_194 = arith.constant 0 : index
        %get3A_195 = tpu.vector_load %arg9[%get3A_194] {strides = array<i32>} : memref<16xi32, #tpu.memory_space<vmem>>, vector<16xi32>,
        %eq3A_196 = arith.constant 0 : i32
        %eq3A_197 = vector.broadcast %eq3A_196 : i32 to vector<16xi32>
        %eq3A_198 = arith.cmpi eq, %iota3A, %eq3A_197 : vector<16xi32>
        %jit3A_199 = arith.constant 0 : i32
        %broadcast_in_dim3A_200 = vector.broadcast %jit3A_199 : i32 to vector<16xi32>
        %select_n3A_201 = arith.select %eq3A_198, %get3A_195, %broadcast_in_dim3A_200 : vector<16xi1>, vector<16xi32>
        %reduce_sum3A_202 = arith.constant true
        %reduce_sum3A_203 = vector.broadcast %reduce_sum3A_202 : i1 to vector<16xi1>
        %reduce_sum3A_204 = tpu.scan <sum>, %select_n3A_201 masked %reduce_sum3A_203 : vector<16xi32>, vector<16xi1> -> vector<16xi32>
        %reduce_sum3A_205 = vector.extract %reduce_sum3A_204[15] : i32 from vector<16xi32>
        %add3A_206 = arith.constant 15 : i32
        %add3A_207 = arith.addi %reduce_sum3A_205, %add3A_206 : i32
        %jit3A_208 = arith.constant 16 : i32
        %div3A_209 = arith.divsi %add3A_207, %jit3A_208 : i32
        %sign3A_210 = arith.constant 0 : i32
        %sign3A_211 = arith.cmpi sgt, %add3A_207, %sign3A_210 : i32
        %sign3A_212 = arith.extui %sign3A_211 : i1 to i32
        %sign3A_213 = arith.constant 0 : i32
        %sign3A_214 = arith.cmpi slt, %add3A_207, %sign3A_213 : i32
        %sign3A_215 = arith.extui %sign3A_214 : i1 to i32
        %sign3A_216 = arith.subi %sign3A_212, %sign3A_215 : i32
        %sign3A_217 = arith.constant 0 : i32
        %sign3A_218 = arith.cmpi sgt, %jit3A_208, %sign3A_217 : i32
        %sign3A_219 = arith.extui %sign3A_218 : i1 to i32
        %sign3A_220 = arith.constant 0 : i32
        %sign3A_221 = arith.cmpi slt, %jit3A_208, %sign3A_220 : i32
        %sign3A_222 = arith.extui %sign3A_221 : i1 to i32
        %sign3A_223 = arith.subi %sign3A_219, %sign3A_222 : i32
        %ne3A_224 = arith.cmpi ne, %sign3A_216, %sign3A_223 : i32
        %rem3A_225 = arith.remsi %add3A_207, %jit3A_208 : i32
        %ne3A_226 = arith.constant 0 : i32
        %ne3A_227 = arith.cmpi ne, %rem3A_225, %ne3A_226 : i32
        %and3A_228 = arith.andi %ne3A_224, %ne3A_227 : i1
        %sub3A_229 = arith.constant 1 : i32
        %sub3A_230 = arith.subi %div3A_209, %sub3A_229 : i32
        %select_n3A_231 = arith.select %and3A_228, %sub3A_230, %div3A_209 : i32
        %while3A_232 = arith.constant 0 : i32
        %while3A_233 = arith.constant 0 : i32
        %while3A_234 = arith.subi %select_n3A_231, %while3A_232 : i32
        %while3A_235 = arith.addi %while3A_232, %while3A_234 : i32
        %while3A_236 = arith.constant 1 : i32
        %while3A_237 = arith.divsi %while3A_234, %while3A_236 : i32
        %while3A_238 = arith.muli %while3A_237, %while3A_236 : i32
        %while3A_239 = arith.addi %while3A_232, %while3A_238 : i32
        %while3A_240 = arith.constant 1 : i32
        %while3A_241 = scf.for %while3A_244 = %while3A_232 to %while3A_239 step %while3A_240 iter_args(%while3A_245 = %while3A_233) -> (i32)  : i32 {
          %mul3A_246 = arith.constant 16 : i32
          %mul3A_247 = arith.muli %while3A_244, %mul3A_246 : i32
          %mul3A_248 = arith.constant 16 : i32
          %mul3A_249 = arith.muli %while3A_244, %mul3A_248 : i32
          %dma_start3A = arith.constant 0 : i32
          %dma_start3A_250 = tpu.memref_slice %arg7[%mul3A_249, %dma_start3A] : memref<160x128xi32, #tpu.memory_space<vmem>> -> memref<16x128xi32, #tpu.memory_space<vmem>>
          %dma_start3A_251 = arith.constant 0 : i32
          %dma_start3A_252 = tpu.memref_slice %arg3[%arg0, %arg1, %add3A_193, %mul3A_247, %dma_start3A_251] : memref<2x16x8x160x128xi32, #tpu.memory_space<hbm>> -> memref<1x1x1x16x128xi32, #tpu.memory_space<hbm>>
          %dma_start3A_253 = tpu.memref_squeeze %dma_start3A_252 : memref<1x1x1x16x128xi32, #tpu.memory_space<hbm>> -> memref<16x128xi32, #tpu.memory_space<hbm>>
          %dma_start3A_254 = arith.constant 0 : i32
          %dma_start3A_255 = tpu.memref_slice %arg7[%mul3A_249, %dma_start3A_254] : memref<160x128xi32, #tpu.memory_space<vmem>> -> memref<16x128xi32, #tpu.memory_space<vmem>>
          %dma_start3A_256 = arith.constant 0 : i32
          %dma_start3A_257 = tpu.memref_slice %arg3[%arg0, %arg1, %add3A_193, %mul3A_247, %dma_start3A_256] : memref<2x16x8x160x128xi32, #tpu.memory_space<hbm>> -> memref<1x1x1x16x128xi32, #tpu.memory_space<hbm>>
          %dma_start3A_258 = tpu.memref_squeeze %dma_start3A_257 : memref<1x1x1x16x128xi32, #tpu.memory_space<hbm>> -> memref<16x128xi32, #tpu.memory_space<hbm>>
          tpu.enqueue_dma source(%dma_start3A_258 : memref<16x128xi32, #tpu.memory_space<hbm>>) target(%dma_start3A_255 : memref<16x128xi32, #tpu.memory_space<vmem>>) target_semaphore(%arg15 : memref<!tpu.dma_semaphore, #tpu.memory_space<semaphore_mem>>)
          %mul3A_259 = arith.constant 16 : i32
          %mul3A_260 = arith.muli %while3A_244, %mul3A_259 : i32
          %mul3A_261 = arith.constant 16 : i32
          %mul3A_262 = arith.muli %while3A_244, %mul3A_261 : i32
          %dma_start3A_263 = arith.constant 0 : i32
          %dma_start3A_264 = tpu.memref_slice %arg8[%mul3A_262, %dma_start3A_263] : memref<160x128xi32, #tpu.memory_space<vmem>> -> memref<16x128xi32, #tpu.memory_space<vmem>>
          %dma_start3A_265 = arith.constant 0 : i32
          %dma_start3A_266 = tpu.memref_slice %arg4[%arg0, %arg1, %add3A_193, %mul3A_260, %dma_start3A_265] : memref<2x16x8x160x128xi32, #tpu.memory_space<hbm>> -> memref<1x1x1x16x128xi32, #tpu.memory_space<hbm>>
          %dma_start3A_267 = tpu.memref_squeeze %dma_start3A_266 : memref<1x1x1x16x128xi32, #tpu.memory_space<hbm>> -> memref<16x128xi32, #tpu.memory_space<hbm>>
          %dma_start3A_268 = arith.constant 0 : i32
          %dma_start3A_269 = tpu.memref_slice %arg8[%mul3A_262, %dma_start3A_268] : memref<160x128xi32, #tpu.memory_space<vmem>> -> memref<16x128xi32, #tpu.memory_space<vmem>>
          %dma_start3A_270 = arith.constant 0 : i32
          %dma_start3A_271 = tpu.memref_slice %arg4[%arg0, %arg1, %add3A_193, %mul3A_260, %dma_start3A_270] : memref<2x16x8x160x128xi32, #tpu.memory_space<hbm>> -> memref<1x1x1x16x128xi32, #tpu.memory_space<hbm>>
          %dma_start3A_272 = tpu.memref_squeeze %dma_start3A_271 : memref<1x1x1x16x128xi32, #tpu.memory_space<hbm>> -> memref<16x128xi32, #tpu.memory_space<hbm>>
          tpu.enqueue_dma source(%dma_start3A_272 : memref<16x128xi32, #tpu.memory_space<hbm>>) target(%dma_start3A_269 : memref<16x128xi32, #tpu.memory_space<vmem>>) target_semaphore(%arg15 : memref<!tpu.dma_semaphore, #tpu.memory_space<semaphore_mem>>)
          %while3A_273 = arith.constant 0 : i32
          scf.yield %while3A_273 : i32
        }
        %while3A_242 = arith.constant 1 : i32
        %while3A_243 = scf.for %while3A_244 = %while3A_239 to %while3A_235 step %while3A_242 iter_args(%while3A_245 = %while3A_241) -> (i32)  : i32 {
          %mul3A_246 = arith.constant 16 : i32
          %mul3A_247 = arith.muli %while3A_244, %mul3A_246 : i32
          %mul3A_248 = arith.constant 16 : i32
          %mul3A_249 = arith.muli %while3A_244, %mul3A_248 : i32
          %dma_start3A = arith.constant 0 : i32
          %dma_start3A_250 = tpu.memref_slice %arg7[%mul3A_249, %dma_start3A] : memref<160x128xi32, #tpu.memory_space<vmem>> -> memref<16x128xi32, #tpu.memory_space<vmem>>
          %dma_start3A_251 = arith.constant 0 : i32
          %dma_start3A_252 = tpu.memref_slice %arg3[%arg0, %arg1, %add3A_193, %mul3A_247, %dma_start3A_251] : memref<2x16x8x160x128xi32, #tpu.memory_space<hbm>> -> memref<1x1x1x16x128xi32, #tpu.memory_space<hbm>>
          %dma_start3A_253 = tpu.memref_squeeze %dma_start3A_252 : memref<1x1x1x16x128xi32, #tpu.memory_space<hbm>> -> memref<16x128xi32, #tpu.memory_space<hbm>>
          %dma_start3A_254 = arith.constant 0 : i32
          %dma_start3A_255 = tpu.memref_slice %arg7[%mul3A_249, %dma_start3A_254] : memref<160x128xi32, #tpu.memory_space<vmem>> -> memref<16x128xi32, #tpu.memory_space<vmem>>
          %dma_start3A_256 = arith.constant 0 : i32
          %dma_start3A_257 = tpu.memref_slice %arg3[%arg0, %arg1, %add3A_193, %mul3A_247, %dma_start3A_256] : memref<2x16x8x160x128xi32, #tpu.memory_space<hbm>> -> memref<1x1x1x16x128xi32, #tpu.memory_space<hbm>>
          %dma_start3A_258 = tpu.memref_squeeze %dma_start3A_257 : memref<1x1x1x16x128xi32, #tpu.memory_space<hbm>> -> memref<16x128xi32, #tpu.memory_space<hbm>>
          tpu.enqueue_dma source(%dma_start3A_258 : memref<16x128xi32, #tpu.memory_space<hbm>>) target(%dma_start3A_255 : memref<16x128xi32, #tpu.memory_space<vmem>>) target_semaphore(%arg15 : memref<!tpu.dma_semaphore, #tpu.memory_space<semaphore_mem>>)
          %mul3A_259 = arith.constant 16 : i32
          %mul3A_260 = arith.muli %while3A_244, %mul3A_259 : i32
          %mul3A_261 = arith.constant 16 : i32
          %mul3A_262 = arith.muli %while3A_244, %mul3A_261 : i32
          %dma_start3A_263 = arith.constant 0 : i32
          %dma_start3A_264 = tpu.memref_slice %arg8[%mul3A_262, %dma_start3A_263] : memref<160x128xi32, #tpu.memory_space<vmem>> -> memref<16x128xi32, #tpu.memory_space<vmem>>
          %dma_start3A_265 = arith.constant 0 : i32
          %dma_start3A_266 = tpu.memref_slice %arg4[%arg0, %arg1, %add3A_193, %mul3A_260, %dma_start3A_265] : memref<2x16x8x160x128xi32, #tpu.memory_space<hbm>> -> memref<1x1x1x16x128xi32, #tpu.memory_space<hbm>>
          %dma_start3A_267 = tpu.memref_squeeze %dma_start3A_266 : memref<1x1x1x16x128xi32, #tpu.memory_space<hbm>> -> memref<16x128xi32, #tpu.memory_space<hbm>>
          %dma_start3A_268 = arith.constant 0 : i32
          %dma_start3A_269 = tpu.memref_slice %arg8[%mul3A_262, %dma_start3A_268] : memref<160x128xi32, #tpu.memory_space<vmem>> -> memref<16x128xi32, #tpu.memory_space<vmem>>
          %dma_start3A_270 = arith.constant 0 : i32
          %dma_start3A_271 = tpu.memref_slice %arg4[%arg0, %arg1, %add3A_193, %mul3A_260, %dma_start3A_270] : memref<2x16x8x160x128xi32, #tpu.memory_space<hbm>> -> memref<1x1x1x16x128xi32, #tpu.memory_space<hbm>>
          %dma_start3A_272 = tpu.memref_squeeze %dma_start3A_271 : memref<1x1x1x16x128xi32, #tpu.memory_space<hbm>> -> memref<16x128xi32, #tpu.memory_space<hbm>>
          tpu.enqueue_dma source(%dma_start3A_272 : memref<16x128xi32, #tpu.memory_space<hbm>>) target(%dma_start3A_269 : memref<16x128xi32, #tpu.memory_space<vmem>>) target_semaphore(%arg15 : memref<!tpu.dma_semaphore, #tpu.memory_space<semaphore_mem>>)
          %while3A_273 = arith.constant 0 : i32
          scf.yield %while3A_273 : i32
        }
        scf.yield %reduce_sum3A_205 : i32
      } else {
        %cond3A_192 = arith.constant 0 : i32
        scf.yield %cond3A_192 : i32
      }
      %jit3A_118 = arith.constant 8 : i32
      %eq3A_119 = arith.constant 0 : i32
      %eq3A_120 = arith.cmpi eq, %jit3A_118, %eq3A_119 : i32
      %jit3A_121 = arith.constant 1 : i32
      %select_n3A_122 = arith.select %eq3A_120, %jit3A_121, %jit3A_118 : i32
      %rem3A_123 = arith.remsi %arg1, %select_n3A_122 : i32
      %ne3A_124 = arith.constant 0 : i32
      %ne3A_125 = arith.cmpi ne, %rem3A_123, %ne3A_124 : i32
      %lt3A_126 = arith.constant 0 : i32
      %lt3A_127 = arith.cmpi slt, %rem3A_123, %lt3A_126 : i32
      %lt3A_128 = arith.constant 0 : i32
      %lt3A_129 = arith.cmpi slt, %select_n3A_122, %lt3A_128 : i32
      %ne3A_130 = arith.xori %lt3A_127, %lt3A_129 : i1
      %and3A_131 = arith.andi %ne3A_130, %ne3A_125 : i1
      %add3A_132 = arith.addi %rem3A_123, %select_n3A_122 : i32
      %select_n3A_133 = arith.select %and3A_131, %add3A_132, %rem3A_123 : i32
      %jit3A_134 = arith.constant 8 : i32
      %div3A_135 = arith.divsi %arg1, %jit3A_134 : i32
      %sign3A_136 = arith.constant 0 : i32
      %sign3A_137 = arith.cmpi sgt, %arg1, %sign3A_136 : i32
      %sign3A_138 = arith.extui %sign3A_137 : i1 to i32
      %sign3A_139 = arith.constant 0 : i32
      %sign3A_140 = arith.cmpi slt, %arg1, %sign3A_139 : i32
      %sign3A_141 = arith.extui %sign3A_140 : i1 to i32
      %sign3A_142 = arith.subi %sign3A_138, %sign3A_141 : i32
      %sign3A_143 = arith.constant 0 : i32
      %sign3A_144 = arith.cmpi sgt, %jit3A_134, %sign3A_143 : i32
      %sign3A_145 = arith.extui %sign3A_144 : i1 to i32
      %sign3A_146 = arith.constant 0 : i32
      %sign3A_147 = arith.cmpi slt, %jit3A_134, %sign3A_146 : i32
      %sign3A_148 = arith.extui %sign3A_147 : i1 to i32
      %sign3A_149 = arith.subi %sign3A_145, %sign3A_148 : i32
      %ne3A_150 = arith.cmpi ne, %sign3A_142, %sign3A_149 : i32
      %rem3A_151 = arith.remsi %arg1, %jit3A_134 : i32
      %ne3A_152 = arith.constant 0 : i32
      %ne3A_153 = arith.cmpi ne, %rem3A_151, %ne3A_152 : i32
      %and3A_154 = arith.andi %ne3A_150, %ne3A_153 : i1
      %sub3A_155 = arith.constant 1 : i32
      %sub3A_156 = arith.subi %div3A_135, %sub3A_155 : i32
      %select_n3A_157 = arith.select %and3A_154, %sub3A_156, %div3A_135 : i32
      %mul3A_158 = arith.constant 640 : i32
      %mul3A_159 = arith.muli %select_n3A_133, %mul3A_158 : i32
      %mul3A_160 = arith.constant 320 : i32
      %mul3A_161 = arith.muli %select_n3A_157, %mul3A_160 : i32
      %add3A_162 = arith.addi %mul3A_159, %mul3A_161 : i32
      %multiple_of3A_163 = tpu.assume_multiple %add3A_162, 8 : i32
      %mul3A_164 = arith.constant 320 : i32
      %mul3A_165 = arith.muli %select_n3A_157, %mul3A_164 : i32
      %add3A_166 = arith.addi %mul3A_55, %mul3A_165 : i32
      %multiple_of3A_167 = tpu.assume_multiple %add3A_166, 8 : i32
      %add3A_168 = arith.constant 320 : i32
      %add3A_169 = arith.addi %multiple_of3A_167, %add3A_168 : i32
      %le3A = arith.constant 10000 : i32
      %le3A_170 = arith.cmpi sle, %add3A_169, %le3A : i32
      %convert_element_type3A_171 = arith.extui %le3A_170 : i1 to i32
      %cond3A_172 = arith.constant 0 : i32
      %cond3A_173 = arith.cmpi ne, %convert_element_type3A_171, %cond3A_172 : i32
      scf.if %cond3A_173 {
        "tpu.region"() ({
          %run_scoped3A_192 = tpu.sem_alloc : memref<!tpu.dma_semaphore, #tpu.memory_space<semaphore_mem>>
          %dma_start3A = arith.constant 0 : i32
          %dma_start3A_193 = tpu.memref_slice %arg6[%select_n3A_133, %multiple_of3A_167, %dma_start3A] : memref<8x10000x128xf32, #tpu.memory_space<hbm>> -> memref<1x320x128xf32, #tpu.memory_space<hbm>>
          %dma_start3A_194 = tpu.memref_squeeze %dma_start3A_193 : memref<1x320x128xf32, #tpu.memory_space<hbm>> -> memref<320x128xf32, #tpu.memory_space<hbm>>
          %dma_start3A_195 = arith.constant 0 : i32
          %dma_start3A_196 = tpu.memref_slice %arg16[%multiple_of3A_163, %dma_start3A_195] : memref<5248x128xf32, #tpu.memory_space<vmem_shared>> -> memref<320x128xf32, #tpu.memory_space<vmem_shared>>
          tpu.enqueue_dma source(%dma_start3A_196 : memref<320x128xf32, #tpu.memory_space<vmem_shared>>) target(%dma_start3A_194 : memref<320x128xf32, #tpu.memory_space<hbm>>) target_semaphore(%run_scoped3A_192 : memref<!tpu.dma_semaphore, #tpu.memory_space<semaphore_mem>>)
          %dma_wait3A = arith.constant 0 : i32
          %dma_wait3A_197 = tpu.memref_slice %arg6[%select_n3A_133, %multiple_of3A_167, %dma_wait3A] : memref<8x10000x128xf32, #tpu.memory_space<hbm>> -> memref<1x320x128xf32, #tpu.memory_space<hbm>>
          %dma_wait3A_198 = tpu.memref_squeeze %dma_wait3A_197 : memref<1x320x128xf32, #tpu.memory_space<hbm>> -> memref<320x128xf32, #tpu.memory_space<hbm>>
          %dma_wait3A_199 = arith.constant 0 : i32
          %dma_wait3A_200 = tpu.memref_slice %arg16[%multiple_of3A_163, %dma_wait3A_199] : memref<5248x128xf32, #tpu.memory_space<vmem_shared>> -> memref<320x128xf32, #tpu.memory_space<vmem_shared>>
          tpu.wait_dma2 semaphore(%run_scoped3A_192 : memref<!tpu.dma_semaphore, #tpu.memory_space<semaphore_mem>>) src(%dma_wait3A_200 : memref<320x128xf32, #tpu.memory_space<vmem_shared>>) dst(%dma_wait3A_198 : memref<320x128xf32, #tpu.memory_space<hbm>>)
          tpu.yield
        }) : () -> ()
      } else {
      }
      %add3A_174 = arith.constant 320 : i32
      %add3A_175 = arith.addi %multiple_of3A_167, %add3A_174 : i32
      %gt3A_176 = arith.constant 10000 : i32
      %gt3A_177 = arith.cmpi sgt, %add3A_175, %gt3A_176 : i32
      %lt3A_178 = arith.constant 10000 : i32
      %lt3A_179 = arith.cmpi slt, %multiple_of3A_167, %lt3A_178 : i32
      %and3A_180 = arith.andi %gt3A_177, %lt3A_179 : i1
      %convert_element_type3A_181 = arith.extui %and3A_180 : i1 to i32
      %cond3A_182 = arith.constant 0 : i32
      %cond3A_183 = arith.cmpi ne, %convert_element_type3A_181, %cond3A_182 : i32
      scf.if %cond3A_183 {
        "tpu.region"() ({
          %run_scoped3A_192 = tpu.sem_alloc : memref<!tpu.dma_semaphore, #tpu.memory_space<semaphore_mem>>
          %dma_start3A = arith.constant 0 : i32
          %dma_start3A_193 = tpu.memref_slice %arg6[%select_n3A_133, %multiple_of3A_167, %dma_start3A] : memref<8x10000x128xf32, #tpu.memory_space<hbm>> -> memref<1x80x128xf32, #tpu.memory_space<hbm>>
          %dma_start3A_194 = tpu.memref_squeeze %dma_start3A_193 : memref<1x80x128xf32, #tpu.memory_space<hbm>> -> memref<80x128xf32, #tpu.memory_space<hbm>>
          %dma_start3A_195 = arith.constant 0 : i32
          %dma_start3A_196 = tpu.memref_slice %arg16[%multiple_of3A_163, %dma_start3A_195] : memref<5248x128xf32, #tpu.memory_space<vmem_shared>> -> memref<80x128xf32, #tpu.memory_space<vmem_shared>>
          tpu.enqueue_dma source(%dma_start3A_196 : memref<80x128xf32, #tpu.memory_space<vmem_shared>>) target(%dma_start3A_194 : memref<80x128xf32, #tpu.memory_space<hbm>>) target_semaphore(%run_scoped3A_192 : memref<!tpu.dma_semaphore, #tpu.memory_space<semaphore_mem>>)
          %dma_wait3A = arith.constant 0 : i32
          %dma_wait3A_197 = tpu.memref_slice %arg6[%select_n3A_133, %multiple_of3A_167, %dma_wait3A] : memref<8x10000x128xf32, #tpu.memory_space<hbm>> -> memref<1x80x128xf32, #tpu.memory_space<hbm>>
          %dma_wait3A_198 = tpu.memref_squeeze %dma_wait3A_197 : memref<1x80x128xf32, #tpu.memory_space<hbm>> -> memref<80x128xf32, #tpu.memory_space<hbm>>
          %dma_wait3A_199 = arith.constant 0 : i32
          %dma_wait3A_200 = tpu.memref_slice %arg16[%multiple_of3A_163, %dma_wait3A_199] : memref<5248x128xf32, #tpu.memory_space<vmem_shared>> -> memref<80x128xf32, #tpu.memory_space<vmem_shared>>
          tpu.wait_dma2 semaphore(%run_scoped3A_192 : memref<!tpu.dma_semaphore, #tpu.memory_space<semaphore_mem>>) src(%dma_wait3A_200 : memref<80x128xf32, #tpu.memory_space<vmem_shared>>) dst(%dma_wait3A_198 : memref<80x128xf32, #tpu.memory_space<hbm>>)
          tpu.yield
        }) : () -> ()
      } else {
      }
      %barrier3A_184 = arith.constant 0 : index
      tpu.barrier barrier_id(%barrier3A_184)
      %add3A_185 = arith.constant 1 : i32
      %add3A_186 = arith.addi %scan3A_50, %add3A_185 : i32
      %lt3A_187 = arith.constant 8 : i32
      %lt3A_188 = arith.cmpi slt, %add3A_186, %lt3A_187 : i32
      %convert_element_type3A_189 = arith.extui %lt3A_188 : i1 to i32
      %cond3A_190 = arith.constant 0 : i32
      %cond3A_191 = arith.cmpi ne, %convert_element_type3A_189, %cond3A_190 : i32
      scf.if %cond3A_191 {
        %add3A_192 = arith.constant 1 : i32
        %add3A_193 = arith.addi %scan3A_50, %add3A_192 : i32
        %add3A_194 = arith.constant 15 : i32
        %add3A_195 = arith.addi %cond3A_117, %add3A_194 : i32
        %jit3A_196 = arith.constant 16 : i32
        %div3A_197 = arith.divsi %add3A_195, %jit3A_196 : i32
        %sign3A_198 = arith.constant 0 : i32
        %sign3A_199 = arith.cmpi sgt, %add3A_195, %sign3A_198 : i32
        %sign3A_200 = arith.extui %sign3A_199 : i1 to i32
        %sign3A_201 = arith.constant 0 : i32
        %sign3A_202 = arith.cmpi slt, %add3A_195, %sign3A_201 : i32
        %sign3A_203 = arith.extui %sign3A_202 : i1 to i32
        %sign3A_204 = arith.subi %sign3A_200, %sign3A_203 : i32
        %sign3A_205 = arith.constant 0 : i32
        %sign3A_206 = arith.cmpi sgt, %jit3A_196, %sign3A_205 : i32
        %sign3A_207 = arith.extui %sign3A_206 : i1 to i32
        %sign3A_208 = arith.constant 0 : i32
        %sign3A_209 = arith.cmpi slt, %jit3A_196, %sign3A_208 : i32
        %sign3A_210 = arith.extui %sign3A_209 : i1 to i32
        %sign3A_211 = arith.subi %sign3A_207, %sign3A_210 : i32
        %ne3A_212 = arith.cmpi ne, %sign3A_204, %sign3A_211 : i32
        %rem3A_213 = arith.remsi %add3A_195, %jit3A_196 : i32
        %ne3A_214 = arith.constant 0 : i32
        %ne3A_215 = arith.cmpi ne, %rem3A_213, %ne3A_214 : i32
        %and3A_216 = arith.andi %ne3A_212, %ne3A_215 : i1
        %sub3A_217 = arith.constant 1 : i32
        %sub3A_218 = arith.subi %div3A_197, %sub3A_217 : i32
        %select_n3A_219 = arith.select %and3A_216, %sub3A_218, %div3A_197 : i32
        %while3A_220 = arith.constant 0 : i32
        %while3A_221 = arith.constant 0 : i32
        %while3A_222 = arith.subi %select_n3A_219, %while3A_220 : i32
        %while3A_223 = arith.addi %while3A_220, %while3A_222 : i32
        %while3A_224 = arith.constant 1 : i32
        %while3A_225 = arith.divsi %while3A_222, %while3A_224 : i32
        %while3A_226 = arith.muli %while3A_225, %while3A_224 : i32
        %while3A_227 = arith.addi %while3A_220, %while3A_226 : i32
        %while3A_228 = arith.constant 1 : i32
        %while3A_229 = scf.for %while3A_232 = %while3A_220 to %while3A_227 step %while3A_228 iter_args(%while3A_233 = %while3A_221) -> (i32)  : i32 {
          %mul3A_234 = arith.constant 16 : i32
          %mul3A_235 = arith.muli %while3A_232, %mul3A_234 : i32
          %mul3A_236 = arith.constant 16 : i32
          %mul3A_237 = arith.muli %while3A_232, %mul3A_236 : i32
          %dma_wait3A = arith.constant 0 : i32
          %dma_wait3A_238 = tpu.memref_slice %arg7[%mul3A_237, %dma_wait3A] : memref<160x128xi32, #tpu.memory_space<vmem>> -> memref<16x128xi32, #tpu.memory_space<vmem>>
          %dma_wait3A_239 = arith.constant 0 : i32
          %dma_wait3A_240 = tpu.memref_slice %arg3[%arg0, %arg1, %add3A_193, %mul3A_235, %dma_wait3A_239] : memref<2x16x8x160x128xi32, #tpu.memory_space<hbm>> -> memref<1x1x1x16x128xi32, #tpu.memory_space<hbm>>
          %dma_wait3A_241 = tpu.memref_squeeze %dma_wait3A_240 : memref<1x1x1x16x128xi32, #tpu.memory_space<hbm>> -> memref<16x128xi32, #tpu.memory_space<hbm>>
          %dma_wait3A_242 = arith.constant 0 : i32
          %dma_wait3A_243 = tpu.memref_slice %arg7[%mul3A_237, %dma_wait3A_242] : memref<160x128xi32, #tpu.memory_space<vmem>> -> memref<16x128xi32, #tpu.memory_space<vmem>>
          %dma_wait3A_244 = arith.constant 0 : i32
          %dma_wait3A_245 = tpu.memref_slice %arg3[%arg0, %arg1, %add3A_193, %mul3A_235, %dma_wait3A_244] : memref<2x16x8x160x128xi32, #tpu.memory_space<hbm>> -> memref<1x1x1x16x128xi32, #tpu.memory_space<hbm>>
          %dma_wait3A_246 = tpu.memref_squeeze %dma_wait3A_245 : memref<1x1x1x16x128xi32, #tpu.memory_space<hbm>> -> memref<16x128xi32, #tpu.memory_space<hbm>>
          tpu.wait_dma2 semaphore(%arg15 : memref<!tpu.dma_semaphore, #tpu.memory_space<semaphore_mem>>) src(%dma_wait3A_246 : memref<16x128xi32, #tpu.memory_space<hbm>>) dst(%dma_wait3A_243 : memref<16x128xi32, #tpu.memory_space<vmem>>)
          %mul3A_247 = arith.constant 16 : i32
          %mul3A_248 = arith.muli %while3A_232, %mul3A_247 : i32
          %mul3A_249 = arith.constant 16 : i32
          %mul3A_250 = arith.muli %while3A_232, %mul3A_249 : i32
          %dma_wait3A_251 = arith.constant 0 : i32
          %dma_wait3A_252 = tpu.memref_slice %arg8[%mul3A_250, %dma_wait3A_251] : memref<160x128xi32, #tpu.memory_space<vmem>> -> memref<16x128xi32, #tpu.memory_space<vmem>>
          %dma_wait3A_253 = arith.constant 0 : i32
          %dma_wait3A_254 = tpu.memref_slice %arg4[%arg0, %arg1, %add3A_193, %mul3A_248, %dma_wait3A_253] : memref<2x16x8x160x128xi32, #tpu.memory_space<hbm>> -> memref<1x1x1x16x128xi32, #tpu.memory_space<hbm>>
          %dma_wait3A_255 = tpu.memref_squeeze %dma_wait3A_254 : memref<1x1x1x16x128xi32, #tpu.memory_space<hbm>> -> memref<16x128xi32, #tpu.memory_space<hbm>>
          %dma_wait3A_256 = arith.constant 0 : i32
          %dma_wait3A_257 = tpu.memref_slice %arg8[%mul3A_250, %dma_wait3A_256] : memref<160x128xi32, #tpu.memory_space<vmem>> -> memref<16x128xi32, #tpu.memory_space<vmem>>
          %dma_wait3A_258 = arith.constant 0 : i32
          %dma_wait3A_259 = tpu.memref_slice %arg4[%arg0, %arg1, %add3A_193, %mul3A_248, %dma_wait3A_258] : memref<2x16x8x160x128xi32, #tpu.memory_space<hbm>> -> memref<1x1x1x16x128xi32, #tpu.memory_space<hbm>>
          %dma_wait3A_260 = tpu.memref_squeeze %dma_wait3A_259 : memref<1x1x1x16x128xi32, #tpu.memory_space<hbm>> -> memref<16x128xi32, #tpu.memory_space<hbm>>
          tpu.wait_dma2 semaphore(%arg15 : memref<!tpu.dma_semaphore, #tpu.memory_space<semaphore_mem>>) src(%dma_wait3A_260 : memref<16x128xi32, #tpu.memory_space<hbm>>) dst(%dma_wait3A_257 : memref<16x128xi32, #tpu.memory_space<vmem>>)
          %while3A_261 = arith.constant 0 : i32
          scf.yield %while3A_261 : i32
        }
        %while3A_230 = arith.constant 1 : i32
        %while3A_231 = scf.for %while3A_232 = %while3A_227 to %while3A_223 step %while3A_230 iter_args(%while3A_233 = %while3A_229) -> (i32)  : i32 {
          %mul3A_234 = arith.constant 16 : i32
          %mul3A_235 = arith.muli %while3A_232, %mul3A_234 : i32
          %mul3A_236 = arith.constant 16 : i32
          %mul3A_237 = arith.muli %while3A_232, %mul3A_236 : i32
          %dma_wait3A = arith.constant 0 : i32
          %dma_wait3A_238 = tpu.memref_slice %arg7[%mul3A_237, %dma_wait3A] : memref<160x128xi32, #tpu.memory_space<vmem>> -> memref<16x128xi32, #tpu.memory_space<vmem>>
          %dma_wait3A_239 = arith.constant 0 : i32
          %dma_wait3A_240 = tpu.memref_slice %arg3[%arg0, %arg1, %add3A_193, %mul3A_235, %dma_wait3A_239] : memref<2x16x8x160x128xi32, #tpu.memory_space<hbm>> -> memref<1x1x1x16x128xi32, #tpu.memory_space<hbm>>
          %dma_wait3A_241 = tpu.memref_squeeze %dma_wait3A_240 : memref<1x1x1x16x128xi32, #tpu.memory_space<hbm>> -> memref<16x128xi32, #tpu.memory_space<hbm>>
          %dma_wait3A_242 = arith.constant 0 : i32
          %dma_wait3A_243 = tpu.memref_slice %arg7[%mul3A_237, %dma_wait3A_242] : memref<160x128xi32, #tpu.memory_space<vmem>> -> memref<16x128xi32, #tpu.memory_space<vmem>>
          %dma_wait3A_244 = arith.constant 0 : i32
          %dma_wait3A_245 = tpu.memref_slice %arg3[%arg0, %arg1, %add3A_193, %mul3A_235, %dma_wait3A_244] : memref<2x16x8x160x128xi32, #tpu.memory_space<hbm>> -> memref<1x1x1x16x128xi32, #tpu.memory_space<hbm>>
          %dma_wait3A_246 = tpu.memref_squeeze %dma_wait3A_245 : memref<1x1x1x16x128xi32, #tpu.memory_space<hbm>> -> memref<16x128xi32, #tpu.memory_space<hbm>>
          tpu.wait_dma2 semaphore(%arg15 : memref<!tpu.dma_semaphore, #tpu.memory_space<semaphore_mem>>) src(%dma_wait3A_246 : memref<16x128xi32, #tpu.memory_space<hbm>>) dst(%dma_wait3A_243 : memref<16x128xi32, #tpu.memory_space<vmem>>)
          %mul3A_247 = arith.constant 16 : i32
          %mul3A_248 = arith.muli %while3A_232, %mul3A_247 : i32
          %mul3A_249 = arith.constant 16 : i32
          %mul3A_250 = arith.muli %while3A_232, %mul3A_249 : i32
          %dma_wait3A_251 = arith.constant 0 : i32
          %dma_wait3A_252 = tpu.memref_slice %arg8[%mul3A_250, %dma_wait3A_251] : memref<160x128xi32, #tpu.memory_space<vmem>> -> memref<16x128xi32, #tpu.memory_space<vmem>>
          %dma_wait3A_253 = arith.constant 0 : i32
          %dma_wait3A_254 = tpu.memref_slice %arg4[%arg0, %arg1, %add3A_193, %mul3A_248, %dma_wait3A_253] : memref<2x16x8x160x128xi32, #tpu.memory_space<hbm>> -> memref<1x1x1x16x128xi32, #tpu.memory_space<hbm>>
          %dma_wait3A_255 = tpu.memref_squeeze %dma_wait3A_254 : memref<1x1x1x16x128xi32, #tpu.memory_space<hbm>> -> memref<16x128xi32, #tpu.memory_space<hbm>>
          %dma_wait3A_256 = arith.constant 0 : i32
          %dma_wait3A_257 = tpu.memref_slice %arg8[%mul3A_250, %dma_wait3A_256] : memref<160x128xi32, #tpu.memory_space<vmem>> -> memref<16x128xi32, #tpu.memory_space<vmem>>
          %dma_wait3A_258 = arith.constant 0 : i32
          %dma_wait3A_259 = tpu.memref_slice %arg4[%arg0, %arg1, %add3A_193, %mul3A_248, %dma_wait3A_258] : memref<2x16x8x160x128xi32, #tpu.memory_space<hbm>> -> memref<1x1x1x16x128xi32, #tpu.memory_space<hbm>>
          %dma_wait3A_260 = tpu.memref_squeeze %dma_wait3A_259 : memref<1x1x1x16x128xi32, #tpu.memory_space<hbm>> -> memref<16x128xi32, #tpu.memory_space<hbm>>
          tpu.wait_dma2 semaphore(%arg15 : memref<!tpu.dma_semaphore, #tpu.memory_space<semaphore_mem>>) src(%dma_wait3A_260 : memref<16x128xi32, #tpu.memory_space<hbm>>) dst(%dma_wait3A_257 : memref<16x128xi32, #tpu.memory_space<vmem>>)
          %while3A_261 = arith.constant 0 : i32
          scf.yield %while3A_261 : i32
        }
      } else {
      }
      scf.yield %cond3A_117 : i32
    }
    %scan3A_49 = arith.constant 8 : i32
    return
  }
}

module attributes {stable_mosaic.version = 14 : i64} {
  func.func @_proj_body(%arg0: i32, %arg1: memref<512x128xf32, #tpu.memory_space<vmem>>, %arg2: memref<5x128x128xf32, #tpu.memory_space<vmem>>, %arg3: memref<5x128xf32, #tpu.memory_space<vmem>>, %arg4: memref<512x128xf32, #tpu.memory_space<vmem>>) attributes {dimension_semantics = [#tpu.dimension_semantics<arbitrary>], iteration_bounds = array<i64: 20>, scalar_prefetch = 0 : i64, scratch_operands = 0 : i64, tpu.core_type = #tpu.core_type<tc>, window_params = [{transform_indices = @transform_0, window_bounds = array<i64: 512, 128>}, {pipeline_mode = #tpu.pipeline_mode<synchronous>, transform_indices = @transform_1, window_bounds = array<i64: 5, 128, 128>}, {pipeline_mode = #tpu.pipeline_mode<synchronous>, transform_indices = @transform_2, window_bounds = array<i64: 5, 128>}, {transform_indices = @transform_3, window_bounds = array<i64: 512, 128>}]} {
    %mul3A = arith.constant 512 : i32
    %mul3A_0 = arith.muli %arg0, %mul3A : i32
    %iota3A = tpu.iota {dimensions = array<i32: 0>} : vector<512x1xi32>
    %add3A = vector.broadcast %mul3A_0 : i32 to vector<512x1xi32>
    %add3A_1 = arith.addi %add3A, %iota3A : vector<512x1xi32>
    %get3A = arith.constant 0 : index
    %get3A_2 = arith.constant 0 : index
    %get3A_3 = vector.load %arg1[%get3A, %get3A_2] : memref<512x128xf32, #tpu.memory_space<vmem>>, vector<512x128xf32>
    %broadcast_in_dim3A = arith.constant 0.000000e+00 : f32
    %broadcast_in_dim3A_4 = vector.broadcast %broadcast_in_dim3A : f32 to vector<512x128xf32>
    %get3A_5 = arith.constant 0 : index
    %get3A_6 = arith.constant 0 : index
    %get3A_7 = arith.constant 0 : index
    %get3A_8 = vector.load %arg2[%get3A_5, %get3A_6, %get3A_7] : memref<5x128x128xf32, #tpu.memory_space<vmem>>, vector<1x128x128xf32>
    %get3A_9 = vector.shape_cast %get3A_8 : vector<1x128x128xf32> to vector<128x128xf32>
    %dot_general3A = arith.constant dense<0.000000e+00> : vector<512x128xf32>
    %dot_general3A_10 = tpu.matmul %get3A_3, %get3A_9, %dot_general3A {dimension_numbers = #tpu.dot_dimension_numbers<[1], [0], [0], [1], [0, 0, 1, 1], [], []>, transpose_lhs_hint = false} : vector<512x128xf32>, vector<128x128xf32>, vector<512x128xf32> -> vector<512x128xf32>
    %get3A_11 = arith.constant 0 : index
    %get3A_12 = arith.constant 0 : index
    %get3A_13 = vector.load %arg3[%get3A_11, %get3A_12] : memref<5x128xf32, #tpu.memory_space<vmem>>, vector<1x128xf32>
    %get3A_14 = vector.shape_cast %get3A_13 : vector<1x128xf32> to vector<128xf32>
    %broadcast_in_dim3A_15 = vector.shape_cast %get3A_14 : vector<128xf32> to vector<1x128xf32>
    %add3A_16 = vector.broadcast %broadcast_in_dim3A_15 : vector<1x128xf32> to vector<512x128xf32>
    %add3A_17 = arith.addf %dot_general3A_10, %add3A_16 : vector<512x128xf32>
    %ge3A = arith.constant 0 : i32
    %ge3A_18 = vector.broadcast %ge3A : i32 to vector<512x1xi32>
    %ge3A_19 = arith.cmpi sge, %add3A_1, %ge3A_18 : vector<512x1xi32>
    %lt3A = arith.constant 4000 : i32
    %lt3A_20 = vector.broadcast %lt3A : i32 to vector<512x1xi32>
    %lt3A_21 = arith.cmpi slt, %add3A_1, %lt3A_20 : vector<512x1xi32>
    %and3A = arith.andi %ge3A_19, %lt3A_21 : vector<512x1xi1>
    %broadcast_in_dim3A_22 = vector.shape_cast %and3A : vector<512x1xi1> to vector<512x1xi1>
    %broadcast_in_dim3A_23 = vector.broadcast %broadcast_in_dim3A_22 : vector<512x1xi1> to vector<512x128xi1>
    %select_n3A = arith.select %broadcast_in_dim3A_23, %add3A_17, %broadcast_in_dim3A_4 : vector<512x128xi1>, vector<512x128xf32>
    %get3A_24 = arith.constant 1 : index
    %get3A_25 = arith.constant 0 : index
    %get3A_26 = arith.constant 0 : index
    %get3A_27 = vector.load %arg2[%get3A_24, %get3A_25, %get3A_26] : memref<5x128x128xf32, #tpu.memory_space<vmem>>, vector<1x128x128xf32>
    %get3A_28 = vector.shape_cast %get3A_27 : vector<1x128x128xf32> to vector<128x128xf32>
    %dot_general3A_29 = arith.constant dense<0.000000e+00> : vector<512x128xf32>
    %dot_general3A_30 = tpu.matmul %get3A_3, %get3A_28, %dot_general3A_29 {dimension_numbers = #tpu.dot_dimension_numbers<[1], [0], [0], [1], [0, 0, 1, 1], [], []>, transpose_lhs_hint = false} : vector<512x128xf32>, vector<128x128xf32>, vector<512x128xf32> -> vector<512x128xf32>
    %get3A_31 = arith.constant 1 : index
    %get3A_32 = arith.constant 0 : index
    %get3A_33 = vector.load %arg3[%get3A_31, %get3A_32] : memref<5x128xf32, #tpu.memory_space<vmem>>, vector<1x128xf32>
    %get3A_34 = vector.shape_cast %get3A_33 : vector<1x128xf32> to vector<128xf32>
    %broadcast_in_dim3A_35 = vector.shape_cast %get3A_34 : vector<128xf32> to vector<1x128xf32>
    %add3A_36 = vector.broadcast %broadcast_in_dim3A_35 : vector<1x128xf32> to vector<512x128xf32>
    %add3A_37 = arith.addf %dot_general3A_30, %add3A_36 : vector<512x128xf32>
    %ge3A_38 = arith.constant 4000 : i32
    %ge3A_39 = vector.broadcast %ge3A_38 : i32 to vector<512x1xi32>
    %ge3A_40 = arith.cmpi sge, %add3A_1, %ge3A_39 : vector<512x1xi32>
    %lt3A_41 = arith.constant 7000 : i32
    %lt3A_42 = vector.broadcast %lt3A_41 : i32 to vector<512x1xi32>
    %lt3A_43 = arith.cmpi slt, %add3A_1, %lt3A_42 : vector<512x1xi32>
    %and3A_44 = arith.andi %ge3A_40, %lt3A_43 : vector<512x1xi1>
    %broadcast_in_dim3A_45 = vector.shape_cast %and3A_44 : vector<512x1xi1> to vector<512x1xi1>
    %broadcast_in_dim3A_46 = vector.broadcast %broadcast_in_dim3A_45 : vector<512x1xi1> to vector<512x128xi1>
    %select_n3A_47 = arith.select %broadcast_in_dim3A_46, %add3A_37, %select_n3A : vector<512x128xi1>, vector<512x128xf32>
    %get3A_48 = arith.constant 2 : index
    %get3A_49 = arith.constant 0 : index
    %get3A_50 = arith.constant 0 : index
    %get3A_51 = vector.load %arg2[%get3A_48, %get3A_49, %get3A_50] : memref<5x128x128xf32, #tpu.memory_space<vmem>>, vector<1x128x128xf32>
    %get3A_52 = vector.shape_cast %get3A_51 : vector<1x128x128xf32> to vector<128x128xf32>
    %dot_general3A_53 = arith.constant dense<0.000000e+00> : vector<512x128xf32>
    %dot_general3A_54 = tpu.matmul %get3A_3, %get3A_52, %dot_general3A_53 {dimension_numbers = #tpu.dot_dimension_numbers<[1], [0], [0], [1], [0, 0, 1, 1], [], []>, transpose_lhs_hint = false} : vector<512x128xf32>, vector<128x128xf32>, vector<512x128xf32> -> vector<512x128xf32>
    %get3A_55 = arith.constant 2 : index
    %get3A_56 = arith.constant 0 : index
    %get3A_57 = vector.load %arg3[%get3A_55, %get3A_56] : memref<5x128xf32, #tpu.memory_space<vmem>>, vector<1x128xf32>
    %get3A_58 = vector.shape_cast %get3A_57 : vector<1x128xf32> to vector<128xf32>
    %broadcast_in_dim3A_59 = vector.shape_cast %get3A_58 : vector<128xf32> to vector<1x128xf32>
    %add3A_60 = vector.broadcast %broadcast_in_dim3A_59 : vector<1x128xf32> to vector<512x128xf32>
    %add3A_61 = arith.addf %dot_general3A_54, %add3A_60 : vector<512x128xf32>
    %ge3A_62 = arith.constant 7000 : i32
    %ge3A_63 = vector.broadcast %ge3A_62 : i32 to vector<512x1xi32>
    %ge3A_64 = arith.cmpi sge, %add3A_1, %ge3A_63 : vector<512x1xi32>
    %lt3A_65 = arith.constant 9000 : i32
    %lt3A_66 = vector.broadcast %lt3A_65 : i32 to vector<512x1xi32>
    %lt3A_67 = arith.cmpi slt, %add3A_1, %lt3A_66 : vector<512x1xi32>
    %and3A_68 = arith.andi %ge3A_64, %lt3A_67 : vector<512x1xi1>
    %broadcast_in_dim3A_69 = vector.shape_cast %and3A_68 : vector<512x1xi1> to vector<512x1xi1>
    %broadcast_in_dim3A_70 = vector.broadcast %broadcast_in_dim3A_69 : vector<512x1xi1> to vector<512x128xi1>
    %select_n3A_71 = arith.select %broadcast_in_dim3A_70, %add3A_61, %select_n3A_47 : vector<512x128xi1>, vector<512x128xf32>
    %get3A_72 = arith.constant 3 : index
    %get3A_73 = arith.constant 0 : index
    %get3A_74 = arith.constant 0 : index
    %get3A_75 = vector.load %arg2[%get3A_72, %get3A_73, %get3A_74] : memref<5x128x128xf32, #tpu.memory_space<vmem>>, vector<1x128x128xf32>
    %get3A_76 = vector.shape_cast %get3A_75 : vector<1x128x128xf32> to vector<128x128xf32>
    %dot_general3A_77 = arith.constant dense<0.000000e+00> : vector<512x128xf32>
    %dot_general3A_78 = tpu.matmul %get3A_3, %get3A_76, %dot_general3A_77 {dimension_numbers = #tpu.dot_dimension_numbers<[1], [0], [0], [1], [0, 0, 1, 1], [], []>, transpose_lhs_hint = false} : vector<512x128xf32>, vector<128x128xf32>, vector<512x128xf32> -> vector<512x128xf32>
    %get3A_79 = arith.constant 3 : index
    %get3A_80 = arith.constant 0 : index
    %get3A_81 = vector.load %arg3[%get3A_79, %get3A_80] : memref<5x128xf32, #tpu.memory_space<vmem>>, vector<1x128xf32>
    %get3A_82 = vector.shape_cast %get3A_81 : vector<1x128xf32> to vector<128xf32>
    %broadcast_in_dim3A_83 = vector.shape_cast %get3A_82 : vector<128xf32> to vector<1x128xf32>
    %add3A_84 = vector.broadcast %broadcast_in_dim3A_83 : vector<1x128xf32> to vector<512x128xf32>
    %add3A_85 = arith.addf %dot_general3A_78, %add3A_84 : vector<512x128xf32>
    %ge3A_86 = arith.constant 9000 : i32
    %ge3A_87 = vector.broadcast %ge3A_86 : i32 to vector<512x1xi32>
    %ge3A_88 = arith.cmpi sge, %add3A_1, %ge3A_87 : vector<512x1xi32>
    %lt3A_89 = arith.constant 9500 : i32
    %lt3A_90 = vector.broadcast %lt3A_89 : i32 to vector<512x1xi32>
    %lt3A_91 = arith.cmpi slt, %add3A_1, %lt3A_90 : vector<512x1xi32>
    %and3A_92 = arith.andi %ge3A_88, %lt3A_91 : vector<512x1xi1>
    %broadcast_in_dim3A_93 = vector.shape_cast %and3A_92 : vector<512x1xi1> to vector<512x1xi1>
    %broadcast_in_dim3A_94 = vector.broadcast %broadcast_in_dim3A_93 : vector<512x1xi1> to vector<512x128xi1>
    %select_n3A_95 = arith.select %broadcast_in_dim3A_94, %add3A_85, %select_n3A_71 : vector<512x128xi1>, vector<512x128xf32>
    %get3A_96 = arith.constant 4 : index
    %get3A_97 = arith.constant 0 : index
    %get3A_98 = arith.constant 0 : index
    %get3A_99 = vector.load %arg2[%get3A_96, %get3A_97, %get3A_98] : memref<5x128x128xf32, #tpu.memory_space<vmem>>, vector<1x128x128xf32>
    %get3A_100 = vector.shape_cast %get3A_99 : vector<1x128x128xf32> to vector<128x128xf32>
    %dot_general3A_101 = arith.constant dense<0.000000e+00> : vector<512x128xf32>
    %dot_general3A_102 = tpu.matmul %get3A_3, %get3A_100, %dot_general3A_101 {dimension_numbers = #tpu.dot_dimension_numbers<[1], [0], [0], [1], [0, 0, 1, 1], [], []>, transpose_lhs_hint = false} : vector<512x128xf32>, vector<128x128xf32>, vector<512x128xf32> -> vector<512x128xf32>
    %get3A_103 = arith.constant 4 : index
    %get3A_104 = arith.constant 0 : index
    %get3A_105 = vector.load %arg3[%get3A_103, %get3A_104] : memref<5x128xf32, #tpu.memory_space<vmem>>, vector<1x128xf32>
    %get3A_106 = vector.shape_cast %get3A_105 : vector<1x128xf32> to vector<128xf32>
    %broadcast_in_dim3A_107 = vector.shape_cast %get3A_106 : vector<128xf32> to vector<1x128xf32>
    %add3A_108 = vector.broadcast %broadcast_in_dim3A_107 : vector<1x128xf32> to vector<512x128xf32>
    %add3A_109 = arith.addf %dot_general3A_102, %add3A_108 : vector<512x128xf32>
    %ge3A_110 = arith.constant 9500 : i32
    %ge3A_111 = vector.broadcast %ge3A_110 : i32 to vector<512x1xi32>
    %ge3A_112 = arith.cmpi sge, %add3A_1, %ge3A_111 : vector<512x1xi32>
    %lt3A_113 = arith.constant 10000 : i32
    %lt3A_114 = vector.broadcast %lt3A_113 : i32 to vector<512x1xi32>
    %lt3A_115 = arith.cmpi slt, %add3A_1, %lt3A_114 : vector<512x1xi32>
    %and3A_116 = arith.andi %ge3A_112, %lt3A_115 : vector<512x1xi1>
    %broadcast_in_dim3A_117 = vector.shape_cast %and3A_116 : vector<512x1xi1> to vector<512x1xi1>
    %broadcast_in_dim3A_118 = vector.broadcast %broadcast_in_dim3A_117 : vector<512x1xi1> to vector<512x128xi1>
    %select_n3A_119 = arith.select %broadcast_in_dim3A_118, %add3A_109, %select_n3A_95 : vector<512x128xi1>, vector<512x128xf32>
    %swap3A = arith.constant 0 : index
    %swap3A_120 = arith.constant 0 : index
    %swap3A_121 = vector.load %arg4[%swap3A, %swap3A_120] : memref<512x128xf32, #tpu.memory_space<vmem>>, vector<512x128xf32>
    tpu.vector_store %arg4[%swap3A, %swap3A_120], %select_n3A_119 {strides = array<i32>} : memref<512x128xf32, #tpu.memory_space<vmem>>, vector<512x128xf32>,
    return
  }
  func.func @transform_0(%arg0: i32) -> (i32, i32) {
    %c0_i32 = arith.constant 0 : i32
    %c0_i32_0 = arith.constant 0 : i32
    return %arg0, %c0_i32 : i32, i32
  }
  func.func @transform_1(%arg0: i32) -> (i32, i32, i32) {
    %c0_i32 = arith.constant 0 : i32
    %c0_i32_0 = arith.constant 0 : i32
    %c0_i32_1 = arith.constant 0 : i32
    %c0_i32_2 = arith.constant 0 : i32
    return %c0_i32, %c0_i32_0, %c0_i32_1 : i32, i32, i32
  }
  func.func @transform_2(%arg0: i32) -> (i32, i32) {
    %c0_i32 = arith.constant 0 : i32
    %c0_i32_0 = arith.constant 0 : i32
    %c0_i32_1 = arith.constant 0 : i32
    return %c0_i32, %c0_i32_0 : i32, i32
  }
  func.func @transform_3(%arg0: i32) -> (i32, i32) {
    %c0_i32 = arith.constant 0 : i32
    %c0_i32_0 = arith.constant 0 : i32
    return %arg0, %c0_i32 : i32, i32
  }
}

module attributes {stable_mosaic.version = 14 : i64} {
  func.func @body(%arg0: i32, %arg1: memref<512x128xf32, #tpu.memory_space<vmem>>, %arg2: memref<8x512x128xf32, #tpu.memory_space<vmem>>, %arg3: memref<8x512xf32, #tpu.memory_space<vmem>>, %arg4: memref<128x128xf32, #tpu.memory_space<vmem>>, %arg5: memref<8x128x128xf32, #tpu.memory_space<vmem>>, %arg6: memref<128xf32, #tpu.memory_space<vmem>>, %arg7: memref<512x128xf32, #tpu.memory_space<vmem>>) attributes {dimension_semantics = [#tpu.dimension_semantics<arbitrary>], iteration_bounds = array<i64: 20>, scalar_prefetch = 0 : i64, scratch_operands = 0 : i64, tpu.core_type = #tpu.core_type<tc>, window_params = [{transform_indices = @transform_0, window_bounds = array<i64: 512, 128>}, {transform_indices = @transform_1, window_bounds = array<i64: 8, 512, 128>}, {transform_indices = @transform_2, window_bounds = array<i64: 8, 512>}, {pipeline_mode = #tpu.pipeline_mode<synchronous>, transform_indices = @transform_3, window_bounds = array<i64: 128, 128>}, {pipeline_mode = #tpu.pipeline_mode<synchronous>, transform_indices = @transform_4, window_bounds = array<i64: 8, 128, 128>}, {pipeline_mode = #tpu.pipeline_mode<synchronous>, transform_indices = @transform_5, window_bounds = array<i64: 128>}, {transform_indices = @transform_6, window_bounds = array<i64: 512, 128>}]} {
    %get3A = arith.constant 0 : index
    %get3A_0 = arith.constant 0 : index
    %get3A_1 = vector.load %arg1[%get3A, %get3A_0] : memref<512x128xf32, #tpu.memory_space<vmem>>, vector<512x128xf32>
    %get3A_2 = arith.constant 0 : index
    %get3A_3 = arith.constant 0 : index
    %get3A_4 = vector.load %arg4[%get3A_2, %get3A_3] : memref<128x128xf32, #tpu.memory_space<vmem>>, vector<128x128xf32>
    %dot_general3A = arith.constant dense<0.000000e+00> : vector<512x128xf32>
    %dot_general3A_5 = tpu.matmul %get3A_1, %get3A_4, %dot_general3A {dimension_numbers = #tpu.dot_dimension_numbers<[1], [0], [0], [1], [0, 0, 1, 1], [], []>, transpose_lhs_hint = false} : vector<512x128xf32>, vector<128x128xf32>, vector<512x128xf32> -> vector<512x128xf32>
    %get3A_6 = arith.constant 0 : index
    %get3A_7 = arith.constant 0 : index
    %get3A_8 = vector.load %arg3[%get3A_6, %get3A_7] : memref<8x512xf32, #tpu.memory_space<vmem>>, vector<1x512xf32>
    %get3A_9 = vector.shape_cast %get3A_8 : vector<1x512xf32> to vector<512xf32>
    %broadcast_in_dim3A = vector.shape_cast %get3A_9 : vector<512xf32> to vector<512x1xf32>
    %max3A = arith.constant 1.000000e+00 : f32
    %max3A_10 = vector.broadcast %max3A : f32 to vector<512x1xf32>
    %max3A_11 = arith.maximumf %broadcast_in_dim3A, %max3A_10 : vector<512x1xf32>
    %div3A = arith.constant 1.000000e+00 : f32
    %div3A_12 = vector.broadcast %div3A : f32 to vector<512x1xf32>
    %div3A_13 = arith.divf %div3A_12, %max3A_11 : vector<512x1xf32>
    %get3A_14 = arith.constant 0 : index
    %get3A_15 = arith.constant 0 : index
    %get3A_16 = arith.constant 0 : index
    %get3A_17 = vector.load %arg2[%get3A_14, %get3A_15, %get3A_16] : memref<8x512x128xf32, #tpu.memory_space<vmem>>, vector<1x512x128xf32>
    %get3A_18 = vector.shape_cast %get3A_17 : vector<1x512x128xf32> to vector<512x128xf32>
    %mul3A = vector.broadcast %div3A_13 : vector<512x1xf32> to vector<512x128xf32>
    %mul3A_19 = arith.mulf %get3A_18, %mul3A : vector<512x128xf32>
    %get3A_20 = arith.constant 0 : index
    %get3A_21 = arith.constant 0 : index
    %get3A_22 = arith.constant 0 : index
    %get3A_23 = vector.load %arg5[%get3A_20, %get3A_21, %get3A_22] : memref<8x128x128xf32, #tpu.memory_space<vmem>>, vector<1x128x128xf32>
    %get3A_24 = vector.shape_cast %get3A_23 : vector<1x128x128xf32> to vector<128x128xf32>
    %dot_general3A_25 = arith.constant dense<0.000000e+00> : vector<512x128xf32>
    %dot_general3A_26 = tpu.matmul %mul3A_19, %get3A_24, %dot_general3A_25 {dimension_numbers = #tpu.dot_dimension_numbers<[1], [0], [0], [1], [0, 0, 1, 1], [], []>, transpose_lhs_hint = false} : vector<512x128xf32>, vector<128x128xf32>, vector<512x128xf32> -> vector<512x128xf32>
    %add3A = arith.addf %dot_general3A_5, %dot_general3A_26 : vector<512x128xf32>
    %get3A_27 = arith.constant 1 : index
    %get3A_28 = arith.constant 0 : index
    %get3A_29 = vector.load %arg3[%get3A_27, %get3A_28] : memref<8x512xf32, #tpu.memory_space<vmem>>, vector<1x512xf32>
    %get3A_30 = vector.shape_cast %get3A_29 : vector<1x512xf32> to vector<512xf32>
    %broadcast_in_dim3A_31 = vector.shape_cast %get3A_30 : vector<512xf32> to vector<512x1xf32>
    %max3A_32 = arith.constant 1.000000e+00 : f32
    %max3A_33 = vector.broadcast %max3A_32 : f32 to vector<512x1xf32>
    %max3A_34 = arith.maximumf %broadcast_in_dim3A_31, %max3A_33 : vector<512x1xf32>
    %div3A_35 = arith.constant 1.000000e+00 : f32
    %div3A_36 = vector.broadcast %div3A_35 : f32 to vector<512x1xf32>
    %div3A_37 = arith.divf %div3A_36, %max3A_34 : vector<512x1xf32>
    %get3A_38 = arith.constant 1 : index
    %get3A_39 = arith.constant 0 : index
    %get3A_40 = arith.constant 0 : index
    %get3A_41 = vector.load %arg2[%get3A_38, %get3A_39, %get3A_40] : memref<8x512x128xf32, #tpu.memory_space<vmem>>, vector<1x512x128xf32>
    %get3A_42 = vector.shape_cast %get3A_41 : vector<1x512x128xf32> to vector<512x128xf32>
    %mul3A_43 = vector.broadcast %div3A_37 : vector<512x1xf32> to vector<512x128xf32>
    %mul3A_44 = arith.mulf %get3A_42, %mul3A_43 : vector<512x128xf32>
    %get3A_45 = arith.constant 1 : index
    %get3A_46 = arith.constant 0 : index
    %get3A_47 = arith.constant 0 : index
    %get3A_48 = vector.load %arg5[%get3A_45, %get3A_46, %get3A_47] : memref<8x128x128xf32, #tpu.memory_space<vmem>>, vector<1x128x128xf32>
    %get3A_49 = vector.shape_cast %get3A_48 : vector<1x128x128xf32> to vector<128x128xf32>
    %dot_general3A_50 = arith.constant dense<0.000000e+00> : vector<512x128xf32>
    %dot_general3A_51 = tpu.matmul %mul3A_44, %get3A_49, %dot_general3A_50 {dimension_numbers = #tpu.dot_dimension_numbers<[1], [0], [0], [1], [0, 0, 1, 1], [], []>, transpose_lhs_hint = false} : vector<512x128xf32>, vector<128x128xf32>, vector<512x128xf32> -> vector<512x128xf32>
    %add3A_52 = arith.addf %add3A, %dot_general3A_51 : vector<512x128xf32>
    %get3A_53 = arith.constant 2 : index
    %get3A_54 = arith.constant 0 : index
    %get3A_55 = vector.load %arg3[%get3A_53, %get3A_54] : memref<8x512xf32, #tpu.memory_space<vmem>>, vector<1x512xf32>
    %get3A_56 = vector.shape_cast %get3A_55 : vector<1x512xf32> to vector<512xf32>
    %broadcast_in_dim3A_57 = vector.shape_cast %get3A_56 : vector<512xf32> to vector<512x1xf32>
    %max3A_58 = arith.constant 1.000000e+00 : f32
    %max3A_59 = vector.broadcast %max3A_58 : f32 to vector<512x1xf32>
    %max3A_60 = arith.maximumf %broadcast_in_dim3A_57, %max3A_59 : vector<512x1xf32>
    %div3A_61 = arith.constant 1.000000e+00 : f32
    %div3A_62 = vector.broadcast %div3A_61 : f32 to vector<512x1xf32>
    %div3A_63 = arith.divf %div3A_62, %max3A_60 : vector<512x1xf32>
    %get3A_64 = arith.constant 2 : index
    %get3A_65 = arith.constant 0 : index
    %get3A_66 = arith.constant 0 : index
    %get3A_67 = vector.load %arg2[%get3A_64, %get3A_65, %get3A_66] : memref<8x512x128xf32, #tpu.memory_space<vmem>>, vector<1x512x128xf32>
    %get3A_68 = vector.shape_cast %get3A_67 : vector<1x512x128xf32> to vector<512x128xf32>
    %mul3A_69 = vector.broadcast %div3A_63 : vector<512x1xf32> to vector<512x128xf32>
    %mul3A_70 = arith.mulf %get3A_68, %mul3A_69 : vector<512x128xf32>
    %get3A_71 = arith.constant 2 : index
    %get3A_72 = arith.constant 0 : index
    %get3A_73 = arith.constant 0 : index
    %get3A_74 = vector.load %arg5[%get3A_71, %get3A_72, %get3A_73] : memref<8x128x128xf32, #tpu.memory_space<vmem>>, vector<1x128x128xf32>
    %get3A_75 = vector.shape_cast %get3A_74 : vector<1x128x128xf32> to vector<128x128xf32>
    %dot_general3A_76 = arith.constant dense<0.000000e+00> : vector<512x128xf32>
    %dot_general3A_77 = tpu.matmul %mul3A_70, %get3A_75, %dot_general3A_76 {dimension_numbers = #tpu.dot_dimension_numbers<[1], [0], [0], [1], [0, 0, 1, 1], [], []>, transpose_lhs_hint = false} : vector<512x128xf32>, vector<128x128xf32>, vector<512x128xf32> -> vector<512x128xf32>
    %add3A_78 = arith.addf %add3A_52, %dot_general3A_77 : vector<512x128xf32>
    %get3A_79 = arith.constant 3 : index
    %get3A_80 = arith.constant 0 : index
    %get3A_81 = vector.load %arg3[%get3A_79, %get3A_80] : memref<8x512xf32, #tpu.memory_space<vmem>>, vector<1x512xf32>
    %get3A_82 = vector.shape_cast %get3A_81 : vector<1x512xf32> to vector<512xf32>
    %broadcast_in_dim3A_83 = vector.shape_cast %get3A_82 : vector<512xf32> to vector<512x1xf32>
    %max3A_84 = arith.constant 1.000000e+00 : f32
    %max3A_85 = vector.broadcast %max3A_84 : f32 to vector<512x1xf32>
    %max3A_86 = arith.maximumf %broadcast_in_dim3A_83, %max3A_85 : vector<512x1xf32>
    %div3A_87 = arith.constant 1.000000e+00 : f32
    %div3A_88 = vector.broadcast %div3A_87 : f32 to vector<512x1xf32>
    %div3A_89 = arith.divf %div3A_88, %max3A_86 : vector<512x1xf32>
    %get3A_90 = arith.constant 3 : index
    %get3A_91 = arith.constant 0 : index
    %get3A_92 = arith.constant 0 : index
    %get3A_93 = vector.load %arg2[%get3A_90, %get3A_91, %get3A_92] : memref<8x512x128xf32, #tpu.memory_space<vmem>>, vector<1x512x128xf32>
    %get3A_94 = vector.shape_cast %get3A_93 : vector<1x512x128xf32> to vector<512x128xf32>
    %mul3A_95 = vector.broadcast %div3A_89 : vector<512x1xf32> to vector<512x128xf32>
    %mul3A_96 = arith.mulf %get3A_94, %mul3A_95 : vector<512x128xf32>
    %get3A_97 = arith.constant 3 : index
    %get3A_98 = arith.constant 0 : index
    %get3A_99 = arith.constant 0 : index
    %get3A_100 = vector.load %arg5[%get3A_97, %get3A_98, %get3A_99] : memref<8x128x128xf32, #tpu.memory_space<vmem>>, vector<1x128x128xf32>
    %get3A_101 = vector.shape_cast %get3A_100 : vector<1x128x128xf32> to vector<128x128xf32>
    %dot_general3A_102 = arith.constant dense<0.000000e+00> : vector<512x128xf32>
    %dot_general3A_103 = tpu.matmul %mul3A_96, %get3A_101, %dot_general3A_102 {dimension_numbers = #tpu.dot_dimension_numbers<[1], [0], [0], [1], [0, 0, 1, 1], [], []>, transpose_lhs_hint = false} : vector<512x128xf32>, vector<128x128xf32>, vector<512x128xf32> -> vector<512x128xf32>
    %add3A_104 = arith.addf %add3A_78, %dot_general3A_103 : vector<512x128xf32>
    %get3A_105 = arith.constant 4 : index
    %get3A_106 = arith.constant 0 : index
    %get3A_107 = vector.load %arg3[%get3A_105, %get3A_106] : memref<8x512xf32, #tpu.memory_space<vmem>>, vector<1x512xf32>
    %get3A_108 = vector.shape_cast %get3A_107 : vector<1x512xf32> to vector<512xf32>
    %broadcast_in_dim3A_109 = vector.shape_cast %get3A_108 : vector<512xf32> to vector<512x1xf32>
    %max3A_110 = arith.constant 1.000000e+00 : f32
    %max3A_111 = vector.broadcast %max3A_110 : f32 to vector<512x1xf32>
    %max3A_112 = arith.maximumf %broadcast_in_dim3A_109, %max3A_111 : vector<512x1xf32>
    %div3A_113 = arith.constant 1.000000e+00 : f32
    %div3A_114 = vector.broadcast %div3A_113 : f32 to vector<512x1xf32>
    %div3A_115 = arith.divf %div3A_114, %max3A_112 : vector<512x1xf32>
    %get3A_116 = arith.constant 4 : index
    %get3A_117 = arith.constant 0 : index
    %get3A_118 = arith.constant 0 : index
    %get3A_119 = vector.load %arg2[%get3A_116, %get3A_117, %get3A_118] : memref<8x512x128xf32, #tpu.memory_space<vmem>>, vector<1x512x128xf32>
    %get3A_120 = vector.shape_cast %get3A_119 : vector<1x512x128xf32> to vector<512x128xf32>
    %mul3A_121 = vector.broadcast %div3A_115 : vector<512x1xf32> to vector<512x128xf32>
    %mul3A_122 = arith.mulf %get3A_120, %mul3A_121 : vector<512x128xf32>
    %get3A_123 = arith.constant 4 : index
    %get3A_124 = arith.constant 0 : index
    %get3A_125 = arith.constant 0 : index
    %get3A_126 = vector.load %arg5[%get3A_123, %get3A_124, %get3A_125] : memref<8x128x128xf32, #tpu.memory_space<vmem>>, vector<1x128x128xf32>
    %get3A_127 = vector.shape_cast %get3A_126 : vector<1x128x128xf32> to vector<128x128xf32>
    %dot_general3A_128 = arith.constant dense<0.000000e+00> : vector<512x128xf32>
    %dot_general3A_129 = tpu.matmul %mul3A_122, %get3A_127, %dot_general3A_128 {dimension_numbers = #tpu.dot_dimension_numbers<[1], [0], [0], [1], [0, 0, 1, 1], [], []>, transpose_lhs_hint = false} : vector<512x128xf32>, vector<128x128xf32>, vector<512x128xf32> -> vector<512x128xf32>
    %add3A_130 = arith.addf %add3A_104, %dot_general3A_129 : vector<512x128xf32>
    %get3A_131 = arith.constant 5 : index
    %get3A_132 = arith.constant 0 : index
    %get3A_133 = vector.load %arg3[%get3A_131, %get3A_132] : memref<8x512xf32, #tpu.memory_space<vmem>>, vector<1x512xf32>
    %get3A_134 = vector.shape_cast %get3A_133 : vector<1x512xf32> to vector<512xf32>
    %broadcast_in_dim3A_135 = vector.shape_cast %get3A_134 : vector<512xf32> to vector<512x1xf32>
    %max3A_136 = arith.constant 1.000000e+00 : f32
    %max3A_137 = vector.broadcast %max3A_136 : f32 to vector<512x1xf32>
    %max3A_138 = arith.maximumf %broadcast_in_dim3A_135, %max3A_137 : vector<512x1xf32>
    %div3A_139 = arith.constant 1.000000e+00 : f32
    %div3A_140 = vector.broadcast %div3A_139 : f32 to vector<512x1xf32>
    %div3A_141 = arith.divf %div3A_140, %max3A_138 : vector<512x1xf32>
    %get3A_142 = arith.constant 5 : index
    %get3A_143 = arith.constant 0 : index
    %get3A_144 = arith.constant 0 : index
    %get3A_145 = vector.load %arg2[%get3A_142, %get3A_143, %get3A_144] : memref<8x512x128xf32, #tpu.memory_space<vmem>>, vector<1x512x128xf32>
    %get3A_146 = vector.shape_cast %get3A_145 : vector<1x512x128xf32> to vector<512x128xf32>
    %mul3A_147 = vector.broadcast %div3A_141 : vector<512x1xf32> to vector<512x128xf32>
    %mul3A_148 = arith.mulf %get3A_146, %mul3A_147 : vector<512x128xf32>
    %get3A_149 = arith.constant 5 : index
    %get3A_150 = arith.constant 0 : index
    %get3A_151 = arith.constant 0 : index
    %get3A_152 = vector.load %arg5[%get3A_149, %get3A_150, %get3A_151] : memref<8x128x128xf32, #tpu.memory_space<vmem>>, vector<1x128x128xf32>
    %get3A_153 = vector.shape_cast %get3A_152 : vector<1x128x128xf32> to vector<128x128xf32>
    %dot_general3A_154 = arith.constant dense<0.000000e+00> : vector<512x128xf32>
    %dot_general3A_155 = tpu.matmul %mul3A_148, %get3A_153, %dot_general3A_154 {dimension_numbers = #tpu.dot_dimension_numbers<[1], [0], [0], [1], [0, 0, 1, 1], [], []>, transpose_lhs_hint = false} : vector<512x128xf32>, vector<128x128xf32>, vector<512x128xf32> -> vector<512x128xf32>
    %add3A_156 = arith.addf %add3A_130, %dot_general3A_155 : vector<512x128xf32>
    %get3A_157 = arith.constant 6 : index
    %get3A_158 = arith.constant 0 : index
    %get3A_159 = vector.load %arg3[%get3A_157, %get3A_158] : memref<8x512xf32, #tpu.memory_space<vmem>>, vector<1x512xf32>
    %get3A_160 = vector.shape_cast %get3A_159 : vector<1x512xf32> to vector<512xf32>
    %broadcast_in_dim3A_161 = vector.shape_cast %get3A_160 : vector<512xf32> to vector<512x1xf32>
    %max3A_162 = arith.constant 1.000000e+00 : f32
    %max3A_163 = vector.broadcast %max3A_162 : f32 to vector<512x1xf32>
    %max3A_164 = arith.maximumf %broadcast_in_dim3A_161, %max3A_163 : vector<512x1xf32>
    %div3A_165 = arith.constant 1.000000e+00 : f32
    %div3A_166 = vector.broadcast %div3A_165 : f32 to vector<512x1xf32>
    %div3A_167 = arith.divf %div3A_166, %max3A_164 : vector<512x1xf32>
    %get3A_168 = arith.constant 6 : index
    %get3A_169 = arith.constant 0 : index
    %get3A_170 = arith.constant 0 : index
    %get3A_171 = vector.load %arg2[%get3A_168, %get3A_169, %get3A_170] : memref<8x512x128xf32, #tpu.memory_space<vmem>>, vector<1x512x128xf32>
    %get3A_172 = vector.shape_cast %get3A_171 : vector<1x512x128xf32> to vector<512x128xf32>
    %mul3A_173 = vector.broadcast %div3A_167 : vector<512x1xf32> to vector<512x128xf32>
    %mul3A_174 = arith.mulf %get3A_172, %mul3A_173 : vector<512x128xf32>
    %get3A_175 = arith.constant 6 : index
    %get3A_176 = arith.constant 0 : index
    %get3A_177 = arith.constant 0 : index
    %get3A_178 = vector.load %arg5[%get3A_175, %get3A_176, %get3A_177] : memref<8x128x128xf32, #tpu.memory_space<vmem>>, vector<1x128x128xf32>
    %get3A_179 = vector.shape_cast %get3A_178 : vector<1x128x128xf32> to vector<128x128xf32>
    %dot_general3A_180 = arith.constant dense<0.000000e+00> : vector<512x128xf32>
    %dot_general3A_181 = tpu.matmul %mul3A_174, %get3A_179, %dot_general3A_180 {dimension_numbers = #tpu.dot_dimension_numbers<[1], [0], [0], [1], [0, 0, 1, 1], [], []>, transpose_lhs_hint = false} : vector<512x128xf32>, vector<128x128xf32>, vector<512x128xf32> -> vector<512x128xf32>
    %add3A_182 = arith.addf %add3A_156, %dot_general3A_181 : vector<512x128xf32>
    %get3A_183 = arith.constant 7 : index
    %get3A_184 = arith.constant 0 : index
    %get3A_185 = vector.load %arg3[%get3A_183, %get3A_184] : memref<8x512xf32, #tpu.memory_space<vmem>>, vector<1x512xf32>
    %get3A_186 = vector.shape_cast %get3A_185 : vector<1x512xf32> to vector<512xf32>
    %broadcast_in_dim3A_187 = vector.shape_cast %get3A_186 : vector<512xf32> to vector<512x1xf32>
    %max3A_188 = arith.constant 1.000000e+00 : f32
    %max3A_189 = vector.broadcast %max3A_188 : f32 to vector<512x1xf32>
    %max3A_190 = arith.maximumf %broadcast_in_dim3A_187, %max3A_189 : vector<512x1xf32>
    %div3A_191 = arith.constant 1.000000e+00 : f32
    %div3A_192 = vector.broadcast %div3A_191 : f32 to vector<512x1xf32>
    %div3A_193 = arith.divf %div3A_192, %max3A_190 : vector<512x1xf32>
    %get3A_194 = arith.constant 7 : index
    %get3A_195 = arith.constant 0 : index
    %get3A_196 = arith.constant 0 : index
    %get3A_197 = vector.load %arg2[%get3A_194, %get3A_195, %get3A_196] : memref<8x512x128xf32, #tpu.memory_space<vmem>>, vector<1x512x128xf32>
    %get3A_198 = vector.shape_cast %get3A_197 : vector<1x512x128xf32> to vector<512x128xf32>
    %mul3A_199 = vector.broadcast %div3A_193 : vector<512x1xf32> to vector<512x128xf32>
    %mul3A_200 = arith.mulf %get3A_198, %mul3A_199 : vector<512x128xf32>
    %get3A_201 = arith.constant 7 : index
    %get3A_202 = arith.constant 0 : index
    %get3A_203 = arith.constant 0 : index
    %get3A_204 = vector.load %arg5[%get3A_201, %get3A_202, %get3A_203] : memref<8x128x128xf32, #tpu.memory_space<vmem>>, vector<1x128x128xf32>
    %get3A_205 = vector.shape_cast %get3A_204 : vector<1x128x128xf32> to vector<128x128xf32>
    %dot_general3A_206 = arith.constant dense<0.000000e+00> : vector<512x128xf32>
    %dot_general3A_207 = tpu.matmul %mul3A_200, %get3A_205, %dot_general3A_206 {dimension_numbers = #tpu.dot_dimension_numbers<[1], [0], [0], [1], [0, 0, 1, 1], [], []>, transpose_lhs_hint = false} : vector<512x128xf32>, vector<128x128xf32>, vector<512x128xf32> -> vector<512x128xf32>
    %add3A_208 = arith.addf %add3A_182, %dot_general3A_207 : vector<512x128xf32>
    %get3A_209 = arith.constant 0 : index
    %get3A_210 = vector.load %arg6[%get3A_209] : memref<128xf32, #tpu.memory_space<vmem>>, vector<128xf32>
    %broadcast_in_dim3A_211 = vector.shape_cast %get3A_210 : vector<128xf32> to vector<1x128xf32>
    %add3A_212 = vector.broadcast %broadcast_in_dim3A_211 : vector<1x128xf32> to vector<512x128xf32>
    %add3A_213 = arith.addf %add3A_208, %add3A_212 : vector<512x128xf32>
    %max3A_214 = arith.constant 0.000000e+00 : f32
    %max3A_215 = vector.broadcast %max3A_214 : f32 to vector<512x128xf32>
    %max3A_216 = arith.maximumf %add3A_213, %max3A_215 : vector<512x128xf32>
    %swap3A = arith.constant 0 : index
    %swap3A_217 = arith.constant 0 : index
    %swap3A_218 = vector.load %arg7[%swap3A, %swap3A_217] : memref<512x128xf32, #tpu.memory_space<vmem>>, vector<512x128xf32>
    tpu.vector_store %arg7[%swap3A, %swap3A_217], %max3A_216 {strides = array<i32>} : memref<512x128xf32, #tpu.memory_space<vmem>>, vector<512x128xf32>,
    return
  }
  func.func @transform_0(%arg0: i32) -> (i32, i32) {
    %c0_i32 = arith.constant 0 : i32
    %c0_i32_0 = arith.constant 0 : i32
    return %arg0, %c0_i32 : i32, i32
  }
  func.func @transform_1(%arg0: i32) -> (i32, i32, i32) {
    %c0_i32 = arith.constant 0 : i32
    %c0_i32_0 = arith.constant 0 : i32
    %c0_i32_1 = arith.constant 0 : i32
    return %c0_i32, %arg0, %c0_i32_0 : i32, i32, i32
  }
  func.func @transform_2(%arg0: i32) -> (i32, i32) {
    %c0_i32 = arith.constant 0 : i32
    %c0_i32_0 = arith.constant 0 : i32
    return %c0_i32, %arg0 : i32, i32
  }
  func.func @transform_3(%arg0: i32) -> (i32, i32) {
    %c0_i32 = arith.constant 0 : i32
    %c0_i32_0 = arith.constant 0 : i32
    %c0_i32_1 = arith.constant 0 : i32
    return %c0_i32, %c0_i32_0 : i32, i32
  }
  func.func @transform_4(%arg0: i32) -> (i32, i32, i32) {
    %c0_i32 = arith.constant 0 : i32
    %c0_i32_0 = arith.constant 0 : i32
    %c0_i32_1 = arith.constant 0 : i32
    %c0_i32_2 = arith.constant 0 : i32
    return %c0_i32, %c0_i32_0, %c0_i32_1 : i32, i32, i32
  }
  func.func @transform_5(%arg0: i32) -> i32 {
    %c0_i32 = arith.constant 0 : i32
    %c0_i32_0 = arith.constant 0 : i32
    return %c0_i32 : i32
  }
  func.func @transform_6(%arg0: i32) -> (i32, i32) {
    %c0_i32 = arith.constant 0 : i32
    %c0_i32_0 = arith.constant 0 : i32
    return %arg0, %c0_i32 : i32, i32
  }
}

module attributes {stable_mosaic.version = 14 : i64} {
  func.func @body(%arg0: i32, %arg1: memref<512x128xf32, #tpu.memory_space<vmem>>, %arg2: memref<8x512x128xf32, #tpu.memory_space<vmem>>, %arg3: memref<8x512xf32, #tpu.memory_space<vmem>>, %arg4: memref<128x128xf32, #tpu.memory_space<vmem>>, %arg5: memref<8x128x128xf32, #tpu.memory_space<vmem>>, %arg6: memref<128xf32, #tpu.memory_space<vmem>>, %arg7: memref<512x128xf32, #tpu.memory_space<vmem>>) attributes {dimension_semantics = [#tpu.dimension_semantics<arbitrary>], iteration_bounds = array<i64: 20>, scalar_prefetch = 0 : i64, scratch_operands = 0 : i64, tpu.core_type = #tpu.core_type<tc>, window_params = [{transform_indices = @transform_0, window_bounds = array<i64: 512, 128>}, {transform_indices = @transform_1, window_bounds = array<i64: 8, 512, 128>}, {transform_indices = @transform_2, window_bounds = array<i64: 8, 512>}, {pipeline_mode = #tpu.pipeline_mode<synchronous>, transform_indices = @transform_3, window_bounds = array<i64: 128, 128>}, {pipeline_mode = #tpu.pipeline_mode<synchronous>, transform_indices = @transform_4, window_bounds = array<i64: 8, 128, 128>}, {pipeline_mode = #tpu.pipeline_mode<synchronous>, transform_indices = @transform_5, window_bounds = array<i64: 128>}, {transform_indices = @transform_6, window_bounds = array<i64: 512, 128>}]} {
    %get3A = arith.constant 0 : index
    %get3A_0 = arith.constant 0 : index
    %get3A_1 = vector.load %arg1[%get3A, %get3A_0] : memref<512x128xf32, #tpu.memory_space<vmem>>, vector<512x128xf32>
    %get3A_2 = arith.constant 0 : index
    %get3A_3 = arith.constant 0 : index
    %get3A_4 = vector.load %arg4[%get3A_2, %get3A_3] : memref<128x128xf32, #tpu.memory_space<vmem>>, vector<128x128xf32>
    %dot_general3A = arith.constant dense<0.000000e+00> : vector<512x128xf32>
    %dot_general3A_5 = tpu.matmul %get3A_1, %get3A_4, %dot_general3A {dimension_numbers = #tpu.dot_dimension_numbers<[1], [0], [0], [1], [0, 0, 1, 1], [], []>, transpose_lhs_hint = false} : vector<512x128xf32>, vector<128x128xf32>, vector<512x128xf32> -> vector<512x128xf32>
    %get3A_6 = arith.constant 0 : index
    %get3A_7 = arith.constant 0 : index
    %get3A_8 = vector.load %arg3[%get3A_6, %get3A_7] : memref<8x512xf32, #tpu.memory_space<vmem>>, vector<1x512xf32>
    %get3A_9 = vector.shape_cast %get3A_8 : vector<1x512xf32> to vector<512xf32>
    %broadcast_in_dim3A = vector.shape_cast %get3A_9 : vector<512xf32> to vector<512x1xf32>
    %max3A = arith.constant 1.000000e+00 : f32
    %max3A_10 = vector.broadcast %max3A : f32 to vector<512x1xf32>
    %max3A_11 = arith.maximumf %broadcast_in_dim3A, %max3A_10 : vector<512x1xf32>
    %div3A = arith.constant 1.000000e+00 : f32
    %div3A_12 = vector.broadcast %div3A : f32 to vector<512x1xf32>
    %div3A_13 = arith.divf %div3A_12, %max3A_11 : vector<512x1xf32>
    %get3A_14 = arith.constant 0 : index
    %get3A_15 = arith.constant 0 : index
    %get3A_16 = arith.constant 0 : index
    %get3A_17 = vector.load %arg2[%get3A_14, %get3A_15, %get3A_16] : memref<8x512x128xf32, #tpu.memory_space<vmem>>, vector<1x512x128xf32>
    %get3A_18 = vector.shape_cast %get3A_17 : vector<1x512x128xf32> to vector<512x128xf32>
    %mul3A = vector.broadcast %div3A_13 : vector<512x1xf32> to vector<512x128xf32>
    %mul3A_19 = arith.mulf %get3A_18, %mul3A : vector<512x128xf32>
    %get3A_20 = arith.constant 0 : index
    %get3A_21 = arith.constant 0 : index
    %get3A_22 = arith.constant 0 : index
    %get3A_23 = vector.load %arg5[%get3A_20, %get3A_21, %get3A_22] : memref<8x128x128xf32, #tpu.memory_space<vmem>>, vector<1x128x128xf32>
    %get3A_24 = vector.shape_cast %get3A_23 : vector<1x128x128xf32> to vector<128x128xf32>
    %dot_general3A_25 = arith.constant dense<0.000000e+00> : vector<512x128xf32>
    %dot_general3A_26 = tpu.matmul %mul3A_19, %get3A_24, %dot_general3A_25 {dimension_numbers = #tpu.dot_dimension_numbers<[1], [0], [0], [1], [0, 0, 1, 1], [], []>, transpose_lhs_hint = false} : vector<512x128xf32>, vector<128x128xf32>, vector<512x128xf32> -> vector<512x128xf32>
    %add3A = arith.addf %dot_general3A_5, %dot_general3A_26 : vector<512x128xf32>
    %get3A_27 = arith.constant 1 : index
    %get3A_28 = arith.constant 0 : index
    %get3A_29 = vector.load %arg3[%get3A_27, %get3A_28] : memref<8x512xf32, #tpu.memory_space<vmem>>, vector<1x512xf32>
    %get3A_30 = vector.shape_cast %get3A_29 : vector<1x512xf32> to vector<512xf32>
    %broadcast_in_dim3A_31 = vector.shape_cast %get3A_30 : vector<512xf32> to vector<512x1xf32>
    %max3A_32 = arith.constant 1.000000e+00 : f32
    %max3A_33 = vector.broadcast %max3A_32 : f32 to vector<512x1xf32>
    %max3A_34 = arith.maximumf %broadcast_in_dim3A_31, %max3A_33 : vector<512x1xf32>
    %div3A_35 = arith.constant 1.000000e+00 : f32
    %div3A_36 = vector.broadcast %div3A_35 : f32 to vector<512x1xf32>
    %div3A_37 = arith.divf %div3A_36, %max3A_34 : vector<512x1xf32>
    %get3A_38 = arith.constant 1 : index
    %get3A_39 = arith.constant 0 : index
    %get3A_40 = arith.constant 0 : index
    %get3A_41 = vector.load %arg2[%get3A_38, %get3A_39, %get3A_40] : memref<8x512x128xf32, #tpu.memory_space<vmem>>, vector<1x512x128xf32>
    %get3A_42 = vector.shape_cast %get3A_41 : vector<1x512x128xf32> to vector<512x128xf32>
    %mul3A_43 = vector.broadcast %div3A_37 : vector<512x1xf32> to vector<512x128xf32>
    %mul3A_44 = arith.mulf %get3A_42, %mul3A_43 : vector<512x128xf32>
    %get3A_45 = arith.constant 1 : index
    %get3A_46 = arith.constant 0 : index
    %get3A_47 = arith.constant 0 : index
    %get3A_48 = vector.load %arg5[%get3A_45, %get3A_46, %get3A_47] : memref<8x128x128xf32, #tpu.memory_space<vmem>>, vector<1x128x128xf32>
    %get3A_49 = vector.shape_cast %get3A_48 : vector<1x128x128xf32> to vector<128x128xf32>
    %dot_general3A_50 = arith.constant dense<0.000000e+00> : vector<512x128xf32>
    %dot_general3A_51 = tpu.matmul %mul3A_44, %get3A_49, %dot_general3A_50 {dimension_numbers = #tpu.dot_dimension_numbers<[1], [0], [0], [1], [0, 0, 1, 1], [], []>, transpose_lhs_hint = false} : vector<512x128xf32>, vector<128x128xf32>, vector<512x128xf32> -> vector<512x128xf32>
    %add3A_52 = arith.addf %add3A, %dot_general3A_51 : vector<512x128xf32>
    %get3A_53 = arith.constant 2 : index
    %get3A_54 = arith.constant 0 : index
    %get3A_55 = vector.load %arg3[%get3A_53, %get3A_54] : memref<8x512xf32, #tpu.memory_space<vmem>>, vector<1x512xf32>
    %get3A_56 = vector.shape_cast %get3A_55 : vector<1x512xf32> to vector<512xf32>
    %broadcast_in_dim3A_57 = vector.shape_cast %get3A_56 : vector<512xf32> to vector<512x1xf32>
    %max3A_58 = arith.constant 1.000000e+00 : f32
    %max3A_59 = vector.broadcast %max3A_58 : f32 to vector<512x1xf32>
    %max3A_60 = arith.maximumf %broadcast_in_dim3A_57, %max3A_59 : vector<512x1xf32>
    %div3A_61 = arith.constant 1.000000e+00 : f32
    %div3A_62 = vector.broadcast %div3A_61 : f32 to vector<512x1xf32>
    %div3A_63 = arith.divf %div3A_62, %max3A_60 : vector<512x1xf32>
    %get3A_64 = arith.constant 2 : index
    %get3A_65 = arith.constant 0 : index
    %get3A_66 = arith.constant 0 : index
    %get3A_67 = vector.load %arg2[%get3A_64, %get3A_65, %get3A_66] : memref<8x512x128xf32, #tpu.memory_space<vmem>>, vector<1x512x128xf32>
    %get3A_68 = vector.shape_cast %get3A_67 : vector<1x512x128xf32> to vector<512x128xf32>
    %mul3A_69 = vector.broadcast %div3A_63 : vector<512x1xf32> to vector<512x128xf32>
    %mul3A_70 = arith.mulf %get3A_68, %mul3A_69 : vector<512x128xf32>
    %get3A_71 = arith.constant 2 : index
    %get3A_72 = arith.constant 0 : index
    %get3A_73 = arith.constant 0 : index
    %get3A_74 = vector.load %arg5[%get3A_71, %get3A_72, %get3A_73] : memref<8x128x128xf32, #tpu.memory_space<vmem>>, vector<1x128x128xf32>
    %get3A_75 = vector.shape_cast %get3A_74 : vector<1x128x128xf32> to vector<128x128xf32>
    %dot_general3A_76 = arith.constant dense<0.000000e+00> : vector<512x128xf32>
    %dot_general3A_77 = tpu.matmul %mul3A_70, %get3A_75, %dot_general3A_76 {dimension_numbers = #tpu.dot_dimension_numbers<[1], [0], [0], [1], [0, 0, 1, 1], [], []>, transpose_lhs_hint = false} : vector<512x128xf32>, vector<128x128xf32>, vector<512x128xf32> -> vector<512x128xf32>
    %add3A_78 = arith.addf %add3A_52, %dot_general3A_77 : vector<512x128xf32>
    %get3A_79 = arith.constant 3 : index
    %get3A_80 = arith.constant 0 : index
    %get3A_81 = vector.load %arg3[%get3A_79, %get3A_80] : memref<8x512xf32, #tpu.memory_space<vmem>>, vector<1x512xf32>
    %get3A_82 = vector.shape_cast %get3A_81 : vector<1x512xf32> to vector<512xf32>
    %broadcast_in_dim3A_83 = vector.shape_cast %get3A_82 : vector<512xf32> to vector<512x1xf32>
    %max3A_84 = arith.constant 1.000000e+00 : f32
    %max3A_85 = vector.broadcast %max3A_84 : f32 to vector<512x1xf32>
    %max3A_86 = arith.maximumf %broadcast_in_dim3A_83, %max3A_85 : vector<512x1xf32>
    %div3A_87 = arith.constant 1.000000e+00 : f32
    %div3A_88 = vector.broadcast %div3A_87 : f32 to vector<512x1xf32>
    %div3A_89 = arith.divf %div3A_88, %max3A_86 : vector<512x1xf32>
    %get3A_90 = arith.constant 3 : index
    %get3A_91 = arith.constant 0 : index
    %get3A_92 = arith.constant 0 : index
    %get3A_93 = vector.load %arg2[%get3A_90, %get3A_91, %get3A_92] : memref<8x512x128xf32, #tpu.memory_space<vmem>>, vector<1x512x128xf32>
    %get3A_94 = vector.shape_cast %get3A_93 : vector<1x512x128xf32> to vector<512x128xf32>
    %mul3A_95 = vector.broadcast %div3A_89 : vector<512x1xf32> to vector<512x128xf32>
    %mul3A_96 = arith.mulf %get3A_94, %mul3A_95 : vector<512x128xf32>
    %get3A_97 = arith.constant 3 : index
    %get3A_98 = arith.constant 0 : index
    %get3A_99 = arith.constant 0 : index
    %get3A_100 = vector.load %arg5[%get3A_97, %get3A_98, %get3A_99] : memref<8x128x128xf32, #tpu.memory_space<vmem>>, vector<1x128x128xf32>
    %get3A_101 = vector.shape_cast %get3A_100 : vector<1x128x128xf32> to vector<128x128xf32>
    %dot_general3A_102 = arith.constant dense<0.000000e+00> : vector<512x128xf32>
    %dot_general3A_103 = tpu.matmul %mul3A_96, %get3A_101, %dot_general3A_102 {dimension_numbers = #tpu.dot_dimension_numbers<[1], [0], [0], [1], [0, 0, 1, 1], [], []>, transpose_lhs_hint = false} : vector<512x128xf32>, vector<128x128xf32>, vector<512x128xf32> -> vector<512x128xf32>
    %add3A_104 = arith.addf %add3A_78, %dot_general3A_103 : vector<512x128xf32>
    %get3A_105 = arith.constant 4 : index
    %get3A_106 = arith.constant 0 : index
    %get3A_107 = vector.load %arg3[%get3A_105, %get3A_106] : memref<8x512xf32, #tpu.memory_space<vmem>>, vector<1x512xf32>
    %get3A_108 = vector.shape_cast %get3A_107 : vector<1x512xf32> to vector<512xf32>
    %broadcast_in_dim3A_109 = vector.shape_cast %get3A_108 : vector<512xf32> to vector<512x1xf32>
    %max3A_110 = arith.constant 1.000000e+00 : f32
    %max3A_111 = vector.broadcast %max3A_110 : f32 to vector<512x1xf32>
    %max3A_112 = arith.maximumf %broadcast_in_dim3A_109, %max3A_111 : vector<512x1xf32>
    %div3A_113 = arith.constant 1.000000e+00 : f32
    %div3A_114 = vector.broadcast %div3A_113 : f32 to vector<512x1xf32>
    %div3A_115 = arith.divf %div3A_114, %max3A_112 : vector<512x1xf32>
    %get3A_116 = arith.constant 4 : index
    %get3A_117 = arith.constant 0 : index
    %get3A_118 = arith.constant 0 : index
    %get3A_119 = vector.load %arg2[%get3A_116, %get3A_117, %get3A_118] : memref<8x512x128xf32, #tpu.memory_space<vmem>>, vector<1x512x128xf32>
    %get3A_120 = vector.shape_cast %get3A_119 : vector<1x512x128xf32> to vector<512x128xf32>
    %mul3A_121 = vector.broadcast %div3A_115 : vector<512x1xf32> to vector<512x128xf32>
    %mul3A_122 = arith.mulf %get3A_120, %mul3A_121 : vector<512x128xf32>
    %get3A_123 = arith.constant 4 : index
    %get3A_124 = arith.constant 0 : index
    %get3A_125 = arith.constant 0 : index
    %get3A_126 = vector.load %arg5[%get3A_123, %get3A_124, %get3A_125] : memref<8x128x128xf32, #tpu.memory_space<vmem>>, vector<1x128x128xf32>
    %get3A_127 = vector.shape_cast %get3A_126 : vector<1x128x128xf32> to vector<128x128xf32>
    %dot_general3A_128 = arith.constant dense<0.000000e+00> : vector<512x128xf32>
    %dot_general3A_129 = tpu.matmul %mul3A_122, %get3A_127, %dot_general3A_128 {dimension_numbers = #tpu.dot_dimension_numbers<[1], [0], [0], [1], [0, 0, 1, 1], [], []>, transpose_lhs_hint = false} : vector<512x128xf32>, vector<128x128xf32>, vector<512x128xf32> -> vector<512x128xf32>
    %add3A_130 = arith.addf %add3A_104, %dot_general3A_129 : vector<512x128xf32>
    %get3A_131 = arith.constant 5 : index
    %get3A_132 = arith.constant 0 : index
    %get3A_133 = vector.load %arg3[%get3A_131, %get3A_132] : memref<8x512xf32, #tpu.memory_space<vmem>>, vector<1x512xf32>
    %get3A_134 = vector.shape_cast %get3A_133 : vector<1x512xf32> to vector<512xf32>
    %broadcast_in_dim3A_135 = vector.shape_cast %get3A_134 : vector<512xf32> to vector<512x1xf32>
    %max3A_136 = arith.constant 1.000000e+00 : f32
    %max3A_137 = vector.broadcast %max3A_136 : f32 to vector<512x1xf32>
    %max3A_138 = arith.maximumf %broadcast_in_dim3A_135, %max3A_137 : vector<512x1xf32>
    %div3A_139 = arith.constant 1.000000e+00 : f32
    %div3A_140 = vector.broadcast %div3A_139 : f32 to vector<512x1xf32>
    %div3A_141 = arith.divf %div3A_140, %max3A_138 : vector<512x1xf32>
    %get3A_142 = arith.constant 5 : index
    %get3A_143 = arith.constant 0 : index
    %get3A_144 = arith.constant 0 : index
    %get3A_145 = vector.load %arg2[%get3A_142, %get3A_143, %get3A_144] : memref<8x512x128xf32, #tpu.memory_space<vmem>>, vector<1x512x128xf32>
    %get3A_146 = vector.shape_cast %get3A_145 : vector<1x512x128xf32> to vector<512x128xf32>
    %mul3A_147 = vector.broadcast %div3A_141 : vector<512x1xf32> to vector<512x128xf32>
    %mul3A_148 = arith.mulf %get3A_146, %mul3A_147 : vector<512x128xf32>
    %get3A_149 = arith.constant 5 : index
    %get3A_150 = arith.constant 0 : index
    %get3A_151 = arith.constant 0 : index
    %get3A_152 = vector.load %arg5[%get3A_149, %get3A_150, %get3A_151] : memref<8x128x128xf32, #tpu.memory_space<vmem>>, vector<1x128x128xf32>
    %get3A_153 = vector.shape_cast %get3A_152 : vector<1x128x128xf32> to vector<128x128xf32>
    %dot_general3A_154 = arith.constant dense<0.000000e+00> : vector<512x128xf32>
    %dot_general3A_155 = tpu.matmul %mul3A_148, %get3A_153, %dot_general3A_154 {dimension_numbers = #tpu.dot_dimension_numbers<[1], [0], [0], [1], [0, 0, 1, 1], [], []>, transpose_lhs_hint = false} : vector<512x128xf32>, vector<128x128xf32>, vector<512x128xf32> -> vector<512x128xf32>
    %add3A_156 = arith.addf %add3A_130, %dot_general3A_155 : vector<512x128xf32>
    %get3A_157 = arith.constant 6 : index
    %get3A_158 = arith.constant 0 : index
    %get3A_159 = vector.load %arg3[%get3A_157, %get3A_158] : memref<8x512xf32, #tpu.memory_space<vmem>>, vector<1x512xf32>
    %get3A_160 = vector.shape_cast %get3A_159 : vector<1x512xf32> to vector<512xf32>
    %broadcast_in_dim3A_161 = vector.shape_cast %get3A_160 : vector<512xf32> to vector<512x1xf32>
    %max3A_162 = arith.constant 1.000000e+00 : f32
    %max3A_163 = vector.broadcast %max3A_162 : f32 to vector<512x1xf32>
    %max3A_164 = arith.maximumf %broadcast_in_dim3A_161, %max3A_163 : vector<512x1xf32>
    %div3A_165 = arith.constant 1.000000e+00 : f32
    %div3A_166 = vector.broadcast %div3A_165 : f32 to vector<512x1xf32>
    %div3A_167 = arith.divf %div3A_166, %max3A_164 : vector<512x1xf32>
    %get3A_168 = arith.constant 6 : index
    %get3A_169 = arith.constant 0 : index
    %get3A_170 = arith.constant 0 : index
    %get3A_171 = vector.load %arg2[%get3A_168, %get3A_169, %get3A_170] : memref<8x512x128xf32, #tpu.memory_space<vmem>>, vector<1x512x128xf32>
    %get3A_172 = vector.shape_cast %get3A_171 : vector<1x512x128xf32> to vector<512x128xf32>
    %mul3A_173 = vector.broadcast %div3A_167 : vector<512x1xf32> to vector<512x128xf32>
    %mul3A_174 = arith.mulf %get3A_172, %mul3A_173 : vector<512x128xf32>
    %get3A_175 = arith.constant 6 : index
    %get3A_176 = arith.constant 0 : index
    %get3A_177 = arith.constant 0 : index
    %get3A_178 = vector.load %arg5[%get3A_175, %get3A_176, %get3A_177] : memref<8x128x128xf32, #tpu.memory_space<vmem>>, vector<1x128x128xf32>
    %get3A_179 = vector.shape_cast %get3A_178 : vector<1x128x128xf32> to vector<128x128xf32>
    %dot_general3A_180 = arith.constant dense<0.000000e+00> : vector<512x128xf32>
    %dot_general3A_181 = tpu.matmul %mul3A_174, %get3A_179, %dot_general3A_180 {dimension_numbers = #tpu.dot_dimension_numbers<[1], [0], [0], [1], [0, 0, 1, 1], [], []>, transpose_lhs_hint = false} : vector<512x128xf32>, vector<128x128xf32>, vector<512x128xf32> -> vector<512x128xf32>
    %add3A_182 = arith.addf %add3A_156, %dot_general3A_181 : vector<512x128xf32>
    %get3A_183 = arith.constant 7 : index
    %get3A_184 = arith.constant 0 : index
    %get3A_185 = vector.load %arg3[%get3A_183, %get3A_184] : memref<8x512xf32, #tpu.memory_space<vmem>>, vector<1x512xf32>
    %get3A_186 = vector.shape_cast %get3A_185 : vector<1x512xf32> to vector<512xf32>
    %broadcast_in_dim3A_187 = vector.shape_cast %get3A_186 : vector<512xf32> to vector<512x1xf32>
    %max3A_188 = arith.constant 1.000000e+00 : f32
    %max3A_189 = vector.broadcast %max3A_188 : f32 to vector<512x1xf32>
    %max3A_190 = arith.maximumf %broadcast_in_dim3A_187, %max3A_189 : vector<512x1xf32>
    %div3A_191 = arith.constant 1.000000e+00 : f32
    %div3A_192 = vector.broadcast %div3A_191 : f32 to vector<512x1xf32>
    %div3A_193 = arith.divf %div3A_192, %max3A_190 : vector<512x1xf32>
    %get3A_194 = arith.constant 7 : index
    %get3A_195 = arith.constant 0 : index
    %get3A_196 = arith.constant 0 : index
    %get3A_197 = vector.load %arg2[%get3A_194, %get3A_195, %get3A_196] : memref<8x512x128xf32, #tpu.memory_space<vmem>>, vector<1x512x128xf32>
    %get3A_198 = vector.shape_cast %get3A_197 : vector<1x512x128xf32> to vector<512x128xf32>
    %mul3A_199 = vector.broadcast %div3A_193 : vector<512x1xf32> to vector<512x128xf32>
    %mul3A_200 = arith.mulf %get3A_198, %mul3A_199 : vector<512x128xf32>
    %get3A_201 = arith.constant 7 : index
    %get3A_202 = arith.constant 0 : index
    %get3A_203 = arith.constant 0 : index
    %get3A_204 = vector.load %arg5[%get3A_201, %get3A_202, %get3A_203] : memref<8x128x128xf32, #tpu.memory_space<vmem>>, vector<1x128x128xf32>
    %get3A_205 = vector.shape_cast %get3A_204 : vector<1x128x128xf32> to vector<128x128xf32>
    %dot_general3A_206 = arith.constant dense<0.000000e+00> : vector<512x128xf32>
    %dot_general3A_207 = tpu.matmul %mul3A_200, %get3A_205, %dot_general3A_206 {dimension_numbers = #tpu.dot_dimension_numbers<[1], [0], [0], [1], [0, 0, 1, 1], [], []>, transpose_lhs_hint = false} : vector<512x128xf32>, vector<128x128xf32>, vector<512x128xf32> -> vector<512x128xf32>
    %add3A_208 = arith.addf %add3A_182, %dot_general3A_207 : vector<512x128xf32>
    %get3A_209 = arith.constant 0 : index
    %get3A_210 = vector.load %arg6[%get3A_209] : memref<128xf32, #tpu.memory_space<vmem>>, vector<128xf32>
    %broadcast_in_dim3A_211 = vector.shape_cast %get3A_210 : vector<128xf32> to vector<1x128xf32>
    %add3A_212 = vector.broadcast %broadcast_in_dim3A_211 : vector<1x128xf32> to vector<512x128xf32>
    %add3A_213 = arith.addf %add3A_208, %add3A_212 : vector<512x128xf32>
    %swap3A = arith.constant 0 : index
    %swap3A_214 = arith.constant 0 : index
    %swap3A_215 = vector.load %arg7[%swap3A, %swap3A_214] : memref<512x128xf32, #tpu.memory_space<vmem>>, vector<512x128xf32>
    tpu.vector_store %arg7[%swap3A, %swap3A_214], %add3A_213 {strides = array<i32>} : memref<512x128xf32, #tpu.memory_space<vmem>>, vector<512x128xf32>,
    return
  }
  func.func @transform_0(%arg0: i32) -> (i32, i32) {
    %c0_i32 = arith.constant 0 : i32
    %c0_i32_0 = arith.constant 0 : i32
    return %arg0, %c0_i32 : i32, i32
  }
  func.func @transform_1(%arg0: i32) -> (i32, i32, i32) {
    %c0_i32 = arith.constant 0 : i32
    %c0_i32_0 = arith.constant 0 : i32
    %c0_i32_1 = arith.constant 0 : i32
    return %c0_i32, %arg0, %c0_i32_0 : i32, i32, i32
  }
  func.func @transform_2(%arg0: i32) -> (i32, i32) {
    %c0_i32 = arith.constant 0 : i32
    %c0_i32_0 = arith.constant 0 : i32
    return %c0_i32, %arg0 : i32, i32
  }
  func.func @transform_3(%arg0: i32) -> (i32, i32) {
    %c0_i32 = arith.constant 0 : i32
    %c0_i32_0 = arith.constant 0 : i32
    %c0_i32_1 = arith.constant 0 : i32
    return %c0_i32, %c0_i32_0 : i32, i32
  }
  func.func @transform_4(%arg0: i32) -> (i32, i32, i32) {
    %c0_i32 = arith.constant 0 : i32
    %c0_i32_0 = arith.constant 0 : i32
    %c0_i32_1 = arith.constant 0 : i32
    %c0_i32_2 = arith.constant 0 : i32
    return %c0_i32, %c0_i32_0, %c0_i32_1 : i32, i32, i32
  }
  func.func @transform_5(%arg0: i32) -> i32 {
    %c0_i32 = arith.constant 0 : i32
    %c0_i32_0 = arith.constant 0 : i32
    return %c0_i32 : i32
  }
  func.func @transform_6(%arg0: i32) -> (i32, i32) {
    %c0_i32 = arith.constant 0 : i32
    %c0_i32_0 = arith.constant 0 : i32
    return %arg0, %c0_i32 : i32, i32
  }
}

</mosaic_0001>

<sc_bundles>
// kernel: kernel.11.cloned.1.call-start
scs
__scs_entry_jumppad:
0x0: {  	(pc) =	sbr.rel $0x88, $3  }
0x1: {  	(tag) =	ssettag $0x0;
	lr =	simm.s32 $0x1  }
0x2: {  	[smem:$0x3F8A] =	sst lr;
	_ =	strace $0xD0000000  }
0x3: {  	_ = 	snop  }
0x4: {  	_ = 	snop  }
0x5: {  	_ = 	snop  }
0x6: {  	_ = 	snop  }
0x7: {  	_ = 	snop  }
__scs_overlays_trampoline_lowered:
0x8: {  	[smem:$0x3F99] =	sst s0  }
0x9: {  	[smem:$0x3F9A] =	sst s1  }
0xa: {  	[smem:$0x3F9B] =	sst s2  }
0xb: {  	[smem:$0x3F9C] =	sst s3  }
0xc: {  	[smem:$0x3F9D] =	sst s4  }
0xd: {  	[smem:$0x3F9E] =	sst s5  }
0xe: {  	[smem:$0x3F9F] =	sst s6  }
0xf: {  	[smem:$0x3FA0] =	sst s7  }
0x10: {  	[smem:$0x3FA1] =	sst s8  }
0x11: {  	[smem:$0x3FA2] =	sst s9;
	s0 =	simm.s32 @!p0 $0x0  }
0x12: {  	s1 =	sld [smem:$0x3F88];
	s0 =	simm.s32 @p0 $0x1  }
0x13: {  	[smem:$0x3FA3] =	sst s0;
	s0 =	simm.s32 @!p1 $0x0  }
0x14: {  	s2 =	sld [smem:$0x3F87];
	s0 =	simm.s32 @p1 $0x1  }
0x15: {  	[smem:$0x3FA4] =	sst s0;
	s0 =	simm.s32 @!p2 $0x0  }
0x16: {  	s3 =	sld [smem:$0x3FDB];
	s0 =	simm.s32 @p2 $0x1  }
0x17: {  	s4 =	simm.s32 $0x1BF5;
	[smem:$0x3FA6] =	sst s0  }
0x18: {  	s0 =	sld [smem:$0x3F89];
	_ =	swait.ge [sflag:s4], $0x0  }
0x19: {  	s7 =	sld [smem:$0x3F8A]  }
0x1a: {  	s8 =	sadd.s32 $0xFFFFE003, lr  }
0x1b: {  	s9 =	sadd.s32 $0xFFFFFEF7, lr;
	s5 =	simm.s32 $0xFFFFFFFF;
	p2 =	slt.u32 s8, $0xFFFFF086  }
0x1c: {  	p1 =	slt.u32 s9, $0xF7A;
	s5 =	simm.s32 @!p2 $0x0  }
0x1d: {  	s5 =	simm.s32 @p1 $0x1;
	p0 =	seq.s32 s7, s2  }
0x1e: {  	s7 =	smul.u32 @!p0 $0xF7A, s2;
	p2 =	seq.s32 @!p0 s5, $0x0  }
0x1f: {  	s9 =	smul.u32 $0xF7A, s1;
	s8 =	simm.s32 @!p0 $0x1BF5;
	p2 =	por !p2, p0  }
0x20: {  	[sflag:s8] =	ssyncset.s32 @!p0 $0xFFFFF086;
	s6 =	sadd.s32 @!p0 s3, s7;
	s7 =	simm.s32 @!p0 $0x108  }
0x21: {  	s3 =	sadd.s32 s3, s9;
	s6 =	sadd.s32 @!p0 $0x88, s6;
	s7 =	simm.s32 @p2 $0x1082  }
0x22: {  	[simem:s7], [sflag:s8] =	dma.local @!p0 [hbm:s6], $0xF7A  }
0x23: {  	s9 =	sor.u32 $0xD0000000, s2;
	s6 =	simm.s32 $0x108;
	_ =	swait.ge @!p0 [sflag:s8], $0x0  }
0x24: {  	s3 =	sadd.s32 $0x88, s3;
	s6 =	simm.s32 @!p1 $0x1082;
	[sflag:s4] =	ssyncset.s32 $0xFFFFF086  }
0x25: {  	[simem:s6], [sflag:s4] =	dma.local [hbm:s3], $0xF7A  }
0x26: {  	[smem:$0x3F8A] =	sst s1;
	(tag) =	ssettag s2;
	_ =	strace s9  }
0x27: {  	s1 =	sld [smem:$0x3F9A]  }
0x28: {  	s2 =	sld [smem:$0x3F9B]  }
0x29: {  	s4 =	sld [smem:$0x3F9D]  }
0x2a: {  	p0 =	seq.s32 s5, $0x0;
	s5 =	sld [smem:$0x3F9E]  }
0x2b: {  	s6 =	sld [smem:$0x3F9F]  }
0x2c: {  	s7 =	sld [smem:$0x3FA0]  }
0x2d: {  	s3 =	simm.s32 $0x108;
	s8 =	sld [smem:$0x3FA1]  }
0x2e: {  	s3 =	simm.s32 @!p0 $0x1082;
	s9 =	sld [smem:$0x3FA2]  }
0x2f: {  	lr =	sadd.s32 s0, s3;
	s0 =	sld [smem:$0x3F99]  }
0x30: {  	s3 =	sld [smem:$0x3F9C]  }
0x31: {  	[smem:$0x3FA5] =	sst s10  }
0x32: {  	s10 =	sld [smem:$0x3FA3];
	_ =	sdelay $0x3  }
0x33: {  	p0 =	seq.s32 s10, $0x1;
	s10 =	sld [smem:$0x3FA5];
	_ =	sdelay $0x3  }
0x34: {  	[smem:$0x3FA5] =	sst s10  }
0x35: {  	s10 =	sld [smem:$0x3FA4];
	_ =	sdelay $0x3  }
0x36: {  	p1 =	seq.s32 s10, $0x1;
	s10 =	sld [smem:$0x3FA5];
	_ =	sdelay $0x3  }
0x37: {  	[smem:$0x3FA5] =	sst s10  }
0x38: {  	s10 =	sld [smem:$0x3FA6]  }
0x39: {  	_ = 	snop;
	(pc) =	sbr.ind lr, $3  }
0x3a: {  	_ = 	snop  }
0x3b: {  	_ = 	snop  }
0x3c: {  	p2 =	seq.s32 s10, $0x1;
	s10 =	sld [smem:$0x3FA5]  }
0x3d: {  	_ =	shalt  }
0x3e: {  	_ =	shalt  }
0x3f: {  	_ =	shalt  }
0x40: {  	_ =	shalt  }
0x41: {  	_ =	shalt  }
0x42: {  	_ =	shalt  }
0x43: {  	_ =	shalt  }
0x44: {  	_ =	shalt  }
0x45: {  	_ =	shalt  }
0x46: {  	_ =	shalt  }
0x47: {  	_ =	shalt  }
0x48: {  	_ =	shalt  }
0x49: {  	_ =	shalt  }
0x4a: {  	_ =	shalt  }
0x4b: {  	_ =	shalt  }
0x4c: {  	_ =	shalt  }
0x4d: {  	_ =	shalt  }
0x4e: {  	_ =	shalt  }
0x4f: {  	_ =	shalt  }
0x50: {  	_ =	shalt  }
0x51: {  	_ =	shalt  }
0x52: {  	_ =	shalt  }
0x53: {  	_ =	shalt  }
0x54: {  	_ =	shalt  }
0x55: {  	_ =	shalt  }
0x56: {  	_ =	shalt  }
0x57: {  	_ =	shalt  }
0x58: {  	_ =	shalt  }
0x59: {  	_ =	shalt  }
0x5a: {  	_ =	shalt  }
0x5b: {  	_ =	shalt  }
0x5c: {  	_ =	shalt  }
0x5d: {  	_ =	shalt  }
0x5e: {  	_ =	shalt  }
0x5f: {  	_ =	shalt  }
0x60: {  	_ =	shalt  }
0x61: {  	_ =	shalt  }
0x62: {  	_ =	shalt  }
0x63: {  	_ =	shalt  }
0x64: {  	_ =	shalt  }
0x65: {  	_ =	shalt  }
0x66: {  	_ =	shalt  }
0x67: {  	_ =	shalt  }
0x68: {  	_ =	shalt  }
0x69: {  	_ =	shalt  }
0x6a: {  	_ =	shalt  }
0x6b: {  	_ =	shalt  }
0x6c: {  	_ =	shalt  }
0x6d: {  	_ =	shalt  }
0x6e: {  	_ =	shalt  }
0x6f: {  	_ =	shalt  }
0x70: {  	_ =	shalt  }
0x71: {  	_ =	shalt  }
0x72: {  	_ =	shalt  }
0x73: {  	_ =	shalt  }
0x74: {  	_ =	shalt  }
0x75: {  	_ =	shalt  }
0x76: {  	_ =	shalt  }
0x77: {  	_ =	shalt  }
0x78: {  	_ =	shalt  }
0x79: {  	_ =	shalt  }
0x7a: {  	_ =	shalt  }
0x7b: {  	_ =	shalt  }
0x7c: {  	_ =	shalt  }
0x7d: {  	_ =	shalt  }
0x7e: {  	_ =	shalt  }
0x7f: {  	_ =	shalt  }
0x80: {  	_ =	shalt  }
0x81: {  	_ =	shalt  }
0x82: {  	_ =	shalt  }
0x83: {  	_ =	shalt  }
0x84: {  	_ =	shalt  }
0x85: {  	_ =	shalt  }
0x86: {  	_ =	shalt  }
0x87: {  	_ =	shalt  }
.Lfunc_end0:
.L_simem_size_0:
called_computation.1_lowered:
.L_overlay_start_0:
0x88: {  	s2 =	sld [smem:$0x3FD9]  }
0x89: {  	s3 =	sld [smem:$0x3FFE];
	_ =	sdelay $0x1  }
0x8a: {  	s1 =	srdreg.scid  }
0x8b: {  	s0 =	sand.u32 $0x1, s1  }
0x8c: {  	s17 =	sshll.u32 s0, $0xA;
	s2 =	sadd.s32 s3, s2  }
0x8d: {  	s2 =	sadd.s32 s2, s17  }
0x8e: {  	[smem:$0x3FB1] =	sst s2  }
0x8f: {  	_ = 	snop  }
0x90: {  	s2 =	sld [smem:$0x3FD0];
	(tm) =	ssettm $0x1  }
0x91: {  	s18 =	sld [smem:$0x3FFB];
	_ =	sdelay $0x3  }
0x92: {  	_ =	strace s18  }
0x93: {  	s3 =	sld [smem:$0x3FFC];
	_ =	sdelay $0x3  }
0x94: {  	_ =	strace s3  }
0x95: {  	s3 =	sld [smem:$0x3FFD];
	_ =	sdelay $0x3  }
0x96: {  	_ =	strace s3  }
0x97: {  	_ =	strace $0x8FFFFFFF  }
0x98: {  	s19 =	sld [smem:$0x3FDB];
	_ =	sdelay $0x1  }
0x99: {  	s4 =	simm.s32 $_scs_section_size  }
0x9a: {  	s5 =	simm.s32 $_size__tile_overlayer_lowered;
	s6 =	simm.s32 $_tile_overlayer_lowered  }
0x9b: {  	s22 =	simm.s32 $0x1BFF;
	s21 =	sshll.u32 s6, $0x1;
	s3 =	sadd.s32 s4, s19  }
0x9c: {  	s7 =	simm.s32 $0x0;
	s20 =	sshll.u32 s5, $0x1;
	s5 =	sadd.s32 s21, s3  }
0x9d: {  	[timem:s7], [sflag:s22] =	dma.local [hbm:s5], s20  }
0x9e: {  	_ =	swait.ge [sflag:s22], s20  }
0x9f: {  	s4 =	ssub.s32 $0x0, s20;
	[sflag:s22] =	ssyncset.done $0x0  }
0xa0: {  	[sflag:s22] =	ssyncadd.s32 s4;
	_ =	sdelay $0x1  }
0xa1: {  	s23 =	simm.s32 $0x1B8B  }
0xa2: {  	_ =	swait.ge [sflag:s23], $0x1  }
0xa3: {  	[sflag:s23] =	ssyncset.done $0x0  }
0xa4: {  	s25 =	simm.s32 $0x1B8E;
	s24 =	sld [smem:$0x3FFE];
	[sflag:s23] =	ssyncadd.s32 $0xFFFFFFFF  }
0xa5: {  	s26 =	simm.s32 $execute0_lowered;
	[smem:$0x3FD2] =	sst s25  }
0xa6: {  	s5 =	sshll.u32 s26, $0x1;
	_ =	strace $0x80000049;
	[dreg:$0x1] =	wrdreg $0xFFFFFFFF  }
0xa7: {  	s28 =	simm.s32 $_size_execute0_lowered;
	s3 =	sadd.s32 s3, s5;
	[dreg:$0x0] =	wrdreg $0x0  }
0xa8: {  	s5 =	sshll.u32 s28, $0x1;
	[dreg:$0x2] =	wrdreg s3  }
0xa9: {  	[dreg:$0x3] =	wrdreg s5  }
0xaa: {  	[dreg:$0x4] =	wrdreg $0xC0  }
0xab: {  	_ =	task [dreg:s7], $0x5FFFF  }
0xac: {  	[dreg:$0x1] =	wrdreg $0xFFFFFFFF  }
0xad: {  	[dreg:$0x0] =	wrdreg $0x60  }
0xae: {  	[dreg:$0x2] =	wrdreg s2  }
0xaf: {  	[dreg:$0x3] =	wrdreg s24  }
0xb0: {  	[dreg:$0x4] =	wrdreg $0x140800  }
0xb1: {  	[dreg:$0x5] =	wrdreg $0x9  }
0xb2: {  	_ =	task.clear_ibuf [dreg:s7], $0x6FFFF;
	_ =	strace $0x90000049  }
0xb3: {  	s29 =	simm.s32 $0x9;
	_ =	strace $0x8000004B  }
0xb4: {  	_ =	swait.ge [sflag:s29], $0x1  }
0xb5: {  	[sflag:s29] =	ssyncadd.s32 $0xFFFFFFFF  }
0xb6: {  	_ =	strace $0x9000004B  }
0xb7: {  	_ =	sfence  }
0xb8: {  	s30 =	sld [smem:$0x0];
	_ =	sdelay $0x2  }
0xb9: {  	s31 =	sshll.u32 s1, $0xD;
	s1 =	sshrl.u32 s1, $0x2  }
0xba: {  	s3 =	sand.u32 $0x4000, s31;
	s1 =	sadd.s32 s1, s30  }
0xbb: {  	s0 =	sor.u32 s3, s0;
	s1 =	sshll.u32 s1, $0x11  }
0xbc: {  	s0 =	sor.u32 s1, s0  }
0xbd: {  	s0 =	sadd.s32 $0x8F2B, s0  }
0xbe: {  	[sflag:s0] =	ssyncadd.remote.s32 $0x1  }
0xbf: {  	_ =	sfence.sel $0xFFFF  }
0xc0: {  	[dreg:$0x0] =	wrdreg $0xFFFFFFFF;
	(pc) =	sbr.abs _section_cstart, $3  }
0xc1: {  	[dreg:$0x1] =	wrdreg $0xFFFFFFFF  }
0xc2: {  	_ =	task.clear_ibuf [dreg:s7], $0x2FFFF;
	_ =	strace $0x9FFFFFFF  }
0xc3: {  	(tm) =	ssettm $0x7FFFFFFF  }
tec
execute0_lowered:
.L_overlay_start_1:
0x0: {  	(tag) =	ssettag $0x1  }
0x1: {  	s1 =	rddreg [dreg:$0x0]  }
0x2: {  	s0 =	rddreg [dreg:$0x1]  }
0x3: {  	s2 =	rddreg [dreg:$0x2];
	s3 =	simm.s32 $0x0  }
0x4: {  	s9 =	srdreg.scid;
	s5 =	stileid.u32;
	s28 =	simm.s32 $0x3  }
0x5: {  	s29 =	simm.s32 $0x12080;
	[smem:$0x7FF] =	sst s3;
	s4 =	sadd.s32 $0x1A600, s0  }
0x6: {  	s6 =	sadd.s32 $0xBA600, s0;
	s7 =	sadd.s32 $0x15A600, s0;
	s24 =	smul.u32 $0x29000, s5  }
0x7: {  	s8 =	sadd.s32 $0x15B600, s0;
	s23 =	sand.u32 $0x1, s9;
	s21 =	smul.u32 $0x28000, s5  }
0x8: {  	s11 =	sshll.u32 s5, $0xA;
	s19 =	sand.u32 $0x7, s5;
	s20 =	smul.u32 $0x280000, s23  }
0x9: {  	s13 =	sshrl.u32 s5, $0x3;
	_ =	strace $0x8000004A;
	s22 =	smul.u32 $0x280, s19  }
0xa: {  	s10 =	ssub.s32 $0x2, s23;
	s9 =	sshll.u32 s23, $0xE;
	s25 =	smul.u32 $0x140, s13  }
0xb: {  	[dreg:$0x4] =	wrdreg s7;
	s0 =	sshll.u32 s23, $0x3;
	s19 =	smul.u32 $0x138800, s19  }
0xc: {  	s12 =	sshrl.u32 s10, $0x1;
	s9 =	sor.u32 s11, s9;
	[dreg:$0x7] =	wrdreg s0  }
0xd: {  	s10 =	ssub.s32 s10, s12;
	[dreg:$0x5] =	wrdreg s9;
	s11 =	sshrl.u32 s9, $0x3  }
0xe: {  	s12 =	sshrl.u32 s24, $0x2;
	s14 =	smov.u32 s25;
	s0 =	sadd.s32 s25, s22  }
0xf: {  	s5 =	sadd.s32 s21, s20;
	s25 =	simm.s32 $0x4;
	s7 =	sadd.s32 s7, s11  }
0x10: {  	s12 =	sadd.s32 s12, s2;
	s0 =	sshll.u32 s0, $0x7;
	s30 =	smax.u32 s10, $0x1  }
.Ltmp0:
0x11: {  	s31 =	sor.u32 $0x5000, s5;
	[dreg:$0x9] =	wrdreg s5;
	(pc) =	sbr.rel .LBB2_1-.Ltmp0, $4  }
0x12: {  	[dreg:$0x6] =	wrdreg s7;
	s26 =	sadd.s32 $0x2000, s12;
	s15 =	sadd.s32 $0x4000, s12  }
0x13: {  	s16 =	sadd.s32 $0x6000, s12;
	s17 =	sadd.s32 $0x8000, s12;
	[dreg:$0xa] =	wrdreg s30  }
0x14: {  	s18 =	sadd.s32 $0xA000, s12;
	s21 =	sadd.s32 s0, s2;
	[dreg:$0xb] =	wrdreg s31  }
0x15: {  	v0 =	vimm.f32 $0.0e+00;
	vm0 =	vmmov $0x1;
	s7 =	simm.s32 $0x0;
	[dreg:$0x8] =	wrdreg s26;
	s26 =	simm.s32 $0x1  }
.LBB2_25:
0x16: {  	s7 =	rddreg [dreg:$0xc]  }
0x17: {  	s0 =	rddreg [dreg:$0xa];
	s7 =	sadd.s32 $0x1, s7  }
0x18: {  	p0 =	sne.s32 s7, s0  }
.Ltmp1:
0x19: {  	_ = 	snop;
	(pc) =	sbr.rel @!p0 .LBB2_26-.Ltmp1, $2  }
0x1a: {  	_ =	sdelay $0x2  }
0x1b: {  	s5 =	rddreg [dreg:$0x9]  }
.LBB2_1:
0x1c: {  	[dreg:$0xc] =	wrdreg s7;
	s0 =	simm.s32 $0x10;
	s10 =	sand.u32 $0x1FF0, s3  }
.LBB2_2:
0x1d: {  	p0 =	sne.s32 s0, $0x1FF0;
	[tilespmem:s10+$0x12080] =	vst v0;
	s10 =	smov.u32 s0;
	s0 =	sadd.s32 $0x10, s0  }
.Ltmp2:
0x1e: {  	(pc) =	sbr.rel @p0 .LBB2_2-.Ltmp2, $2  }
0x1f: {  	_ =	sdelay $0x2  }
0x20: {  	s10 =	sand.u32 $0x1FF0, s10  }
0x21: {  	[tilespmem:s10+$0x12080] =	vst v0;
	s10 =	simm.s32 $0x0;
	s0 =	rddreg [dreg:$0x6];
	s7 =	simm.s32 $0xA000  }
0x22: {  	[tilespmem:s7], [sflag:$0x4] =	stream.linear.gather [hbm4b:s0+s10], $0x80, $0x38;
	[tilespmem:$0x1E480] =	vst v63  }
0x23: {  	_ =	swait.ge [sflag:s25], $0x80  }
0x24: {  	[sflag:s25] =	ssyncset.done $0x0  }
0x25: {  	[sflag:s25] =	ssyncadd.s32 $0xFFFFFF80  }
0x26: {  	v1 =	vld [tilespmem:$0xA000];
	_ =	sdelay $0x4  }
0x27: {  	v1 =	vnsel vm0, $0x0, v1  }
0x28: {  	(xrf0) =	vadd.scan.msk.s32 $0xffff, v1;
	_ =	sdelay $0x5  }
0x29: {  	v1, _, _ =	vpop (xrf0)  }
0x2a: {  	(v2sf) =	vpush v1, $0xF;
	_ =	sdelay $0xe  }
0x2b: {  	s31 =	spop (v2sf)  }
0x2c: {  	s24 =	sadd.s32 $0xF, s31  }
0x2d: {  	s20 =	sand.u32 $0xF, s24  }
0x2e: {  	s30 =	sshra.s32 s24, $0x1F;
	p1 =	slt.s32 s24, $0x1;
	p0 =	sne.s32 s20, $0x0  }
0x2f: {  	s20 =	sshrl.u32 s30, $0x1C;
	p0 =	por !p1, !p0  }
0x30: {  	s0 =	sadd.s32 s20, s24;
	s20 =	simm.s32 $0x1;
	p0 =	por !p0, !p0  }
0x31: {  	s0 =	sshra.s32 s0, $0x4;
	s20 =	simm.s32 @!p0 $0x0  }
0x32: {  	s0 =	ssub.s32 s0, s20  }
0x33: {  	p0 =	slt.s32 s0, $0x1  }
.Ltmp3:
0x34: {  	_ = 	snop;
	(pc) =	sbr.rel @p0 .LBB2_10-.Ltmp3, $2  }
0x35: {  	_ =	sdelay $0x2  }
0x36: {  	s22 =	simm.s32 $0x5000  }
0x37: {  	p1 =	sne.s32 s0, $0x1  }
.Ltmp4:
0x38: {  	_ = 	snop;
	(pc) =	sbr.rel @!p1 .LBB2_5-.Ltmp4, $2  }
0x39: {  	_ =	sdelay $0x2  }
0x3a: {  	s23 =	sadd.s32 $0xFFFFFFFF, s0;
	s0 =	sshrl.u32 s5, $0x3;
	p0 =	por $0x0, $0x0  }
0x3b: {  	s20 =	sadd.s32 s4, s0  }
0x3c: {  	[tilespmem:s10], [sflag:$0x3] =	stream.linear.gather [hbm4b:s20+s3], $0x800, $0x38;
	[tilespmem:$0x1E480] =	vst v63  }
0x3d: {  	s30 =	sadd.s32 s6, s0;
	p1 =	sne.s32 s23, $0x1  }
0x3e: {  	[tilespmem:s22], [sflag:$0x3] =	stream.linear.gather [hbm4b:s30+s3], $0x800, $0x38;
	[tilespmem:$0x1E480] =	vst v63  }
.Ltmp5:
0x3f: {  	_ =	swait.ge [sflag:s28], $0x800;
	(pc) =	sbr.rel @!p1 .LBB2_7-.Ltmp5, $4  }
0x40: {  	[sflag:s28] =	ssyncset.done $0x0  }
0x41: {  	s24 =	sadd.s32 $0xFFFFFFFF, s23;
	p0 =	por $0x1, $0x1;
	[sflag:s28] =	ssyncadd.s32 $0xFFFFF800  }
0x42: {  	s23 =	simm.s32 $0x0;
	s20 =	sadd.s32 $0x800, s5;
	_ =	swait.ge [sflag:s28], $0x800  }
0x43: {  	s0 =	sshrl.u32 s20, $0x3;
	s22 =	sadd.s32 $0x800, s22;
	[sflag:s28] =	ssyncset.done $0x0  }
.LBB2_8:
0x44: {  	s30 =	sadd.s32 s4, s0;
	[sflag:s28] =	ssyncadd.s32 $0xFFFFF800;
	s23 =	sadd.s32 $0x800, s23  }
0x45: {  	[tilespmem:s23], [sflag:$0x3] =	stream.linear.gather [hbm4b:s30+s3], $0x800, $0x38;
	[tilespmem:$0x1E480] =	vst v63  }
0x46: {  	p1 =	sne.s32 s24, $0x1;
	s24 =	sadd.s32 $0xFFFFFFFF, s24;
	s0 =	sadd.s32 s6, s0  }
0x47: {  	[tilespmem:s22], [sflag:$0x3] =	stream.linear.gather [hbm4b:s0+s3], $0x800, $0x38;
	[tilespmem:$0x1E480] =	vst v63  }
.Ltmp6:
0x48: {  	_ =	swait.ge [sflag:s28], $0x800;
	(pc) =	sbr.rel @p1 .LBB2_8-.Ltmp6, $4  }
0x49: {  	[sflag:s28] =	ssyncset.done $0x0  }
0x4a: {  	[sflag:s28] =	ssyncadd.s32 $0xFFFFF800  }
0x4b: {  	s20 =	sadd.s32 $0x800, s20;
	_ =	swait.ge [sflag:s28], $0x800  }
0x4c: {  	s0 =	sshrl.u32 s20, $0x3;
	s22 =	sadd.s32 $0x800, s22;
	[sflag:s28] =	ssyncset.done $0x0  }
.LBB2_9:
0x4d: {  	s20 =	sadd.s32 @p0 $0x800, s23  }
0x4e: {  	s24 =	sadd.s32 s4, s0;
	[sflag:s28] =	ssyncadd.s32 @p0 $0xFFFFF800;
	s10 =	smov.u32 @p0 s20  }
0x4f: {  	[tilespmem:s10], [sflag:$0x3] =	stream.linear.gather [hbm4b:s24+s3], $0x800, $0x38;
	[tilespmem:$0x1E480] =	vst v63  }
0x50: {  	s30 =	sadd.s32 s6, s0  }
0x51: {  	[tilespmem:s22], [sflag:$0x3] =	stream.linear.gather [hbm4b:s30+s3], $0x800, $0x38;
	[tilespmem:$0x1E480] =	vst v63  }
0x52: {  	_ =	swait.ge [sflag:s28], $0x800  }
0x53: {  	[sflag:s28] =	ssyncset.done $0x0  }
0x54: {  	[sflag:s28] =	ssyncadd.s32 $0xFFFFF800  }
0x55: {  	_ =	swait.ge [sflag:s28], $0x800  }
0x56: {  	[sflag:s28] =	ssyncset.done $0x0  }
0x57: {  	[sflag:s28] =	ssyncadd.s32 $0xFFFFF800  }
.LBB2_10:
.Ltmp7:
0x58: {  	(pc) =	sbr.rel .LBB2_11-.Ltmp7, $2  }
0x59: {  	_ =	sdelay $0x2  }
0x5a: {  	s24 =	simm.s32 $0x0;
	s23 =	rddreg [dreg:$0xb]  }
.LBB2_23:
0x5b: {  	[sflag:s28] =	ssyncadd.s32 $0xFFFFF800  }
.LBB2_24:
0x5c: {  	p0 =	sne.s32 s10, $0x8  }
.Ltmp8:
0x5d: {  	_ = 	snop;
	(pc) =	sbr.rel @!p0 .LBB2_25-.Ltmp8, $2  }
0x5e: {  	_ =	sdelay $0x2  }
0x5f: {  	s23 =	sadd.s32 $0x5000, s23;
	s24 =	smov.u32 s10  }
.LBB2_11:
0x60: {  	[spmem:s12] =	stream.linear.scatter [tilespmem:s29], [sflag:$0x4], $0x2000, $0x38;
	[tilespmem:$0x1E480] =	vst v63  }
0x61: {  	_ =	swait.ge [sflag:s25], $0x2000  }
0x62: {  	[sflag:s25] =	ssyncset.done $0x0  }
0x63: {  	s0 =	rddreg [dreg:$0x8];
	[sflag:s25] =	ssyncadd.s32 $0xFFFFE000  }
0x64: {  	[spmem:s0] =	stream.linear.scatter [tilespmem:s29], [sflag:$0x4], $0x2000, $0x38;
	[tilespmem:$0x1E480] =	vst v63  }
0x65: {  	_ =	swait.ge [sflag:s25], $0x2000  }
0x66: {  	[sflag:s25] =	ssyncset.done $0x0  }
0x67: {  	[sflag:s25] =	ssyncadd.s32 $0xFFFFE000  }
0x68: {  	[spmem:s15] =	stream.linear.scatter [tilespmem:s29], [sflag:$0x4], $0x2000, $0x38;
	[tilespmem:$0x1E480] =	vst v63  }
0x69: {  	_ =	swait.ge [sflag:s25], $0x2000  }
0x6a: {  	[sflag:s25] =	ssyncset.done $0x0  }
0x6b: {  	[sflag:s25] =	ssyncadd.s32 $0xFFFFE000  }
0x6c: {  	[spmem:s16] =	stream.linear.scatter [tilespmem:s29], [sflag:$0x4], $0x2000, $0x38;
	[tilespmem:$0x1E480] =	vst v63  }
0x6d: {  	_ =	swait.ge [sflag:s25], $0x2000  }
0x6e: {  	[sflag:s25] =	ssyncset.done $0x0  }
0x6f: {  	[sflag:s25] =	ssyncadd.s32 $0xFFFFE000  }
0x70: {  	[spmem:s17] =	stream.linear.scatter [tilespmem:s29], [sflag:$0x4], $0x2000, $0x38;
	[tilespmem:$0x1E480] =	vst v63  }
0x71: {  	_ =	swait.ge [sflag:s25], $0x2000  }
0x72: {  	[sflag:s25] =	ssyncset.done $0x0  }
0x73: {  	[sflag:s25] =	ssyncadd.s32 $0xFFFFE000  }
0x74: {  	[spmem:s18] =	stream.linear.scatter [tilespmem:s29], [sflag:$0x4], $0x400, $0x38;
	[tilespmem:$0x1E480] =	vst v63  }
0x75: {  	_ =	swait.ge [sflag:s25], $0x400  }
0x76: {  	p0 =	slt.s32 s31, $0x1;
	[sflag:s25] =	ssyncset.done $0x0  }
0x77: {  	s10 =	simm.s32 @!p0 $0x0;
	[sflag:s25] =	ssyncadd.s32 $0xFFFFFC00  }
0x78: {  	s20 =	simm.s32 @!p0 $0xA080;
	s0 =	simm.s32 @!p0 $0x80;
	[bflag:$0x0] =	sbarrier.arrive $0xFFFF  }
0x79: {  	[tilespmem:s20], [sflag:$0x1] =	stream.indirect.gather @!p0 [hbm4b:s1+s0], $0x80, s10, s0, $0xb8;
	[tilespmem:$0x1E480] =	vst v63  }
0x7a: {  	s11 =	sadd.s32 $0x1, s31;
	p0 =	slt.u32 s31, $0x7FFFFFFF;
	s10 =	simm.s32 $0x1  }
0x7b: {  	s13 =	sshra.s32 s11, $0x1F;
	s10 =	simm.s32 @!p0 $0x0  }
0x7c: {  	s22 =	sand.u32 $0x1, s11;
	s10 =	sadd.s32 s10, s13  }
0x7d: {  	p1 =	seq.s32 s22, $0x1;
	p6 =	sne.s32 s10, $0x1  }
0x7e: {  	s30 =	sshrl.u32 s11, $0x1F;
	p0 =	por !p6, !p1  }
0x7f: {  	s0 =	sadd.s32 s30, s11;
	s10 =	simm.s32 $0x1;
	p0 =	por !p0, !p0  }
0x80: {  	s0 =	sshra.s32 s0, $0x1;
	s10 =	simm.s32 @!p0 $0x0  }
0x81: {  	s0 =	ssub.s32 s0, s10  }
0x82: {  	p0 =	slt.s32 s0, $0x1  }
.Ltmp9:
0x83: {  	_ = 	snop;
	(pc) =	sbr.rel @p0 .LBB2_15-.Ltmp9, $1  }
0x84: {  	_ =	sdelay $0x3  }
0x85: {  	_ =	swait.ge [sflag:s26], $0x4000  }
0x86: {  	s10 =	simm.s32 $0x5000;
	p0 =	sle.s32 s31, $0x1;
	[sflag:s26] =	ssyncset.done $0x0  }
0x87: {  	s20 =	simm.s32 @p0 $0x80;
	s22 =	simm.s32 @p0 $0xA080;
	[sflag:s26] =	ssyncadd.s32 $0xFFFFC000  }
0x88: {  	[spmem:s2] =	stream.indirect.scatter.add.f32 @p0 [tilespmem:s22], [sflag:$0x5], $0x80, s10, s20, $0xb8;
	[tilespmem:$0x1E480] =	vst v63  }
0x89: {  	s7 =	simm.s32 @!p0 $0x80;
	s5 =	simm.s32 @!p0 $0xE080;
	s20 =	simm.s32 $0x80  }
0x8a: {  	[tilespmem:s5], [sflag:$0x2] =	stream.indirect.gather @!p0 [hbm4b:s1+s7], $0x80, s20, s7, $0xb8;
	[tilespmem:$0x1E480] =	vst v63  }
0x8b: {  	s22 =	simm.s32 @!p0 $0x5;
	s20 =	simm.s32 @!p0 $0xA080  }
0x8c: {  	[spmem:s2] =	stream.indirect.scatter.add.f32 @!p0 [tilespmem:s20], [sflag:$0x5], $0x80, s10, s7, $0xb8;
	[tilespmem:$0x1E480] =	vst v63  }
0x8d: {  	_ =	swait.ge @!p0 [sflag:s22], $0x4000  }
0x8e: {  	[sflag:s22] =	ssyncset.done @!p0 $0x0  }
0x8f: {  	p1 =	sle.s32 @!p0 s31, $0x2;
	s20 =	simm.s32 @!p0 $0x2;
	[sflag:s22] =	ssyncadd.s32 @!p0 $0xFFFFC000  }
0x90: {  	p1 =	por p1, p0;
	_ =	swait.ge @!p0 [sflag:s20], $0x4000  }
0x91: {  	s9 =	simm.s32 @!p1 $0x80;
	[sflag:s20] =	ssyncset.done @!p0 $0x0  }
0x92: {  	s22 =	simm.s32 @!p1 $0xA080;
	[sflag:s20] =	ssyncadd.s32 @!p0 $0xFFFFC000;
	s20 =	simm.s32 @!p1 $0x100  }
0x93: {  	[tilespmem:s22], [sflag:$0x1] =	stream.indirect.gather @!p1 [hbm4b:s1+s9], $0x80, s20, s9, $0xb8;
	[tilespmem:$0x1E480] =	vst v63  }
0x94: {  	s30 =	simm.s32 @!p0 $0x4;
	s22 =	sadd.s32 $0xFFFFFFFF, s0;
	s0 =	simm.s32 @!p0 $0x5080  }
0x95: {  	[spmem:s2] =	stream.indirect.scatter.add.f32 @!p0 [tilespmem:s5], [sflag:$0x4], $0x80, s0, s7, $0xb8;
	[tilespmem:$0x1E480] =	vst v63  }
0x96: {  	s30 =	simm.s32 @p0 $0x5;
	p0 =	sne.s32 s22, $0x0  }
.Ltmp10:
0x97: {  	_ = 	snop;
	(pc) =	sbr.rel @!p0 .LBB2_14-.Ltmp10, $3  }
0x98: {  	_ =	sdelay $0x1  }
0x99: {  	_ =	swait.ge [sflag:s30], $0x4000  }
0x9a: {  	s20 =	simm.s32 $0x3;
	s0 =	simm.s32 $0x180;
	[sflag:s30] =	ssyncset.done $0x0  }
.LBB2_13:
0x9b: {  	s22 =	sadd.s32 $0xFFFFFFFF, s22;
	[sflag:s30] =	ssyncadd.s32 $0xFFFFC000;
	s10 =	sadd.s32 $0x100, s10  }
0x9c: {  	p0 =	sne.s32 s22, $0x0  }
0x9d: {  	_ =	swait.ge [sflag:s26], $0x4000  }
0x9e: {  	p1 =	sge.s32 s20, s31;
	[sflag:s26] =	ssyncset.done $0x0  }
0x9f: {  	s5 =	simm.s32 @p1 $0x80;
	s7 =	simm.s32 @p1 $0xA080;
	[sflag:s26] =	ssyncadd.s32 $0xFFFFC000  }
0xa0: {  	[spmem:s2] =	stream.indirect.scatter.add.f32 @p1 [tilespmem:s7], [sflag:$0x5], $0x80, s10, s5, $0xb8;
	[tilespmem:$0x1E480] =	vst v63  }
0xa1: {  	s9 =	sadd.s32 @!p1 $0x1, s20;
	s5 =	simm.s32 @!p1 $0x80;
	s7 =	simm.s32 @!p1 $0xE080  }
0xa2: {  	[tilespmem:s7], [sflag:$0x2] =	stream.indirect.gather @!p1 [hbm4b:s1+s5], $0x80, s0, s5, $0xb8;
	[tilespmem:$0x1E480] =	vst v63  }
0xa3: {  	s30 =	simm.s32 @!p1 $0xA080;
	s11 =	simm.s32 @!p1 $0x5;
	p2 =	sge.s32 @!p1 s9, s31  }
0xa4: {  	[spmem:s2] =	stream.indirect.scatter.add.f32 @!p1 [tilespmem:s30], [sflag:$0x5], $0x80, s10, s5, $0xb8;
	[tilespmem:$0x1E480] =	vst v63  }
0xa5: {  	p2 =	por p2, p1;
	s30 =	simm.s32 @!p1 $0x4;
	_ =	swait.ge @!p1 [sflag:s11], $0x4000  }
0xa6: {  	[sflag:s11] =	ssyncset.done @!p1 $0x0  }
0xa7: {  	s9 =	simm.s32 @!p1 $0x2;
	[sflag:s11] =	ssyncadd.s32 @!p1 $0xFFFFC000  }
0xa8: {  	_ =	swait.ge @!p1 [sflag:s9], $0x4000  }
0xa9: {  	s11 =	simm.s32 @!p2 $0xA080;
	[sflag:s9] =	ssyncset.done @!p1 $0x0  }
0xaa: {  	s13 =	simm.s32 @!p2 $0x80;
	[sflag:s9] =	ssyncadd.s32 @!p1 $0xFFFFC000;
	s9 =	sadd.s32 @!p2 $0x80, s0  }
0xab: {  	[tilespmem:s11], [sflag:$0x1] =	stream.indirect.gather @!p2 [hbm4b:s1+s13], $0x80, s9, s13, $0xb8;
	[tilespmem:$0x1E480] =	vst v63  }
.Ltmp11:
0xac: {  	_ = 	snop;
	(pc) =	sbr.rel @p0 .LBB2_13-.Ltmp11, $4  }
0xad: {  	s30 =	simm.s32 @p1 $0x5;
	s9 =	sadd.s32 @!p1 $0x80, s10  }
0xae: {  	[spmem:s2] =	stream.indirect.scatter.add.f32 @!p1 [tilespmem:s7], [sflag:$0x4], $0x80, s9, s5, $0xb8;
	[tilespmem:$0x1E480] =	vst v63  }
0xaf: {  	_ =	swait.ge [sflag:s30], $0x4000  }
0xb0: {  	s20 =	sadd.s32 $0x2, s20;
	s0 =	sadd.s32 $0x100, s0;
	[sflag:s30] =	ssyncset.done $0x0  }
.LBB2_14:
0xb1: {  	[sflag:s30] =	ssyncadd.s32 $0xFFFFC000  }
.LBB2_15:
0xb2: {  	s10 =	sadd.s32 $0x1, s24;
	p0 =	seq.s32 s24, $0x7  }
0xb3: {  	s0 =	sshll.u32 @!p0 s10, $0x7  }
0xb4: {  	s7 =	rddreg [dreg:$0x5];
	s5 =	sand.u32 @!p0 $0x400, s0  }
0xb5: {  	s0 =	sand.u32 @!p0 $0x380, s0;
	s5 =	sadd.s32 @!p0 s7, s5  }
0xb6: {  	[bflag:$0x0] =	sbarrier.arrive $0xFFFF;
	s0 =	sor.u32 @!p0 s0, s5  }
0xb7: {  	s5 =	rddreg [dreg:$0x4];
	s0 =	sshrl.u32 @!p0 s0, $0x3  }
0xb8: {  	s7 =	simm.s32 @!p0 $0xA000;
	s5 =	sadd.s32 @!p0 s5, s0;
	s0 =	simm.s32 @!p0 $0x0  }
0xb9: {  	[tilespmem:s7], [sflag:$0x4] =	stream.linear.gather @!p0 [hbm4b:s5+s0], $0x80, $0x38;
	[tilespmem:$0x1E480] =	vst v63  }
0xba: {  	s5 =	simm.s32 @!p0 $0x4  }
0xbb: {  	_ =	swait.ge @!p0 [sflag:s5], $0x80  }
0xbc: {  	[sflag:s5] =	ssyncset.done @!p0 $0x0  }
0xbd: {  	[sflag:s5] =	ssyncadd.s32 @!p0 $0xFFFFFF80  }
0xbe: {  	v1 =	vld @!p0 [tilespmem:$0xA000];
	_ =	sdelay $0x3  }
0xbf: {  	vm1 =	vmmov @!p0 $0x1  }
0xc0: {  	v1 =	vnsel @!p0 vm1, $0x0, v1  }
0xc1: {  	(xrf0) =	vadd.scan.msk.s32 @!p0 $0xffff, v1;
	_ =	sdelay $0x5  }
0xc2: {  	v1, _, _ =	vpop @!p0 (xrf0)  }
0xc3: {  	(v2sf) =	vpush @!p0 v1, $0xF;
	_ =	sdelay $0xe  }
0xc4: {  	s31 =	spop @!p0 (v2sf)  }
0xc5: {  	s5 =	sadd.s32 @!p0 $0xF, s31  }
0xc6: {  	s7 =	sand.u32 @!p0 $0xF, s5  }
0xc7: {  	p1 =	slt.s32 @!p0 s5, $0x1;
	p2 =	sne.s32 @!p0 s7, $0x0  }
0xc8: {  	s7 =	sshra.s32 @!p0 s5, $0x1F;
	p1 =	por @!p0 !p1, !p2  }
0xc9: {  	s7 =	sshrl.u32 @!p0 s7, $0x1C;
	p1 =	por @!p0 !p1, !p1  }
0xca: {  	s5 =	sadd.s32 @!p0 s7, s5;
	s7 =	simm.s32 @!p0 $0x1;
	p1 =	por !p1, p0  }
0xcb: {  	s5 =	sshra.s32 @!p0 s5, $0x4;
	s7 =	simm.s32 @p1 $0x0  }
0xcc: {  	s22 =	ssub.s32 @!p0 s5, s7  }
0xcd: {  	p1 =	slt.s32 @!p0 s22, $0x1  }
0xce: {  	p1 =	por p0, p1  }
.Ltmp12:
0xcf: {  	_ = 	snop;
	(pc) =	sbr.rel @p1 .LBB2_16-.Ltmp12, $2  }
0xd0: {  	_ =	sdelay $0x2  }
0xd1: {  	s20 =	simm.s32 @!p0 $0x5000  }
0xd2: {  	p1 =	sne.s32 s22, $0x1  }
.Ltmp13:
0xd3: {  	s5 =	sshrl.u32 s23, $0x3;
	(pc) =	sbr.rel @!p1 .LBB2_19-.Ltmp13, $4  }
0xd4: {  	s7 =	sadd.s32 s4, s5  }
0xd5: {  	[tilespmem:s0], [sflag:$0x3] =	stream.linear.gather [hbm4b:s7+s3], $0x800, $0x38;
	[tilespmem:$0x1E480] =	vst v63  }
0xd6: {  	s22 =	sadd.s32 $0xFFFFFFFF, s22;
	s30 =	sadd.s32 $0x800, s23;
	s5 =	sadd.s32 s6, s5  }
0xd7: {  	[tilespmem:s20], [sflag:$0x3] =	stream.linear.gather [hbm4b:s5+s3], $0x800, $0x38;
	[tilespmem:$0x1E480] =	vst v63  }
.LBB2_18:
0xd8: {  	s5 =	sshrl.u32 s30, $0x3;
	p1 =	sne.s32 s22, $0x1;
	s22 =	sadd.s32 $0xFFFFFFFF, s22  }
.Ltmp14:
0xd9: {  	s0 =	sadd.s32 $0x800, s0;
	s7 =	sadd.s32 s4, s5;
	(pc) =	sbr.rel @p1 .LBB2_18-.Ltmp14, $4  }
0xda: {  	[tilespmem:s0], [sflag:$0x3] =	stream.linear.gather [hbm4b:s7+s3], $0x800, $0x38;
	[tilespmem:$0x1E480] =	vst v63  }
0xdb: {  	s20 =	sadd.s32 $0x800, s20;
	s5 =	sadd.s32 s6, s5  }
0xdc: {  	[tilespmem:s20], [sflag:$0x3] =	stream.linear.gather [hbm4b:s5+s3], $0x800, $0x38;
	[tilespmem:$0x1E480] =	vst v63  }
0xdd: {  	s30 =	sadd.s32 $0x800, s30  }
.Ltmp15:
0xde: {  	_ = 	snop;
	(pc) =	sbr.rel .LBB2_19-.Ltmp15, $1  }
0xdf: {  	_ =	sdelay $0x3  }
.LBB2_16:
0xe0: {  	s31 =	simm.s32 @p0 $0x0  }
.LBB2_19:
0xe1: {  	s0 =	rddreg [dreg:$0x7]  }
0xe2: {  	s0 =	sadd.s32 s0, s24  }
0xe3: {  	s0 =	smul.u32 $0x280, s0;
	_ =	sdelay $0x1  }
0xe4: {  	s0 =	sadd.s32 s14, s0  }
0xe5: {  	p1 =	sgt.u32 s0, $0x25D0  }
0xe6: {  	p2 =	sgt.u32 @p1 s0, $0x270F  }
0xe7: {  	p2 =	por p2, !p1  }
0xe8: {  	s5 =	sshll.u32 @!p2 s0, $0x7  }
0xe9: {  	s11 =	stileid.u32;
	s5 =	sadd.s32 @!p2 s19, s5  }
0xea: {  	s7 =	sshll.u32 @!p2 s11, $0x6;
	s5 =	sshrl.u32 @!p2 s5, $0x3  }
0xeb: {  	s9 =	sshrl.u32 @!p2 s21, $0x3;
	s7 =	sor.u32 @!p2 $0x1C04, s7;
	s5 =	sadd.s32 @!p2 s8, s5  }
0xec: {  	[hbm:s5], [sflag:s7] =	dma.local @!p2 [spmem:s9], $0x500  }
0xed: {  	s5 =	simm.s32 @!p2 $0x4  }
0xee: {  	s0 =	sshll.u32 @!p1 s0, $0x7;
	_ =	swait.ge @!p2 [sflag:s5], $0x500  }
0xef: {  	s0 =	sadd.s32 @!p1 s19, s0;
	[sflag:s5] =	ssyncset.done @!p2 $0x0  }
0xf0: {  	s0 =	sshrl.u32 @!p1 s0, $0x3;
	[sflag:s5] =	ssyncadd.s32 @!p2 $0xFFFFFB00;
	s5 =	sshll.u32 @!p1 s11, $0x6  }
0xf1: {  	s0 =	sadd.s32 @!p1 s8, s0;
	s7 =	sshrl.u32 @!p1 s21, $0x3;
	s5 =	sor.u32 @!p1 $0x1C04, s5  }
0xf2: {  	[hbm:s0], [sflag:s5] =	dma.local @!p1 [spmem:s7], $0x1400  }
0xf3: {  	s0 =	simm.s32 @!p1 $0x4  }
.Ltmp16:
0xf4: {  	_ =	swait.ge @!p1 [sflag:s0], $0x1400;
	(pc) =	sbr.rel @p0 .LBB2_25-.Ltmp16, $4  }
0xf5: {  	[sflag:s0] =	ssyncset.done @!p1 $0x0  }
0xf6: {  	[sflag:s0] =	ssyncadd.s32 @!p1 $0xFFFFEC00  }
0xf7: {  	[bflag:$0x0] =	sbarrier.arrive $0xFFFF  }
0xf8: {  	s9 =	stileid.u32  }
0xf9: {  	s0 =	sadd.s32 $0xF, s31  }
0xfa: {  	s5 =	sand.u32 $0xF, s0  }
0xfb: {  	s7 =	sshra.s32 s0, $0x1F;
	p0 =	slt.s32 s0, $0x1;
	p1 =	sne.s32 s5, $0x0  }
0xfc: {  	s30 =	sshrl.u32 s7, $0x1C;
	p0 =	por !p0, !p1  }
0xfd: {  	s5 =	simm.s32 $0x1;
	s0 =	sadd.s32 s30, s0;
	p0 =	por !p0, !p0  }
0xfe: {  	s0 =	sshra.s32 s0, $0x4;
	s5 =	simm.s32 @!p0 $0x0  }
0xff: {  	s0 =	ssub.s32 s0, s5  }
0x100: {  	p0 =	slt.s32 s0, $0x1  }
.Ltmp17:
0x101: {  	_ = 	snop;
	(pc) =	sbr.rel @p0 .LBB2_24-.Ltmp17, $1  }
0x102: {  	_ =	sdelay $0x3  }
0x103: {  	p0 =	sne.s32 s0, $0x1  }
.Ltmp18:
0x104: {  	_ =	swait.ge [sflag:s28], $0x800;
	(pc) =	sbr.rel @!p0 .LBB2_23-.Ltmp18, $4  }
0x105: {  	[sflag:s28] =	ssyncset.done $0x0  }
0x106: {  	[sflag:s28] =	ssyncadd.s32 $0xFFFFF800  }
0x107: {  	_ =	swait.ge [sflag:s28], $0x800  }
0x108: {  	s0 =	sadd.s32 $0xFFFFFFFF, s0;
	[sflag:s28] =	ssyncset.done $0x0  }
.LBB2_22:
0x109: {  	p0 =	sne.s32 s0, $0x1;
	s0 =	sadd.s32 $0xFFFFFFFF, s0;
	[sflag:s28] =	ssyncadd.s32 $0xFFFFF800  }
.Ltmp19:
0x10a: {  	_ =	swait.ge [sflag:s28], $0x800;
	(pc) =	sbr.rel @p0 .LBB2_22-.Ltmp19, $4  }
0x10b: {  	[sflag:s28] =	ssyncset.done $0x0  }
0x10c: {  	[sflag:s28] =	ssyncadd.s32 $0xFFFFF800  }
0x10d: {  	_ =	swait.ge [sflag:s28], $0x800  }
0x10e: {  	[sflag:s28] =	ssyncset.done $0x0  }
.Ltmp20:
0x10f: {  	_ = 	snop;
	(pc) =	sbr.rel .LBB2_23-.Ltmp20, $1  }
0x110: {  	_ =	sdelay $0x3  }
.LBB2_5:
.Ltmp21:
0x111: {  	(pc) =	sbr.rel .LBB2_9-.Ltmp21, $2  }
0x112: {  	_ =	sdelay $0x2  }
0x113: {  	s23 =	simm.s32 $0x0  }
.LBB2_7:
.Ltmp22:
0x114: {  	(pc) =	sbr.rel .LBB2_9-.Ltmp22, $2  }
0x115: {  	_ =	sdelay $0x2  }
0x116: {  	s23 =	simm.s32 $0x0  }
.LBB2_26:
0x117: {  	_ =	sfence.sel $0x180000  }
0x118: {  	[bflag:$0x0] =	sbarrier.arrive $0xFFFF  }
0x119: {  	_ =	strace $0x9000004A  }
0x11a: {  	[bflag:$0x2] =	sbarrier.arrive $0xFFFF  }
0x11b: {  	p0 =	sne.s32 s9, $0x0;
	s0 =	rddreg [dreg:$0x3]  }
0x11c: {  	s0 =	sadd.s32 @!p0 $0x100000, s0  }
0x11d: {  	[sflag:s0] =	ssyncadd.tile.s32 @!p0 $0x1;
	_ =	shalt  }
.Lfunc_end2:
_tile_overlayer_lowered:
.L_overlay_start_2:
0x11e: {  	(tag) =	ssettag $0x2  }
0x11f: {  	s0 =	rddreg [dreg:$0x0];
	s2 =	stileid.u32  }
0x120: {  	s1 =	rddreg [dreg:$0x1];
	p0 =	sne.s32 s2, $0x0  }
0x121: {  	s3 =	rddreg [dreg:$0x2];
	[bflag:$0x3] =	sbarrier.arrive $0xFFFF;
	s2 =	simm.s32 @!p0 $0x1C04  }
0x122: {  	[timem:s3], [sflag:s2] =	dma.local @!p0 [hbm:s0], s1  }
0x123: {  	s0 =	simm.s32 @!p0 $0x4  }
0x124: {  	_ =	swait.ge @!p0 [sflag:s0], s1  }
0x125: {  	s1 =	ssub.s32 @!p0 $0x0, s1;
	[sflag:s0] =	ssyncset.done @!p0 $0x0  }
0x126: {  	[sflag:s0] =	ssyncadd.s32 @!p0 s1  }
0x127: {  	[bflag:$0x3] =	sbarrier.arrive $0xFFFF  }
0x128: {  	_ =	shalt  }

// kernel: kernel.14.cloned.1.call-start
scs
__scs_entry_jumppad:
0x0: {  	(pc) =	sbr.rel $0x88, $3  }
0x1: {  	(tag) =	ssettag $0x0;
	lr =	simm.s32 $0x1  }
0x2: {  	[smem:$0x3F8A] =	sst lr;
	_ =	strace $0xD0000000  }
0x3: {  	_ = 	snop  }
0x4: {  	_ = 	snop  }
0x5: {  	_ = 	snop  }
0x6: {  	_ = 	snop  }
0x7: {  	_ = 	snop  }
__scs_overlays_trampoline_lowered:
0x8: {  	[smem:$0x3F99] =	sst s0  }
0x9: {  	[smem:$0x3F9A] =	sst s1  }
0xa: {  	[smem:$0x3F9B] =	sst s2  }
0xb: {  	[smem:$0x3F9C] =	sst s3  }
0xc: {  	[smem:$0x3F9D] =	sst s4  }
0xd: {  	[smem:$0x3F9E] =	sst s5  }
0xe: {  	[smem:$0x3F9F] =	sst s6  }
0xf: {  	[smem:$0x3FA0] =	sst s7  }
0x10: {  	[smem:$0x3FA1] =	sst s8  }
0x11: {  	[smem:$0x3FA2] =	sst s9;
	s0 =	simm.s32 @!p0 $0x0  }
0x12: {  	s1 =	sld [smem:$0x3F88];
	s0 =	simm.s32 @p0 $0x1  }
0x13: {  	[smem:$0x3FA3] =	sst s0;
	s0 =	simm.s32 @!p1 $0x0  }
0x14: {  	s2 =	sld [smem:$0x3F87];
	s0 =	simm.s32 @p1 $0x1  }
0x15: {  	[smem:$0x3FA4] =	sst s0;
	s0 =	simm.s32 @!p2 $0x0  }
0x16: {  	s3 =	sld [smem:$0x3FDB];
	s0 =	simm.s32 @p2 $0x1  }
0x17: {  	s4 =	simm.s32 $0x1BF5;
	[smem:$0x3FA6] =	sst s0  }
0x18: {  	s0 =	sld [smem:$0x3F89];
	_ =	swait.ge [sflag:s4], $0x0  }
0x19: {  	s7 =	sld [smem:$0x3F8A]  }
0x1a: {  	s8 =	sadd.s32 $0xFFFFE003, lr  }
0x1b: {  	s9 =	sadd.s32 $0xFFFFFEF7, lr;
	s5 =	simm.s32 $0xFFFFFFFF;
	p2 =	slt.u32 s8, $0xFFFFF086  }
0x1c: {  	p1 =	slt.u32 s9, $0xF7A;
	s5 =	simm.s32 @!p2 $0x0  }
0x1d: {  	s5 =	simm.s32 @p1 $0x1;
	p0 =	seq.s32 s7, s2  }
0x1e: {  	s7 =	smul.u32 @!p0 $0xF7A, s2;
	p2 =	seq.s32 @!p0 s5, $0x0  }
0x1f: {  	s9 =	smul.u32 $0xF7A, s1;
	s8 =	simm.s32 @!p0 $0x1BF5;
	p2 =	por !p2, p0  }
0x20: {  	[sflag:s8] =	ssyncset.s32 @!p0 $0xFFFFF086;
	s6 =	sadd.s32 @!p0 s3, s7;
	s7 =	simm.s32 @!p0 $0x108  }
0x21: {  	s3 =	sadd.s32 s3, s9;
	s6 =	sadd.s32 @!p0 $0x88, s6;
	s7 =	simm.s32 @p2 $0x1082  }
0x22: {  	[simem:s7], [sflag:s8] =	dma.local @!p0 [hbm:s6], $0xF7A  }
0x23: {  	s9 =	sor.u32 $0xD0000000, s2;
	s6 =	simm.s32 $0x108;
	_ =	swait.ge @!p0 [sflag:s8], $0x0  }
0x24: {  	s3 =	sadd.s32 $0x88, s3;
	s6 =	simm.s32 @!p1 $0x1082;
	[sflag:s4] =	ssyncset.s32 $0xFFFFF086  }
0x25: {  	[simem:s6], [sflag:s4] =	dma.local [hbm:s3], $0xF7A  }
0x26: {  	[smem:$0x3F8A] =	sst s1;
	(tag) =	ssettag s2;
	_ =	strace s9  }
0x27: {  	s1 =	sld [smem:$0x3F9A]  }
0x28: {  	s2 =	sld [smem:$0x3F9B]  }
0x29: {  	s4 =	sld [smem:$0x3F9D]  }
0x2a: {  	p0 =	seq.s32 s5, $0x0;
	s5 =	sld [smem:$0x3F9E]  }
0x2b: {  	s6 =	sld [smem:$0x3F9F]  }
0x2c: {  	s7 =	sld [smem:$0x3FA0]  }
0x2d: {  	s3 =	simm.s32 $0x108;
	s8 =	sld [smem:$0x3FA1]  }
0x2e: {  	s3 =	simm.s32 @!p0 $0x1082;
	s9 =	sld [smem:$0x3FA2]  }
0x2f: {  	lr =	sadd.s32 s0, s3;
	s0 =	sld [smem:$0x3F99]  }
0x30: {  	s3 =	sld [smem:$0x3F9C]  }
0x31: {  	[smem:$0x3FA5] =	sst s10  }
0x32: {  	s10 =	sld [smem:$0x3FA3];
	_ =	sdelay $0x3  }
0x33: {  	p0 =	seq.s32 s10, $0x1;
	s10 =	sld [smem:$0x3FA5];
	_ =	sdelay $0x3  }
0x34: {  	[smem:$0x3FA5] =	sst s10  }
0x35: {  	s10 =	sld [smem:$0x3FA4];
	_ =	sdelay $0x3  }
0x36: {  	p1 =	seq.s32 s10, $0x1;
	s10 =	sld [smem:$0x3FA5];
	_ =	sdelay $0x3  }
0x37: {  	[smem:$0x3FA5] =	sst s10  }
0x38: {  	s10 =	sld [smem:$0x3FA6]  }
0x39: {  	_ = 	snop;
	(pc) =	sbr.ind lr, $3  }
0x3a: {  	_ = 	snop  }
0x3b: {  	_ = 	snop  }
0x3c: {  	p2 =	seq.s32 s10, $0x1;
	s10 =	sld [smem:$0x3FA5]  }
0x3d: {  	_ =	shalt  }
0x3e: {  	_ =	shalt  }
0x3f: {  	_ =	shalt  }
0x40: {  	_ =	shalt  }
0x41: {  	_ =	shalt  }
0x42: {  	_ =	shalt  }
0x43: {  	_ =	shalt  }
0x44: {  	_ =	shalt  }
0x45: {  	_ =	shalt  }
0x46: {  	_ =	shalt  }
0x47: {  	_ =	shalt  }
0x48: {  	_ =	shalt  }
0x49: {  	_ =	shalt  }
0x4a: {  	_ =	shalt  }
0x4b: {  	_ =	shalt  }
0x4c: {  	_ =	shalt  }
0x4d: {  	_ =	shalt  }
0x4e: {  	_ =	shalt  }
0x4f: {  	_ =	shalt  }
0x50: {  	_ =	shalt  }
0x51: {  	_ =	shalt  }
0x52: {  	_ =	shalt  }
0x53: {  	_ =	shalt  }
0x54: {  	_ =	shalt  }
0x55: {  	_ =	shalt  }
0x56: {  	_ =	shalt  }
0x57: {  	_ =	shalt  }
0x58: {  	_ =	shalt  }
0x59: {  	_ =	shalt  }
0x5a: {  	_ =	shalt  }
0x5b: {  	_ =	shalt  }
0x5c: {  	_ =	shalt  }
0x5d: {  	_ =	shalt  }
0x5e: {  	_ =	shalt  }
0x5f: {  	_ =	shalt  }
0x60: {  	_ =	shalt  }
0x61: {  	_ =	shalt  }
0x62: {  	_ =	shalt  }
0x63: {  	_ =	shalt  }
0x64: {  	_ =	shalt  }
0x65: {  	_ =	shalt  }
0x66: {  	_ =	shalt  }
0x67: {  	_ =	shalt  }
0x68: {  	_ =	shalt  }
0x69: {  	_ =	shalt  }
0x6a: {  	_ =	shalt  }
0x6b: {  	_ =	shalt  }
0x6c: {  	_ =	shalt  }
0x6d: {  	_ =	shalt  }
0x6e: {  	_ =	shalt  }
0x6f: {  	_ =	shalt  }
0x70: {  	_ =	shalt  }
0x71: {  	_ =	shalt  }
0x72: {  	_ =	shalt  }
0x73: {  	_ =	shalt  }
0x74: {  	_ =	shalt  }
0x75: {  	_ =	shalt  }
0x76: {  	_ =	shalt  }
0x77: {  	_ =	shalt  }
0x78: {  	_ =	shalt  }
0x79: {  	_ =	shalt  }
0x7a: {  	_ =	shalt  }
0x7b: {  	_ =	shalt  }
0x7c: {  	_ =	shalt  }
0x7d: {  	_ =	shalt  }
0x7e: {  	_ =	shalt  }
0x7f: {  	_ =	shalt  }
0x80: {  	_ =	shalt  }
0x81: {  	_ =	shalt  }
0x82: {  	_ =	shalt  }
0x83: {  	_ =	shalt  }
0x84: {  	_ =	shalt  }
0x85: {  	_ =	shalt  }
0x86: {  	_ =	shalt  }
0x87: {  	_ =	shalt  }
.Lfunc_end0:
.L_simem_size_0:
called_computation.2_lowered:
.L_overlay_start_0:
0x88: {  	s2 =	sld [smem:$0x3FD9]  }
0x89: {  	s3 =	sld [smem:$0x3FFE];
	_ =	sdelay $0x1  }
0x8a: {  	s1 =	srdreg.scid  }
0x8b: {  	s0 =	sand.u32 $0x1, s1  }
0x8c: {  	s17 =	sshll.u32 s0, $0xA;
	s2 =	sadd.s32 s3, s2  }
0x8d: {  	s2 =	sadd.s32 s2, s17  }
0x8e: {  	[smem:$0x3FB1] =	sst s2  }
0x8f: {  	_ = 	snop  }
0x90: {  	s2 =	sld [smem:$0x3FD0];
	(tm) =	ssettm $0x1  }
0x91: {  	s18 =	sld [smem:$0x3FFB];
	_ =	sdelay $0x3  }
0x92: {  	_ =	strace s18  }
0x93: {  	s3 =	sld [smem:$0x3FFC];
	_ =	sdelay $0x3  }
0x94: {  	_ =	strace s3  }
0x95: {  	s3 =	sld [smem:$0x3FFD];
	_ =	sdelay $0x3  }
0x96: {  	_ =	strace s3  }
0x97: {  	_ =	strace $0x8FFFFFFF  }
0x98: {  	s19 =	sld [smem:$0x3FDB];
	_ =	sdelay $0x1  }
0x99: {  	s4 =	simm.s32 $_scs_section_size  }
0x9a: {  	s5 =	simm.s32 $_size__tile_overlayer_lowered;
	s6 =	simm.s32 $_tile_overlayer_lowered  }
0x9b: {  	s22 =	simm.s32 $0x1BFF;
	s21 =	sshll.u32 s6, $0x1;
	s3 =	sadd.s32 s4, s19  }
0x9c: {  	s7 =	simm.s32 $0x0;
	s20 =	sshll.u32 s5, $0x1;
	s5 =	sadd.s32 s21, s3  }
0x9d: {  	[timem:s7], [sflag:s22] =	dma.local [hbm:s5], s20  }
0x9e: {  	_ =	swait.ge [sflag:s22], s20  }
0x9f: {  	s4 =	ssub.s32 $0x0, s20;
	[sflag:s22] =	ssyncset.done $0x0  }
0xa0: {  	[sflag:s22] =	ssyncadd.s32 s4;
	_ =	sdelay $0x1  }
0xa1: {  	s23 =	simm.s32 $0x1B8B  }
0xa2: {  	_ =	swait.ge [sflag:s23], $0x1  }
0xa3: {  	[sflag:s23] =	ssyncset.done $0x0  }
0xa4: {  	s25 =	simm.s32 $0x1B8E;
	s24 =	sld [smem:$0x3FFE];
	[sflag:s23] =	ssyncadd.s32 $0xFFFFFFFF  }
0xa5: {  	s26 =	simm.s32 $execute0_lowered;
	[smem:$0x3FD2] =	sst s25  }
0xa6: {  	s5 =	sshll.u32 s26, $0x1;
	_ =	strace $0x8000004C;
	[dreg:$0x1] =	wrdreg $0xFFFFFFFF  }
0xa7: {  	s28 =	simm.s32 $_size_execute0_lowered;
	s3 =	sadd.s32 s3, s5;
	[dreg:$0x0] =	wrdreg $0x0  }
0xa8: {  	s5 =	sshll.u32 s28, $0x1;
	[dreg:$0x2] =	wrdreg s3  }
0xa9: {  	[dreg:$0x3] =	wrdreg s5  }
0xaa: {  	[dreg:$0x4] =	wrdreg $0xC0  }
0xab: {  	_ =	task [dreg:s7], $0x5FFFF  }
0xac: {  	[dreg:$0x1] =	wrdreg $0xFFFFFFFF  }
0xad: {  	[dreg:$0x0] =	wrdreg $0x60  }
0xae: {  	[dreg:$0x2] =	wrdreg s2  }
0xaf: {  	[dreg:$0x3] =	wrdreg s24  }
0xb0: {  	[dreg:$0x4] =	wrdreg $0x140800  }
0xb1: {  	[dreg:$0x5] =	wrdreg $0x9  }
0xb2: {  	_ =	task.clear_ibuf [dreg:s7], $0x6FFFF;
	_ =	strace $0x9000004C  }
0xb3: {  	s29 =	simm.s32 $0x9;
	_ =	strace $0x8000004E  }
0xb4: {  	_ =	swait.ge [sflag:s29], $0x1  }
0xb5: {  	[sflag:s29] =	ssyncadd.s32 $0xFFFFFFFF  }
0xb6: {  	_ =	strace $0x9000004E  }
0xb7: {  	_ =	sfence  }
0xb8: {  	s30 =	sld [smem:$0x0];
	_ =	sdelay $0x2  }
0xb9: {  	s31 =	sshll.u32 s1, $0xD;
	s1 =	sshrl.u32 s1, $0x2  }
0xba: {  	s3 =	sand.u32 $0x4000, s31;
	s1 =	sadd.s32 s1, s30  }
0xbb: {  	s0 =	sor.u32 s3, s0;
	s1 =	sshll.u32 s1, $0x11  }
0xbc: {  	s0 =	sor.u32 s1, s0  }
0xbd: {  	s0 =	sadd.s32 $0x8F2B, s0  }
0xbe: {  	[sflag:s0] =	ssyncadd.remote.s32 $0x1  }
0xbf: {  	_ =	sfence.sel $0xFFFF  }
0xc0: {  	[dreg:$0x0] =	wrdreg $0xFFFFFFFF;
	(pc) =	sbr.abs _section_cstart, $3  }
0xc1: {  	[dreg:$0x1] =	wrdreg $0xFFFFFFFF  }
0xc2: {  	_ =	task.clear_ibuf [dreg:s7], $0x2FFFF;
	_ =	strace $0x9FFFFFFF  }
0xc3: {  	(tm) =	ssettm $0x7FFFFFFF  }
tec
execute0_lowered:
.L_overlay_start_1:
0x0: {  	(tag) =	ssettag $0x1  }
0x1: {  	s1 =	rddreg [dreg:$0x0]  }
0x2: {  	s0 =	rddreg [dreg:$0x1]  }
0x3: {  	s2 =	rddreg [dreg:$0x2];
	s3 =	simm.s32 $0x0  }
0x4: {  	s9 =	srdreg.scid;
	s5 =	stileid.u32;
	s28 =	simm.s32 $0x3  }
0x5: {  	s29 =	simm.s32 $0x12080;
	[smem:$0x7FF] =	sst s3;
	s4 =	sadd.s32 $0x1A600, s0  }
0x6: {  	s6 =	sadd.s32 $0xBA600, s0;
	s7 =	sadd.s32 $0x15A600, s0;
	s24 =	smul.u32 $0x29000, s5  }
0x7: {  	s8 =	sadd.s32 $0x15B600, s0;
	s23 =	sand.u32 $0x1, s9;
	s21 =	smul.u32 $0x28000, s5  }
0x8: {  	s11 =	sshll.u32 s5, $0xA;
	s19 =	sand.u32 $0x7, s5;
	s20 =	smul.u32 $0x280000, s23  }
0x9: {  	s13 =	sshrl.u32 s5, $0x3;
	_ =	strace $0x8000004D;
	s22 =	smul.u32 $0x280, s19  }
0xa: {  	s10 =	ssub.s32 $0x2, s23;
	s9 =	sshll.u32 s23, $0xE;
	s25 =	smul.u32 $0x140, s13  }
0xb: {  	[dreg:$0x4] =	wrdreg s7;
	s0 =	sshll.u32 s23, $0x3;
	s19 =	smul.u32 $0x138800, s19  }
0xc: {  	s12 =	sshrl.u32 s10, $0x1;
	s9 =	sor.u32 s11, s9;
	[dreg:$0x7] =	wrdreg s0  }
0xd: {  	s10 =	ssub.s32 s10, s12;
	[dreg:$0x5] =	wrdreg s9;
	s11 =	sshrl.u32 s9, $0x3  }
0xe: {  	s12 =	sshrl.u32 s24, $0x2;
	s14 =	smov.u32 s25;
	s0 =	sadd.s32 s25, s22  }
0xf: {  	s5 =	sadd.s32 s21, s20;
	s25 =	simm.s32 $0x4;
	s7 =	sadd.s32 s7, s11  }
0x10: {  	s12 =	sadd.s32 s12, s2;
	s0 =	sshll.u32 s0, $0x7;
	s30 =	smax.u32 s10, $0x1  }
.Ltmp0:
0x11: {  	s31 =	sor.u32 $0x5000, s5;
	[dreg:$0x9] =	wrdreg s5;
	(pc) =	sbr.rel .LBB2_1-.Ltmp0, $4  }
0x12: {  	[dreg:$0x6] =	wrdreg s7;
	s26 =	sadd.s32 $0x2000, s12;
	s15 =	sadd.s32 $0x4000, s12  }
0x13: {  	s16 =	sadd.s32 $0x6000, s12;
	s17 =	sadd.s32 $0x8000, s12;
	[dreg:$0xa] =	wrdreg s30  }
0x14: {  	s18 =	sadd.s32 $0xA000, s12;
	s21 =	sadd.s32 s0, s2;
	[dreg:$0xb] =	wrdreg s31  }
0x15: {  	v0 =	vimm.f32 $0.0e+00;
	vm0 =	vmmov $0x1;
	s7 =	simm.s32 $0x0;
	[dreg:$0x8] =	wrdreg s26;
	s26 =	simm.s32 $0x1  }
.LBB2_25:
0x16: {  	s7 =	rddreg [dreg:$0xc]  }
0x17: {  	s0 =	rddreg [dreg:$0xa];
	s7 =	sadd.s32 $0x1, s7  }
0x18: {  	p0 =	sne.s32 s7, s0  }
.Ltmp1:
0x19: {  	_ = 	snop;
	(pc) =	sbr.rel @!p0 .LBB2_26-.Ltmp1, $2  }
0x1a: {  	_ =	sdelay $0x2  }
0x1b: {  	s5 =	rddreg [dreg:$0x9]  }
.LBB2_1:
0x1c: {  	[dreg:$0xc] =	wrdreg s7;
	s0 =	simm.s32 $0x10;
	s10 =	sand.u32 $0x1FF0, s3  }
.LBB2_2:
0x1d: {  	p0 =	sne.s32 s0, $0x1FF0;
	[tilespmem:s10+$0x12080] =	vst v0;
	s10 =	smov.u32 s0;
	s0 =	sadd.s32 $0x10, s0  }
.Ltmp2:
0x1e: {  	(pc) =	sbr.rel @p0 .LBB2_2-.Ltmp2, $2  }
0x1f: {  	_ =	sdelay $0x2  }
0x20: {  	s10 =	sand.u32 $0x1FF0, s10  }
0x21: {  	[tilespmem:s10+$0x12080] =	vst v0;
	s10 =	simm.s32 $0x0;
	s0 =	rddreg [dreg:$0x6];
	s7 =	simm.s32 $0xA000  }
0x22: {  	[tilespmem:s7], [sflag:$0x4] =	stream.linear.gather [hbm4b:s0+s10], $0x80, $0x38;
	[tilespmem:$0x1E480] =	vst v63  }
0x23: {  	_ =	swait.ge [sflag:s25], $0x80  }
0x24: {  	[sflag:s25] =	ssyncset.done $0x0  }
0x25: {  	[sflag:s25] =	ssyncadd.s32 $0xFFFFFF80  }
0x26: {  	v1 =	vld [tilespmem:$0xA000];
	_ =	sdelay $0x4  }
0x27: {  	v1 =	vnsel vm0, $0x0, v1  }
0x28: {  	(xrf0) =	vadd.scan.msk.s32 $0xffff, v1;
	_ =	sdelay $0x5  }
0x29: {  	v1, _, _ =	vpop (xrf0)  }
0x2a: {  	(v2sf) =	vpush v1, $0xF;
	_ =	sdelay $0xe  }
0x2b: {  	s31 =	spop (v2sf)  }
0x2c: {  	s24 =	sadd.s32 $0xF, s31  }
0x2d: {  	s20 =	sand.u32 $0xF, s24  }
0x2e: {  	s30 =	sshra.s32 s24, $0x1F;
	p1 =	slt.s32 s24, $0x1;
	p0 =	sne.s32 s20, $0x0  }
0x2f: {  	s20 =	sshrl.u32 s30, $0x1C;
	p0 =	por !p1, !p0  }
0x30: {  	s0 =	sadd.s32 s20, s24;
	s20 =	simm.s32 $0x1;
	p0 =	por !p0, !p0  }
0x31: {  	s0 =	sshra.s32 s0, $0x4;
	s20 =	simm.s32 @!p0 $0x0  }
0x32: {  	s0 =	ssub.s32 s0, s20  }
0x33: {  	p0 =	slt.s32 s0, $0x1  }
.Ltmp3:
0x34: {  	_ = 	snop;
	(pc) =	sbr.rel @p0 .LBB2_10-.Ltmp3, $2  }
0x35: {  	_ =	sdelay $0x2  }
0x36: {  	s22 =	simm.s32 $0x5000  }
0x37: {  	p1 =	sne.s32 s0, $0x1  }
.Ltmp4:
0x38: {  	_ = 	snop;
	(pc) =	sbr.rel @!p1 .LBB2_5-.Ltmp4, $2  }
0x39: {  	_ =	sdelay $0x2  }
0x3a: {  	s23 =	sadd.s32 $0xFFFFFFFF, s0;
	s0 =	sshrl.u32 s5, $0x3;
	p0 =	por $0x0, $0x0  }
0x3b: {  	s20 =	sadd.s32 s4, s0  }
0x3c: {  	[tilespmem:s10], [sflag:$0x3] =	stream.linear.gather [hbm4b:s20+s3], $0x800, $0x38;
	[tilespmem:$0x1E480] =	vst v63  }
0x3d: {  	s30 =	sadd.s32 s6, s0;
	p1 =	sne.s32 s23, $0x1  }
0x3e: {  	[tilespmem:s22], [sflag:$0x3] =	stream.linear.gather [hbm4b:s30+s3], $0x800, $0x38;
	[tilespmem:$0x1E480] =	vst v63  }
.Ltmp5:
0x3f: {  	_ =	swait.ge [sflag:s28], $0x800;
	(pc) =	sbr.rel @!p1 .LBB2_7-.Ltmp5, $4  }
0x40: {  	[sflag:s28] =	ssyncset.done $0x0  }
0x41: {  	s24 =	sadd.s32 $0xFFFFFFFF, s23;
	p0 =	por $0x1, $0x1;
	[sflag:s28] =	ssyncadd.s32 $0xFFFFF800  }
0x42: {  	s23 =	simm.s32 $0x0;
	s20 =	sadd.s32 $0x800, s5;
	_ =	swait.ge [sflag:s28], $0x800  }
0x43: {  	s0 =	sshrl.u32 s20, $0x3;
	s22 =	sadd.s32 $0x800, s22;
	[sflag:s28] =	ssyncset.done $0x0  }
.LBB2_8:
0x44: {  	s30 =	sadd.s32 s4, s0;
	[sflag:s28] =	ssyncadd.s32 $0xFFFFF800;
	s23 =	sadd.s32 $0x800, s23  }
0x45: {  	[tilespmem:s23], [sflag:$0x3] =	stream.linear.gather [hbm4b:s30+s3], $0x800, $0x38;
	[tilespmem:$0x1E480] =	vst v63  }
0x46: {  	p1 =	sne.s32 s24, $0x1;
	s24 =	sadd.s32 $0xFFFFFFFF, s24;
	s0 =	sadd.s32 s6, s0  }
0x47: {  	[tilespmem:s22], [sflag:$0x3] =	stream.linear.gather [hbm4b:s0+s3], $0x800, $0x38;
	[tilespmem:$0x1E480] =	vst v63  }
.Ltmp6:
0x48: {  	_ =	swait.ge [sflag:s28], $0x800;
	(pc) =	sbr.rel @p1 .LBB2_8-.Ltmp6, $4  }
0x49: {  	[sflag:s28] =	ssyncset.done $0x0  }
0x4a: {  	[sflag:s28] =	ssyncadd.s32 $0xFFFFF800  }
0x4b: {  	s20 =	sadd.s32 $0x800, s20;
	_ =	swait.ge [sflag:s28], $0x800  }
0x4c: {  	s0 =	sshrl.u32 s20, $0x3;
	s22 =	sadd.s32 $0x800, s22;
	[sflag:s28] =	ssyncset.done $0x0  }
.LBB2_9:
0x4d: {  	s20 =	sadd.s32 @p0 $0x800, s23  }
0x4e: {  	s24 =	sadd.s32 s4, s0;
	[sflag:s28] =	ssyncadd.s32 @p0 $0xFFFFF800;
	s10 =	smov.u32 @p0 s20  }
0x4f: {  	[tilespmem:s10], [sflag:$0x3] =	stream.linear.gather [hbm4b:s24+s3], $0x800, $0x38;
	[tilespmem:$0x1E480] =	vst v63  }
0x50: {  	s30 =	sadd.s32 s6, s0  }
0x51: {  	[tilespmem:s22], [sflag:$0x3] =	stream.linear.gather [hbm4b:s30+s3], $0x800, $0x38;
	[tilespmem:$0x1E480] =	vst v63  }
0x52: {  	_ =	swait.ge [sflag:s28], $0x800  }
0x53: {  	[sflag:s28] =	ssyncset.done $0x0  }
0x54: {  	[sflag:s28] =	ssyncadd.s32 $0xFFFFF800  }
0x55: {  	_ =	swait.ge [sflag:s28], $0x800  }
0x56: {  	[sflag:s28] =	ssyncset.done $0x0  }
0x57: {  	[sflag:s28] =	ssyncadd.s32 $0xFFFFF800  }
.LBB2_10:
.Ltmp7:
0x58: {  	(pc) =	sbr.rel .LBB2_11-.Ltmp7, $2  }
0x59: {  	_ =	sdelay $0x2  }
0x5a: {  	s24 =	simm.s32 $0x0;
	s23 =	rddreg [dreg:$0xb]  }
.LBB2_23:
0x5b: {  	[sflag:s28] =	ssyncadd.s32 $0xFFFFF800  }
.LBB2_24:
0x5c: {  	p0 =	sne.s32 s10, $0x8  }
.Ltmp8:
0x5d: {  	_ = 	snop;
	(pc) =	sbr.rel @!p0 .LBB2_25-.Ltmp8, $2  }
0x5e: {  	_ =	sdelay $0x2  }
0x5f: {  	s23 =	sadd.s32 $0x5000, s23;
	s24 =	smov.u32 s10  }
.LBB2_11:
0x60: {  	[spmem:s12] =	stream.linear.scatter [tilespmem:s29], [sflag:$0x4], $0x2000, $0x38;
	[tilespmem:$0x1E480] =	vst v63  }
0x61: {  	_ =	swait.ge [sflag:s25], $0x2000  }
0x62: {  	[sflag:s25] =	ssyncset.done $0x0  }
0x63: {  	s0 =	rddreg [dreg:$0x8];
	[sflag:s25] =	ssyncadd.s32 $0xFFFFE000  }
0x64: {  	[spmem:s0] =	stream.linear.scatter [tilespmem:s29], [sflag:$0x4], $0x2000, $0x38;
	[tilespmem:$0x1E480] =	vst v63  }
0x65: {  	_ =	swait.ge [sflag:s25], $0x2000  }
0x66: {  	[sflag:s25] =	ssyncset.done $0x0  }
0x67: {  	[sflag:s25] =	ssyncadd.s32 $0xFFFFE000  }
0x68: {  	[spmem:s15] =	stream.linear.scatter [tilespmem:s29], [sflag:$0x4], $0x2000, $0x38;
	[tilespmem:$0x1E480] =	vst v63  }
0x69: {  	_ =	swait.ge [sflag:s25], $0x2000  }
0x6a: {  	[sflag:s25] =	ssyncset.done $0x0  }
0x6b: {  	[sflag:s25] =	ssyncadd.s32 $0xFFFFE000  }
0x6c: {  	[spmem:s16] =	stream.linear.scatter [tilespmem:s29], [sflag:$0x4], $0x2000, $0x38;
	[tilespmem:$0x1E480] =	vst v63  }
0x6d: {  	_ =	swait.ge [sflag:s25], $0x2000  }
0x6e: {  	[sflag:s25] =	ssyncset.done $0x0  }
0x6f: {  	[sflag:s25] =	ssyncadd.s32 $0xFFFFE000  }
0x70: {  	[spmem:s17] =	stream.linear.scatter [tilespmem:s29], [sflag:$0x4], $0x2000, $0x38;
	[tilespmem:$0x1E480] =	vst v63  }
0x71: {  	_ =	swait.ge [sflag:s25], $0x2000  }
0x72: {  	[sflag:s25] =	ssyncset.done $0x0  }
0x73: {  	[sflag:s25] =	ssyncadd.s32 $0xFFFFE000  }
0x74: {  	[spmem:s18] =	stream.linear.scatter [tilespmem:s29], [sflag:$0x4], $0x400, $0x38;
	[tilespmem:$0x1E480] =	vst v63  }
0x75: {  	_ =	swait.ge [sflag:s25], $0x400  }
0x76: {  	p0 =	slt.s32 s31, $0x1;
	[sflag:s25] =	ssyncset.done $0x0  }
0x77: {  	s10 =	simm.s32 @!p0 $0x0;
	[sflag:s25] =	ssyncadd.s32 $0xFFFFFC00  }
0x78: {  	s20 =	simm.s32 @!p0 $0xA080;
	s0 =	simm.s32 @!p0 $0x80;
	[bflag:$0x0] =	sbarrier.arrive $0xFFFF  }
0x79: {  	[tilespmem:s20], [sflag:$0x1] =	stream.indirect.gather @!p0 [hbm4b:s1+s0], $0x80, s10, s0, $0xb8;
	[tilespmem:$0x1E480] =	vst v63  }
0x7a: {  	s11 =	sadd.s32 $0x1, s31;
	p0 =	slt.u32 s31, $0x7FFFFFFF;
	s10 =	simm.s32 $0x1  }
0x7b: {  	s13 =	sshra.s32 s11, $0x1F;
	s10 =	simm.s32 @!p0 $0x0  }
0x7c: {  	s22 =	sand.u32 $0x1, s11;
	s10 =	sadd.s32 s10, s13  }
0x7d: {  	p1 =	seq.s32 s22, $0x1;
	p6 =	sne.s32 s10, $0x1  }
0x7e: {  	s30 =	sshrl.u32 s11, $0x1F;
	p0 =	por !p6, !p1  }
0x7f: {  	s0 =	sadd.s32 s30, s11;
	s10 =	simm.s32 $0x1;
	p0 =	por !p0, !p0  }
0x80: {  	s0 =	sshra.s32 s0, $0x1;
	s10 =	simm.s32 @!p0 $0x0  }
0x81: {  	s0 =	ssub.s32 s0, s10  }
0x82: {  	p0 =	slt.s32 s0, $0x1  }
.Ltmp9:
0x83: {  	_ = 	snop;
	(pc) =	sbr.rel @p0 .LBB2_15-.Ltmp9, $1  }
0x84: {  	_ =	sdelay $0x3  }
0x85: {  	_ =	swait.ge [sflag:s26], $0x4000  }
0x86: {  	s10 =	simm.s32 $0x5000;
	p0 =	sle.s32 s31, $0x1;
	[sflag:s26] =	ssyncset.done $0x0  }
0x87: {  	s20 =	simm.s32 @p0 $0x80;
	s22 =	simm.s32 @p0 $0xA080;
	[sflag:s26] =	ssyncadd.s32 $0xFFFFC000  }
0x88: {  	[spmem:s2] =	stream.indirect.scatter.add.f32 @p0 [tilespmem:s22], [sflag:$0x5], $0x80, s10, s20, $0xb8;
	[tilespmem:$0x1E480] =	vst v63  }
0x89: {  	s7 =	simm.s32 @!p0 $0x80;
	s5 =	simm.s32 @!p0 $0xE080;
	s20 =	simm.s32 $0x80  }
0x8a: {  	[tilespmem:s5], [sflag:$0x2] =	stream.indirect.gather @!p0 [hbm4b:s1+s7], $0x80, s20, s7, $0xb8;
	[tilespmem:$0x1E480] =	vst v63  }
0x8b: {  	s22 =	simm.s32 @!p0 $0x5;
	s20 =	simm.s32 @!p0 $0xA080  }
0x8c: {  	[spmem:s2] =	stream.indirect.scatter.add.f32 @!p0 [tilespmem:s20], [sflag:$0x5], $0x80, s10, s7, $0xb8;
	[tilespmem:$0x1E480] =	vst v63  }
0x8d: {  	_ =	swait.ge @!p0 [sflag:s22], $0x4000  }
0x8e: {  	[sflag:s22] =	ssyncset.done @!p0 $0x0  }
0x8f: {  	p1 =	sle.s32 @!p0 s31, $0x2;
	s20 =	simm.s32 @!p0 $0x2;
	[sflag:s22] =	ssyncadd.s32 @!p0 $0xFFFFC000  }
0x90: {  	p1 =	por p1, p0;
	_ =	swait.ge @!p0 [sflag:s20], $0x4000  }
0x91: {  	s9 =	simm.s32 @!p1 $0x80;
	[sflag:s20] =	ssyncset.done @!p0 $0x0  }
0x92: {  	s22 =	simm.s32 @!p1 $0xA080;
	[sflag:s20] =	ssyncadd.s32 @!p0 $0xFFFFC000;
	s20 =	simm.s32 @!p1 $0x100  }
0x93: {  	[tilespmem:s22], [sflag:$0x1] =	stream.indirect.gather @!p1 [hbm4b:s1+s9], $0x80, s20, s9, $0xb8;
	[tilespmem:$0x1E480] =	vst v63  }
0x94: {  	s30 =	simm.s32 @!p0 $0x4;
	s22 =	sadd.s32 $0xFFFFFFFF, s0;
	s0 =	simm.s32 @!p0 $0x5080  }
0x95: {  	[spmem:s2] =	stream.indirect.scatter.add.f32 @!p0 [tilespmem:s5], [sflag:$0x4], $0x80, s0, s7, $0xb8;
	[tilespmem:$0x1E480] =	vst v63  }
0x96: {  	s30 =	simm.s32 @p0 $0x5;
	p0 =	sne.s32 s22, $0x0  }
.Ltmp10:
0x97: {  	_ = 	snop;
	(pc) =	sbr.rel @!p0 .LBB2_14-.Ltmp10, $3  }
0x98: {  	_ =	sdelay $0x1  }
0x99: {  	_ =	swait.ge [sflag:s30], $0x4000  }
0x9a: {  	s20 =	simm.s32 $0x3;
	s0 =	simm.s32 $0x180;
	[sflag:s30] =	ssyncset.done $0x0  }
.LBB2_13:
0x9b: {  	s22 =	sadd.s32 $0xFFFFFFFF, s22;
	[sflag:s30] =	ssyncadd.s32 $0xFFFFC000;
	s10 =	sadd.s32 $0x100, s10  }
0x9c: {  	p0 =	sne.s32 s22, $0x0  }
0x9d: {  	_ =	swait.ge [sflag:s26], $0x4000  }
0x9e: {  	p1 =	sge.s32 s20, s31;
	[sflag:s26] =	ssyncset.done $0x0  }
0x9f: {  	s5 =	simm.s32 @p1 $0x80;
	s7 =	simm.s32 @p1 $0xA080;
	[sflag:s26] =	ssyncadd.s32 $0xFFFFC000  }
0xa0: {  	[spmem:s2] =	stream.indirect.scatter.add.f32 @p1 [tilespmem:s7], [sflag:$0x5], $0x80, s10, s5, $0xb8;
	[tilespmem:$0x1E480] =	vst v63  }
0xa1: {  	s9 =	sadd.s32 @!p1 $0x1, s20;
	s5 =	simm.s32 @!p1 $0x80;
	s7 =	simm.s32 @!p1 $0xE080  }
0xa2: {  	[tilespmem:s7], [sflag:$0x2] =	stream.indirect.gather @!p1 [hbm4b:s1+s5], $0x80, s0, s5, $0xb8;
	[tilespmem:$0x1E480] =	vst v63  }
0xa3: {  	s30 =	simm.s32 @!p1 $0xA080;
	s11 =	simm.s32 @!p1 $0x5;
	p2 =	sge.s32 @!p1 s9, s31  }
0xa4: {  	[spmem:s2] =	stream.indirect.scatter.add.f32 @!p1 [tilespmem:s30], [sflag:$0x5], $0x80, s10, s5, $0xb8;
	[tilespmem:$0x1E480] =	vst v63  }
0xa5: {  	p2 =	por p2, p1;
	s30 =	simm.s32 @!p1 $0x4;
	_ =	swait.ge @!p1 [sflag:s11], $0x4000  }
0xa6: {  	[sflag:s11] =	ssyncset.done @!p1 $0x0  }
0xa7: {  	s9 =	simm.s32 @!p1 $0x2;
	[sflag:s11] =	ssyncadd.s32 @!p1 $0xFFFFC000  }
0xa8: {  	_ =	swait.ge @!p1 [sflag:s9], $0x4000  }
0xa9: {  	s11 =	simm.s32 @!p2 $0xA080;
	[sflag:s9] =	ssyncset.done @!p1 $0x0  }
0xaa: {  	s13 =	simm.s32 @!p2 $0x80;
	[sflag:s9] =	ssyncadd.s32 @!p1 $0xFFFFC000;
	s9 =	sadd.s32 @!p2 $0x80, s0  }
0xab: {  	[tilespmem:s11], [sflag:$0x1] =	stream.indirect.gather @!p2 [hbm4b:s1+s13], $0x80, s9, s13, $0xb8;
	[tilespmem:$0x1E480] =	vst v63  }
.Ltmp11:
0xac: {  	_ = 	snop;
	(pc) =	sbr.rel @p0 .LBB2_13-.Ltmp11, $4  }
0xad: {  	s30 =	simm.s32 @p1 $0x5;
	s9 =	sadd.s32 @!p1 $0x80, s10  }
0xae: {  	[spmem:s2] =	stream.indirect.scatter.add.f32 @!p1 [tilespmem:s7], [sflag:$0x4], $0x80, s9, s5, $0xb8;
	[tilespmem:$0x1E480] =	vst v63  }
0xaf: {  	_ =	swait.ge [sflag:s30], $0x4000  }
0xb0: {  	s20 =	sadd.s32 $0x2, s20;
	s0 =	sadd.s32 $0x100, s0;
	[sflag:s30] =	ssyncset.done $0x0  }
.LBB2_14:
0xb1: {  	[sflag:s30] =	ssyncadd.s32 $0xFFFFC000  }
.LBB2_15:
0xb2: {  	s10 =	sadd.s32 $0x1, s24;
	p0 =	seq.s32 s24, $0x7  }
0xb3: {  	s0 =	sshll.u32 @!p0 s10, $0x7  }
0xb4: {  	s7 =	rddreg [dreg:$0x5];
	s5 =	sand.u32 @!p0 $0x400, s0  }
0xb5: {  	s0 =	sand.u32 @!p0 $0x380, s0;
	s5 =	sadd.s32 @!p0 s7, s5  }
0xb6: {  	[bflag:$0x0] =	sbarrier.arrive $0xFFFF;
	s0 =	sor.u32 @!p0 s0, s5  }
0xb7: {  	s5 =	rddreg [dreg:$0x4];
	s0 =	sshrl.u32 @!p0 s0, $0x3  }
0xb8: {  	s7 =	simm.s32 @!p0 $0xA000;
	s5 =	sadd.s32 @!p0 s5, s0;
	s0 =	simm.s32 @!p0 $0x0  }
0xb9: {  	[tilespmem:s7], [sflag:$0x4] =	stream.linear.gather @!p0 [hbm4b:s5+s0], $0x80, $0x38;
	[tilespmem:$0x1E480] =	vst v63  }
0xba: {  	s5 =	simm.s32 @!p0 $0x4  }
0xbb: {  	_ =	swait.ge @!p0 [sflag:s5], $0x80  }
0xbc: {  	[sflag:s5] =	ssyncset.done @!p0 $0x0  }
0xbd: {  	[sflag:s5] =	ssyncadd.s32 @!p0 $0xFFFFFF80  }
0xbe: {  	v1 =	vld @!p0 [tilespmem:$0xA000];
	_ =	sdelay $0x3  }
0xbf: {  	vm1 =	vmmov @!p0 $0x1  }
0xc0: {  	v1 =	vnsel @!p0 vm1, $0x0, v1  }
0xc1: {  	(xrf0) =	vadd.scan.msk.s32 @!p0 $0xffff, v1;
	_ =	sdelay $0x5  }
0xc2: {  	v1, _, _ =	vpop @!p0 (xrf0)  }
0xc3: {  	(v2sf) =	vpush @!p0 v1, $0xF;
	_ =	sdelay $0xe  }
0xc4: {  	s31 =	spop @!p0 (v2sf)  }
0xc5: {  	s5 =	sadd.s32 @!p0 $0xF, s31  }
0xc6: {  	s7 =	sand.u32 @!p0 $0xF, s5  }
0xc7: {  	p1 =	slt.s32 @!p0 s5, $0x1;
	p2 =	sne.s32 @!p0 s7, $0x0  }
0xc8: {  	s7 =	sshra.s32 @!p0 s5, $0x1F;
	p1 =	por @!p0 !p1, !p2  }
0xc9: {  	s7 =	sshrl.u32 @!p0 s7, $0x1C;
	p1 =	por @!p0 !p1, !p1  }
0xca: {  	s5 =	sadd.s32 @!p0 s7, s5;
	s7 =	simm.s32 @!p0 $0x1;
	p1 =	por !p1, p0  }
0xcb: {  	s5 =	sshra.s32 @!p0 s5, $0x4;
	s7 =	simm.s32 @p1 $0x0  }
0xcc: {  	s22 =	ssub.s32 @!p0 s5, s7  }
0xcd: {  	p1 =	slt.s32 @!p0 s22, $0x1  }
0xce: {  	p1 =	por p0, p1  }
.Ltmp12:
0xcf: {  	_ = 	snop;
	(pc) =	sbr.rel @p1 .LBB2_16-.Ltmp12, $2  }
0xd0: {  	_ =	sdelay $0x2  }
0xd1: {  	s20 =	simm.s32 @!p0 $0x5000  }
0xd2: {  	p1 =	sne.s32 s22, $0x1  }
.Ltmp13:
0xd3: {  	s5 =	sshrl.u32 s23, $0x3;
	(pc) =	sbr.rel @!p1 .LBB2_19-.Ltmp13, $4  }
0xd4: {  	s7 =	sadd.s32 s4, s5  }
0xd5: {  	[tilespmem:s0], [sflag:$0x3] =	stream.linear.gather [hbm4b:s7+s3], $0x800, $0x38;
	[tilespmem:$0x1E480] =	vst v63  }
0xd6: {  	s22 =	sadd.s32 $0xFFFFFFFF, s22;
	s30 =	sadd.s32 $0x800, s23;
	s5 =	sadd.s32 s6, s5  }
0xd7: {  	[tilespmem:s20], [sflag:$0x3] =	stream.linear.gather [hbm4b:s5+s3], $0x800, $0x38;
	[tilespmem:$0x1E480] =	vst v63  }
.LBB2_18:
0xd8: {  	s5 =	sshrl.u32 s30, $0x3;
	p1 =	sne.s32 s22, $0x1;
	s22 =	sadd.s32 $0xFFFFFFFF, s22  }
.Ltmp14:
0xd9: {  	s0 =	sadd.s32 $0x800, s0;
	s7 =	sadd.s32 s4, s5;
	(pc) =	sbr.rel @p1 .LBB2_18-.Ltmp14, $4  }
0xda: {  	[tilespmem:s0], [sflag:$0x3] =	stream.linear.gather [hbm4b:s7+s3], $0x800, $0x38;
	[tilespmem:$0x1E480] =	vst v63  }
0xdb: {  	s20 =	sadd.s32 $0x800, s20;
	s5 =	sadd.s32 s6, s5  }
0xdc: {  	[tilespmem:s20], [sflag:$0x3] =	stream.linear.gather [hbm4b:s5+s3], $0x800, $0x38;
	[tilespmem:$0x1E480] =	vst v63  }
0xdd: {  	s30 =	sadd.s32 $0x800, s30  }
.Ltmp15:
0xde: {  	_ = 	snop;
	(pc) =	sbr.rel .LBB2_19-.Ltmp15, $1  }
0xdf: {  	_ =	sdelay $0x3  }
.LBB2_16:
0xe0: {  	s31 =	simm.s32 @p0 $0x0  }
.LBB2_19:
0xe1: {  	s0 =	rddreg [dreg:$0x7]  }
0xe2: {  	s0 =	sadd.s32 s0, s24  }
0xe3: {  	s0 =	smul.u32 $0x280, s0;
	_ =	sdelay $0x1  }
0xe4: {  	s0 =	sadd.s32 s14, s0  }
0xe5: {  	p1 =	sgt.u32 s0, $0x25D0  }
0xe6: {  	p2 =	sgt.u32 @p1 s0, $0x270F  }
0xe7: {  	p2 =	por p2, !p1  }
0xe8: {  	s5 =	sshll.u32 @!p2 s0, $0x7  }
0xe9: {  	s11 =	stileid.u32;
	s5 =	sadd.s32 @!p2 s19, s5  }
0xea: {  	s7 =	sshll.u32 @!p2 s11, $0x6;
	s5 =	sshrl.u32 @!p2 s5, $0x3  }
0xeb: {  	s9 =	sshrl.u32 @!p2 s21, $0x3;
	s7 =	sor.u32 @!p2 $0x1C04, s7;
	s5 =	sadd.s32 @!p2 s8, s5  }
0xec: {  	[hbm:s5], [sflag:s7] =	dma.local @!p2 [spmem:s9], $0x500  }
0xed: {  	s5 =	simm.s32 @!p2 $0x4  }
0xee: {  	s0 =	sshll.u32 @!p1 s0, $0x7;
	_ =	swait.ge @!p2 [sflag:s5], $0x500  }
0xef: {  	s0 =	sadd.s32 @!p1 s19, s0;
	[sflag:s5] =	ssyncset.done @!p2 $0x0  }
0xf0: {  	s0 =	sshrl.u32 @!p1 s0, $0x3;
	[sflag:s5] =	ssyncadd.s32 @!p2 $0xFFFFFB00;
	s5 =	sshll.u32 @!p1 s11, $0x6  }
0xf1: {  	s0 =	sadd.s32 @!p1 s8, s0;
	s7 =	sshrl.u32 @!p1 s21, $0x3;
	s5 =	sor.u32 @!p1 $0x1C04, s5  }
0xf2: {  	[hbm:s0], [sflag:s5] =	dma.local @!p1 [spmem:s7], $0x1400  }
0xf3: {  	s0 =	simm.s32 @!p1 $0x4  }
.Ltmp16:
0xf4: {  	_ =	swait.ge @!p1 [sflag:s0], $0x1400;
	(pc) =	sbr.rel @p0 .LBB2_25-.Ltmp16, $4  }
0xf5: {  	[sflag:s0] =	ssyncset.done @!p1 $0x0  }
0xf6: {  	[sflag:s0] =	ssyncadd.s32 @!p1 $0xFFFFEC00  }
0xf7: {  	[bflag:$0x0] =	sbarrier.arrive $0xFFFF  }
0xf8: {  	s9 =	stileid.u32  }
0xf9: {  	s0 =	sadd.s32 $0xF, s31  }
0xfa: {  	s5 =	sand.u32 $0xF, s0  }
0xfb: {  	s7 =	sshra.s32 s0, $0x1F;
	p0 =	slt.s32 s0, $0x1;
	p1 =	sne.s32 s5, $0x0  }
0xfc: {  	s30 =	sshrl.u32 s7, $0x1C;
	p0 =	por !p0, !p1  }
0xfd: {  	s5 =	simm.s32 $0x1;
	s0 =	sadd.s32 s30, s0;
	p0 =	por !p0, !p0  }
0xfe: {  	s0 =	sshra.s32 s0, $0x4;
	s5 =	simm.s32 @!p0 $0x0  }
0xff: {  	s0 =	ssub.s32 s0, s5  }
0x100: {  	p0 =	slt.s32 s0, $0x1  }
.Ltmp17:
0x101: {  	_ = 	snop;
	(pc) =	sbr.rel @p0 .LBB2_24-.Ltmp17, $1  }
0x102: {  	_ =	sdelay $0x3  }
0x103: {  	p0 =	sne.s32 s0, $0x1  }
.Ltmp18:
0x104: {  	_ =	swait.ge [sflag:s28], $0x800;
	(pc) =	sbr.rel @!p0 .LBB2_23-.Ltmp18, $4  }
0x105: {  	[sflag:s28] =	ssyncset.done $0x0  }
0x106: {  	[sflag:s28] =	ssyncadd.s32 $0xFFFFF800  }
0x107: {  	_ =	swait.ge [sflag:s28], $0x800  }
0x108: {  	s0 =	sadd.s32 $0xFFFFFFFF, s0;
	[sflag:s28] =	ssyncset.done $0x0  }
.LBB2_22:
0x109: {  	p0 =	sne.s32 s0, $0x1;
	s0 =	sadd.s32 $0xFFFFFFFF, s0;
	[sflag:s28] =	ssyncadd.s32 $0xFFFFF800  }
.Ltmp19:
0x10a: {  	_ =	swait.ge [sflag:s28], $0x800;
	(pc) =	sbr.rel @p0 .LBB2_22-.Ltmp19, $4  }
0x10b: {  	[sflag:s28] =	ssyncset.done $0x0  }
0x10c: {  	[sflag:s28] =	ssyncadd.s32 $0xFFFFF800  }
0x10d: {  	_ =	swait.ge [sflag:s28], $0x800  }
0x10e: {  	[sflag:s28] =	ssyncset.done $0x0  }
.Ltmp20:
0x10f: {  	_ = 	snop;
	(pc) =	sbr.rel .LBB2_23-.Ltmp20, $1  }
0x110: {  	_ =	sdelay $0x3  }
.LBB2_5:
.Ltmp21:
0x111: {  	(pc) =	sbr.rel .LBB2_9-.Ltmp21, $2  }
0x112: {  	_ =	sdelay $0x2  }
0x113: {  	s23 =	simm.s32 $0x0  }
.LBB2_7:
.Ltmp22:
0x114: {  	(pc) =	sbr.rel .LBB2_9-.Ltmp22, $2  }
0x115: {  	_ =	sdelay $0x2  }
0x116: {  	s23 =	simm.s32 $0x0  }
.LBB2_26:
0x117: {  	_ =	sfence.sel $0x180000  }
0x118: {  	[bflag:$0x0] =	sbarrier.arrive $0xFFFF  }
0x119: {  	_ =	strace $0x9000004D  }
0x11a: {  	[bflag:$0x2] =	sbarrier.arrive $0xFFFF  }
0x11b: {  	p0 =	sne.s32 s9, $0x0;
	s0 =	rddreg [dreg:$0x3]  }
0x11c: {  	s0 =	sadd.s32 @!p0 $0x100000, s0  }
0x11d: {  	[sflag:s0] =	ssyncadd.tile.s32 @!p0 $0x1;
	_ =	shalt  }
.Lfunc_end2:
_tile_overlayer_lowered:
.L_overlay_start_2:
0x11e: {  	(tag) =	ssettag $0x2  }
0x11f: {  	s0 =	rddreg [dreg:$0x0];
	s2 =	stileid.u32  }
0x120: {  	s1 =	rddreg [dreg:$0x1];
	p0 =	sne.s32 s2, $0x0  }
0x121: {  	s3 =	rddreg [dreg:$0x2];
	[bflag:$0x3] =	sbarrier.arrive $0xFFFF;
	s2 =	simm.s32 @!p0 $0x1C04  }
0x122: {  	[timem:s3], [sflag:s2] =	dma.local @!p0 [hbm:s0], s1  }
0x123: {  	s0 =	simm.s32 @!p0 $0x4  }
0x124: {  	_ =	swait.ge @!p0 [sflag:s0], s1  }
0x125: {  	s1 =	ssub.s32 @!p0 $0x0, s1;
	[sflag:s0] =	ssyncset.done @!p0 $0x0  }
0x126: {  	[sflag:s0] =	ssyncadd.s32 @!p0 s1  }
0x127: {  	[bflag:$0x3] =	sbarrier.arrive $0xFFFF  }
0x128: {  	_ =	shalt  }

// kernel: kernel.8.cloned.1.call-start
scs
__scs_entry_jumppad:
0x0: {  	(pc) =	sbr.rel $0x88, $3  }
0x1: {  	(tag) =	ssettag $0x0;
	lr =	simm.s32 $0x1  }
0x2: {  	[smem:$0x3F8A] =	sst lr;
	_ =	strace $0xD0000000  }
0x3: {  	_ = 	snop  }
0x4: {  	_ = 	snop  }
0x5: {  	_ = 	snop  }
0x6: {  	_ = 	snop  }
0x7: {  	_ = 	snop  }
__scs_overlays_trampoline_lowered:
0x8: {  	[smem:$0x3F99] =	sst s0  }
0x9: {  	[smem:$0x3F9A] =	sst s1  }
0xa: {  	[smem:$0x3F9B] =	sst s2  }
0xb: {  	[smem:$0x3F9C] =	sst s3  }
0xc: {  	[smem:$0x3F9D] =	sst s4  }
0xd: {  	[smem:$0x3F9E] =	sst s5  }
0xe: {  	[smem:$0x3F9F] =	sst s6  }
0xf: {  	[smem:$0x3FA0] =	sst s7  }
0x10: {  	[smem:$0x3FA1] =	sst s8  }
0x11: {  	[smem:$0x3FA2] =	sst s9;
	s0 =	simm.s32 @!p0 $0x0  }
0x12: {  	s1 =	sld [smem:$0x3F88];
	s0 =	simm.s32 @p0 $0x1  }
0x13: {  	[smem:$0x3FA3] =	sst s0;
	s0 =	simm.s32 @!p1 $0x0  }
0x14: {  	s2 =	sld [smem:$0x3F87];
	s0 =	simm.s32 @p1 $0x1  }
0x15: {  	[smem:$0x3FA4] =	sst s0;
	s0 =	simm.s32 @!p2 $0x0  }
0x16: {  	s3 =	sld [smem:$0x3FDB];
	s0 =	simm.s32 @p2 $0x1  }
0x17: {  	s4 =	simm.s32 $0x1BF5;
	[smem:$0x3FA6] =	sst s0  }
0x18: {  	s0 =	sld [smem:$0x3F89];
	_ =	swait.ge [sflag:s4], $0x0  }
0x19: {  	s7 =	sld [smem:$0x3F8A]  }
0x1a: {  	s8 =	sadd.s32 $0xFFFFE003, lr  }
0x1b: {  	s9 =	sadd.s32 $0xFFFFFEF7, lr;
	s5 =	simm.s32 $0xFFFFFFFF;
	p2 =	slt.u32 s8, $0xFFFFF086  }
0x1c: {  	p1 =	slt.u32 s9, $0xF7A;
	s5 =	simm.s32 @!p2 $0x0  }
0x1d: {  	s5 =	simm.s32 @p1 $0x1;
	p0 =	seq.s32 s7, s2  }
0x1e: {  	s7 =	smul.u32 @!p0 $0xF7A, s2;
	p2 =	seq.s32 @!p0 s5, $0x0  }
0x1f: {  	s9 =	smul.u32 $0xF7A, s1;
	s8 =	simm.s32 @!p0 $0x1BF5;
	p2 =	por !p2, p0  }
0x20: {  	[sflag:s8] =	ssyncset.s32 @!p0 $0xFFFFF086;
	s6 =	sadd.s32 @!p0 s3, s7;
	s7 =	simm.s32 @!p0 $0x108  }
0x21: {  	s3 =	sadd.s32 s3, s9;
	s6 =	sadd.s32 @!p0 $0x88, s6;
	s7 =	simm.s32 @p2 $0x1082  }
0x22: {  	[simem:s7], [sflag:s8] =	dma.local @!p0 [hbm:s6], $0xF7A  }
0x23: {  	s9 =	sor.u32 $0xD0000000, s2;
	s6 =	simm.s32 $0x108;
	_ =	swait.ge @!p0 [sflag:s8], $0x0  }
0x24: {  	s3 =	sadd.s32 $0x88, s3;
	s6 =	simm.s32 @!p1 $0x1082;
	[sflag:s4] =	ssyncset.s32 $0xFFFFF086  }
0x25: {  	[simem:s6], [sflag:s4] =	dma.local [hbm:s3], $0xF7A  }
0x26: {  	[smem:$0x3F8A] =	sst s1;
	(tag) =	ssettag s2;
	_ =	strace s9  }
0x27: {  	s1 =	sld [smem:$0x3F9A]  }
0x28: {  	s2 =	sld [smem:$0x3F9B]  }
0x29: {  	s4 =	sld [smem:$0x3F9D]  }
0x2a: {  	p0 =	seq.s32 s5, $0x0;
	s5 =	sld [smem:$0x3F9E]  }
0x2b: {  	s6 =	sld [smem:$0x3F9F]  }
0x2c: {  	s7 =	sld [smem:$0x3FA0]  }
0x2d: {  	s3 =	simm.s32 $0x108;
	s8 =	sld [smem:$0x3FA1]  }
0x2e: {  	s3 =	simm.s32 @!p0 $0x1082;
	s9 =	sld [smem:$0x3FA2]  }
0x2f: {  	lr =	sadd.s32 s0, s3;
	s0 =	sld [smem:$0x3F99]  }
0x30: {  	s3 =	sld [smem:$0x3F9C]  }
0x31: {  	[smem:$0x3FA5] =	sst s10  }
0x32: {  	s10 =	sld [smem:$0x3FA3];
	_ =	sdelay $0x3  }
0x33: {  	p0 =	seq.s32 s10, $0x1;
	s10 =	sld [smem:$0x3FA5];
	_ =	sdelay $0x3  }
0x34: {  	[smem:$0x3FA5] =	sst s10  }
0x35: {  	s10 =	sld [smem:$0x3FA4];
	_ =	sdelay $0x3  }
0x36: {  	p1 =	seq.s32 s10, $0x1;
	s10 =	sld [smem:$0x3FA5];
	_ =	sdelay $0x3  }
0x37: {  	[smem:$0x3FA5] =	sst s10  }
0x38: {  	s10 =	sld [smem:$0x3FA6]  }
0x39: {  	_ = 	snop;
	(pc) =	sbr.ind lr, $3  }
0x3a: {  	_ = 	snop  }
0x3b: {  	_ = 	snop  }
0x3c: {  	p2 =	seq.s32 s10, $0x1;
	s10 =	sld [smem:$0x3FA5]  }
0x3d: {  	_ =	shalt  }
0x3e: {  	_ =	shalt  }
0x3f: {  	_ =	shalt  }
0x40: {  	_ =	shalt  }
0x41: {  	_ =	shalt  }
0x42: {  	_ =	shalt  }
0x43: {  	_ =	shalt  }
0x44: {  	_ =	shalt  }
0x45: {  	_ =	shalt  }
0x46: {  	_ =	shalt  }
0x47: {  	_ =	shalt  }
0x48: {  	_ =	shalt  }
0x49: {  	_ =	shalt  }
0x4a: {  	_ =	shalt  }
0x4b: {  	_ =	shalt  }
0x4c: {  	_ =	shalt  }
0x4d: {  	_ =	shalt  }
0x4e: {  	_ =	shalt  }
0x4f: {  	_ =	shalt  }
0x50: {  	_ =	shalt  }
0x51: {  	_ =	shalt  }
0x52: {  	_ =	shalt  }
0x53: {  	_ =	shalt  }
0x54: {  	_ =	shalt  }
0x55: {  	_ =	shalt  }
0x56: {  	_ =	shalt  }
0x57: {  	_ =	shalt  }
0x58: {  	_ =	shalt  }
0x59: {  	_ =	shalt  }
0x5a: {  	_ =	shalt  }
0x5b: {  	_ =	shalt  }
0x5c: {  	_ =	shalt  }
0x5d: {  	_ =	shalt  }
0x5e: {  	_ =	shalt  }
0x5f: {  	_ =	shalt  }
0x60: {  	_ =	shalt  }
0x61: {  	_ =	shalt  }
0x62: {  	_ =	shalt  }
0x63: {  	_ =	shalt  }
0x64: {  	_ =	shalt  }
0x65: {  	_ =	shalt  }
0x66: {  	_ =	shalt  }
0x67: {  	_ =	shalt  }
0x68: {  	_ =	shalt  }
0x69: {  	_ =	shalt  }
0x6a: {  	_ =	shalt  }
0x6b: {  	_ =	shalt  }
0x6c: {  	_ =	shalt  }
0x6d: {  	_ =	shalt  }
0x6e: {  	_ =	shalt  }
0x6f: {  	_ =	shalt  }
0x70: {  	_ =	shalt  }
0x71: {  	_ =	shalt  }
0x72: {  	_ =	shalt  }
0x73: {  	_ =	shalt  }
0x74: {  	_ =	shalt  }
0x75: {  	_ =	shalt  }
0x76: {  	_ =	shalt  }
0x77: {  	_ =	shalt  }
0x78: {  	_ =	shalt  }
0x79: {  	_ =	shalt  }
0x7a: {  	_ =	shalt  }
0x7b: {  	_ =	shalt  }
0x7c: {  	_ =	shalt  }
0x7d: {  	_ =	shalt  }
0x7e: {  	_ =	shalt  }
0x7f: {  	_ =	shalt  }
0x80: {  	_ =	shalt  }
0x81: {  	_ =	shalt  }
0x82: {  	_ =	shalt  }
0x83: {  	_ =	shalt  }
0x84: {  	_ =	shalt  }
0x85: {  	_ =	shalt  }
0x86: {  	_ =	shalt  }
0x87: {  	_ =	shalt  }
.Lfunc_end0:
.L_simem_size_0:
called_computation_lowered:
.L_overlay_start_0:
0x88: {  	s2 =	sld [smem:$0x3FD9]  }
0x89: {  	s3 =	sld [smem:$0x3FFE];
	_ =	sdelay $0x1  }
0x8a: {  	s1 =	srdreg.scid  }
0x8b: {  	s0 =	sand.u32 $0x1, s1  }
0x8c: {  	s17 =	sshll.u32 s0, $0xA;
	s2 =	sadd.s32 s3, s2  }
0x8d: {  	s2 =	sadd.s32 s2, s17  }
0x8e: {  	[smem:$0x3FB1] =	sst s2  }
0x8f: {  	_ = 	snop  }
0x90: {  	s2 =	sld [smem:$0x3FC3];
	(tm) =	ssettm $0x1  }
0x91: {  	s18 =	sld [smem:$0x3FFB];
	_ =	sdelay $0x3  }
0x92: {  	_ =	strace s18  }
0x93: {  	s3 =	sld [smem:$0x3FFC];
	_ =	sdelay $0x3  }
0x94: {  	_ =	strace s3  }
0x95: {  	s3 =	sld [smem:$0x3FFD];
	_ =	sdelay $0x3  }
0x96: {  	_ =	strace s3  }
0x97: {  	_ =	strace $0x8FFFFFFF  }
0x98: {  	s19 =	sld [smem:$0x3FDB];
	_ =	sdelay $0x1  }
0x99: {  	s4 =	simm.s32 $_scs_section_size  }
0x9a: {  	s5 =	simm.s32 $_size__tile_overlayer_lowered;
	s6 =	simm.s32 $_tile_overlayer_lowered  }
0x9b: {  	s22 =	simm.s32 $0x1BFF;
	s21 =	sshll.u32 s6, $0x1;
	s3 =	sadd.s32 s4, s19  }
0x9c: {  	s7 =	simm.s32 $0x0;
	s20 =	sshll.u32 s5, $0x1;
	s5 =	sadd.s32 s21, s3  }
0x9d: {  	[timem:s7], [sflag:s22] =	dma.local [hbm:s5], s20  }
0x9e: {  	_ =	swait.ge [sflag:s22], s20  }
0x9f: {  	s4 =	ssub.s32 $0x0, s20;
	[sflag:s22] =	ssyncset.done $0x0  }
0xa0: {  	[sflag:s22] =	ssyncadd.s32 s4;
	_ =	sdelay $0x1  }
0xa1: {  	s23 =	simm.s32 $0x1B8B  }
0xa2: {  	_ =	swait.ge [sflag:s23], $0x1  }
0xa3: {  	[sflag:s23] =	ssyncset.done $0x0  }
0xa4: {  	s25 =	simm.s32 $0x1B8E;
	s24 =	sld [smem:$0x3FFE];
	[sflag:s23] =	ssyncadd.s32 $0xFFFFFFFF  }
0xa5: {  	s26 =	simm.s32 $execute0_lowered;
	[smem:$0x3FD2] =	sst s25  }
0xa6: {  	s5 =	sshll.u32 s26, $0x1;
	_ =	strace $0x80000046;
	[dreg:$0x1] =	wrdreg $0xFFFFFFFF  }
0xa7: {  	s28 =	simm.s32 $_size_execute0_lowered;
	s3 =	sadd.s32 s3, s5;
	[dreg:$0x0] =	wrdreg $0x0  }
0xa8: {  	s5 =	sshll.u32 s28, $0x1;
	[dreg:$0x2] =	wrdreg s3  }
0xa9: {  	[dreg:$0x3] =	wrdreg s5  }
0xaa: {  	[dreg:$0x4] =	wrdreg $0xC0  }
0xab: {  	_ =	task [dreg:s7], $0x5FFFF  }
0xac: {  	[dreg:$0x1] =	wrdreg $0xFFFFFFFF  }
0xad: {  	[dreg:$0x0] =	wrdreg $0x60  }
0xae: {  	[dreg:$0x2] =	wrdreg s24  }
0xaf: {  	[dreg:$0x3] =	wrdreg s2  }
0xb0: {  	[dreg:$0x4] =	wrdreg $0xE9000  }
0xb1: {  	[dreg:$0x5] =	wrdreg $0x9  }
0xb2: {  	_ =	task.clear_ibuf [dreg:s7], $0x6FFFF;
	_ =	strace $0x90000046  }
0xb3: {  	s29 =	simm.s32 $0x9;
	_ =	strace $0x80000048  }
0xb4: {  	_ =	swait.ge [sflag:s29], $0x1  }
0xb5: {  	[sflag:s29] =	ssyncadd.s32 $0xFFFFFFFF  }
0xb6: {  	_ =	strace $0x90000048  }
0xb7: {  	_ =	sfence  }
0xb8: {  	s30 =	sld [smem:$0x0];
	_ =	sdelay $0x2  }
0xb9: {  	s31 =	sshll.u32 s1, $0xD;
	s1 =	sshrl.u32 s1, $0x2  }
0xba: {  	s3 =	sand.u32 $0x4000, s31;
	s1 =	sadd.s32 s1, s30  }
0xbb: {  	s0 =	sor.u32 s3, s0;
	s1 =	sshll.u32 s1, $0x11  }
0xbc: {  	s0 =	sor.u32 s1, s0  }
0xbd: {  	s0 =	sadd.s32 $0x8F2B, s0  }
0xbe: {  	[sflag:s0] =	ssyncadd.remote.s32 $0x1  }
0xbf: {  	_ =	sfence.sel $0xFFFF  }
0xc0: {  	[dreg:$0x0] =	wrdreg $0xFFFFFFFF;
	(pc) =	sbr.abs _section_cstart, $3  }
0xc1: {  	[dreg:$0x1] =	wrdreg $0xFFFFFFFF  }
0xc2: {  	_ =	task.clear_ibuf [dreg:s7], $0x2FFFF;
	_ =	strace $0x9FFFFFFF  }
0xc3: {  	(tm) =	ssettm $0x7FFFFFFF  }
tec
execute0_lowered:
.L_overlay_start_1:
0x0: {  	(tag) =	ssettag $0x1  }
0x1: {  	s1 =	rddreg [dreg:$0x0]  }
0x2: {  	s0 =	rddreg [dreg:$0x1]  }
0x3: {  	s3 =	srdreg.scid;
	s2 =	rddreg [dreg:$0x2]  }
0x4: {  	s10 =	stileid.u32;
	s14 =	simm.s32 $0xA800;
	s15 =	simm.s32 $0xB000  }
0x5: {  	s16 =	simm.s32 $0x1;
	s17 =	simm.s32 $0xB880;
	s18 =	simm.s32 $0x5000  }
0x6: {  	s19 =	simm.s32 $0xB800;
	s20 =	simm.s32 $0x2;
	s21 =	simm.s32 $0x30  }
0x7: {  	s22 =	simm.s32 $0xE880;
	s23 =	simm.s32 $0x0;
	s24 =	simm.s32 $0x0  }
0x8: {  	s7 =	sand.u32 $0x1, s3;
	s3 =	simm.s32 $0x0;
	s5 =	smul.u32 $0x28000, s10  }
0x9: {  	s29 =	sshll.u32 s10, $0x7;
	p0 =	sne.s32 s10, $0x0;
	s4 =	smul.u32 $0x280000, s7  }
0xa: {  	[smem:$0x7FF] =	sst s3;
	s8 =	ssub.s32 $0x2, s7;
	s9 =	sadd.s32 s29, s1  }
0xb: {  	s13 =	sshll.u32 s7, $0xB;
	s7 =	sshll.u32 s7, $0x3;
	_ =	strace $0x80000047  }
0xc: {  	s12 =	sshrl.u32 s8, $0x1;
	s9 =	sadd.s32 s13, s9;
	s13 =	simm.s32 $0xA000  }
.Ltmp0:
0xd: {  	s6 =	sadd.s32 s5, s4;
	s4 =	sadd.s32 $0xE000, s1;
	(pc) =	sbr.rel .LBB2_1-.Ltmp0, $4  }
0xe: {  	s5 =	sadd.s32 $0x4200, s1;
	s30 =	ssub.s32 s8, s12;
	s6 =	sshrl.u32 s6, $0x3  }
0xf: {  	v0 =	vimm.f32 $0.0e+00;
	v1 =	vlaneseq.u32;
	s11 =	sadd.s32 s6, s1;
	s6 =	sadd.s32 $0x17E00, s1;
	s1 =	smax.u32 s30, $0x1  }
0x10: {  	v4 =	vimm.f32 $1.000000000e+00;
	v5 =	vimm.s32 $0x0;
	vm0 =	vmmov $0x1;
	s8 =	smul.u32 $0x4E20, s10;
	[dreg:$0x4] =	wrdreg s1;
	s31 =	sadd.s32 $0xBA600, s11  }
0x11: {  	v6 =	vimm.s32 $0x1400;
	v2 =	vor.u32 $0x10, v1;
	v3 =	vor.u32 $0x20, v1;
	s9 =	sadd.s32 $0x15A600, s9;
	s12 =	sadd.s32 $0x1A600, s11;
	[dreg:$0x5] =	wrdreg s31  }
.LBB2_15:
0x12: {  	s23 =	sadd.s32 $0x1, s23;
	s1 =	rddreg [dreg:$0x4]  }
0x13: {  	p1 =	sne.s32 s23, s1  }
.Ltmp1:
0x14: {  	_ = 	snop;
	(pc) =	sbr.rel @!p1 .LBB2_16-.Ltmp1, $1  }
0x15: {  	_ =	sdelay $0x3  }
.LBB2_1:
0x16: {  	s1 =	simm.s32 $0x10;
	s10 =	sand.u32 $0x1FF0, s3  }
.LBB2_2:
0x17: {  	p1 =	sne.s32 s1, $0x17F0;
	[tilespmem:s10+$0xD080] =	vst v0;
	s10 =	smov.u32 s1;
	s1 =	sadd.s32 $0x10, s1  }
.Ltmp2:
0x18: {  	(pc) =	sbr.rel @p1 .LBB2_2-.Ltmp2, $2  }
0x19: {  	_ =	sdelay $0x2  }
0x1a: {  	s10 =	sand.u32 $0x1FF0, s10  }
.Ltmp3:
0x1b: {  	(pc) =	sbr.rel .LBB2_4-.Ltmp3, $4  }
0x1c: {  	[tilespmem:s10+$0xD080] =	vst v0  }
0x1d: {  	[tilespmem:$0xE880] =	vst v1  }
0x1e: {  	[tilespmem:$0xE890] =	vst v2  }
0x1f: {  	s25 =	smov.u32 s12;
	s26 =	rddreg [dreg:$0x5];
	s28 =	simm.s32 $0x0;
	[tilespmem:$0xE8A0] =	vst v3  }
.LBB2_13:
0x20: {  	[sflag:s16] =	ssyncadd.s32 $0xFFFFF800  }
.LBB2_14:
0x21: {  	[spmem:s2] =	stream.indirect.scatter.add.f32 [tilespmem:s17], [sflag:$0x2], $0x80, s22, s21, $0xb8;
	[tilespmem:$0xEA80] =	vst v63  }
0x22: {  	_ =	swait.ge [sflag:s20], $0x1800  }
0x23: {  	[sflag:s20] =	ssyncset.done $0x0  }
0x24: {  	s1 =	sadd.s32 @!p0 s6, s29;
	s10 =	sshrl.u32 @!p0 s2, $0x3;
	[sflag:s20] =	ssyncadd.s32 $0xFFFFE800  }
0x25: {  	s11 =	simm.s32 @!p0 $0x1C02;
	s28 =	sadd.s32 $0x1, s28;
	[bflag:$0x0] =	sbarrier.arrive $0xFFFF  }
0x26: {  	[hbm:s1], [sflag:s11] =	dma.local @!p0 [spmem:s10], $0x280  }
0x27: {  	p1 =	sne.s32 s28, $0x8;
	s1 =	simm.s32 @!p0 $0x2  }
.Ltmp4:
0x28: {  	_ =	swait.ge @!p0 [sflag:s1], $0x280;
	(pc) =	sbr.rel @!p1 .LBB2_15-.Ltmp4, $4  }
0x29: {  	[sflag:s1] =	ssyncset.done @!p0 $0x0  }
0x2a: {  	[sflag:s1] =	ssyncadd.s32 @!p0 $0xFFFFFD80  }
0x2b: {  	[bflag:$0x0] =	sbarrier.arrive $0xFFFF  }
0x2c: {  	s26 =	sadd.s32 $0xA00, s26;
	s25 =	sadd.s32 $0xA00, s25  }
.LBB2_4:
0x2d: {  	s1 =	simm.s32 $0x10;
	s10 =	sand.u32 $0x1FF0, s24  }
.LBB2_5:
0x2e: {  	p1 =	sne.s32 s1, $0x17F0;
	[tilespmem:s10+$0xB880] =	vst v0;
	s10 =	smov.u32 s1;
	s1 =	sadd.s32 $0x10, s1  }
.Ltmp5:
0x2f: {  	(pc) =	sbr.rel @p1 .LBB2_5-.Ltmp5, $2  }
0x30: {  	_ =	sdelay $0x2  }
0x31: {  	s10 =	sand.u32 $0x1FF0, s10  }
0x32: {  	[tilespmem:s10+$0xB880] =	vst v0;
	s1 =	simm.s32 @!p0 $0xD080;
	s11 =	sadd.s32 s7, s28;
	s10 =	simm.s32 @!p0 $0x2  }
0x33: {  	[spmem:s2] =	stream.linear.scatter @!p0 [tilespmem:s1], [sflag:$0x2], $0x1800, $0x38;
	[tilespmem:$0xEA80] =	vst v63  }
0x34: {  	s29 =	smul.u32 $0x280, s11;
	_ =	swait.ge @!p0 [sflag:s10], $0x1800  }
0x35: {  	[sflag:s10] =	ssyncset.done @!p0 $0x0  }
0x36: {  	s1 =	sadd.s32 $0x280, s29;
	[sflag:s10] =	ssyncadd.s32 @!p0 $0xFFFFE800  }
0x37: {  	s30 =	simm.s32 $0x0;
	v9 =	vimm.s32 $0x0;
	s31 =	simm.s32 $0x0;
	v7 =	vmov s29;
	v8 =	vmov s1;
	[bflag:$0x0] =	sbarrier.arrive $0xFFFF  }
.LBB2_7:
0x38: {  	s1 =	smul.u32 $0x7D0, s31;
	_ =	sdelay $0x1  }
0x39: {  	s1 =	sadd.s32 s8, s1  }
0x3a: {  	s1 =	sshrl.u32 s1, $0x3  }
0x3b: {  	s10 =	sadd.s32 s4, s1  }
0x3c: {  	[tilespmem:s13], [sflag:$0x1] =	stream.linear.gather [hbm4b:s10+s30], $0x7D0, $0x38;
	[tilespmem:$0xEA80] =	vst v63  }
0x3d: {  	s11 =	sadd.s32 s5, s1  }
0x3e: {  	[tilespmem:s14], [sflag:$0x1] =	stream.linear.gather [hbm4b:s11+s30], $0x7D0, $0x38;
	[tilespmem:$0xEA80] =	vst v63  }
0x3f: {  	s1 =	sadd.s32 s0, s1  }
0x40: {  	[tilespmem:s15], [sflag:$0x1] =	stream.linear.gather [hbm4b:s1+s30], $0x7D0, $0x38;
	[tilespmem:$0xEA80] =	vst v63  }
0x41: {  	_ =	swait.ge [sflag:s16], $0x7D0  }
0x42: {  	[sflag:s16] =	ssyncset.done $0x0  }
0x43: {  	[sflag:s16] =	ssyncadd.s32 $0xFFFFF830  }
0x44: {  	_ =	swait.ge [sflag:s16], $0x7D0  }
0x45: {  	[sflag:s16] =	ssyncset.done $0x0  }
0x46: {  	[sflag:s16] =	ssyncadd.s32 $0xFFFFF830  }
0x47: {  	_ =	swait.ge [sflag:s16], $0x7D0  }
0x48: {  	[sflag:s16] =	ssyncset.done $0x0  }
0x49: {  	s10 =	simm.s32 $0x0;
	[sflag:s16] =	ssyncadd.s32 $0xFFFFF830  }
0x4a: {  	v10 =	vmov v9;
	s1 =	simm.s32 $0x40;
	v11 =	vld [tilespmem:s10+$0xA800]  }
.LBB2_8:
0x4b: {  	p1 =	sne.s32 s1, $0x1F00;
	v12 =	vld [tilespmem:s10+$0xB000]  }
0x4c: {  	v13 =	vld [tilespmem:s10+$0xA000];
	_ =	sdelay $0x2  }
0x4d: {  	vm1 =	vge.s32 v11, v7;
	vm2 =	vlt.s32 v11, v8;
	v14 =	vsub.s32 v11, v7  }
0x4e: {  	v11 =	vand.u32 $0x7F, v11;
	vm1 =	vmand vm1, vm2  }
0x4f: {  	v15 =	vsel vm1, $0x1, v5;
	v16 =	vmpcnt.ones.xlane vm1  }
0x50: {  	(xrf0) =	vadd.scan.msk.s32 $0xffff, v15  }
0x51: {  	v9 =	vadd.s32 v9, v16;
	_ =	sdelay $0x1  }
0x52: {  	v12 =	vmul.u32 $0x280, v12;
	_ =	sdelay $0x1  }
0x53: {  	v12 =	vadd.s32 v14, v12  }
0x54: {  	v14 =	vand.u32 $0xFFFFFF80, v12;
	v15, _, _ =	vpop (xrf0)  }
0x55: {  	v11 =	vor.u32 v11, v14;
	v14 =	vadd.s32 v15, v10;
	v10 =	vmov v9  }
0x56: {  	v14 =	vadd.s32 $0xFFFFFFFF, v14;
	_ =	sdelay $0x2  }
.Ltmp6:
0x57: {  	(pc) =	sbr.rel @p1 .LBB2_8-.Ltmp6, $4  }
0x58: {  	[tilespmem:v11+s17+$0x0] =	vst.idx.add.f32.msk vm1, v4  }
0x59: {  	[tilespmem:v14+s3+$0x0] =	vst.idx.msk vm1, v13  }
0x5a: {  	s10 =	sshra.s32 s1, $0x2;
	[tilespmem:v14+s18+$0x0] =	vst.idx.msk vm1, v12  }
0x5b: {  	s1 =	sadd.s32 $0x40, s1;
	v11 =	vld [tilespmem:s10+$0xA800]  }
0x5c: {  	_ =	sdelay $0x3  }
0x5d: {  	vm1 =	vge.s32 v11, v7;
	vm2 =	vlt.s32 v11, v8  }
0x5e: {  	v12 =	vld [tilespmem:s10+$0xB000];
	vm1 =	vmand vm1, vm2  }
0x5f: {  	v13 =	vsel vm1, $0x1, v5  }
0x60: {  	(xrf0) =	vadd.scan.msk.s32 $0xffff, v13;
	_ =	sdelay $0x2  }
0x61: {  	v12 =	vmul.u32 $0x280, v12  }
0x62: {  	v61 =	vsub.s32 v11, v7  }
0x63: {  	v12 =	vadd.s32 v61, v12  }
0x64: {  	v11 =	vand.u32 $0x7F, v11;
	v13 =	vand.u32 $0xFFFFFF80, v12;
	v14, _, _ =	vpop (xrf0)  }
0x65: {  	v11 =	vor.u32 v11, v13;
	v10 =	vadd.s32 v14, v10  }
0x66: {  	v62 =	vld [tilespmem:s10+$0xA000];
	s31 =	sadd.s32 $0x1, s31;
	v10 =	vadd.s32 $0xFFFFFFFF, v10  }
0x67: {  	p1 =	sne.s32 s31, $0xA  }
.Ltmp7:
0x68: {  	_ = 	snop;
	(pc) =	sbr.rel @p1 .LBB2_7-.Ltmp7, $4  }
0x69: {  	_ = 	snop  }
0x6a: {  	v63 =	vmpcnt.ones.xlane vm1;
	[tilespmem:v11+s17+$0x0] =	vst.idx.add.f32.msk vm1, v4  }
0x6b: {  	[tilespmem:v10+s3+$0x0] =	vst.idx.msk vm1, v62  }
0x6c: {  	v9 =	vadd.s32 v9, v63;
	[tilespmem:v10+s18+$0x0] =	vst.idx.msk vm1, v12  }
0x6d: {  	v7 =	vnsel vm0, $0x0, v9  }
0x6e: {  	(xrf0) =	vadd.scan.msk.s32 $0xffff, v7;
	_ =	sdelay $0x5  }
0x6f: {  	v7, _, _ =	vpop (xrf0)  }
0x70: {  	(v2sf) =	vpush v7, $0xF;
	_ =	sdelay $0xc  }
0x71: {  	v7 =	vbroadcast v7, $0xF;
	_ =	sdelay $0x1  }
0x72: {  	v7 =	vadd.s32 v1, v7;
	s1 =	spop (v2sf)  }
0x73: {  	s10 =	sadd.s32 $0x10, s1  }
0x74: {  	v8 =	vadd.s32 s10, v1  }
0x75: {  	s11 =	sadd.s32 $0x20, s1  }
0x76: {  	s30 =	simm.s32 $0x5000;
	v62 =	vadd.s32 s11, v1  }
0x77: {  	s31 =	simm.s32 $0x0;
	[tilespmem:v7+s30+$0x0] =	vst.idx.msk $0xffff, v6;
	s11 =	sadd.s32 $0x30, s1  }
0x78: {  	[tilespmem:v7+s31+$0x0] =	vst.idx.msk $0xffff, v5;
	v7 =	vadd.s32 s11, v1  }
0x79: {  	s11 =	sadd.s32 $0x40, s1;
	[tilespmem:v8+s30+$0x0] =	vst.idx.msk $0xffff, v6  }
0x7a: {  	[tilespmem:v8+s31+$0x0] =	vst.idx.msk $0xffff, v5;
	v8 =	vadd.s32 s11, v1  }
0x7b: {  	s11 =	sadd.s32 $0x50, s1;
	[tilespmem:v62+s30+$0x0] =	vst.idx.msk $0xffff, v6  }
0x7c: {  	v63 =	vadd.s32 s11, v1;
	[tilespmem:v62+s31+$0x0] =	vst.idx.msk $0xffff, v5  }
0x7d: {  	s11 =	sadd.s32 $0x60, s1;
	[tilespmem:v7+s30+$0x0] =	vst.idx.msk $0xffff, v6  }
0x7e: {  	[tilespmem:v7+s31+$0x0] =	vst.idx.msk $0xffff, v5;
	v7 =	vadd.s32 s11, v1  }
0x7f: {  	s10 =	sadd.s32 $0x70, s1;
	s11 =	sadd.s32 $0x7F, s1;
	[tilespmem:v8+s30+$0x0] =	vst.idx.msk $0xffff, v6  }
0x80: {  	[tilespmem:v8+s31+$0x0] =	vst.idx.msk $0xffff, v5;
	v8 =	vadd.s32 s10, v1;
	s10 =	sand.u32 $0x7F, s11  }
0x81: {  	p2 =	slt.s32 s11, $0x1;
	[tilespmem:v63+s30+$0x0] =	vst.idx.msk $0xffff, v6;
	p1 =	sne.s32 s10, $0x0;
	s10 =	sshra.s32 s11, $0x1F  }
0x82: {  	[tilespmem:v63+s31+$0x0] =	vst.idx.msk $0xffff, v5;
	s10 =	sshrl.u32 s10, $0x19;
	p1 =	por !p2, !p1  }
0x83: {  	[tilespmem:v7+s30+$0x0] =	vst.idx.msk $0xffff, v6;
	s10 =	sadd.s32 s10, s11;
	p1 =	por !p1, !p1;
	s11 =	simm.s32 $0x1  }
0x84: {  	[tilespmem:v7+s31+$0x0] =	vst.idx.msk $0xffff, v5;
	s10 =	sshra.s32 s10, $0x7;
	s11 =	simm.s32 @!p1 $0x0  }
0x85: {  	[tilespmem:v8+s30+$0x0] =	vst.idx.msk $0xffff, v6;
	s10 =	ssub.s32 s10, s11  }
0x86: {  	s11 =	sshll.u32 s28, $0x4;
	[tilespmem:v8+s31+$0x0] =	vst.idx.msk $0xffff, v5;
	v7 =	vmov s10  }
0x87: {  	s1 =	sadd.s32 $0x87F, s1;
	s10 =	sadd.s32 s11, s9;
	[tilespmem:$0xB800] =	vst v7  }
0x88: {  	[hbm4b:s10+s31] =	stream.linear.scatter [tilespmem:s19], [sflag:$0x2], $0x80, $0x38;
	[tilespmem:$0xEA80] =	vst v63  }
0x89: {  	s10 =	sand.u32 $0x7FF, s1  }
0x8a: {  	p5 =	slt.s32 s1, $0x1;
	s11 =	sshra.s32 s1, $0x1F;
	p6 =	sne.s32 s10, $0x0  }
0x8b: {  	s11 =	sshrl.u32 s11, $0x15;
	p1 =	por !p5, !p6  }
0x8c: {  	s1 =	sadd.s32 s11, s1;
	s10 =	simm.s32 $0x1;
	p1 =	por !p1, !p1  }
0x8d: {  	s1 =	sshra.s32 s1, $0xB;
	s10 =	simm.s32 @!p1 $0x0  }
0x8e: {  	s1 =	ssub.s32 s1, s10  }
0x8f: {  	p1 =	slt.s32 s1, $0x1  }
.Ltmp8:
0x90: {  	_ = 	snop;
	(pc) =	sbr.rel @p1 .LBB2_14-.Ltmp8, $4  }
0x91: {  	_ = 	snop  }
0x92: {  	_ =	swait.ge [sflag:s20], $0x80  }
0x93: {  	[sflag:s20] =	ssyncset.done $0x0  }
0x94: {  	[sflag:s20] =	ssyncadd.s32 $0xFFFFFF80  }
0x95: {  	[hbm4b:s25+s3] =	stream.linear.scatter [tilespmem:s31], [sflag:$0x1], $0x800, $0x38;
	[tilespmem:$0xEA80] =	vst v63  }
0x96: {  	p1 =	sne.s32 s1, $0x1  }
0x97: {  	[hbm4b:s26+s3] =	stream.linear.scatter [tilespmem:s30], [sflag:$0x1], $0x800, $0x38;
	[tilespmem:$0xEA80] =	vst v63  }
.Ltmp9:
0x98: {  	_ =	swait.ge [sflag:s16], $0x800;
	(pc) =	sbr.rel @!p1 .LBB2_13-.Ltmp9, $4  }
0x99: {  	[sflag:s16] =	ssyncset.done $0x0  }
0x9a: {  	[sflag:s16] =	ssyncadd.s32 $0xFFFFF800  }
0x9b: {  	s1 =	sadd.s32 $0xFFFFFFFF, s1;
	_ =	swait.ge [sflag:s16], $0x800  }
0x9c: {  	s10 =	sadd.s32 $0x100, s26;
	s11 =	sadd.s32 $0x100, s25;
	[sflag:s16] =	ssyncset.done $0x0  }
.LBB2_12:
0x9d: {  	[sflag:s16] =	ssyncadd.s32 $0xFFFFF800;
	s31 =	sadd.s32 $0x800, s31;
	s30 =	sadd.s32 $0x800, s30  }
0x9e: {  	[hbm4b:s11+s3] =	stream.linear.scatter [tilespmem:s31], [sflag:$0x1], $0x800, $0x38;
	[tilespmem:$0xEA80] =	vst v63  }
0x9f: {  	p1 =	sne.s32 s1, $0x1;
	s1 =	sadd.s32 $0xFFFFFFFF, s1  }
0xa0: {  	[hbm4b:s10+s3] =	stream.linear.scatter [tilespmem:s30], [sflag:$0x1], $0x800, $0x38;
	[tilespmem:$0xEA80] =	vst v63  }
.Ltmp10:
0xa1: {  	_ =	swait.ge [sflag:s16], $0x800;
	(pc) =	sbr.rel @p1 .LBB2_12-.Ltmp10, $4  }
0xa2: {  	[sflag:s16] =	ssyncset.done $0x0  }
0xa3: {  	[sflag:s16] =	ssyncadd.s32 $0xFFFFF800  }
0xa4: {  	_ =	swait.ge [sflag:s16], $0x800  }
0xa5: {  	s11 =	sadd.s32 $0x100, s11;
	s10 =	sadd.s32 $0x100, s10;
	[sflag:s16] =	ssyncset.done $0x0  }
.Ltmp11:
0xa6: {  	_ = 	snop;
	(pc) =	sbr.rel .LBB2_13-.Ltmp11, $1  }
0xa7: {  	_ =	sdelay $0x3  }
.LBB2_16:
0xa8: {  	_ =	sfence.sel $0x180000  }
0xa9: {  	[bflag:$0x0] =	sbarrier.arrive $0xFFFF  }
0xaa: {  	_ =	strace $0x90000047  }
0xab: {  	[bflag:$0x2] =	sbarrier.arrive $0xFFFF  }
0xac: {  	s0 =	rddreg [dreg:$0x3]  }
0xad: {  	s0 =	sadd.s32 @!p0 $0x100000, s0  }
0xae: {  	[sflag:s0] =	ssyncadd.tile.s32 @!p0 $0x1;
	_ =	shalt  }
.Lfunc_end2:
_tile_overlayer_lowered:
.L_overlay_start_2:
0xaf: {  	(tag) =	ssettag $0x2  }
0xb0: {  	s0 =	rddreg [dreg:$0x0];
	s2 =	stileid.u32  }
0xb1: {  	s1 =	rddreg [dreg:$0x1];
	p0 =	sne.s32 s2, $0x0  }
0xb2: {  	s3 =	rddreg [dreg:$0x2];
	[bflag:$0x3] =	sbarrier.arrive $0xFFFF;
	s2 =	simm.s32 @!p0 $0x1C02  }
0xb3: {  	[timem:s3], [sflag:s2] =	dma.local @!p0 [hbm:s0], s1  }
0xb4: {  	s0 =	simm.s32 @!p0 $0x2  }
0xb5: {  	_ =	swait.ge @!p0 [sflag:s0], s1  }
0xb6: {  	s1 =	ssub.s32 @!p0 $0x0, s1;
	[sflag:s0] =	ssyncset.done @!p0 $0x0  }
0xb7: {  	[sflag:s0] =	ssyncadd.s32 @!p0 s1  }
0xb8: {  	[bflag:$0x3] =	sbarrier.arrive $0xFFFF  }
0xb9: {  	_ =	shalt  }

</sc_bundles>
